<compile_context>
chip_gen: v7x
topology: tpu7x:2x2x1
jax: 0.10.2.dev20260603
libtpu: 0.0.44.dev20260713+nightly
codegen_flags: <defaults>
</compile_context>

<pallas_src>
import functools

import jax
import jax.numpy as jnp
from jax import lax
from jax.experimental import pallas as pl
from jax.experimental.pallas import tpu as pltpu
from jax.experimental.pallas import tpu_sc as plsc

_LOG2 = 0.6931471805599453
_NC = 2
_NS = 16
_NW = _NC * _NS


def _ssp(v):
    return jnp.maximum(v, 0.0) + jnp.log1p(jnp.exp(-jnp.abs(v))) - _LOG2


def _pack_bf16(a):
    hw = a.shape[1] // 2
    rn = jax.lax.bitcast_convert_type(
        a.astype(jnp.bfloat16).astype(jnp.float32), jnp.int32)
    lo = jax.lax.shift_right_logical(rn[:, :hw], jnp.int32(16))
    hi = rn[:, hw:] & jnp.int32(-65536)
    return lo | hi


def _unpack_sum(u):
    f32 = jnp.float32
    hw = u.shape[1] // 2
    lo = jax.lax.bitcast_convert_type(u << 16, f32)
    hi = jax.lax.bitcast_convert_type(u & jnp.int32(-65536), f32)
    return jnp.concatenate([lo[:, :hw] + lo[:, hw:], hi[:, :hw] + hi[:, hw:]],
                           axis=1)


def _prep_body(x_ref, we_ref, be_ref, wi_ref, bi_ref, wa_ref, wb_ref,
               h0_ref, h_ref, a_ref, b_ref):
    f32 = jnp.float32
    h0 = jnp.dot(x_ref[...], we_ref[...], preferred_element_type=f32) + be_ref[...]
    h = jnp.dot(h0, wi_ref[...], preferred_element_type=f32) + bi_ref[...]
    h0_ref[...] = h0
    h_ref[...] = h
    a = jnp.dot(h, wa_ref[...], preferred_element_type=f32)
    b = jnp.dot(h, wb_ref[...], preferred_element_type=f32)
    a_ref[...] = _pack_bf16(a)
    b_ref[...] = _pack_bf16(b)


def _prep(x, W_emb, b_emb, W_in, b_in, We1a, We1b, bn):
    n, d = x.shape
    h = W_emb.shape[1]
    grid = n // bn
    full = lambda s: pl.BlockSpec(s, lambda i: (0, 0))
    out_f = jax.ShapeDtypeStruct((n, h), jnp.float32)
    out_p = jax.ShapeDtypeStruct((n, h // 2), jnp.int32)
    return pl.pallas_call(
        _prep_body,
        grid=(grid,),
        in_specs=[
            pl.BlockSpec((bn, d), lambda i: (i, 0)),
            full((d, h)), full((1, h)), full((h, h)), full((1, h)),
            full((h, h)), full((h, h)),
        ],
        out_specs=[pl.BlockSpec((bn, h), lambda i: (i, 0)),
                   pl.BlockSpec((bn, h), lambda i: (i, 0)),
                   pl.BlockSpec((bn, h // 2), lambda i: (i, 0)),
                   pl.BlockSpec((bn, h // 2), lambda i: (i, 0))],
        out_shape=[out_f, out_f, out_p, out_p],
    )(x, W_emb, b_emb.reshape(1, h), W_in, b_in.reshape(1, h), We1a, We1b)


def _sc_gather(A, B, row, col, px, py, pz, sb):
    n, hw = A.shape
    e = row.shape[0]
    ch = e // _NW
    nblk = ch // sb
    btail = ch % sb != 0
    g16 = ch // 16
    gtail = ch % 16 != 0
    mesh = plsc.VectorSubcoreMesh(core_axis_name="c", subcore_axis_name="s")

    @functools.partial(
        pl.kernel,
        out_type=(jax.ShapeDtypeStruct((e, 2 * hw), jnp.int32),
                  jax.ShapeDtypeStruct((1, e), jnp.float32)),
        mesh=mesh,
        scratch_types=[
            pltpu.VMEM((ch,), jnp.int32),
            pltpu.VMEM((ch,), jnp.int32),
            pltpu.VMEM((n,), jnp.float32),
            pltpu.VMEM((n,), jnp.float32),
            pltpu.VMEM((n,), jnp.float32),
            pltpu.VMEM((ch,), jnp.float32),
            pltpu.VMEM((sb, hw), jnp.int32),
            pltpu.VMEM((sb, hw), jnp.int32),
            pltpu.VMEM((sb, hw), jnp.int32),
            pltpu.VMEM((sb, hw), jnp.int32),
            pltpu.SemaphoreType.DMA,
            pltpu.SemaphoreType.DMA,
            pltpu.SemaphoreType.DMA,
            pltpu.SemaphoreType.DMA,
        ],
        compiler_params=pltpu.CompilerParams(needs_layout_passes=False,
                                             use_tc_tiling_on_sc=False),
    )
    def k(a_hbm, b_hbm, row_hbm, col_hbm, px_hbm, py_hbm, pz_hbm,
          ab_hbm, rad_hbm,
          row_v, col_v, px_v, py_v, pz_v, rad_v,
          buf_a0, buf_b0, buf_a1, buf_b1, sem_a0, sem_b0, sem_a1, sem_b1):
        cid = lax.axis_index("c")
        sid = lax.axis_index("s")
        wid = sid * _NC + cid
        base = wid * ch
        pltpu.sync_copy(row_hbm.at[pl.ds(base, ch)], row_v)
        pltpu.sync_copy(col_hbm.at[pl.ds(base, ch)], col_v)
        pltpu.sync_copy(px_hbm, px_v)
        pltpu.sync_copy(py_hbm, py_v)
        pltpu.sync_copy(pz_hbm, pz_v)

        def rad_at(off):
            ir = row_v[pl.ds(off, 16)]
            ic = col_v[pl.ds(off, 16)]
            dx = plsc.load_gather(px_v, [ir]) - plsc.load_gather(px_v, [ic])
            dy = plsc.load_gather(py_v, [ir]) - plsc.load_gather(py_v, [ic])
            dz = plsc.load_gather(pz_v, [ir]) - plsc.load_gather(pz_v, [ic])
            rad_v[pl.ds(off, 16)] = dx * dx + dy * dy + dz * dz

        def rad_body(i, carry):
            rad_at(i * 16)
            return carry

        lax.fori_loop(0, g16, rad_body, 0)
        if gtail:
            rad_at(ch - 16)
        pltpu.sync_copy(rad_v, rad_hbm.at[0, pl.ds(base, ch)])

        def issue(off, buf_a, buf_b, sem_a, sem_b):
            ca = pltpu.async_copy(a_hbm.at[row_v.at[pl.ds(off, sb)]], buf_a, sem_a)
            cb = pltpu.async_copy(b_hbm.at[col_v.at[pl.ds(off, sb)]], buf_b, sem_b)
            return ca, cb

        def drain(off, ca, cb, buf_a, buf_b):
            ca.wait()
            cb.wait()
            pltpu.sync_copy(buf_a, ab_hbm.at[pl.ds(base + off, sb), pl.ds(0, hw)])
            pltpu.sync_copy(buf_b, ab_hbm.at[pl.ds(base + off, sb), pl.ds(hw, hw)])

        npair = nblk // 2

        def blk_body(i, carry):
            o0 = (2 * i) * sb
            o1 = (2 * i + 1) * sb
            c0 = issue(o0, buf_a0, buf_b0, sem_a0, sem_b0)
            c1 = issue(o1, buf_a1, buf_b1, sem_a1, sem_b1)
            drain(o0, *c0, buf_a0, buf_b0)
            drain(o1, *c1, buf_a1, buf_b1)
            return carry

        lax.fori_loop(0, npair, blk_body, 0)
        for j in range(2 * npair, nblk):
            c0 = issue(j * sb, buf_a0, buf_b0, sem_a0, sem_b0)
            drain(j * sb, *c0, buf_a0, buf_b0)
        if btail:
            c0 = issue(ch - sb, buf_a0, buf_b0, sem_a0, sem_b0)
            drain(ch - sb, *c0, buf_a0, buf_b0)

    return k(A, B, row, col, px, py, pz)


_DN_T = (((0,), (0,)), ((), ()))


def _emlp_body(ab_ref, rad_ref, eat_ref, wr_ref, wat_ref, b1_ref,
               we2_ref, b2_ref, m2_ref):
    f32 = jnp.float32
    m1 = (_unpack_sum(ab_ref[...])
          + jax.lax.dot_general(rad_ref[...], wr_ref[...], _DN_T,
                                preferred_element_type=f32)
          + jax.lax.dot_general(eat_ref[...], wat_ref[...], _DN_T,
                                preferred_element_type=f32)
          + b1_ref[...])
    em = _ssp(m1).astype(jnp.bfloat16)
    m2_ref[...] = _ssp(jnp.dot(em, we2_ref[...], preferred_element_type=f32)
                       + b2_ref[...])


def _emlp(ab, rad, eat, w_r, W_at, b_e1, W_e2, b_e2, be):
    e, h = ab.shape
    enf = eat.shape[0]
    grid = e // be
    full = lambda s: pl.BlockSpec(s, lambda i: (0, 0))
    return pl.pallas_call(
        _emlp_body,
        grid=(grid,),
        in_specs=[
            pl.BlockSpec((be, h), lambda i: (i, 0)),
            pl.BlockSpec((1, be), lambda i: (0, i)),
            pl.BlockSpec((enf, be), lambda i: (0, i)),
            full((1, h)), full((enf, h)), full((1, h)),
            full((h, h)), full((1, h)),
        ],
        out_specs=pl.BlockSpec((be, h), lambda i: (i, 0)),
        out_shape=jax.ShapeDtypeStruct((e, h), jnp.float32),
    )(ab, rad, eat, w_r.reshape(1, h), W_at,
      b_e1.reshape(1, h), W_e2.astype(jnp.bfloat16), b_e2.reshape(1, h))


def _sc_scatter(m2s, row3ds, n):
    nseg = len(m2s)
    e, h = m2s[0].shape
    ch = e // _NW
    nblk, sb = row3ds[0].shape[1], row3ds[0].shape[2]
    zb = 200
    nb_n = n // zb
    nrounds = -(-nb_n // _NS)
    mesh = plsc.VectorSubcoreMesh(core_axis_name="c", subcore_axis_name="s")

    @functools.partial(
        pl.kernel,
        out_type=jax.ShapeDtypeStruct((_NC, n, h), jnp.float32),
        mesh=mesh,
        scratch_types=[
            pltpu.VMEM((nblk, sb), jnp.int32),
            pltpu.VMEM((sb, h), jnp.float32),
            pltpu.VMEM((sb, h), jnp.float32),
            pltpu.VMEM((zb, h), jnp.float32),
            pltpu.VMEM_SHARED((n, h), jnp.float32),
            pltpu.SemaphoreType.DMA,
            pltpu.SemaphoreType.DMA,
        ],
    )
    def k(*refs):
        m2_hbms = refs[:nseg]
        row3d_hbms = refs[nseg:2 * nseg]
        agg_hbm = refs[2 * nseg]
        idx_v, buf_m0, buf_m1, zbuf, agg_sh, sem_m0, sem_m1 = \
            refs[2 * nseg + 1:]
        cid = lax.axis_index("c")
        sid = lax.axis_index("s")
        wid = sid * _NC + cid
        base = wid * ch

        zeros16 = jnp.zeros((16,), jnp.float32)

        def z_body(i, carry):
            for j in range(h // 16):
                zbuf[i, pl.ds(j * 16, 16)] = zeros16
            return carry

        lax.fori_loop(0, zb, z_body, 0)
        for t in range(nrounds):
            blk = sid + t * _NS
            if nb_n % _NS == 0:
                pltpu.sync_copy(zbuf, agg_sh.at[pl.ds(blk * zb, zb)])
            else:
                @pl.when(blk < nb_n)
                def _():
                    pltpu.sync_copy(zbuf, agg_sh.at[pl.ds(blk * zb, zb)])
        plsc.subcore_barrier()

        for m2_hbm, row3d_hbm in zip(m2_hbms, row3d_hbms):
            pltpu.sync_copy(row3d_hbm.at[wid], idx_v)

            def s_body(i, carry):
                j0, j1 = 2 * i, 2 * i + 1
                c0 = pltpu.async_copy(
                    m2_hbm.at[pl.ds(base + j0 * sb, sb)], buf_m0, sem_m0)
                c1 = pltpu.async_copy(
                    m2_hbm.at[pl.ds(base + j1 * sb, sb)], buf_m1, sem_m1)
                c0.wait()
                pltpu.sync_copy(buf_m0, agg_sh.at[idx_v.at[j0]], add=True)
                c1.wait()
                pltpu.sync_copy(buf_m1, agg_sh.at[idx_v.at[j1]], add=True)
                return carry

            lax.fori_loop(0, nblk // 2, s_body, 0)
            for j in range(2 * (nblk // 2), nblk):
                pltpu.sync_copy(m2_hbm.at[pl.ds(base + j * sb, sb)], buf_m0)
                pltpu.sync_copy(buf_m0, agg_sh.at[idx_v.at[j]], add=True)
        plsc.subcore_barrier()
        for t in range(nrounds):
            blk = sid + t * _NS
            if nb_n % _NS == 0:
                pltpu.sync_copy(agg_sh.at[pl.ds(blk * zb, zb)],
                                agg_hbm.at[cid, pl.ds(blk * zb, zb)])
            else:
                @pl.when(blk < nb_n)
                def _():
                    pltpu.sync_copy(agg_sh.at[pl.ds(blk * zb, zb)],
                                    agg_hbm.at[cid, pl.ds(blk * zb, zb)])

    return k(*m2s, *row3ds)


def _node_body(h0_ref, h_ref, *rest):
    f32 = jnp.float32
    agg_refs = rest[:-8]
    (wnh_ref, wna_ref, b1_ref, wn2_ref, b2_ref, wo_ref, bo_ref,
     out_ref) = rest[-8:]
    agg = agg_refs[0][0] + agg_refs[0][1]
    for r in agg_refs[1:]:
        agg = agg + r[0] + r[1]
    t = _ssp(jnp.dot(h_ref[...], wnh_ref[...], preferred_element_type=f32)
             + jnp.dot(agg, wna_ref[...], preferred_element_type=f32)
             + b1_ref[...])
    hn = jnp.dot(t, wn2_ref[...], preferred_element_type=f32) + b2_ref[...]
    hn = jnp.dot(hn, wo_ref[...], preferred_element_type=f32) + bo_ref[...]
    h0 = h0_ref[...]
    out_ref[0] = h0
    out_ref[1] = h0 + hn


def _node(h0, hfeat, aggps, Wn1h, Wn1a, b_n1, W_n2, b_n2, W_out, b_out, bn):
    n, h = h0.shape
    grid = n // bn
    full = lambda s: pl.BlockSpec(s, lambda i: (0, 0))
    return pl.pallas_call(
        _node_body,
        grid=(grid,),
        in_specs=[
            pl.BlockSpec((bn, h), lambda i: (i, 0)),
            pl.BlockSpec((bn, h), lambda i: (i, 0)),
        ] + [pl.BlockSpec((_NC, bn, h), lambda i: (0, i, 0))] * len(aggps) + [
            full((h, h)), full((h, h)), full((1, h)),
            full((h, h)), full((1, h)), full((h, h)), full((1, h)),
        ],
        out_specs=pl.BlockSpec((2, bn, h), lambda i: (0, i, 0)),
        out_shape=jax.ShapeDtypeStruct((2, n, h), jnp.float32),
    )(h0, hfeat, *aggps, Wn1h, Wn1a, b_n1.reshape(1, h), W_n2,
      b_n2.reshape(1, h), W_out, b_out.reshape(1, h))


def kernel(x, edge_index, pos, edge_attr,
           W_emb, b_emb, W_in, b_in,
           W_e1, b_e1, W_e2, b_e2,
           W_n1, b_n1, W_n2, b_n2,
           W_c1, b_c1, W_c2,
           W_out, b_out):
    n, d = x.shape
    h = W_emb.shape[1]
    e = edge_index.shape[1]
    unit = e // 250
    segs = [100 * unit, 100 * unit, 50 * unit]
    sbg = 80
    sbs = 40

    row = edge_index[0].astype(jnp.int32)
    col = edge_index[1].astype(jnp.int32)
    px = pos[:, 0].astype(jnp.float32)
    py = pos[:, 1].astype(jnp.float32)
    pz = pos[:, 2].astype(jnp.float32)

    We1a = W_e1[:h]
    We1b = W_e1[h:2 * h]
    w_r = W_e1[2 * h]
    W_at = W_e1[2 * h + 1:]

    h0, hfeat, A, B = _prep(x, W_emb, b_emb, W_in, b_in, We1a, We1b, bn=1000)
    eaT = edge_attr.T
    aggps = []
    off = 0
    for eseg in segs:
        sl = slice(off, off + eseg)
        off += eseg
        row_s, col_s = row[sl], col[sl]
        ab, rad = _sc_gather(A, B, row_s, col_s, px, py, pz, sbg)
        m2 = _emlp(ab, rad, eaT[:, sl], w_r, W_at, b_e1, W_e2, b_e2,
                   be=3200)
        row3d = row_s.reshape(_NW, eseg // (_NW * sbs), sbs)
        aggps.append(_sc_scatter([m2], [row3d], n))
    return _node(h0, hfeat, aggps, W_n1[:h], W_n1[h:], b_n1, W_n2, b_n2,
                 W_out, b_out, bn=1000)

# --- scband reference (transcript-rebuilt; emitter-appended) ---
"""Pipeline reference for scband-egnn-cont-v2-8366596292981 (READ-ONLY COPY).

The authoritative reference and input builder live on the scoring server;
editing this copy changes nothing except your own understanding.
"""

import jax, jax.numpy as jnp
import numpy as np

N = 10000
E = 320000
D = 128
H = 128
ENF = 4
NSTEPS = 2


def ssp(v):
    # SSP: shifted softplus, softplus(x) - softplus(0) = softplus(x) - log(2)
    return jax.nn.softplus(v) - jnp.log(2.0)


def setup_inputs(seed: int = 0) -> dict:
    key = jax.random.key(seed)
    ks = jax.random.split(key, 16)
    inp = {}
    inp["x"] = jax.random.normal(ks[0], (N, D), dtype=jnp.float32)
    inp["edge_index"] = jax.random.randint(ks[1], (2, E), 0, N, dtype=jnp.int64) if jax.config.jax_enable_x64 else jax.random.randint(ks[1], (2, E), 0, N)
    inp["pos"] = jax.random.normal(ks[2], (N, 3), dtype=jnp.float32)
    inp["edge_attr"] = jax.random.normal(ks[3], (E, ENF), dtype=jnp.float32)

    def lin(k, i, o):
        return jax.random.normal(k, (i, o), dtype=jnp.float32) * (1.0 / np.sqrt(i))

    inp["W_emb"] = lin(ks[4], D, H); inp["b_emb"] = jnp.zeros((H,), jnp.float32)
    inp["W_in"] = lin(ks[5], H, H); inp["b_in"] = jnp.zeros((H,), jnp.float32)
    inp["W_e1"] = lin(ks[6], 2 * H + 1 + ENF, H); inp["b_e1"] = jnp.zeros((H,), jnp.float32)
    inp["W_e2"] = lin(ks[7], H, H); inp["b_e2"] = jnp.zeros((H,), jnp.float32)
    inp["W_n1"] = lin(ks[8], 2 * H, H); inp["b_n1"] = jnp.zeros((H,), jnp.float32)
    inp["W_n2"] = lin(ks[9], H, H); inp["b_n2"] = jnp.zeros((H,), jnp.float32)
    inp["W_c1"] = lin(ks[10], H, H); inp["b_c1"] = jnp.zeros((H,), jnp.float32)
    inp["W_c2"] = lin(ks[11], H, 1) * 0.001  # xavier gain=0.001, no bias
    inp["W_out"] = lin(ks[12], H, H); inp["b_out"] = jnp.zeros((H,), jnp.float32)
    return inp


def reference(x, edge_index, pos, edge_attr,
              W_emb, b_emb, W_in, b_in,
              W_e1, b_e1, W_e2, b_e2,
              W_n1, b_n1, W_n2, b_n2,
              W_c1, b_c1, W_c2,
              W_out, b_out):
    row, col = edge_index[0], edge_index[1]

    def egnn(h, coord):
        # EGNN: embedding_in -> 1 x E_GCL (residual=False, coords_agg='mean') -> embedding_out
        h = h @ W_in + b_in
        coord_diff = coord[row] - coord[col]
        radial = jnp.sum(coord_diff ** 2, axis=1, keepdims=True)
        # edge model
        e_in = jnp.concatenate([h[row], h[col], radial, edge_attr], axis=1)
        m = ssp(e_in @ W_e1 + b_e1)
        m = ssp(m @ W_e2 + b_e2)
        # coord model (segment mean over source nodes)
        c = ssp(m @ W_c1 + b_c1) @ W_c2  # [E, 1]
        trans = coord_diff * c
        s = jax.ops.segment_sum(trans, row, num_segments=N)
        cnt = jax.ops.segment_sum(jnp.ones((E, 1), jnp.float32), row, num_segments=N)
        coord = coord + s / jnp.maximum(cnt, 1.0)
        # node model (segment sum), residual=False
        agg = jax.ops.segment_sum(m, row, num_segments=N)
        hn = ssp(jnp.concatenate([h, agg], axis=1) @ W_n1 + b_n1) @ W_n2 + b_n2
        hn = hn @ W_out + b_out
        return hn, coord

    def ode(t, data):
        hh, pp = data[:, :-3], data[:, -3:]
        h2, x2 = egnn(hh, pp)
        return jnp.concatenate([h2, x2], axis=1)

    h0 = x @ W_emb + b_emb
    y = jnp.concatenate([h0, pos], axis=1)
    ts = jnp.linspace(0.0, 1.0, NSTEPS)
    ys = [y]
    for i in range(NSTEPS - 1):
        dt = ts[i + 1] - ts[i]
        y = y + dt * ode(ts[i], y)
        ys.append(y)
    out = jnp.stack(ys, axis=0)  # [NSTEPS, N, H+3]
    node_feat = out[:, :, :-3]
    return node_feat

if __name__ == "__main__":
    import jax
    _d = setup_inputs()
    print(jax.jit(kernel)(*tuple(_d.values())))

</pallas_src>

<mosaic_0001>
#map = affine_map<(d0, d1) -> (0, 0)>
#map1 = affine_map<(d0, d1) -> (0)>
module attributes {stable_mosaic.version = 14 : i64} {
  func.func @k(%arg0: i32, %arg1: i32, %arg2: memref<10000x64xi32, #tpu.memory_space<hbm>>, %arg3: memref<10000x64xi32, #tpu.memory_space<hbm>>, %arg4: memref<128000xi32, #tpu.memory_space<hbm>>, %arg5: memref<128000xi32, #tpu.memory_space<hbm>>, %arg6: memref<10000xf32, #tpu.memory_space<hbm>>, %arg7: memref<10000xf32, #tpu.memory_space<hbm>>, %arg8: memref<10000xf32, #tpu.memory_space<hbm>>, %arg9: memref<128000x128xi32, #tpu.memory_space<hbm>>, %arg10: memref<1x128000xf32, #tpu.memory_space<hbm>>, %arg11: memref<4000xi32, #tpu.memory_space<vmem>>, %arg12: memref<4000xi32, #tpu.memory_space<vmem>>, %arg13: memref<10000xf32, #tpu.memory_space<vmem>>, %arg14: memref<10000xf32, #tpu.memory_space<vmem>>, %arg15: memref<10000xf32, #tpu.memory_space<vmem>>, %arg16: memref<4000xf32, #tpu.memory_space<vmem>>, %arg17: memref<80x64xi32, #tpu.memory_space<vmem>>, %arg18: memref<80x64xi32, #tpu.memory_space<vmem>>, %arg19: memref<80x64xi32, #tpu.memory_space<vmem>>, %arg20: memref<80x64xi32, #tpu.memory_space<vmem>>, %arg21: memref<!tpu.dma_semaphore, #tpu.memory_space<semaphore_mem>>, %arg22: memref<!tpu.dma_semaphore, #tpu.memory_space<semaphore_mem>>, %arg23: memref<!tpu.dma_semaphore, #tpu.memory_space<semaphore_mem>>, %arg24: memref<!tpu.dma_semaphore, #tpu.memory_space<semaphore_mem>>) attributes {dimension_semantics = [#tpu.dimension_semantics<core_parallel>, #tpu.dimension_semantics<subcore_parallel>], iteration_bounds = array<i64: 2, 16>, scalar_prefetch = 0 : i64, scratch_operands = 14 : i64, tpu.core_type = #tpu.core_type<sc_vector_subcore>, window_params = [{transform_indices = #map}, {transform_indices = #map}, {transform_indices = #map1}, {transform_indices = #map1}, {transform_indices = #map1}, {transform_indices = #map1}, {transform_indices = #map1}, {transform_indices = #map}, {transform_indices = #map}]} {
    %mul3A = arith.constant 2 : i32
    %mul3A_0 = arith.muli %arg1, %mul3A : i32
    %add3A = arith.addi %mul3A_0, %arg0 : i32
    %mul3A_1 = arith.constant 4000 : i32
    %mul3A_2 = arith.muli %add3A, %mul3A_1 : i32
    "tpu.region"() ({
      %run_scoped3A_14 = tpu.sem_alloc : memref<!tpu.dma_semaphore, #tpu.memory_space<semaphore_mem>>
      %dma_start3A = tpu.memref_slice %arg4[%mul3A_2] : memref<128000xi32, #tpu.memory_space<hbm>> -> memref<4000xi32, #tpu.memory_space<hbm>>
      %dma_start3A_15 = tpu.memref_slice %arg4[%mul3A_2] : memref<128000xi32, #tpu.memory_space<hbm>> -> memref<4000xi32, #tpu.memory_space<hbm>>
      tpu.enqueue_dma source(%dma_start3A_15 : memref<4000xi32, #tpu.memory_space<hbm>>) target(%arg11 : memref<4000xi32, #tpu.memory_space<vmem>>) target_semaphore(%run_scoped3A_14 : memref<!tpu.dma_semaphore, #tpu.memory_space<semaphore_mem>>)
      %dma_wait3A = tpu.memref_slice %arg4[%mul3A_2] : memref<128000xi32, #tpu.memory_space<hbm>> -> memref<4000xi32, #tpu.memory_space<hbm>>
      %dma_wait3A_16 = tpu.memref_slice %arg4[%mul3A_2] : memref<128000xi32, #tpu.memory_space<hbm>> -> memref<4000xi32, #tpu.memory_space<hbm>>
      tpu.wait_dma2 semaphore(%run_scoped3A_14 : memref<!tpu.dma_semaphore, #tpu.memory_space<semaphore_mem>>) src(%dma_wait3A_16 : memref<4000xi32, #tpu.memory_space<hbm>>) dst(%arg11 : memref<4000xi32, #tpu.memory_space<vmem>>)
      tpu.yield
    }) : () -> ()
    "tpu.region"() ({
      %run_scoped3A_14 = tpu.sem_alloc : memref<!tpu.dma_semaphore, #tpu.memory_space<semaphore_mem>>
      %dma_start3A = tpu.memref_slice %arg5[%mul3A_2] : memref<128000xi32, #tpu.memory_space<hbm>> -> memref<4000xi32, #tpu.memory_space<hbm>>
      %dma_start3A_15 = tpu.memref_slice %arg5[%mul3A_2] : memref<128000xi32, #tpu.memory_space<hbm>> -> memref<4000xi32, #tpu.memory_space<hbm>>
      tpu.enqueue_dma source(%dma_start3A_15 : memref<4000xi32, #tpu.memory_space<hbm>>) target(%arg12 : memref<4000xi32, #tpu.memory_space<vmem>>) target_semaphore(%run_scoped3A_14 : memref<!tpu.dma_semaphore, #tpu.memory_space<semaphore_mem>>)
      %dma_wait3A = tpu.memref_slice %arg5[%mul3A_2] : memref<128000xi32, #tpu.memory_space<hbm>> -> memref<4000xi32, #tpu.memory_space<hbm>>
      %dma_wait3A_16 = tpu.memref_slice %arg5[%mul3A_2] : memref<128000xi32, #tpu.memory_space<hbm>> -> memref<4000xi32, #tpu.memory_space<hbm>>
      tpu.wait_dma2 semaphore(%run_scoped3A_14 : memref<!tpu.dma_semaphore, #tpu.memory_space<semaphore_mem>>) src(%dma_wait3A_16 : memref<4000xi32, #tpu.memory_space<hbm>>) dst(%arg12 : memref<4000xi32, #tpu.memory_space<vmem>>)
      tpu.yield
    }) : () -> ()
    "tpu.region"() ({
      %run_scoped3A_14 = tpu.sem_alloc : memref<!tpu.dma_semaphore, #tpu.memory_space<semaphore_mem>>
      tpu.enqueue_dma source(%arg6 : memref<10000xf32, #tpu.memory_space<hbm>>) target(%arg13 : memref<10000xf32, #tpu.memory_space<vmem>>) target_semaphore(%run_scoped3A_14 : memref<!tpu.dma_semaphore, #tpu.memory_space<semaphore_mem>>)
      tpu.wait_dma2 semaphore(%run_scoped3A_14 : memref<!tpu.dma_semaphore, #tpu.memory_space<semaphore_mem>>) src(%arg6 : memref<10000xf32, #tpu.memory_space<hbm>>) dst(%arg13 : memref<10000xf32, #tpu.memory_space<vmem>>)
      tpu.yield
    }) : () -> ()
    "tpu.region"() ({
      %run_scoped3A_14 = tpu.sem_alloc : memref<!tpu.dma_semaphore, #tpu.memory_space<semaphore_mem>>
      tpu.enqueue_dma source(%arg7 : memref<10000xf32, #tpu.memory_space<hbm>>) target(%arg14 : memref<10000xf32, #tpu.memory_space<vmem>>) target_semaphore(%run_scoped3A_14 : memref<!tpu.dma_semaphore, #tpu.memory_space<semaphore_mem>>)
      tpu.wait_dma2 semaphore(%run_scoped3A_14 : memref<!tpu.dma_semaphore, #tpu.memory_space<semaphore_mem>>) src(%arg7 : memref<10000xf32, #tpu.memory_space<hbm>>) dst(%arg14 : memref<10000xf32, #tpu.memory_space<vmem>>)
      tpu.yield
    }) : () -> ()
    "tpu.region"() ({
      %run_scoped3A_14 = tpu.sem_alloc : memref<!tpu.dma_semaphore, #tpu.memory_space<semaphore_mem>>
      tpu.enqueue_dma source(%arg8 : memref<10000xf32, #tpu.memory_space<hbm>>) target(%arg15 : memref<10000xf32, #tpu.memory_space<vmem>>) target_semaphore(%run_scoped3A_14 : memref<!tpu.dma_semaphore, #tpu.memory_space<semaphore_mem>>)
      tpu.wait_dma2 semaphore(%run_scoped3A_14 : memref<!tpu.dma_semaphore, #tpu.memory_space<semaphore_mem>>) src(%arg8 : memref<10000xf32, #tpu.memory_space<hbm>>) dst(%arg15 : memref<10000xf32, #tpu.memory_space<vmem>>)
      tpu.yield
    }) : () -> ()
    %scan3A = arith.constant 0 : i32
    %scan3A_3 = arith.constant 0 : i32
    %scan3A_4 = arith.constant 250 : i32
    %scan3A_5 = arith.addi %scan3A_3, %scan3A_4 : i32
    %scan3A_6 = arith.constant 1 : i32
    scf.for %scan3A_14 = %scan3A_3 to %scan3A_5 step %scan3A_6  : i32 {
      %mul3A_15 = arith.constant 16 : i32
      %mul3A_16 = arith.muli %scan3A_14, %mul3A_15 : i32
      %get3A = arith.index_cast %mul3A_16 : i32 to index
      %get3A_17 = tpu.vector_load %arg11[%get3A] {strides = array<i32>} : memref<4000xi32, #tpu.memory_space<vmem>>, vector<16xi32>,
      %get3A_18 = arith.index_cast %mul3A_16 : i32 to index
      %get3A_19 = tpu.vector_load %arg12[%get3A_18] {strides = array<i32>} : memref<4000xi32, #tpu.memory_space<vmem>>, vector<16xi32>,
      %gather3A = tpu.vector_load_idx %arg13[%get3A_17] : memref<10000xf32, #tpu.memory_space<vmem>>[vector<16xi32>], vector<16xf32>,
      %gather3A_20 = tpu.vector_load_idx %arg13[%get3A_19] : memref<10000xf32, #tpu.memory_space<vmem>>[vector<16xi32>], vector<16xf32>,
      %sub3A = arith.subf %gather3A, %gather3A_20 : vector<16xf32>
      %gather3A_21 = tpu.vector_load_idx %arg14[%get3A_17] : memref<10000xf32, #tpu.memory_space<vmem>>[vector<16xi32>], vector<16xf32>,
      %gather3A_22 = tpu.vector_load_idx %arg14[%get3A_19] : memref<10000xf32, #tpu.memory_space<vmem>>[vector<16xi32>], vector<16xf32>,
      %sub3A_23 = arith.subf %gather3A_21, %gather3A_22 : vector<16xf32>
      %gather3A_24 = tpu.vector_load_idx %arg15[%get3A_17] : memref<10000xf32, #tpu.memory_space<vmem>>[vector<16xi32>], vector<16xf32>,
      %gather3A_25 = tpu.vector_load_idx %arg15[%get3A_19] : memref<10000xf32, #tpu.memory_space<vmem>>[vector<16xi32>], vector<16xf32>,
      %sub3A_26 = arith.subf %gather3A_24, %gather3A_25 : vector<16xf32>
      %mul3A_27 = arith.mulf %sub3A, %sub3A : vector<16xf32>
      %mul3A_28 = arith.mulf %sub3A_23, %sub3A_23 : vector<16xf32>
      %add3A_29 = arith.addf %mul3A_27, %mul3A_28 : vector<16xf32>
      %mul3A_30 = arith.mulf %sub3A_26, %sub3A_26 : vector<16xf32>
      %add3A_31 = arith.addf %add3A_29, %mul3A_30 : vector<16xf32>
      %swap3A = arith.index_cast %mul3A_16 : i32 to index
      %swap3A_32 = tpu.vector_load %arg16[%swap3A] {strides = array<i32>} : memref<4000xf32, #tpu.memory_space<vmem>>, vector<16xf32>,
      tpu.vector_store %arg16[%swap3A], %add3A_31 {strides = array<i32>} : memref<4000xf32, #tpu.memory_space<vmem>>, vector<16xf32>,
    }
    %scan3A_7 = arith.constant 250 : i32
    %run_scoped3A = arith.constant 0 : i32
    "tpu.region"() ({
      %run_scoped3A_14 = tpu.sem_alloc : memref<!tpu.dma_semaphore, #tpu.memory_space<semaphore_mem>>
      %dma_start3A = tpu.memref_slice %arg10[%run_scoped3A, %mul3A_2] : memref<1x128000xf32, #tpu.memory_space<hbm>> -> memref<1x4000xf32, #tpu.memory_space<hbm>>
      %dma_start3A_15 = tpu.memref_squeeze %dma_start3A : memref<1x4000xf32, #tpu.memory_space<hbm>> -> memref<4000xf32, #tpu.memory_space<hbm>>
      %dma_start3A_16 = tpu.memref_slice %arg10[%run_scoped3A, %mul3A_2] : memref<1x128000xf32, #tpu.memory_space<hbm>> -> memref<1x4000xf32, #tpu.memory_space<hbm>>
      %dma_start3A_17 = tpu.memref_squeeze %dma_start3A_16 : memref<1x4000xf32, #tpu.memory_space<hbm>> -> memref<4000xf32, #tpu.memory_space<hbm>>
      tpu.enqueue_dma source(%arg16 : memref<4000xf32, #tpu.memory_space<vmem>>) target(%dma_start3A_17 : memref<4000xf32, #tpu.memory_space<hbm>>) target_semaphore(%run_scoped3A_14 : memref<!tpu.dma_semaphore, #tpu.memory_space<semaphore_mem>>)
      %dma_wait3A = tpu.memref_slice %arg10[%run_scoped3A, %mul3A_2] : memref<1x128000xf32, #tpu.memory_space<hbm>> -> memref<1x4000xf32, #tpu.memory_space<hbm>>
      %dma_wait3A_18 = tpu.memref_squeeze %dma_wait3A : memref<1x4000xf32, #tpu.memory_space<hbm>> -> memref<4000xf32, #tpu.memory_space<hbm>>
      %dma_wait3A_19 = tpu.memref_slice %arg10[%run_scoped3A, %mul3A_2] : memref<1x128000xf32, #tpu.memory_space<hbm>> -> memref<1x4000xf32, #tpu.memory_space<hbm>>
      %dma_wait3A_20 = tpu.memref_squeeze %dma_wait3A_19 : memref<1x4000xf32, #tpu.memory_space<hbm>> -> memref<4000xf32, #tpu.memory_space<hbm>>
      tpu.wait_dma2 semaphore(%run_scoped3A_14 : memref<!tpu.dma_semaphore, #tpu.memory_space<semaphore_mem>>) src(%arg16 : memref<4000xf32, #tpu.memory_space<vmem>>) dst(%dma_wait3A_20 : memref<4000xf32, #tpu.memory_space<hbm>>)
      tpu.yield
    }) : () -> ()
    %scan3A_8 = arith.constant 0 : i32
    %scan3A_9 = arith.constant 0 : i32
    %scan3A_10 = arith.constant 25 : i32
    %scan3A_11 = arith.addi %scan3A_9, %scan3A_10 : i32
    %scan3A_12 = arith.constant 1 : i32
    scf.for %scan3A_14 = %scan3A_9 to %scan3A_11 step %scan3A_12  : i32 {
      %mul3A_15 = arith.constant 2 : i32
      %mul3A_16 = arith.muli %mul3A_15, %scan3A_14 : i32
      %mul3A_17 = arith.constant 80 : i32
      %mul3A_18 = arith.muli %mul3A_16, %mul3A_17 : i32
      %mul3A_19 = arith.constant 2 : i32
      %mul3A_20 = arith.muli %mul3A_19, %scan3A_14 : i32
      %add3A_21 = arith.constant 1 : i32
      %add3A_22 = arith.addi %mul3A_20, %add3A_21 : i32
      %mul3A_23 = arith.constant 80 : i32
      %mul3A_24 = arith.muli %add3A_22, %mul3A_23 : i32
      %dma_start3A = tpu.memref_slice %arg11[%mul3A_18] : memref<4000xi32, #tpu.memory_space<vmem>> -> memref<80xi32, #tpu.memory_space<vmem>>
      %dma_start3A_25 = arith.constant 0 : i32
      %dma_start3A_26 = arith.constant 0 : i32
      %dma_start3A_27 = tpu.memref_slice %arg2[%dma_start3A_25, %dma_start3A_26] : memref<10000x64xi32, #tpu.memory_space<hbm>> -> memref<10000x64xi32, #tpu.memory_space<hbm>>
      tpu.enqueue_indirect_dma source(%dma_start3A_27 : memref<10000x64xi32, #tpu.memory_space<hbm>>) target(%arg17 : memref<80x64xi32, #tpu.memory_space<vmem>>) offsets(%dma_start3A : memref<80xi32, #tpu.memory_space<vmem>>) semaphore(%arg21 : memref<!tpu.dma_semaphore, #tpu.memory_space<semaphore_mem>>)
      %dma_start3A_28 = tpu.memref_slice %arg12[%mul3A_18] : memref<4000xi32, #tpu.memory_space<vmem>> -> memref<80xi32, #tpu.memory_space<vmem>>
      %dma_start3A_29 = arith.constant 0 : i32
      %dma_start3A_30 = arith.constant 0 : i32
      %dma_start3A_31 = tpu.memref_slice %arg3[%dma_start3A_29, %dma_start3A_30] : memref<10000x64xi32, #tpu.memory_space<hbm>> -> memref<10000x64xi32, #tpu.memory_space<hbm>>
      tpu.enqueue_indirect_dma source(%dma_start3A_31 : memref<10000x64xi32, #tpu.memory_space<hbm>>) target(%arg18 : memref<80x64xi32, #tpu.memory_space<vmem>>) offsets(%dma_start3A_28 : memref<80xi32, #tpu.memory_space<vmem>>) semaphore(%arg22 : memref<!tpu.dma_semaphore, #tpu.memory_space<semaphore_mem>>)
      %dma_start3A_32 = tpu.memref_slice %arg11[%mul3A_24] : memref<4000xi32, #tpu.memory_space<vmem>> -> memref<80xi32, #tpu.memory_space<vmem>>
      %dma_start3A_33 = arith.constant 0 : i32
      %dma_start3A_34 = arith.constant 0 : i32
      %dma_start3A_35 = tpu.memref_slice %arg2[%dma_start3A_33, %dma_start3A_34] : memref<10000x64xi32, #tpu.memory_space<hbm>> -> memref<10000x64xi32, #tpu.memory_space<hbm>>
      tpu.enqueue_indirect_dma source(%dma_start3A_35 : memref<10000x64xi32, #tpu.memory_space<hbm>>) target(%arg19 : memref<80x64xi32, #tpu.memory_space<vmem>>) offsets(%dma_start3A_32 : memref<80xi32, #tpu.memory_space<vmem>>) semaphore(%arg23 : memref<!tpu.dma_semaphore, #tpu.memory_space<semaphore_mem>>)
      %dma_start3A_36 = tpu.memref_slice %arg12[%mul3A_24] : memref<4000xi32, #tpu.memory_space<vmem>> -> memref<80xi32, #tpu.memory_space<vmem>>
      %dma_start3A_37 = arith.constant 0 : i32
      %dma_start3A_38 = arith.constant 0 : i32
      %dma_start3A_39 = tpu.memref_slice %arg3[%dma_start3A_37, %dma_start3A_38] : memref<10000x64xi32, #tpu.memory_space<hbm>> -> memref<10000x64xi32, #tpu.memory_space<hbm>>
      tpu.enqueue_indirect_dma source(%dma_start3A_39 : memref<10000x64xi32, #tpu.memory_space<hbm>>) target(%arg20 : memref<80x64xi32, #tpu.memory_space<vmem>>) offsets(%dma_start3A_36 : memref<80xi32, #tpu.memory_space<vmem>>) semaphore(%arg24 : memref<!tpu.dma_semaphore, #tpu.memory_space<semaphore_mem>>)
      %dma_wait3A = tpu.memref_slice %arg11[%mul3A_18] : memref<4000xi32, #tpu.memory_space<vmem>> -> memref<80xi32, #tpu.memory_space<vmem>>
      %dma_wait3A_40 = arith.constant 0 : i32
      %dma_wait3A_41 = arith.constant 0 : i32
      %dma_wait3A_42 = tpu.memref_slice %arg2[%dma_wait3A_40, %dma_wait3A_41] : memref<10000x64xi32, #tpu.memory_space<hbm>> -> memref<10000x64xi32, #tpu.memory_space<hbm>>
      tpu.wait_indirect_dma semaphore(%arg21 : memref<!tpu.dma_semaphore, #tpu.memory_space<semaphore_mem>>) src(%dma_wait3A_42 : memref<10000x64xi32, #tpu.memory_space<hbm>>) dst(%arg17 : memref<80x64xi32, #tpu.memory_space<vmem>>)
      %dma_wait3A_43 = tpu.memref_slice %arg12[%mul3A_18] : memref<4000xi32, #tpu.memory_space<vmem>> -> memref<80xi32, #tpu.memory_space<vmem>>
      %dma_wait3A_44 = arith.constant 0 : i32
      %dma_wait3A_45 = arith.constant 0 : i32
      %dma_wait3A_46 = tpu.memref_slice %arg3[%dma_wait3A_44, %dma_wait3A_45] : memref<10000x64xi32, #tpu.memory_space<hbm>> -> memref<10000x64xi32, #tpu.memory_space<hbm>>
      tpu.wait_indirect_dma semaphore(%arg22 : memref<!tpu.dma_semaphore, #tpu.memory_space<semaphore_mem>>) src(%dma_wait3A_46 : memref<10000x64xi32, #tpu.memory_space<hbm>>) dst(%arg18 : memref<80x64xi32, #tpu.memory_space<vmem>>)
      %add3A_47 = arith.addi %mul3A_2, %mul3A_18 : i32
      "tpu.region"() ({
        %run_scoped3A_59 = tpu.sem_alloc : memref<!tpu.dma_semaphore, #tpu.memory_space<semaphore_mem>>
        %dma_start3A_60 = arith.constant 0 : i32
        %dma_start3A_61 = tpu.memref_slice %arg9[%add3A_47, %dma_start3A_60] : memref<128000x128xi32, #tpu.memory_space<hbm>> -> memref<80x64xi32, #tpu.memory_space<hbm>>
        %dma_start3A_62 = arith.constant 0 : i32
        %dma_start3A_63 = tpu.memref_slice %arg9[%add3A_47, %dma_start3A_62] : memref<128000x128xi32, #tpu.memory_space<hbm>> -> memref<80x64xi32, #tpu.memory_space<hbm>>
        tpu.enqueue_dma source(%arg17 : memref<80x64xi32, #tpu.memory_space<vmem>>) target(%dma_start3A_63 : memref<80x64xi32, #tpu.memory_space<hbm>>) target_semaphore(%run_scoped3A_59 : memref<!tpu.dma_semaphore, #tpu.memory_space<semaphore_mem>>)
        %dma_wait3A_64 = arith.constant 0 : i32
        %dma_wait3A_65 = tpu.memref_slice %arg9[%add3A_47, %dma_wait3A_64] : memref<128000x128xi32, #tpu.memory_space<hbm>> -> memref<80x64xi32, #tpu.memory_space<hbm>>
        %dma_wait3A_66 = arith.constant 0 : i32
        %dma_wait3A_67 = tpu.memref_slice %arg9[%add3A_47, %dma_wait3A_66] : memref<128000x128xi32, #tpu.memory_space<hbm>> -> memref<80x64xi32, #tpu.memory_space<hbm>>
        tpu.wait_dma2 semaphore(%run_scoped3A_59 : memref<!tpu.dma_semaphore, #tpu.memory_space<semaphore_mem>>) src(%arg17 : memref<80x64xi32, #tpu.memory_space<vmem>>) dst(%dma_wait3A_67 : memref<80x64xi32, #tpu.memory_space<hbm>>)
        tpu.yield
      }) : () -> ()
      %add3A_48 = arith.addi %mul3A_2, %mul3A_18 : i32
      "tpu.region"() ({
        %run_scoped3A_59 = tpu.sem_alloc : memref<!tpu.dma_semaphore, #tpu.memory_space<semaphore_mem>>
        %dma_start3A_60 = arith.constant 64 : i32
        %dma_start3A_61 = tpu.memref_slice %arg9[%add3A_48, %dma_start3A_60] : memref<128000x128xi32, #tpu.memory_space<hbm>> -> memref<80x64xi32, #tpu.memory_space<hbm>>
        %dma_start3A_62 = arith.constant 64 : i32
        %dma_start3A_63 = tpu.memref_slice %arg9[%add3A_48, %dma_start3A_62] : memref<128000x128xi32, #tpu.memory_space<hbm>> -> memref<80x64xi32, #tpu.memory_space<hbm>>
        tpu.enqueue_dma source(%arg18 : memref<80x64xi32, #tpu.memory_space<vmem>>) target(%dma_start3A_63 : memref<80x64xi32, #tpu.memory_space<hbm>>) target_semaphore(%run_scoped3A_59 : memref<!tpu.dma_semaphore, #tpu.memory_space<semaphore_mem>>)
        %dma_wait3A_64 = arith.constant 64 : i32
        %dma_wait3A_65 = tpu.memref_slice %arg9[%add3A_48, %dma_wait3A_64] : memref<128000x128xi32, #tpu.memory_space<hbm>> -> memref<80x64xi32, #tpu.memory_space<hbm>>
        %dma_wait3A_66 = arith.constant 64 : i32
        %dma_wait3A_67 = tpu.memref_slice %arg9[%add3A_48, %dma_wait3A_66] : memref<128000x128xi32, #tpu.memory_space<hbm>> -> memref<80x64xi32, #tpu.memory_space<hbm>>
        tpu.wait_dma2 semaphore(%run_scoped3A_59 : memref<!tpu.dma_semaphore, #tpu.memory_space<semaphore_mem>>) src(%arg18 : memref<80x64xi32, #tpu.memory_space<vmem>>) dst(%dma_wait3A_67 : memref<80x64xi32, #tpu.memory_space<hbm>>)
        tpu.yield
      }) : () -> ()
      %dma_wait3A_49 = tpu.memref_slice %arg11[%mul3A_24] : memref<4000xi32, #tpu.memory_space<vmem>> -> memref<80xi32, #tpu.memory_space<vmem>>
      %dma_wait3A_50 = arith.constant 0 : i32
      %dma_wait3A_51 = arith.constant 0 : i32
      %dma_wait3A_52 = tpu.memref_slice %arg2[%dma_wait3A_50, %dma_wait3A_51] : memref<10000x64xi32, #tpu.memory_space<hbm>> -> memref<10000x64xi32, #tpu.memory_space<hbm>>
      tpu.wait_indirect_dma semaphore(%arg23 : memref<!tpu.dma_semaphore, #tpu.memory_space<semaphore_mem>>) src(%dma_wait3A_52 : memref<10000x64xi32, #tpu.memory_space<hbm>>) dst(%arg19 : memref<80x64xi32, #tpu.memory_space<vmem>>)
      %dma_wait3A_53 = tpu.memref_slice %arg12[%mul3A_24] : memref<4000xi32, #tpu.memory_space<vmem>> -> memref<80xi32, #tpu.memory_space<vmem>>
      %dma_wait3A_54 = arith.constant 0 : i32
      %dma_wait3A_55 = arith.constant 0 : i32
      %dma_wait3A_56 = tpu.memref_slice %arg3[%dma_wait3A_54, %dma_wait3A_55] : memref<10000x64xi32, #tpu.memory_space<hbm>> -> memref<10000x64xi32, #tpu.memory_space<hbm>>
      tpu.wait_indirect_dma semaphore(%arg24 : memref<!tpu.dma_semaphore, #tpu.memory_space<semaphore_mem>>) src(%dma_wait3A_56 : memref<10000x64xi32, #tpu.memory_space<hbm>>) dst(%arg20 : memref<80x64xi32, #tpu.memory_space<vmem>>)
      %add3A_57 = arith.addi %mul3A_2, %mul3A_24 : i32
      "tpu.region"() ({
        %run_scoped3A_59 = tpu.sem_alloc : memref<!tpu.dma_semaphore, #tpu.memory_space<semaphore_mem>>
        %dma_start3A_60 = arith.constant 0 : i32
        %dma_start3A_61 = tpu.memref_slice %arg9[%add3A_57, %dma_start3A_60] : memref<128000x128xi32, #tpu.memory_space<hbm>> -> memref<80x64xi32, #tpu.memory_space<hbm>>
        %dma_start3A_62 = arith.constant 0 : i32
        %dma_start3A_63 = tpu.memref_slice %arg9[%add3A_57, %dma_start3A_62] : memref<128000x128xi32, #tpu.memory_space<hbm>> -> memref<80x64xi32, #tpu.memory_space<hbm>>
        tpu.enqueue_dma source(%arg19 : memref<80x64xi32, #tpu.memory_space<vmem>>) target(%dma_start3A_63 : memref<80x64xi32, #tpu.memory_space<hbm>>) target_semaphore(%run_scoped3A_59 : memref<!tpu.dma_semaphore, #tpu.memory_space<semaphore_mem>>)
        %dma_wait3A_64 = arith.constant 0 : i32
        %dma_wait3A_65 = tpu.memref_slice %arg9[%add3A_57, %dma_wait3A_64] : memref<128000x128xi32, #tpu.memory_space<hbm>> -> memref<80x64xi32, #tpu.memory_space<hbm>>
        %dma_wait3A_66 = arith.constant 0 : i32
        %dma_wait3A_67 = tpu.memref_slice %arg9[%add3A_57, %dma_wait3A_66] : memref<128000x128xi32, #tpu.memory_space<hbm>> -> memref<80x64xi32, #tpu.memory_space<hbm>>
        tpu.wait_dma2 semaphore(%run_scoped3A_59 : memref<!tpu.dma_semaphore, #tpu.memory_space<semaphore_mem>>) src(%arg19 : memref<80x64xi32, #tpu.memory_space<vmem>>) dst(%dma_wait3A_67 : memref<80x64xi32, #tpu.memory_space<hbm>>)
        tpu.yield
      }) : () -> ()
      %add3A_58 = arith.addi %mul3A_2, %mul3A_24 : i32
      "tpu.region"() ({
        %run_scoped3A_59 = tpu.sem_alloc : memref<!tpu.dma_semaphore, #tpu.memory_space<semaphore_mem>>
        %dma_start3A_60 = arith.constant 64 : i32
        %dma_start3A_61 = tpu.memref_slice %arg9[%add3A_58, %dma_start3A_60] : memref<128000x128xi32, #tpu.memory_space<hbm>> -> memref<80x64xi32, #tpu.memory_space<hbm>>
        %dma_start3A_62 = arith.constant 64 : i32
        %dma_start3A_63 = tpu.memref_slice %arg9[%add3A_58, %dma_start3A_62] : memref<128000x128xi32, #tpu.memory_space<hbm>> -> memref<80x64xi32, #tpu.memory_space<hbm>>
        tpu.enqueue_dma source(%arg20 : memref<80x64xi32, #tpu.memory_space<vmem>>) target(%dma_start3A_63 : memref<80x64xi32, #tpu.memory_space<hbm>>) target_semaphore(%run_scoped3A_59 : memref<!tpu.dma_semaphore, #tpu.memory_space<semaphore_mem>>)
        %dma_wait3A_64 = arith.constant 64 : i32
        %dma_wait3A_65 = tpu.memref_slice %arg9[%add3A_58, %dma_wait3A_64] : memref<128000x128xi32, #tpu.memory_space<hbm>> -> memref<80x64xi32, #tpu.memory_space<hbm>>
        %dma_wait3A_66 = arith.constant 64 : i32
        %dma_wait3A_67 = tpu.memref_slice %arg9[%add3A_58, %dma_wait3A_66] : memref<128000x128xi32, #tpu.memory_space<hbm>> -> memref<80x64xi32, #tpu.memory_space<hbm>>
        tpu.wait_dma2 semaphore(%run_scoped3A_59 : memref<!tpu.dma_semaphore, #tpu.memory_space<semaphore_mem>>) src(%arg20 : memref<80x64xi32, #tpu.memory_space<vmem>>) dst(%dma_wait3A_67 : memref<80x64xi32, #tpu.memory_space<hbm>>)
        tpu.yield
      }) : () -> ()
    }
    %scan3A_13 = arith.constant 25 : i32
    return
  }
}

#map = affine_map<(d0, d1) -> (0, 0)>
#map1 = affine_map<(d0, d1) -> (0)>
module attributes {stable_mosaic.version = 14 : i64} {
  func.func @k(%arg0: i32, %arg1: i32, %arg2: memref<10000x64xi32, #tpu.memory_space<hbm>>, %arg3: memref<10000x64xi32, #tpu.memory_space<hbm>>, %arg4: memref<128000xi32, #tpu.memory_space<hbm>>, %arg5: memref<128000xi32, #tpu.memory_space<hbm>>, %arg6: memref<10000xf32, #tpu.memory_space<hbm>>, %arg7: memref<10000xf32, #tpu.memory_space<hbm>>, %arg8: memref<10000xf32, #tpu.memory_space<hbm>>, %arg9: memref<128000x128xi32, #tpu.memory_space<hbm>>, %arg10: memref<1x128000xf32, #tpu.memory_space<hbm>>, %arg11: memref<4000xi32, #tpu.memory_space<vmem>>, %arg12: memref<4000xi32, #tpu.memory_space<vmem>>, %arg13: memref<10000xf32, #tpu.memory_space<vmem>>, %arg14: memref<10000xf32, #tpu.memory_space<vmem>>, %arg15: memref<10000xf32, #tpu.memory_space<vmem>>, %arg16: memref<4000xf32, #tpu.memory_space<vmem>>, %arg17: memref<80x64xi32, #tpu.memory_space<vmem>>, %arg18: memref<80x64xi32, #tpu.memory_space<vmem>>, %arg19: memref<80x64xi32, #tpu.memory_space<vmem>>, %arg20: memref<80x64xi32, #tpu.memory_space<vmem>>, %arg21: memref<!tpu.dma_semaphore, #tpu.memory_space<semaphore_mem>>, %arg22: memref<!tpu.dma_semaphore, #tpu.memory_space<semaphore_mem>>, %arg23: memref<!tpu.dma_semaphore, #tpu.memory_space<semaphore_mem>>, %arg24: memref<!tpu.dma_semaphore, #tpu.memory_space<semaphore_mem>>) attributes {dimension_semantics = [#tpu.dimension_semantics<core_parallel>, #tpu.dimension_semantics<subcore_parallel>], iteration_bounds = array<i64: 2, 16>, scalar_prefetch = 0 : i64, scratch_operands = 14 : i64, tpu.core_type = #tpu.core_type<sc_vector_subcore>, window_params = [{transform_indices = #map}, {transform_indices = #map}, {transform_indices = #map1}, {transform_indices = #map1}, {transform_indices = #map1}, {transform_indices = #map1}, {transform_indices = #map1}, {transform_indices = #map}, {transform_indices = #map}]} {
    %mul3A = arith.constant 2 : i32
    %mul3A_0 = arith.muli %arg1, %mul3A : i32
    %add3A = arith.addi %mul3A_0, %arg0 : i32
    %mul3A_1 = arith.constant 4000 : i32
    %mul3A_2 = arith.muli %add3A, %mul3A_1 : i32
    "tpu.region"() ({
      %run_scoped3A_14 = tpu.sem_alloc : memref<!tpu.dma_semaphore, #tpu.memory_space<semaphore_mem>>
      %dma_start3A = tpu.memref_slice %arg4[%mul3A_2] : memref<128000xi32, #tpu.memory_space<hbm>> -> memref<4000xi32, #tpu.memory_space<hbm>>
      %dma_start3A_15 = tpu.memref_slice %arg4[%mul3A_2] : memref<128000xi32, #tpu.memory_space<hbm>> -> memref<4000xi32, #tpu.memory_space<hbm>>
      tpu.enqueue_dma source(%dma_start3A_15 : memref<4000xi32, #tpu.memory_space<hbm>>) target(%arg11 : memref<4000xi32, #tpu.memory_space<vmem>>) target_semaphore(%run_scoped3A_14 : memref<!tpu.dma_semaphore, #tpu.memory_space<semaphore_mem>>)
      %dma_wait3A = tpu.memref_slice %arg4[%mul3A_2] : memref<128000xi32, #tpu.memory_space<hbm>> -> memref<4000xi32, #tpu.memory_space<hbm>>
      %dma_wait3A_16 = tpu.memref_slice %arg4[%mul3A_2] : memref<128000xi32, #tpu.memory_space<hbm>> -> memref<4000xi32, #tpu.memory_space<hbm>>
      tpu.wait_dma2 semaphore(%run_scoped3A_14 : memref<!tpu.dma_semaphore, #tpu.memory_space<semaphore_mem>>) src(%dma_wait3A_16 : memref<4000xi32, #tpu.memory_space<hbm>>) dst(%arg11 : memref<4000xi32, #tpu.memory_space<vmem>>)
      tpu.yield
    }) : () -> ()
    "tpu.region"() ({
      %run_scoped3A_14 = tpu.sem_alloc : memref<!tpu.dma_semaphore, #tpu.memory_space<semaphore_mem>>
      %dma_start3A = tpu.memref_slice %arg5[%mul3A_2] : memref<128000xi32, #tpu.memory_space<hbm>> -> memref<4000xi32, #tpu.memory_space<hbm>>
      %dma_start3A_15 = tpu.memref_slice %arg5[%mul3A_2] : memref<128000xi32, #tpu.memory_space<hbm>> -> memref<4000xi32, #tpu.memory_space<hbm>>
      tpu.enqueue_dma source(%dma_start3A_15 : memref<4000xi32, #tpu.memory_space<hbm>>) target(%arg12 : memref<4000xi32, #tpu.memory_space<vmem>>) target_semaphore(%run_scoped3A_14 : memref<!tpu.dma_semaphore, #tpu.memory_space<semaphore_mem>>)
      %dma_wait3A = tpu.memref_slice %arg5[%mul3A_2] : memref<128000xi32, #tpu.memory_space<hbm>> -> memref<4000xi32, #tpu.memory_space<hbm>>
      %dma_wait3A_16 = tpu.memref_slice %arg5[%mul3A_2] : memref<128000xi32, #tpu.memory_space<hbm>> -> memref<4000xi32, #tpu.memory_space<hbm>>
      tpu.wait_dma2 semaphore(%run_scoped3A_14 : memref<!tpu.dma_semaphore, #tpu.memory_space<semaphore_mem>>) src(%dma_wait3A_16 : memref<4000xi32, #tpu.memory_space<hbm>>) dst(%arg12 : memref<4000xi32, #tpu.memory_space<vmem>>)
      tpu.yield
    }) : () -> ()
    "tpu.region"() ({
      %run_scoped3A_14 = tpu.sem_alloc : memref<!tpu.dma_semaphore, #tpu.memory_space<semaphore_mem>>
      tpu.enqueue_dma source(%arg6 : memref<10000xf32, #tpu.memory_space<hbm>>) target(%arg13 : memref<10000xf32, #tpu.memory_space<vmem>>) target_semaphore(%run_scoped3A_14 : memref<!tpu.dma_semaphore, #tpu.memory_space<semaphore_mem>>)
      tpu.wait_dma2 semaphore(%run_scoped3A_14 : memref<!tpu.dma_semaphore, #tpu.memory_space<semaphore_mem>>) src(%arg6 : memref<10000xf32, #tpu.memory_space<hbm>>) dst(%arg13 : memref<10000xf32, #tpu.memory_space<vmem>>)
      tpu.yield
    }) : () -> ()
    "tpu.region"() ({
      %run_scoped3A_14 = tpu.sem_alloc : memref<!tpu.dma_semaphore, #tpu.memory_space<semaphore_mem>>
      tpu.enqueue_dma source(%arg7 : memref<10000xf32, #tpu.memory_space<hbm>>) target(%arg14 : memref<10000xf32, #tpu.memory_space<vmem>>) target_semaphore(%run_scoped3A_14 : memref<!tpu.dma_semaphore, #tpu.memory_space<semaphore_mem>>)
      tpu.wait_dma2 semaphore(%run_scoped3A_14 : memref<!tpu.dma_semaphore, #tpu.memory_space<semaphore_mem>>) src(%arg7 : memref<10000xf32, #tpu.memory_space<hbm>>) dst(%arg14 : memref<10000xf32, #tpu.memory_space<vmem>>)
      tpu.yield
    }) : () -> ()
    "tpu.region"() ({
      %run_scoped3A_14 = tpu.sem_alloc : memref<!tpu.dma_semaphore, #tpu.memory_space<semaphore_mem>>
      tpu.enqueue_dma source(%arg8 : memref<10000xf32, #tpu.memory_space<hbm>>) target(%arg15 : memref<10000xf32, #tpu.memory_space<vmem>>) target_semaphore(%run_scoped3A_14 : memref<!tpu.dma_semaphore, #tpu.memory_space<semaphore_mem>>)
      tpu.wait_dma2 semaphore(%run_scoped3A_14 : memref<!tpu.dma_semaphore, #tpu.memory_space<semaphore_mem>>) src(%arg8 : memref<10000xf32, #tpu.memory_space<hbm>>) dst(%arg15 : memref<10000xf32, #tpu.memory_space<vmem>>)
      tpu.yield
    }) : () -> ()
    %scan3A = arith.constant 0 : i32
    %scan3A_3 = arith.constant 0 : i32
    %scan3A_4 = arith.constant 250 : i32
    %scan3A_5 = arith.addi %scan3A_3, %scan3A_4 : i32
    %scan3A_6 = arith.constant 1 : i32
    scf.for %scan3A_14 = %scan3A_3 to %scan3A_5 step %scan3A_6  : i32 {
      %mul3A_15 = arith.constant 16 : i32
      %mul3A_16 = arith.muli %scan3A_14, %mul3A_15 : i32
      %get3A = arith.index_cast %mul3A_16 : i32 to index
      %get3A_17 = tpu.vector_load %arg11[%get3A] {strides = array<i32>} : memref<4000xi32, #tpu.memory_space<vmem>>, vector<16xi32>,
      %get3A_18 = arith.index_cast %mul3A_16 : i32 to index
      %get3A_19 = tpu.vector_load %arg12[%get3A_18] {strides = array<i32>} : memref<4000xi32, #tpu.memory_space<vmem>>, vector<16xi32>,
      %gather3A = tpu.vector_load_idx %arg13[%get3A_17] : memref<10000xf32, #tpu.memory_space<vmem>>[vector<16xi32>], vector<16xf32>,
      %gather3A_20 = tpu.vector_load_idx %arg13[%get3A_19] : memref<10000xf32, #tpu.memory_space<vmem>>[vector<16xi32>], vector<16xf32>,
      %sub3A = arith.subf %gather3A, %gather3A_20 : vector<16xf32>
      %gather3A_21 = tpu.vector_load_idx %arg14[%get3A_17] : memref<10000xf32, #tpu.memory_space<vmem>>[vector<16xi32>], vector<16xf32>,
      %gather3A_22 = tpu.vector_load_idx %arg14[%get3A_19] : memref<10000xf32, #tpu.memory_space<vmem>>[vector<16xi32>], vector<16xf32>,
      %sub3A_23 = arith.subf %gather3A_21, %gather3A_22 : vector<16xf32>
      %gather3A_24 = tpu.vector_load_idx %arg15[%get3A_17] : memref<10000xf32, #tpu.memory_space<vmem>>[vector<16xi32>], vector<16xf32>,
      %gather3A_25 = tpu.vector_load_idx %arg15[%get3A_19] : memref<10000xf32, #tpu.memory_space<vmem>>[vector<16xi32>], vector<16xf32>,
      %sub3A_26 = arith.subf %gather3A_24, %gather3A_25 : vector<16xf32>
      %mul3A_27 = arith.mulf %sub3A, %sub3A : vector<16xf32>
      %mul3A_28 = arith.mulf %sub3A_23, %sub3A_23 : vector<16xf32>
      %add3A_29 = arith.addf %mul3A_27, %mul3A_28 : vector<16xf32>
      %mul3A_30 = arith.mulf %sub3A_26, %sub3A_26 : vector<16xf32>
      %add3A_31 = arith.addf %add3A_29, %mul3A_30 : vector<16xf32>
      %swap3A = arith.index_cast %mul3A_16 : i32 to index
      %swap3A_32 = tpu.vector_load %arg16[%swap3A] {strides = array<i32>} : memref<4000xf32, #tpu.memory_space<vmem>>, vector<16xf32>,
      tpu.vector_store %arg16[%swap3A], %add3A_31 {strides = array<i32>} : memref<4000xf32, #tpu.memory_space<vmem>>, vector<16xf32>,
    }
    %scan3A_7 = arith.constant 250 : i32
    %run_scoped3A = arith.constant 0 : i32
    "tpu.region"() ({
      %run_scoped3A_14 = tpu.sem_alloc : memref<!tpu.dma_semaphore, #tpu.memory_space<semaphore_mem>>
      %dma_start3A = tpu.memref_slice %arg10[%run_scoped3A, %mul3A_2] : memref<1x128000xf32, #tpu.memory_space<hbm>> -> memref<1x4000xf32, #tpu.memory_space<hbm>>
      %dma_start3A_15 = tpu.memref_squeeze %dma_start3A : memref<1x4000xf32, #tpu.memory_space<hbm>> -> memref<4000xf32, #tpu.memory_space<hbm>>
      %dma_start3A_16 = tpu.memref_slice %arg10[%run_scoped3A, %mul3A_2] : memref<1x128000xf32, #tpu.memory_space<hbm>> -> memref<1x4000xf32, #tpu.memory_space<hbm>>
      %dma_start3A_17 = tpu.memref_squeeze %dma_start3A_16 : memref<1x4000xf32, #tpu.memory_space<hbm>> -> memref<4000xf32, #tpu.memory_space<hbm>>
      tpu.enqueue_dma source(%arg16 : memref<4000xf32, #tpu.memory_space<vmem>>) target(%dma_start3A_17 : memref<4000xf32, #tpu.memory_space<hbm>>) target_semaphore(%run_scoped3A_14 : memref<!tpu.dma_semaphore, #tpu.memory_space<semaphore_mem>>)
      %dma_wait3A = tpu.memref_slice %arg10[%run_scoped3A, %mul3A_2] : memref<1x128000xf32, #tpu.memory_space<hbm>> -> memref<1x4000xf32, #tpu.memory_space<hbm>>
      %dma_wait3A_18 = tpu.memref_squeeze %dma_wait3A : memref<1x4000xf32, #tpu.memory_space<hbm>> -> memref<4000xf32, #tpu.memory_space<hbm>>
      %dma_wait3A_19 = tpu.memref_slice %arg10[%run_scoped3A, %mul3A_2] : memref<1x128000xf32, #tpu.memory_space<hbm>> -> memref<1x4000xf32, #tpu.memory_space<hbm>>
      %dma_wait3A_20 = tpu.memref_squeeze %dma_wait3A_19 : memref<1x4000xf32, #tpu.memory_space<hbm>> -> memref<4000xf32, #tpu.memory_space<hbm>>
      tpu.wait_dma2 semaphore(%run_scoped3A_14 : memref<!tpu.dma_semaphore, #tpu.memory_space<semaphore_mem>>) src(%arg16 : memref<4000xf32, #tpu.memory_space<vmem>>) dst(%dma_wait3A_20 : memref<4000xf32, #tpu.memory_space<hbm>>)
      tpu.yield
    }) : () -> ()
    %scan3A_8 = arith.constant 0 : i32
    %scan3A_9 = arith.constant 0 : i32
    %scan3A_10 = arith.constant 25 : i32
    %scan3A_11 = arith.addi %scan3A_9, %scan3A_10 : i32
    %scan3A_12 = arith.constant 1 : i32
    scf.for %scan3A_14 = %scan3A_9 to %scan3A_11 step %scan3A_12  : i32 {
      %mul3A_15 = arith.constant 2 : i32
      %mul3A_16 = arith.muli %mul3A_15, %scan3A_14 : i32
      %mul3A_17 = arith.constant 80 : i32
      %mul3A_18 = arith.muli %mul3A_16, %mul3A_17 : i32
      %mul3A_19 = arith.constant 2 : i32
      %mul3A_20 = arith.muli %mul3A_19, %scan3A_14 : i32
      %add3A_21 = arith.constant 1 : i32
      %add3A_22 = arith.addi %mul3A_20, %add3A_21 : i32
      %mul3A_23 = arith.constant 80 : i32
      %mul3A_24 = arith.muli %add3A_22, %mul3A_23 : i32
      %dma_start3A = tpu.memref_slice %arg11[%mul3A_18] : memref<4000xi32, #tpu.memory_space<vmem>> -> memref<80xi32, #tpu.memory_space<vmem>>
      %dma_start3A_25 = arith.constant 0 : i32
      %dma_start3A_26 = arith.constant 0 : i32
      %dma_start3A_27 = tpu.memref_slice %arg2[%dma_start3A_25, %dma_start3A_26] : memref<10000x64xi32, #tpu.memory_space<hbm>> -> memref<10000x64xi32, #tpu.memory_space<hbm>>
      tpu.enqueue_indirect_dma source(%dma_start3A_27 : memref<10000x64xi32, #tpu.memory_space<hbm>>) target(%arg17 : memref<80x64xi32, #tpu.memory_space<vmem>>) offsets(%dma_start3A : memref<80xi32, #tpu.memory_space<vmem>>) semaphore(%arg21 : memref<!tpu.dma_semaphore, #tpu.memory_space<semaphore_mem>>)
      %dma_start3A_28 = tpu.memref_slice %arg12[%mul3A_18] : memref<4000xi32, #tpu.memory_space<vmem>> -> memref<80xi32, #tpu.memory_space<vmem>>
      %dma_start3A_29 = arith.constant 0 : i32
      %dma_start3A_30 = arith.constant 0 : i32
      %dma_start3A_31 = tpu.memref_slice %arg3[%dma_start3A_29, %dma_start3A_30] : memref<10000x64xi32, #tpu.memory_space<hbm>> -> memref<10000x64xi32, #tpu.memory_space<hbm>>
      tpu.enqueue_indirect_dma source(%dma_start3A_31 : memref<10000x64xi32, #tpu.memory_space<hbm>>) target(%arg18 : memref<80x64xi32, #tpu.memory_space<vmem>>) offsets(%dma_start3A_28 : memref<80xi32, #tpu.memory_space<vmem>>) semaphore(%arg22 : memref<!tpu.dma_semaphore, #tpu.memory_space<semaphore_mem>>)
      %dma_start3A_32 = tpu.memref_slice %arg11[%mul3A_24] : memref<4000xi32, #tpu.memory_space<vmem>> -> memref<80xi32, #tpu.memory_space<vmem>>
      %dma_start3A_33 = arith.constant 0 : i32
      %dma_start3A_34 = arith.constant 0 : i32
      %dma_start3A_35 = tpu.memref_slice %arg2[%dma_start3A_33, %dma_start3A_34] : memref<10000x64xi32, #tpu.memory_space<hbm>> -> memref<10000x64xi32, #tpu.memory_space<hbm>>
      tpu.enqueue_indirect_dma source(%dma_start3A_35 : memref<10000x64xi32, #tpu.memory_space<hbm>>) target(%arg19 : memref<80x64xi32, #tpu.memory_space<vmem>>) offsets(%dma_start3A_32 : memref<80xi32, #tpu.memory_space<vmem>>) semaphore(%arg23 : memref<!tpu.dma_semaphore, #tpu.memory_space<semaphore_mem>>)
      %dma_start3A_36 = tpu.memref_slice %arg12[%mul3A_24] : memref<4000xi32, #tpu.memory_space<vmem>> -> memref<80xi32, #tpu.memory_space<vmem>>
      %dma_start3A_37 = arith.constant 0 : i32
      %dma_start3A_38 = arith.constant 0 : i32
      %dma_start3A_39 = tpu.memref_slice %arg3[%dma_start3A_37, %dma_start3A_38] : memref<10000x64xi32, #tpu.memory_space<hbm>> -> memref<10000x64xi32, #tpu.memory_space<hbm>>
      tpu.enqueue_indirect_dma source(%dma_start3A_39 : memref<10000x64xi32, #tpu.memory_space<hbm>>) target(%arg20 : memref<80x64xi32, #tpu.memory_space<vmem>>) offsets(%dma_start3A_36 : memref<80xi32, #tpu.memory_space<vmem>>) semaphore(%arg24 : memref<!tpu.dma_semaphore, #tpu.memory_space<semaphore_mem>>)
      %dma_wait3A = tpu.memref_slice %arg11[%mul3A_18] : memref<4000xi32, #tpu.memory_space<vmem>> -> memref<80xi32, #tpu.memory_space<vmem>>
      %dma_wait3A_40 = arith.constant 0 : i32
      %dma_wait3A_41 = arith.constant 0 : i32
      %dma_wait3A_42 = tpu.memref_slice %arg2[%dma_wait3A_40, %dma_wait3A_41] : memref<10000x64xi32, #tpu.memory_space<hbm>> -> memref<10000x64xi32, #tpu.memory_space<hbm>>
      tpu.wait_indirect_dma semaphore(%arg21 : memref<!tpu.dma_semaphore, #tpu.memory_space<semaphore_mem>>) src(%dma_wait3A_42 : memref<10000x64xi32, #tpu.memory_space<hbm>>) dst(%arg17 : memref<80x64xi32, #tpu.memory_space<vmem>>)
      %dma_wait3A_43 = tpu.memref_slice %arg12[%mul3A_18] : memref<4000xi32, #tpu.memory_space<vmem>> -> memref<80xi32, #tpu.memory_space<vmem>>
      %dma_wait3A_44 = arith.constant 0 : i32
      %dma_wait3A_45 = arith.constant 0 : i32
      %dma_wait3A_46 = tpu.memref_slice %arg3[%dma_wait3A_44, %dma_wait3A_45] : memref<10000x64xi32, #tpu.memory_space<hbm>> -> memref<10000x64xi32, #tpu.memory_space<hbm>>
      tpu.wait_indirect_dma semaphore(%arg22 : memref<!tpu.dma_semaphore, #tpu.memory_space<semaphore_mem>>) src(%dma_wait3A_46 : memref<10000x64xi32, #tpu.memory_space<hbm>>) dst(%arg18 : memref<80x64xi32, #tpu.memory_space<vmem>>)
      %add3A_47 = arith.addi %mul3A_2, %mul3A_18 : i32
      "tpu.region"() ({
        %run_scoped3A_59 = tpu.sem_alloc : memref<!tpu.dma_semaphore, #tpu.memory_space<semaphore_mem>>
        %dma_start3A_60 = arith.constant 0 : i32
        %dma_start3A_61 = tpu.memref_slice %arg9[%add3A_47, %dma_start3A_60] : memref<128000x128xi32, #tpu.memory_space<hbm>> -> memref<80x64xi32, #tpu.memory_space<hbm>>
        %dma_start3A_62 = arith.constant 0 : i32
        %dma_start3A_63 = tpu.memref_slice %arg9[%add3A_47, %dma_start3A_62] : memref<128000x128xi32, #tpu.memory_space<hbm>> -> memref<80x64xi32, #tpu.memory_space<hbm>>
        tpu.enqueue_dma source(%arg17 : memref<80x64xi32, #tpu.memory_space<vmem>>) target(%dma_start3A_63 : memref<80x64xi32, #tpu.memory_space<hbm>>) target_semaphore(%run_scoped3A_59 : memref<!tpu.dma_semaphore, #tpu.memory_space<semaphore_mem>>)
        %dma_wait3A_64 = arith.constant 0 : i32
        %dma_wait3A_65 = tpu.memref_slice %arg9[%add3A_47, %dma_wait3A_64] : memref<128000x128xi32, #tpu.memory_space<hbm>> -> memref<80x64xi32, #tpu.memory_space<hbm>>
        %dma_wait3A_66 = arith.constant 0 : i32
        %dma_wait3A_67 = tpu.memref_slice %arg9[%add3A_47, %dma_wait3A_66] : memref<128000x128xi32, #tpu.memory_space<hbm>> -> memref<80x64xi32, #tpu.memory_space<hbm>>
        tpu.wait_dma2 semaphore(%run_scoped3A_59 : memref<!tpu.dma_semaphore, #tpu.memory_space<semaphore_mem>>) src(%arg17 : memref<80x64xi32, #tpu.memory_space<vmem>>) dst(%dma_wait3A_67 : memref<80x64xi32, #tpu.memory_space<hbm>>)
        tpu.yield
      }) : () -> ()
      %add3A_48 = arith.addi %mul3A_2, %mul3A_18 : i32
      "tpu.region"() ({
        %run_scoped3A_59 = tpu.sem_alloc : memref<!tpu.dma_semaphore, #tpu.memory_space<semaphore_mem>>
        %dma_start3A_60 = arith.constant 64 : i32
        %dma_start3A_61 = tpu.memref_slice %arg9[%add3A_48, %dma_start3A_60] : memref<128000x128xi32, #tpu.memory_space<hbm>> -> memref<80x64xi32, #tpu.memory_space<hbm>>
        %dma_start3A_62 = arith.constant 64 : i32
        %dma_start3A_63 = tpu.memref_slice %arg9[%add3A_48, %dma_start3A_62] : memref<128000x128xi32, #tpu.memory_space<hbm>> -> memref<80x64xi32, #tpu.memory_space<hbm>>
        tpu.enqueue_dma source(%arg18 : memref<80x64xi32, #tpu.memory_space<vmem>>) target(%dma_start3A_63 : memref<80x64xi32, #tpu.memory_space<hbm>>) target_semaphore(%run_scoped3A_59 : memref<!tpu.dma_semaphore, #tpu.memory_space<semaphore_mem>>)
        %dma_wait3A_64 = arith.constant 64 : i32
        %dma_wait3A_65 = tpu.memref_slice %arg9[%add3A_48, %dma_wait3A_64] : memref<128000x128xi32, #tpu.memory_space<hbm>> -> memref<80x64xi32, #tpu.memory_space<hbm>>
        %dma_wait3A_66 = arith.constant 64 : i32
        %dma_wait3A_67 = tpu.memref_slice %arg9[%add3A_48, %dma_wait3A_66] : memref<128000x128xi32, #tpu.memory_space<hbm>> -> memref<80x64xi32, #tpu.memory_space<hbm>>
        tpu.wait_dma2 semaphore(%run_scoped3A_59 : memref<!tpu.dma_semaphore, #tpu.memory_space<semaphore_mem>>) src(%arg18 : memref<80x64xi32, #tpu.memory_space<vmem>>) dst(%dma_wait3A_67 : memref<80x64xi32, #tpu.memory_space<hbm>>)
        tpu.yield
      }) : () -> ()
      %dma_wait3A_49 = tpu.memref_slice %arg11[%mul3A_24] : memref<4000xi32, #tpu.memory_space<vmem>> -> memref<80xi32, #tpu.memory_space<vmem>>
      %dma_wait3A_50 = arith.constant 0 : i32
      %dma_wait3A_51 = arith.constant 0 : i32
      %dma_wait3A_52 = tpu.memref_slice %arg2[%dma_wait3A_50, %dma_wait3A_51] : memref<10000x64xi32, #tpu.memory_space<hbm>> -> memref<10000x64xi32, #tpu.memory_space<hbm>>
      tpu.wait_indirect_dma semaphore(%arg23 : memref<!tpu.dma_semaphore, #tpu.memory_space<semaphore_mem>>) src(%dma_wait3A_52 : memref<10000x64xi32, #tpu.memory_space<hbm>>) dst(%arg19 : memref<80x64xi32, #tpu.memory_space<vmem>>)
      %dma_wait3A_53 = tpu.memref_slice %arg12[%mul3A_24] : memref<4000xi32, #tpu.memory_space<vmem>> -> memref<80xi32, #tpu.memory_space<vmem>>
      %dma_wait3A_54 = arith.constant 0 : i32
      %dma_wait3A_55 = arith.constant 0 : i32
      %dma_wait3A_56 = tpu.memref_slice %arg3[%dma_wait3A_54, %dma_wait3A_55] : memref<10000x64xi32, #tpu.memory_space<hbm>> -> memref<10000x64xi32, #tpu.memory_space<hbm>>
      tpu.wait_indirect_dma semaphore(%arg24 : memref<!tpu.dma_semaphore, #tpu.memory_space<semaphore_mem>>) src(%dma_wait3A_56 : memref<10000x64xi32, #tpu.memory_space<hbm>>) dst(%arg20 : memref<80x64xi32, #tpu.memory_space<vmem>>)
      %add3A_57 = arith.addi %mul3A_2, %mul3A_24 : i32
      "tpu.region"() ({
        %run_scoped3A_59 = tpu.sem_alloc : memref<!tpu.dma_semaphore, #tpu.memory_space<semaphore_mem>>
        %dma_start3A_60 = arith.constant 0 : i32
        %dma_start3A_61 = tpu.memref_slice %arg9[%add3A_57, %dma_start3A_60] : memref<128000x128xi32, #tpu.memory_space<hbm>> -> memref<80x64xi32, #tpu.memory_space<hbm>>
        %dma_start3A_62 = arith.constant 0 : i32
        %dma_start3A_63 = tpu.memref_slice %arg9[%add3A_57, %dma_start3A_62] : memref<128000x128xi32, #tpu.memory_space<hbm>> -> memref<80x64xi32, #tpu.memory_space<hbm>>
        tpu.enqueue_dma source(%arg19 : memref<80x64xi32, #tpu.memory_space<vmem>>) target(%dma_start3A_63 : memref<80x64xi32, #tpu.memory_space<hbm>>) target_semaphore(%run_scoped3A_59 : memref<!tpu.dma_semaphore, #tpu.memory_space<semaphore_mem>>)
        %dma_wait3A_64 = arith.constant 0 : i32
        %dma_wait3A_65 = tpu.memref_slice %arg9[%add3A_57, %dma_wait3A_64] : memref<128000x128xi32, #tpu.memory_space<hbm>> -> memref<80x64xi32, #tpu.memory_space<hbm>>
        %dma_wait3A_66 = arith.constant 0 : i32
        %dma_wait3A_67 = tpu.memref_slice %arg9[%add3A_57, %dma_wait3A_66] : memref<128000x128xi32, #tpu.memory_space<hbm>> -> memref<80x64xi32, #tpu.memory_space<hbm>>
        tpu.wait_dma2 semaphore(%run_scoped3A_59 : memref<!tpu.dma_semaphore, #tpu.memory_space<semaphore_mem>>) src(%arg19 : memref<80x64xi32, #tpu.memory_space<vmem>>) dst(%dma_wait3A_67 : memref<80x64xi32, #tpu.memory_space<hbm>>)
        tpu.yield
      }) : () -> ()
      %add3A_58 = arith.addi %mul3A_2, %mul3A_24 : i32
      "tpu.region"() ({
        %run_scoped3A_59 = tpu.sem_alloc : memref<!tpu.dma_semaphore, #tpu.memory_space<semaphore_mem>>
        %dma_start3A_60 = arith.constant 64 : i32
        %dma_start3A_61 = tpu.memref_slice %arg9[%add3A_58, %dma_start3A_60] : memref<128000x128xi32, #tpu.memory_space<hbm>> -> memref<80x64xi32, #tpu.memory_space<hbm>>
        %dma_start3A_62 = arith.constant 64 : i32
        %dma_start3A_63 = tpu.memref_slice %arg9[%add3A_58, %dma_start3A_62] : memref<128000x128xi32, #tpu.memory_space<hbm>> -> memref<80x64xi32, #tpu.memory_space<hbm>>
        tpu.enqueue_dma source(%arg20 : memref<80x64xi32, #tpu.memory_space<vmem>>) target(%dma_start3A_63 : memref<80x64xi32, #tpu.memory_space<hbm>>) target_semaphore(%run_scoped3A_59 : memref<!tpu.dma_semaphore, #tpu.memory_space<semaphore_mem>>)
        %dma_wait3A_64 = arith.constant 64 : i32
        %dma_wait3A_65 = tpu.memref_slice %arg9[%add3A_58, %dma_wait3A_64] : memref<128000x128xi32, #tpu.memory_space<hbm>> -> memref<80x64xi32, #tpu.memory_space<hbm>>
        %dma_wait3A_66 = arith.constant 64 : i32
        %dma_wait3A_67 = tpu.memref_slice %arg9[%add3A_58, %dma_wait3A_66] : memref<128000x128xi32, #tpu.memory_space<hbm>> -> memref<80x64xi32, #tpu.memory_space<hbm>>
        tpu.wait_dma2 semaphore(%run_scoped3A_59 : memref<!tpu.dma_semaphore, #tpu.memory_space<semaphore_mem>>) src(%arg20 : memref<80x64xi32, #tpu.memory_space<vmem>>) dst(%dma_wait3A_67 : memref<80x64xi32, #tpu.memory_space<hbm>>)
        tpu.yield
      }) : () -> ()
    }
    %scan3A_13 = arith.constant 25 : i32
    return
  }
}

#map = affine_map<(d0, d1) -> (0, 0)>
#map1 = affine_map<(d0, d1) -> (0, 0, 0)>
module attributes {stable_mosaic.version = 14 : i64} {
  func.func @k(%arg0: i32, %arg1: i32, %arg2: memref<128000x128xf32, #tpu.memory_space<hbm>>, %arg3: memref<32x100x40xi32, #tpu.memory_space<hbm>>, %arg4: memref<2x10000x128xf32, #tpu.memory_space<hbm>>, %arg5: memref<100x40xi32, #tpu.memory_space<vmem>>, %arg6: memref<40x128xf32, #tpu.memory_space<vmem>>, %arg7: memref<40x128xf32, #tpu.memory_space<vmem>>, %arg8: memref<200x128xf32, #tpu.memory_space<vmem>>, %arg9: memref<10000x128xf32, #tpu.memory_space<vmem_shared>>, %arg10: memref<!tpu.dma_semaphore, #tpu.memory_space<semaphore_mem>>, %arg11: memref<!tpu.dma_semaphore, #tpu.memory_space<semaphore_mem>>) attributes {dimension_semantics = [#tpu.dimension_semantics<core_parallel>, #tpu.dimension_semantics<subcore_parallel>], iteration_bounds = array<i64: 2, 16>, scalar_prefetch = 0 : i64, scratch_operands = 7 : i64, tpu.core_type = #tpu.core_type<sc_vector_subcore>, window_params = [{transform_indices = #map}, {transform_indices = #map1}, {transform_indices = #map1}]} {
    %mul3A = arith.constant 2 : i32
    %mul3A_0 = arith.muli %arg1, %mul3A : i32
    %add3A = arith.addi %mul3A_0, %arg0 : i32
    %mul3A_1 = arith.constant 4000 : i32
    %mul3A_2 = arith.muli %add3A, %mul3A_1 : i32
    %broadcast_in_dim3A = arith.constant 0.000000e+00 : f32
    %broadcast_in_dim3A_3 = vector.broadcast %broadcast_in_dim3A : f32 to vector<16xf32>
    %scan3A = arith.constant 0 : i32
    %scan3A_4 = arith.constant 0 : i32
    %scan3A_5 = arith.constant 200 : i32
    %scan3A_6 = arith.addi %scan3A_4, %scan3A_5 : i32
    %scan3A_7 = arith.constant 1 : i32
    scf.for %scan3A_69 = %scan3A_4 to %scan3A_6 step %scan3A_7  : i32 {
      %swap3A = arith.index_cast %scan3A_69 : i32 to index
      %swap3A_70 = arith.constant 0 : index
      %swap3A_71 = tpu.vector_load %arg8[%swap3A, %swap3A_70] {strides = array<i32>} : memref<200x128xf32, #tpu.memory_space<vmem>>, vector<1x16xf32>,
      %swap3A_72 = vector.shape_cast %swap3A_71 : vector<1x16xf32> to vector<16xf32>
      %swap3A_73 = vector.shape_cast %broadcast_in_dim3A_3 : vector<16xf32> to vector<1x16xf32>
      tpu.vector_store %arg8[%swap3A, %swap3A_70], %swap3A_73 {strides = array<i32>} : memref<200x128xf32, #tpu.memory_space<vmem>>, vector<1x16xf32>,
      %swap3A_74 = arith.index_cast %scan3A_69 : i32 to index
      %swap3A_75 = arith.constant 16 : index
      %swap3A_76 = tpu.vector_load %arg8[%swap3A_74, %swap3A_75] {strides = array<i32>} : memref<200x128xf32, #tpu.memory_space<vmem>>, vector<1x16xf32>,
      %swap3A_77 = vector.shape_cast %swap3A_76 : vector<1x16xf32> to vector<16xf32>
      %swap3A_78 = vector.shape_cast %broadcast_in_dim3A_3 : vector<16xf32> to vector<1x16xf32>
      tpu.vector_store %arg8[%swap3A_74, %swap3A_75], %swap3A_78 {strides = array<i32>} : memref<200x128xf32, #tpu.memory_space<vmem>>, vector<1x16xf32>,
      %swap3A_79 = arith.index_cast %scan3A_69 : i32 to index
      %swap3A_80 = arith.constant 32 : index
      %swap3A_81 = tpu.vector_load %arg8[%swap3A_79, %swap3A_80] {strides = array<i32>} : memref<200x128xf32, #tpu.memory_space<vmem>>, vector<1x16xf32>,
      %swap3A_82 = vector.shape_cast %swap3A_81 : vector<1x16xf32> to vector<16xf32>
      %swap3A_83 = vector.shape_cast %broadcast_in_dim3A_3 : vector<16xf32> to vector<1x16xf32>
      tpu.vector_store %arg8[%swap3A_79, %swap3A_80], %swap3A_83 {strides = array<i32>} : memref<200x128xf32, #tpu.memory_space<vmem>>, vector<1x16xf32>,
      %swap3A_84 = arith.index_cast %scan3A_69 : i32 to index
      %swap3A_85 = arith.constant 48 : index
      %swap3A_86 = tpu.vector_load %arg8[%swap3A_84, %swap3A_85] {strides = array<i32>} : memref<200x128xf32, #tpu.memory_space<vmem>>, vector<1x16xf32>,
      %swap3A_87 = vector.shape_cast %swap3A_86 : vector<1x16xf32> to vector<16xf32>
      %swap3A_88 = vector.shape_cast %broadcast_in_dim3A_3 : vector<16xf32> to vector<1x16xf32>
      tpu.vector_store %arg8[%swap3A_84, %swap3A_85], %swap3A_88 {strides = array<i32>} : memref<200x128xf32, #tpu.memory_space<vmem>>, vector<1x16xf32>,
      %swap3A_89 = arith.index_cast %scan3A_69 : i32 to index
      %swap3A_90 = arith.constant 64 : index
      %swap3A_91 = tpu.vector_load %arg8[%swap3A_89, %swap3A_90] {strides = array<i32>} : memref<200x128xf32, #tpu.memory_space<vmem>>, vector<1x16xf32>,
      %swap3A_92 = vector.shape_cast %swap3A_91 : vector<1x16xf32> to vector<16xf32>
      %swap3A_93 = vector.shape_cast %broadcast_in_dim3A_3 : vector<16xf32> to vector<1x16xf32>
      tpu.vector_store %arg8[%swap3A_89, %swap3A_90], %swap3A_93 {strides = array<i32>} : memref<200x128xf32, #tpu.memory_space<vmem>>, vector<1x16xf32>,
      %swap3A_94 = arith.index_cast %scan3A_69 : i32 to index
      %swap3A_95 = arith.constant 80 : index
      %swap3A_96 = tpu.vector_load %arg8[%swap3A_94, %swap3A_95] {strides = array<i32>} : memref<200x128xf32, #tpu.memory_space<vmem>>, vector<1x16xf32>,
      %swap3A_97 = vector.shape_cast %swap3A_96 : vector<1x16xf32> to vector<16xf32>
      %swap3A_98 = vector.shape_cast %broadcast_in_dim3A_3 : vector<16xf32> to vector<1x16xf32>
      tpu.vector_store %arg8[%swap3A_94, %swap3A_95], %swap3A_98 {strides = array<i32>} : memref<200x128xf32, #tpu.memory_space<vmem>>, vector<1x16xf32>,
      %swap3A_99 = arith.index_cast %scan3A_69 : i32 to index
      %swap3A_100 = arith.constant 96 : index
      %swap3A_101 = tpu.vector_load %arg8[%swap3A_99, %swap3A_100] {strides = array<i32>} : memref<200x128xf32, #tpu.memory_space<vmem>>, vector<1x16xf32>,
      %swap3A_102 = vector.shape_cast %swap3A_101 : vector<1x16xf32> to vector<16xf32>
      %swap3A_103 = vector.shape_cast %broadcast_in_dim3A_3 : vector<16xf32> to vector<1x16xf32>
      tpu.vector_store %arg8[%swap3A_99, %swap3A_100], %swap3A_103 {strides = array<i32>} : memref<200x128xf32, #tpu.memory_space<vmem>>, vector<1x16xf32>,
      %swap3A_104 = arith.index_cast %scan3A_69 : i32 to index
      %swap3A_105 = arith.constant 112 : index
      %swap3A_106 = tpu.vector_load %arg8[%swap3A_104, %swap3A_105] {strides = array<i32>} : memref<200x128xf32, #tpu.memory_space<vmem>>, vector<1x16xf32>,
      %swap3A_107 = vector.shape_cast %swap3A_106 : vector<1x16xf32> to vector<16xf32>
      %swap3A_108 = vector.shape_cast %broadcast_in_dim3A_3 : vector<16xf32> to vector<1x16xf32>
      tpu.vector_store %arg8[%swap3A_104, %swap3A_105], %swap3A_108 {strides = array<i32>} : memref<200x128xf32, #tpu.memory_space<vmem>>, vector<1x16xf32>,
    }
    %scan3A_8 = arith.constant 200 : i32
    %add3A_9 = arith.constant 0 : i32
    %add3A_10 = arith.addi %arg1, %add3A_9 : i32
    %lt3A = arith.constant 50 : i32
    %lt3A_11 = arith.cmpi slt, %add3A_10, %lt3A : i32
    %convert_element_type3A = arith.extui %lt3A_11 : i1 to i32
    %cond3A = arith.constant 0 : i32
    %cond3A_12 = arith.cmpi ne, %convert_element_type3A, %cond3A : i32
    scf.if %cond3A_12 {
      %mul3A_69 = arith.constant 200 : i32
      %mul3A_70 = arith.muli %add3A_10, %mul3A_69 : i32
      "tpu.region"() ({
        %run_scoped3A = tpu.sem_alloc : memref<!tpu.dma_semaphore, #tpu.memory_space<semaphore_mem>>
        %dma_start3A = arith.constant 0 : i32
        %dma_start3A_71 = tpu.memref_slice %arg9[%mul3A_70, %dma_start3A] : memref<10000x128xf32, #tpu.memory_space<vmem_shared>> -> memref<200x128xf32, #tpu.memory_space<vmem_shared>>
        %dma_start3A_72 = arith.constant 0 : i32
        %dma_start3A_73 = tpu.memref_slice %arg9[%mul3A_70, %dma_start3A_72] : memref<10000x128xf32, #tpu.memory_space<vmem_shared>> -> memref<200x128xf32, #tpu.memory_space<vmem_shared>>
        tpu.enqueue_dma source(%arg8 : memref<200x128xf32, #tpu.memory_space<vmem>>) target(%dma_start3A_73 : memref<200x128xf32, #tpu.memory_space<vmem_shared>>) target_semaphore(%run_scoped3A : memref<!tpu.dma_semaphore, #tpu.memory_space<semaphore_mem>>)
        %dma_wait3A = arith.constant 0 : i32
        %dma_wait3A_74 = tpu.memref_slice %arg9[%mul3A_70, %dma_wait3A] : memref<10000x128xf32, #tpu.memory_space<vmem_shared>> -> memref<200x128xf32, #tpu.memory_space<vmem_shared>>
        %dma_wait3A_75 = arith.constant 0 : i32
        %dma_wait3A_76 = tpu.memref_slice %arg9[%mul3A_70, %dma_wait3A_75] : memref<10000x128xf32, #tpu.memory_space<vmem_shared>> -> memref<200x128xf32, #tpu.memory_space<vmem_shared>>
        tpu.wait_dma2 semaphore(%run_scoped3A : memref<!tpu.dma_semaphore, #tpu.memory_space<semaphore_mem>>) src(%arg8 : memref<200x128xf32, #tpu.memory_space<vmem>>) dst(%dma_wait3A_76 : memref<200x128xf32, #tpu.memory_space<vmem_shared>>)
        tpu.yield
      }) : () -> ()
    } else {
    }
    %add3A_13 = arith.constant 16 : i32
    %add3A_14 = arith.addi %arg1, %add3A_13 : i32
    %lt3A_15 = arith.constant 50 : i32
    %lt3A_16 = arith.cmpi slt, %add3A_14, %lt3A_15 : i32
    %convert_element_type3A_17 = arith.extui %lt3A_16 : i1 to i32
    %cond3A_18 = arith.constant 0 : i32
    %cond3A_19 = arith.cmpi ne, %convert_element_type3A_17, %cond3A_18 : i32
    scf.if %cond3A_19 {
      %mul3A_69 = arith.constant 200 : i32
      %mul3A_70 = arith.muli %add3A_14, %mul3A_69 : i32
      "tpu.region"() ({
        %run_scoped3A = tpu.sem_alloc : memref<!tpu.dma_semaphore, #tpu.memory_space<semaphore_mem>>
        %dma_start3A = arith.constant 0 : i32
        %dma_start3A_71 = tpu.memref_slice %arg9[%mul3A_70, %dma_start3A] : memref<10000x128xf32, #tpu.memory_space<vmem_shared>> -> memref<200x128xf32, #tpu.memory_space<vmem_shared>>
        %dma_start3A_72 = arith.constant 0 : i32
        %dma_start3A_73 = tpu.memref_slice %arg9[%mul3A_70, %dma_start3A_72] : memref<10000x128xf32, #tpu.memory_space<vmem_shared>> -> memref<200x128xf32, #tpu.memory_space<vmem_shared>>
        tpu.enqueue_dma source(%arg8 : memref<200x128xf32, #tpu.memory_space<vmem>>) target(%dma_start3A_73 : memref<200x128xf32, #tpu.memory_space<vmem_shared>>) target_semaphore(%run_scoped3A : memref<!tpu.dma_semaphore, #tpu.memory_space<semaphore_mem>>)
        %dma_wait3A = arith.constant 0 : i32
        %dma_wait3A_74 = tpu.memref_slice %arg9[%mul3A_70, %dma_wait3A] : memref<10000x128xf32, #tpu.memory_space<vmem_shared>> -> memref<200x128xf32, #tpu.memory_space<vmem_shared>>
        %dma_wait3A_75 = arith.constant 0 : i32
        %dma_wait3A_76 = tpu.memref_slice %arg9[%mul3A_70, %dma_wait3A_75] : memref<10000x128xf32, #tpu.memory_space<vmem_shared>> -> memref<200x128xf32, #tpu.memory_space<vmem_shared>>
        tpu.wait_dma2 semaphore(%run_scoped3A : memref<!tpu.dma_semaphore, #tpu.memory_space<semaphore_mem>>) src(%arg8 : memref<200x128xf32, #tpu.memory_space<vmem>>) dst(%dma_wait3A_76 : memref<200x128xf32, #tpu.memory_space<vmem_shared>>)
        tpu.yield
      }) : () -> ()
    } else {
    }
    %add3A_20 = arith.constant 32 : i32
    %add3A_21 = arith.addi %arg1, %add3A_20 : i32
    %lt3A_22 = arith.constant 50 : i32
    %lt3A_23 = arith.cmpi slt, %add3A_21, %lt3A_22 : i32
    %convert_element_type3A_24 = arith.extui %lt3A_23 : i1 to i32
    %cond3A_25 = arith.constant 0 : i32
    %cond3A_26 = arith.cmpi ne, %convert_element_type3A_24, %cond3A_25 : i32
    scf.if %cond3A_26 {
      %mul3A_69 = arith.constant 200 : i32
      %mul3A_70 = arith.muli %add3A_21, %mul3A_69 : i32
      "tpu.region"() ({
        %run_scoped3A = tpu.sem_alloc : memref<!tpu.dma_semaphore, #tpu.memory_space<semaphore_mem>>
        %dma_start3A = arith.constant 0 : i32
        %dma_start3A_71 = tpu.memref_slice %arg9[%mul3A_70, %dma_start3A] : memref<10000x128xf32, #tpu.memory_space<vmem_shared>> -> memref<200x128xf32, #tpu.memory_space<vmem_shared>>
        %dma_start3A_72 = arith.constant 0 : i32
        %dma_start3A_73 = tpu.memref_slice %arg9[%mul3A_70, %dma_start3A_72] : memref<10000x128xf32, #tpu.memory_space<vmem_shared>> -> memref<200x128xf32, #tpu.memory_space<vmem_shared>>
        tpu.enqueue_dma source(%arg8 : memref<200x128xf32, #tpu.memory_space<vmem>>) target(%dma_start3A_73 : memref<200x128xf32, #tpu.memory_space<vmem_shared>>) target_semaphore(%run_scoped3A : memref<!tpu.dma_semaphore, #tpu.memory_space<semaphore_mem>>)
        %dma_wait3A = arith.constant 0 : i32
        %dma_wait3A_74 = tpu.memref_slice %arg9[%mul3A_70, %dma_wait3A] : memref<10000x128xf32, #tpu.memory_space<vmem_shared>> -> memref<200x128xf32, #tpu.memory_space<vmem_shared>>
        %dma_wait3A_75 = arith.constant 0 : i32
        %dma_wait3A_76 = tpu.memref_slice %arg9[%mul3A_70, %dma_wait3A_75] : memref<10000x128xf32, #tpu.memory_space<vmem_shared>> -> memref<200x128xf32, #tpu.memory_space<vmem_shared>>
        tpu.wait_dma2 semaphore(%run_scoped3A : memref<!tpu.dma_semaphore, #tpu.memory_space<semaphore_mem>>) src(%arg8 : memref<200x128xf32, #tpu.memory_space<vmem>>) dst(%dma_wait3A_76 : memref<200x128xf32, #tpu.memory_space<vmem_shared>>)
        tpu.yield
      }) : () -> ()
    } else {
    }
    %add3A_27 = arith.constant 48 : i32
    %add3A_28 = arith.addi %arg1, %add3A_27 : i32
    %lt3A_29 = arith.constant 50 : i32
    %lt3A_30 = arith.cmpi slt, %add3A_28, %lt3A_29 : i32
    %convert_element_type3A_31 = arith.extui %lt3A_30 : i1 to i32
    %cond3A_32 = arith.constant 0 : i32
    %cond3A_33 = arith.cmpi ne, %convert_element_type3A_31, %cond3A_32 : i32
    scf.if %cond3A_33 {
      %mul3A_69 = arith.constant 200 : i32
      %mul3A_70 = arith.muli %add3A_28, %mul3A_69 : i32
      "tpu.region"() ({
        %run_scoped3A = tpu.sem_alloc : memref<!tpu.dma_semaphore, #tpu.memory_space<semaphore_mem>>
        %dma_start3A = arith.constant 0 : i32
        %dma_start3A_71 = tpu.memref_slice %arg9[%mul3A_70, %dma_start3A] : memref<10000x128xf32, #tpu.memory_space<vmem_shared>> -> memref<200x128xf32, #tpu.memory_space<vmem_shared>>
        %dma_start3A_72 = arith.constant 0 : i32
        %dma_start3A_73 = tpu.memref_slice %arg9[%mul3A_70, %dma_start3A_72] : memref<10000x128xf32, #tpu.memory_space<vmem_shared>> -> memref<200x128xf32, #tpu.memory_space<vmem_shared>>
        tpu.enqueue_dma source(%arg8 : memref<200x128xf32, #tpu.memory_space<vmem>>) target(%dma_start3A_73 : memref<200x128xf32, #tpu.memory_space<vmem_shared>>) target_semaphore(%run_scoped3A : memref<!tpu.dma_semaphore, #tpu.memory_space<semaphore_mem>>)
        %dma_wait3A = arith.constant 0 : i32
        %dma_wait3A_74 = tpu.memref_slice %arg9[%mul3A_70, %dma_wait3A] : memref<10000x128xf32, #tpu.memory_space<vmem_shared>> -> memref<200x128xf32, #tpu.memory_space<vmem_shared>>
        %dma_wait3A_75 = arith.constant 0 : i32
        %dma_wait3A_76 = tpu.memref_slice %arg9[%mul3A_70, %dma_wait3A_75] : memref<10000x128xf32, #tpu.memory_space<vmem_shared>> -> memref<200x128xf32, #tpu.memory_space<vmem_shared>>
        tpu.wait_dma2 semaphore(%run_scoped3A : memref<!tpu.dma_semaphore, #tpu.memory_space<semaphore_mem>>) src(%arg8 : memref<200x128xf32, #tpu.memory_space<vmem>>) dst(%dma_wait3A_76 : memref<200x128xf32, #tpu.memory_space<vmem_shared>>)
        tpu.yield
      }) : () -> ()
    } else {
    }
    %barrier3A = arith.constant 0 : index
    tpu.barrier barrier_id(%barrier3A)
    "tpu.region"() ({
      %run_scoped3A = tpu.sem_alloc : memref<!tpu.dma_semaphore, #tpu.memory_space<semaphore_mem>>
      %dma_start3A = arith.constant 0 : i32
      %dma_start3A_69 = arith.constant 0 : i32
      %dma_start3A_70 = tpu.memref_slice %arg3[%add3A, %dma_start3A, %dma_start3A_69] : memref<32x100x40xi32, #tpu.memory_space<hbm>> -> memref<1x100x40xi32, #tpu.memory_space<hbm>>
      %dma_start3A_71 = tpu.memref_squeeze %dma_start3A_70 : memref<1x100x40xi32, #tpu.memory_space<hbm>> -> memref<100x40xi32, #tpu.memory_space<hbm>>
      %dma_start3A_72 = arith.constant 0 : i32
      %dma_start3A_73 = arith.constant 0 : i32
      %dma_start3A_74 = tpu.memref_slice %arg3[%add3A, %dma_start3A_72, %dma_start3A_73] : memref<32x100x40xi32, #tpu.memory_space<hbm>> -> memref<1x100x40xi32, #tpu.memory_space<hbm>>
      %dma_start3A_75 = tpu.memref_squeeze %dma_start3A_74 : memref<1x100x40xi32, #tpu.memory_space<hbm>> -> memref<100x40xi32, #tpu.memory_space<hbm>>
      tpu.enqueue_dma source(%dma_start3A_75 : memref<100x40xi32, #tpu.memory_space<hbm>>) target(%arg5 : memref<100x40xi32, #tpu.memory_space<vmem>>) target_semaphore(%run_scoped3A : memref<!tpu.dma_semaphore, #tpu.memory_space<semaphore_mem>>)
      %dma_wait3A = arith.constant 0 : i32
      %dma_wait3A_76 = arith.constant 0 : i32
      %dma_wait3A_77 = tpu.memref_slice %arg3[%add3A, %dma_wait3A, %dma_wait3A_76] : memref<32x100x40xi32, #tpu.memory_space<hbm>> -> memref<1x100x40xi32, #tpu.memory_space<hbm>>
      %dma_wait3A_78 = tpu.memref_squeeze %dma_wait3A_77 : memref<1x100x40xi32, #tpu.memory_space<hbm>> -> memref<100x40xi32, #tpu.memory_space<hbm>>
      %dma_wait3A_79 = arith.constant 0 : i32
      %dma_wait3A_80 = arith.constant 0 : i32
      %dma_wait3A_81 = tpu.memref_slice %arg3[%add3A, %dma_wait3A_79, %dma_wait3A_80] : memref<32x100x40xi32, #tpu.memory_space<hbm>> -> memref<1x100x40xi32, #tpu.memory_space<hbm>>
      %dma_wait3A_82 = tpu.memref_squeeze %dma_wait3A_81 : memref<1x100x40xi32, #tpu.memory_space<hbm>> -> memref<100x40xi32, #tpu.memory_space<hbm>>
      tpu.wait_dma2 semaphore(%run_scoped3A : memref<!tpu.dma_semaphore, #tpu.memory_space<semaphore_mem>>) src(%dma_wait3A_82 : memref<100x40xi32, #tpu.memory_space<hbm>>) dst(%arg5 : memref<100x40xi32, #tpu.memory_space<vmem>>)
      tpu.yield
    }) : () -> ()
    %scan3A_34 = arith.constant 0 : i32
    %scan3A_35 = arith.constant 0 : i32
    %scan3A_36 = arith.constant 50 : i32
    %scan3A_37 = arith.addi %scan3A_35, %scan3A_36 : i32
    %scan3A_38 = arith.constant 1 : i32
    scf.for %scan3A_69 = %scan3A_35 to %scan3A_37 step %scan3A_38  : i32 {
      %mul3A_70 = arith.constant 2 : i32
      %mul3A_71 = arith.muli %mul3A_70, %scan3A_69 : i32
      %mul3A_72 = arith.constant 2 : i32
      %mul3A_73 = arith.muli %mul3A_72, %scan3A_69 : i32
      %add3A_74 = arith.constant 1 : i32
      %add3A_75 = arith.addi %mul3A_73, %add3A_74 : i32
      %mul3A_76 = arith.constant 40 : i32
      %mul3A_77 = arith.muli %mul3A_71, %mul3A_76 : i32
      %add3A_78 = arith.addi %mul3A_2, %mul3A_77 : i32
      %dma_start3A = arith.constant 0 : i32
      %dma_start3A_79 = tpu.memref_slice %arg2[%add3A_78, %dma_start3A] : memref<128000x128xf32, #tpu.memory_space<hbm>> -> memref<40x128xf32, #tpu.memory_space<hbm>>
      %dma_start3A_80 = arith.constant 0 : i32
      %dma_start3A_81 = tpu.memref_slice %arg2[%add3A_78, %dma_start3A_80] : memref<128000x128xf32, #tpu.memory_space<hbm>> -> memref<40x128xf32, #tpu.memory_space<hbm>>
      tpu.enqueue_dma source(%dma_start3A_81 : memref<40x128xf32, #tpu.memory_space<hbm>>) target(%arg6 : memref<40x128xf32, #tpu.memory_space<vmem>>) target_semaphore(%arg10 : memref<!tpu.dma_semaphore, #tpu.memory_space<semaphore_mem>>)
      %mul3A_82 = arith.constant 40 : i32
      %mul3A_83 = arith.muli %add3A_75, %mul3A_82 : i32
      %add3A_84 = arith.addi %mul3A_2, %mul3A_83 : i32
      %dma_start3A_85 = arith.constant 0 : i32
      %dma_start3A_86 = tpu.memref_slice %arg2[%add3A_84, %dma_start3A_85] : memref<128000x128xf32, #tpu.memory_space<hbm>> -> memref<40x128xf32, #tpu.memory_space<hbm>>
      %dma_start3A_87 = arith.constant 0 : i32
      %dma_start3A_88 = tpu.memref_slice %arg2[%add3A_84, %dma_start3A_87] : memref<128000x128xf32, #tpu.memory_space<hbm>> -> memref<40x128xf32, #tpu.memory_space<hbm>>
      tpu.enqueue_dma source(%dma_start3A_88 : memref<40x128xf32, #tpu.memory_space<hbm>>) target(%arg7 : memref<40x128xf32, #tpu.memory_space<vmem>>) target_semaphore(%arg11 : memref<!tpu.dma_semaphore, #tpu.memory_space<semaphore_mem>>)
      %dma_wait3A = arith.constant 0 : i32
      %dma_wait3A_89 = tpu.memref_slice %arg2[%add3A_78, %dma_wait3A] : memref<128000x128xf32, #tpu.memory_space<hbm>> -> memref<40x128xf32, #tpu.memory_space<hbm>>
      %dma_wait3A_90 = arith.constant 0 : i32
      %dma_wait3A_91 = tpu.memref_slice %arg2[%add3A_78, %dma_wait3A_90] : memref<128000x128xf32, #tpu.memory_space<hbm>> -> memref<40x128xf32, #tpu.memory_space<hbm>>
      tpu.wait_dma2 semaphore(%arg10 : memref<!tpu.dma_semaphore, #tpu.memory_space<semaphore_mem>>) src(%dma_wait3A_91 : memref<40x128xf32, #tpu.memory_space<hbm>>) dst(%arg6 : memref<40x128xf32, #tpu.memory_space<vmem>>)
      "tpu.region"() ({
        %run_scoped3A = tpu.sem_alloc : memref<!tpu.dma_semaphore, #tpu.memory_space<semaphore_mem>>
        %dma_start3A_96 = arith.constant 0 : i32
        %dma_start3A_97 = tpu.memref_slice %arg5[%mul3A_71, %dma_start3A_96] : memref<100x40xi32, #tpu.memory_space<vmem>> -> memref<1x40xi32, #tpu.memory_space<vmem>>
        %dma_start3A_98 = tpu.memref_squeeze %dma_start3A_97 : memref<1x40xi32, #tpu.memory_space<vmem>> -> memref<40xi32, #tpu.memory_space<vmem>>
        %dma_start3A_99 = arith.constant 0 : i32
        %dma_start3A_100 = arith.constant 0 : i32
        %dma_start3A_101 = tpu.memref_slice %arg9[%dma_start3A_99, %dma_start3A_100] : memref<10000x128xf32, #tpu.memory_space<vmem_shared>> -> memref<10000x128xf32, #tpu.memory_space<vmem_shared>>
        tpu.enqueue_indirect_dma source(%arg6 : memref<40x128xf32, #tpu.memory_space<vmem>>) target(%dma_start3A_101 : memref<10000x128xf32, #tpu.memory_space<vmem_shared>>) offsets(%dma_start3A_98 : memref<40xi32, #tpu.memory_space<vmem>>) semaphore(%run_scoped3A : memref<!tpu.dma_semaphore, #tpu.memory_space<semaphore_mem>>) {add = true}
        %dma_wait3A_102 = arith.constant 0 : i32
        %dma_wait3A_103 = tpu.memref_slice %arg5[%mul3A_71, %dma_wait3A_102] : memref<100x40xi32, #tpu.memory_space<vmem>> -> memref<1x40xi32, #tpu.memory_space<vmem>>
        %dma_wait3A_104 = tpu.memref_squeeze %dma_wait3A_103 : memref<1x40xi32, #tpu.memory_space<vmem>> -> memref<40xi32, #tpu.memory_space<vmem>>
        %dma_wait3A_105 = arith.constant 0 : i32
        %dma_wait3A_106 = arith.constant 0 : i32
        %dma_wait3A_107 = tpu.memref_slice %arg9[%dma_wait3A_105, %dma_wait3A_106] : memref<10000x128xf32, #tpu.memory_space<vmem_shared>> -> memref<10000x128xf32, #tpu.memory_space<vmem_shared>>
        tpu.wait_indirect_dma semaphore(%run_scoped3A : memref<!tpu.dma_semaphore, #tpu.memory_space<semaphore_mem>>) src(%arg6 : memref<40x128xf32, #tpu.memory_space<vmem>>) dst(%dma_wait3A_107 : memref<10000x128xf32, #tpu.memory_space<vmem_shared>>)
        tpu.yield
      }) : () -> ()
      %dma_wait3A_92 = arith.constant 0 : i32
      %dma_wait3A_93 = tpu.memref_slice %arg2[%add3A_84, %dma_wait3A_92] : memref<128000x128xf32, #tpu.memory_space<hbm>> -> memref<40x128xf32, #tpu.memory_space<hbm>>
      %dma_wait3A_94 = arith.constant 0 : i32
      %dma_wait3A_95 = tpu.memref_slice %arg2[%add3A_84, %dma_wait3A_94] : memref<128000x128xf32, #tpu.memory_space<hbm>> -> memref<40x128xf32, #tpu.memory_space<hbm>>
      tpu.wait_dma2 semaphore(%arg11 : memref<!tpu.dma_semaphore, #tpu.memory_space<semaphore_mem>>) src(%dma_wait3A_95 : memref<40x128xf32, #tpu.memory_space<hbm>>) dst(%arg7 : memref<40x128xf32, #tpu.memory_space<vmem>>)
      "tpu.region"() ({
        %run_scoped3A = tpu.sem_alloc : memref<!tpu.dma_semaphore, #tpu.memory_space<semaphore_mem>>
        %dma_start3A_96 = arith.constant 0 : i32
        %dma_start3A_97 = tpu.memref_slice %arg5[%add3A_75, %dma_start3A_96] : memref<100x40xi32, #tpu.memory_space<vmem>> -> memref<1x40xi32, #tpu.memory_space<vmem>>
        %dma_start3A_98 = tpu.memref_squeeze %dma_start3A_97 : memref<1x40xi32, #tpu.memory_space<vmem>> -> memref<40xi32, #tpu.memory_space<vmem>>
        %dma_start3A_99 = arith.constant 0 : i32
        %dma_start3A_100 = arith.constant 0 : i32
        %dma_start3A_101 = tpu.memref_slice %arg9[%dma_start3A_99, %dma_start3A_100] : memref<10000x128xf32, #tpu.memory_space<vmem_shared>> -> memref<10000x128xf32, #tpu.memory_space<vmem_shared>>
        tpu.enqueue_indirect_dma source(%arg7 : memref<40x128xf32, #tpu.memory_space<vmem>>) target(%dma_start3A_101 : memref<10000x128xf32, #tpu.memory_space<vmem_shared>>) offsets(%dma_start3A_98 : memref<40xi32, #tpu.memory_space<vmem>>) semaphore(%run_scoped3A : memref<!tpu.dma_semaphore, #tpu.memory_space<semaphore_mem>>) {add = true}
        %dma_wait3A_102 = arith.constant 0 : i32
        %dma_wait3A_103 = tpu.memref_slice %arg5[%add3A_75, %dma_wait3A_102] : memref<100x40xi32, #tpu.memory_space<vmem>> -> memref<1x40xi32, #tpu.memory_space<vmem>>
        %dma_wait3A_104 = tpu.memref_squeeze %dma_wait3A_103 : memref<1x40xi32, #tpu.memory_space<vmem>> -> memref<40xi32, #tpu.memory_space<vmem>>
        %dma_wait3A_105 = arith.constant 0 : i32
        %dma_wait3A_106 = arith.constant 0 : i32
        %dma_wait3A_107 = tpu.memref_slice %arg9[%dma_wait3A_105, %dma_wait3A_106] : memref<10000x128xf32, #tpu.memory_space<vmem_shared>> -> memref<10000x128xf32, #tpu.memory_space<vmem_shared>>
        tpu.wait_indirect_dma semaphore(%run_scoped3A : memref<!tpu.dma_semaphore, #tpu.memory_space<semaphore_mem>>) src(%arg7 : memref<40x128xf32, #tpu.memory_space<vmem>>) dst(%dma_wait3A_107 : memref<10000x128xf32, #tpu.memory_space<vmem_shared>>)
        tpu.yield
      }) : () -> ()
    }
    %scan3A_39 = arith.constant 50 : i32
    %barrier3A_40 = arith.constant 0 : index
    tpu.barrier barrier_id(%barrier3A_40)
    %add3A_41 = arith.constant 0 : i32
    %add3A_42 = arith.addi %arg1, %add3A_41 : i32
    %lt3A_43 = arith.constant 50 : i32
    %lt3A_44 = arith.cmpi slt, %add3A_42, %lt3A_43 : i32
    %convert_element_type3A_45 = arith.extui %lt3A_44 : i1 to i32
    %cond3A_46 = arith.constant 0 : i32
    %cond3A_47 = arith.cmpi ne, %convert_element_type3A_45, %cond3A_46 : i32
    scf.if %cond3A_47 {
      %mul3A_69 = arith.constant 200 : i32
      %mul3A_70 = arith.muli %add3A_42, %mul3A_69 : i32
      %mul3A_71 = arith.constant 200 : i32
      %mul3A_72 = arith.muli %add3A_42, %mul3A_71 : i32
      "tpu.region"() ({
        %run_scoped3A = tpu.sem_alloc : memref<!tpu.dma_semaphore, #tpu.memory_space<semaphore_mem>>
        %dma_start3A = arith.constant 0 : i32
        %dma_start3A_73 = tpu.memref_slice %arg4[%arg0, %mul3A_72, %dma_start3A] : memref<2x10000x128xf32, #tpu.memory_space<hbm>> -> memref<1x200x128xf32, #tpu.memory_space<hbm>>
        %dma_start3A_74 = tpu.memref_squeeze %dma_start3A_73 : memref<1x200x128xf32, #tpu.memory_space<hbm>> -> memref<200x128xf32, #tpu.memory_space<hbm>>
        %dma_start3A_75 = arith.constant 0 : i32
        %dma_start3A_76 = tpu.memref_slice %arg9[%mul3A_70, %dma_start3A_75] : memref<10000x128xf32, #tpu.memory_space<vmem_shared>> -> memref<200x128xf32, #tpu.memory_space<vmem_shared>>
        tpu.enqueue_dma source(%dma_start3A_76 : memref<200x128xf32, #tpu.memory_space<vmem_shared>>) target(%dma_start3A_74 : memref<200x128xf32, #tpu.memory_space<hbm>>) target_semaphore(%run_scoped3A : memref<!tpu.dma_semaphore, #tpu.memory_space<semaphore_mem>>)
        %dma_wait3A = arith.constant 0 : i32
        %dma_wait3A_77 = tpu.memref_slice %arg4[%arg0, %mul3A_72, %dma_wait3A] : memref<2x10000x128xf32, #tpu.memory_space<hbm>> -> memref<1x200x128xf32, #tpu.memory_space<hbm>>
        %dma_wait3A_78 = tpu.memref_squeeze %dma_wait3A_77 : memref<1x200x128xf32, #tpu.memory_space<hbm>> -> memref<200x128xf32, #tpu.memory_space<hbm>>
        %dma_wait3A_79 = arith.constant 0 : i32
        %dma_wait3A_80 = tpu.memref_slice %arg9[%mul3A_70, %dma_wait3A_79] : memref<10000x128xf32, #tpu.memory_space<vmem_shared>> -> memref<200x128xf32, #tpu.memory_space<vmem_shared>>
        tpu.wait_dma2 semaphore(%run_scoped3A : memref<!tpu.dma_semaphore, #tpu.memory_space<semaphore_mem>>) src(%dma_wait3A_80 : memref<200x128xf32, #tpu.memory_space<vmem_shared>>) dst(%dma_wait3A_78 : memref<200x128xf32, #tpu.memory_space<hbm>>)
        tpu.yield
      }) : () -> ()
    } else {
    }
    %add3A_48 = arith.constant 16 : i32
    %add3A_49 = arith.addi %arg1, %add3A_48 : i32
    %lt3A_50 = arith.constant 50 : i32
    %lt3A_51 = arith.cmpi slt, %add3A_49, %lt3A_50 : i32
    %convert_element_type3A_52 = arith.extui %lt3A_51 : i1 to i32
    %cond3A_53 = arith.constant 0 : i32
    %cond3A_54 = arith.cmpi ne, %convert_element_type3A_52, %cond3A_53 : i32
    scf.if %cond3A_54 {
      %mul3A_69 = arith.constant 200 : i32
      %mul3A_70 = arith.muli %add3A_49, %mul3A_69 : i32
      %mul3A_71 = arith.constant 200 : i32
      %mul3A_72 = arith.muli %add3A_49, %mul3A_71 : i32
      "tpu.region"() ({
        %run_scoped3A = tpu.sem_alloc : memref<!tpu.dma_semaphore, #tpu.memory_space<semaphore_mem>>
        %dma_start3A = arith.constant 0 : i32
        %dma_start3A_73 = tpu.memref_slice %arg4[%arg0, %mul3A_72, %dma_start3A] : memref<2x10000x128xf32, #tpu.memory_space<hbm>> -> memref<1x200x128xf32, #tpu.memory_space<hbm>>
        %dma_start3A_74 = tpu.memref_squeeze %dma_start3A_73 : memref<1x200x128xf32, #tpu.memory_space<hbm>> -> memref<200x128xf32, #tpu.memory_space<hbm>>
        %dma_start3A_75 = arith.constant 0 : i32
        %dma_start3A_76 = tpu.memref_slice %arg9[%mul3A_70, %dma_start3A_75] : memref<10000x128xf32, #tpu.memory_space<vmem_shared>> -> memref<200x128xf32, #tpu.memory_space<vmem_shared>>
        tpu.enqueue_dma source(%dma_start3A_76 : memref<200x128xf32, #tpu.memory_space<vmem_shared>>) target(%dma_start3A_74 : memref<200x128xf32, #tpu.memory_space<hbm>>) target_semaphore(%run_scoped3A : memref<!tpu.dma_semaphore, #tpu.memory_space<semaphore_mem>>)
        %dma_wait3A = arith.constant 0 : i32
        %dma_wait3A_77 = tpu.memref_slice %arg4[%arg0, %mul3A_72, %dma_wait3A] : memref<2x10000x128xf32, #tpu.memory_space<hbm>> -> memref<1x200x128xf32, #tpu.memory_space<hbm>>
        %dma_wait3A_78 = tpu.memref_squeeze %dma_wait3A_77 : memref<1x200x128xf32, #tpu.memory_space<hbm>> -> memref<200x128xf32, #tpu.memory_space<hbm>>
        %dma_wait3A_79 = arith.constant 0 : i32
        %dma_wait3A_80 = tpu.memref_slice %arg9[%mul3A_70, %dma_wait3A_79] : memref<10000x128xf32, #tpu.memory_space<vmem_shared>> -> memref<200x128xf32, #tpu.memory_space<vmem_shared>>
        tpu.wait_dma2 semaphore(%run_scoped3A : memref<!tpu.dma_semaphore, #tpu.memory_space<semaphore_mem>>) src(%dma_wait3A_80 : memref<200x128xf32, #tpu.memory_space<vmem_shared>>) dst(%dma_wait3A_78 : memref<200x128xf32, #tpu.memory_space<hbm>>)
        tpu.yield
      }) : () -> ()
    } else {
    }
    %add3A_55 = arith.constant 32 : i32
    %add3A_56 = arith.addi %arg1, %add3A_55 : i32
    %lt3A_57 = arith.constant 50 : i32
    %lt3A_58 = arith.cmpi slt, %add3A_56, %lt3A_57 : i32
    %convert_element_type3A_59 = arith.extui %lt3A_58 : i1 to i32
    %cond3A_60 = arith.constant 0 : i32
    %cond3A_61 = arith.cmpi ne, %convert_element_type3A_59, %cond3A_60 : i32
    scf.if %cond3A_61 {
      %mul3A_69 = arith.constant 200 : i32
      %mul3A_70 = arith.muli %add3A_56, %mul3A_69 : i32
      %mul3A_71 = arith.constant 200 : i32
      %mul3A_72 = arith.muli %add3A_56, %mul3A_71 : i32
      "tpu.region"() ({
        %run_scoped3A = tpu.sem_alloc : memref<!tpu.dma_semaphore, #tpu.memory_space<semaphore_mem>>
        %dma_start3A = arith.constant 0 : i32
        %dma_start3A_73 = tpu.memref_slice %arg4[%arg0, %mul3A_72, %dma_start3A] : memref<2x10000x128xf32, #tpu.memory_space<hbm>> -> memref<1x200x128xf32, #tpu.memory_space<hbm>>
        %dma_start3A_74 = tpu.memref_squeeze %dma_start3A_73 : memref<1x200x128xf32, #tpu.memory_space<hbm>> -> memref<200x128xf32, #tpu.memory_space<hbm>>
        %dma_start3A_75 = arith.constant 0 : i32
        %dma_start3A_76 = tpu.memref_slice %arg9[%mul3A_70, %dma_start3A_75] : memref<10000x128xf32, #tpu.memory_space<vmem_shared>> -> memref<200x128xf32, #tpu.memory_space<vmem_shared>>
        tpu.enqueue_dma source(%dma_start3A_76 : memref<200x128xf32, #tpu.memory_space<vmem_shared>>) target(%dma_start3A_74 : memref<200x128xf32, #tpu.memory_space<hbm>>) target_semaphore(%run_scoped3A : memref<!tpu.dma_semaphore, #tpu.memory_space<semaphore_mem>>)
        %dma_wait3A = arith.constant 0 : i32
        %dma_wait3A_77 = tpu.memref_slice %arg4[%arg0, %mul3A_72, %dma_wait3A] : memref<2x10000x128xf32, #tpu.memory_space<hbm>> -> memref<1x200x128xf32, #tpu.memory_space<hbm>>
        %dma_wait3A_78 = tpu.memref_squeeze %dma_wait3A_77 : memref<1x200x128xf32, #tpu.memory_space<hbm>> -> memref<200x128xf32, #tpu.memory_space<hbm>>
        %dma_wait3A_79 = arith.constant 0 : i32
        %dma_wait3A_80 = tpu.memref_slice %arg9[%mul3A_70, %dma_wait3A_79] : memref<10000x128xf32, #tpu.memory_space<vmem_shared>> -> memref<200x128xf32, #tpu.memory_space<vmem_shared>>
        tpu.wait_dma2 semaphore(%run_scoped3A : memref<!tpu.dma_semaphore, #tpu.memory_space<semaphore_mem>>) src(%dma_wait3A_80 : memref<200x128xf32, #tpu.memory_space<vmem_shared>>) dst(%dma_wait3A_78 : memref<200x128xf32, #tpu.memory_space<hbm>>)
        tpu.yield
      }) : () -> ()
    } else {
    }
    %add3A_62 = arith.constant 48 : i32
    %add3A_63 = arith.addi %arg1, %add3A_62 : i32
    %lt3A_64 = arith.constant 50 : i32
    %lt3A_65 = arith.cmpi slt, %add3A_63, %lt3A_64 : i32
    %convert_element_type3A_66 = arith.extui %lt3A_65 : i1 to i32
    %cond3A_67 = arith.constant 0 : i32
    %cond3A_68 = arith.cmpi ne, %convert_element_type3A_66, %cond3A_67 : i32
    scf.if %cond3A_68 {
      %mul3A_69 = arith.constant 200 : i32
      %mul3A_70 = arith.muli %add3A_63, %mul3A_69 : i32
      %mul3A_71 = arith.constant 200 : i32
      %mul3A_72 = arith.muli %add3A_63, %mul3A_71 : i32
      "tpu.region"() ({
        %run_scoped3A = tpu.sem_alloc : memref<!tpu.dma_semaphore, #tpu.memory_space<semaphore_mem>>
        %dma_start3A = arith.constant 0 : i32
        %dma_start3A_73 = tpu.memref_slice %arg4[%arg0, %mul3A_72, %dma_start3A] : memref<2x10000x128xf32, #tpu.memory_space<hbm>> -> memref<1x200x128xf32, #tpu.memory_space<hbm>>
        %dma_start3A_74 = tpu.memref_squeeze %dma_start3A_73 : memref<1x200x128xf32, #tpu.memory_space<hbm>> -> memref<200x128xf32, #tpu.memory_space<hbm>>
        %dma_start3A_75 = arith.constant 0 : i32
        %dma_start3A_76 = tpu.memref_slice %arg9[%mul3A_70, %dma_start3A_75] : memref<10000x128xf32, #tpu.memory_space<vmem_shared>> -> memref<200x128xf32, #tpu.memory_space<vmem_shared>>
        tpu.enqueue_dma source(%dma_start3A_76 : memref<200x128xf32, #tpu.memory_space<vmem_shared>>) target(%dma_start3A_74 : memref<200x128xf32, #tpu.memory_space<hbm>>) target_semaphore(%run_scoped3A : memref<!tpu.dma_semaphore, #tpu.memory_space<semaphore_mem>>)
        %dma_wait3A = arith.constant 0 : i32
        %dma_wait3A_77 = tpu.memref_slice %arg4[%arg0, %mul3A_72, %dma_wait3A] : memref<2x10000x128xf32, #tpu.memory_space<hbm>> -> memref<1x200x128xf32, #tpu.memory_space<hbm>>
        %dma_wait3A_78 = tpu.memref_squeeze %dma_wait3A_77 : memref<1x200x128xf32, #tpu.memory_space<hbm>> -> memref<200x128xf32, #tpu.memory_space<hbm>>
        %dma_wait3A_79 = arith.constant 0 : i32
        %dma_wait3A_80 = tpu.memref_slice %arg9[%mul3A_70, %dma_wait3A_79] : memref<10000x128xf32, #tpu.memory_space<vmem_shared>> -> memref<200x128xf32, #tpu.memory_space<vmem_shared>>
        tpu.wait_dma2 semaphore(%run_scoped3A : memref<!tpu.dma_semaphore, #tpu.memory_space<semaphore_mem>>) src(%dma_wait3A_80 : memref<200x128xf32, #tpu.memory_space<vmem_shared>>) dst(%dma_wait3A_78 : memref<200x128xf32, #tpu.memory_space<hbm>>)
        tpu.yield
      }) : () -> ()
    } else {
    }
    return
  }
}

#map = affine_map<(d0, d1) -> (0, 0)>
#map1 = affine_map<(d0, d1) -> (0)>
module attributes {stable_mosaic.version = 14 : i64} {
  func.func @k(%arg0: i32, %arg1: i32, %arg2: memref<10000x64xi32, #tpu.memory_space<hbm>>, %arg3: memref<10000x64xi32, #tpu.memory_space<hbm>>, %arg4: memref<64000xi32, #tpu.memory_space<hbm>>, %arg5: memref<64000xi32, #tpu.memory_space<hbm>>, %arg6: memref<10000xf32, #tpu.memory_space<hbm>>, %arg7: memref<10000xf32, #tpu.memory_space<hbm>>, %arg8: memref<10000xf32, #tpu.memory_space<hbm>>, %arg9: memref<64000x128xi32, #tpu.memory_space<hbm>>, %arg10: memref<1x64000xf32, #tpu.memory_space<hbm>>, %arg11: memref<2000xi32, #tpu.memory_space<vmem>>, %arg12: memref<2000xi32, #tpu.memory_space<vmem>>, %arg13: memref<10000xf32, #tpu.memory_space<vmem>>, %arg14: memref<10000xf32, #tpu.memory_space<vmem>>, %arg15: memref<10000xf32, #tpu.memory_space<vmem>>, %arg16: memref<2000xf32, #tpu.memory_space<vmem>>, %arg17: memref<80x64xi32, #tpu.memory_space<vmem>>, %arg18: memref<80x64xi32, #tpu.memory_space<vmem>>, %arg19: memref<80x64xi32, #tpu.memory_space<vmem>>, %arg20: memref<80x64xi32, #tpu.memory_space<vmem>>, %arg21: memref<!tpu.dma_semaphore, #tpu.memory_space<semaphore_mem>>, %arg22: memref<!tpu.dma_semaphore, #tpu.memory_space<semaphore_mem>>, %arg23: memref<!tpu.dma_semaphore, #tpu.memory_space<semaphore_mem>>, %arg24: memref<!tpu.dma_semaphore, #tpu.memory_space<semaphore_mem>>) attributes {dimension_semantics = [#tpu.dimension_semantics<core_parallel>, #tpu.dimension_semantics<subcore_parallel>], iteration_bounds = array<i64: 2, 16>, scalar_prefetch = 0 : i64, scratch_operands = 14 : i64, tpu.core_type = #tpu.core_type<sc_vector_subcore>, window_params = [{transform_indices = #map}, {transform_indices = #map}, {transform_indices = #map1}, {transform_indices = #map1}, {transform_indices = #map1}, {transform_indices = #map1}, {transform_indices = #map1}, {transform_indices = #map}, {transform_indices = #map}]} {
    %mul3A = arith.constant 2 : i32
    %mul3A_0 = arith.muli %arg1, %mul3A : i32
    %add3A = arith.addi %mul3A_0, %arg0 : i32
    %mul3A_1 = arith.constant 2000 : i32
    %mul3A_2 = arith.muli %add3A, %mul3A_1 : i32
    "tpu.region"() ({
      %run_scoped3A_36 = tpu.sem_alloc : memref<!tpu.dma_semaphore, #tpu.memory_space<semaphore_mem>>
      %dma_start3A_37 = tpu.memref_slice %arg4[%mul3A_2] : memref<64000xi32, #tpu.memory_space<hbm>> -> memref<2000xi32, #tpu.memory_space<hbm>>
      %dma_start3A_38 = tpu.memref_slice %arg4[%mul3A_2] : memref<64000xi32, #tpu.memory_space<hbm>> -> memref<2000xi32, #tpu.memory_space<hbm>>
      tpu.enqueue_dma source(%dma_start3A_38 : memref<2000xi32, #tpu.memory_space<hbm>>) target(%arg11 : memref<2000xi32, #tpu.memory_space<vmem>>) target_semaphore(%run_scoped3A_36 : memref<!tpu.dma_semaphore, #tpu.memory_space<semaphore_mem>>)
      %dma_wait3A_39 = tpu.memref_slice %arg4[%mul3A_2] : memref<64000xi32, #tpu.memory_space<hbm>> -> memref<2000xi32, #tpu.memory_space<hbm>>
      %dma_wait3A_40 = tpu.memref_slice %arg4[%mul3A_2] : memref<64000xi32, #tpu.memory_space<hbm>> -> memref<2000xi32, #tpu.memory_space<hbm>>
      tpu.wait_dma2 semaphore(%run_scoped3A_36 : memref<!tpu.dma_semaphore, #tpu.memory_space<semaphore_mem>>) src(%dma_wait3A_40 : memref<2000xi32, #tpu.memory_space<hbm>>) dst(%arg11 : memref<2000xi32, #tpu.memory_space<vmem>>)
      tpu.yield
    }) : () -> ()
    "tpu.region"() ({
      %run_scoped3A_36 = tpu.sem_alloc : memref<!tpu.dma_semaphore, #tpu.memory_space<semaphore_mem>>
      %dma_start3A_37 = tpu.memref_slice %arg5[%mul3A_2] : memref<64000xi32, #tpu.memory_space<hbm>> -> memref<2000xi32, #tpu.memory_space<hbm>>
      %dma_start3A_38 = tpu.memref_slice %arg5[%mul3A_2] : memref<64000xi32, #tpu.memory_space<hbm>> -> memref<2000xi32, #tpu.memory_space<hbm>>
      tpu.enqueue_dma source(%dma_start3A_38 : memref<2000xi32, #tpu.memory_space<hbm>>) target(%arg12 : memref<2000xi32, #tpu.memory_space<vmem>>) target_semaphore(%run_scoped3A_36 : memref<!tpu.dma_semaphore, #tpu.memory_space<semaphore_mem>>)
      %dma_wait3A_39 = tpu.memref_slice %arg5[%mul3A_2] : memref<64000xi32, #tpu.memory_space<hbm>> -> memref<2000xi32, #tpu.memory_space<hbm>>
      %dma_wait3A_40 = tpu.memref_slice %arg5[%mul3A_2] : memref<64000xi32, #tpu.memory_space<hbm>> -> memref<2000xi32, #tpu.memory_space<hbm>>
      tpu.wait_dma2 semaphore(%run_scoped3A_36 : memref<!tpu.dma_semaphore, #tpu.memory_space<semaphore_mem>>) src(%dma_wait3A_40 : memref<2000xi32, #tpu.memory_space<hbm>>) dst(%arg12 : memref<2000xi32, #tpu.memory_space<vmem>>)
      tpu.yield
    }) : () -> ()
    "tpu.region"() ({
      %run_scoped3A_36 = tpu.sem_alloc : memref<!tpu.dma_semaphore, #tpu.memory_space<semaphore_mem>>
      tpu.enqueue_dma source(%arg6 : memref<10000xf32, #tpu.memory_space<hbm>>) target(%arg13 : memref<10000xf32, #tpu.memory_space<vmem>>) target_semaphore(%run_scoped3A_36 : memref<!tpu.dma_semaphore, #tpu.memory_space<semaphore_mem>>)
      tpu.wait_dma2 semaphore(%run_scoped3A_36 : memref<!tpu.dma_semaphore, #tpu.memory_space<semaphore_mem>>) src(%arg6 : memref<10000xf32, #tpu.memory_space<hbm>>) dst(%arg13 : memref<10000xf32, #tpu.memory_space<vmem>>)
      tpu.yield
    }) : () -> ()
    "tpu.region"() ({
      %run_scoped3A_36 = tpu.sem_alloc : memref<!tpu.dma_semaphore, #tpu.memory_space<semaphore_mem>>
      tpu.enqueue_dma source(%arg7 : memref<10000xf32, #tpu.memory_space<hbm>>) target(%arg14 : memref<10000xf32, #tpu.memory_space<vmem>>) target_semaphore(%run_scoped3A_36 : memref<!tpu.dma_semaphore, #tpu.memory_space<semaphore_mem>>)
      tpu.wait_dma2 semaphore(%run_scoped3A_36 : memref<!tpu.dma_semaphore, #tpu.memory_space<semaphore_mem>>) src(%arg7 : memref<10000xf32, #tpu.memory_space<hbm>>) dst(%arg14 : memref<10000xf32, #tpu.memory_space<vmem>>)
      tpu.yield
    }) : () -> ()
    "tpu.region"() ({
      %run_scoped3A_36 = tpu.sem_alloc : memref<!tpu.dma_semaphore, #tpu.memory_space<semaphore_mem>>
      tpu.enqueue_dma source(%arg8 : memref<10000xf32, #tpu.memory_space<hbm>>) target(%arg15 : memref<10000xf32, #tpu.memory_space<vmem>>) target_semaphore(%run_scoped3A_36 : memref<!tpu.dma_semaphore, #tpu.memory_space<semaphore_mem>>)
      tpu.wait_dma2 semaphore(%run_scoped3A_36 : memref<!tpu.dma_semaphore, #tpu.memory_space<semaphore_mem>>) src(%arg8 : memref<10000xf32, #tpu.memory_space<hbm>>) dst(%arg15 : memref<10000xf32, #tpu.memory_space<vmem>>)
      tpu.yield
    }) : () -> ()
    %scan3A = arith.constant 0 : i32
    %scan3A_3 = arith.constant 0 : i32
    %scan3A_4 = arith.constant 125 : i32
    %scan3A_5 = arith.addi %scan3A_3, %scan3A_4 : i32
    %scan3A_6 = arith.constant 1 : i32
    scf.for %scan3A_36 = %scan3A_3 to %scan3A_5 step %scan3A_6  : i32 {
      %mul3A_37 = arith.constant 16 : i32
      %mul3A_38 = arith.muli %scan3A_36, %mul3A_37 : i32
      %get3A = arith.index_cast %mul3A_38 : i32 to index
      %get3A_39 = tpu.vector_load %arg11[%get3A] {strides = array<i32>} : memref<2000xi32, #tpu.memory_space<vmem>>, vector<16xi32>,
      %get3A_40 = arith.index_cast %mul3A_38 : i32 to index
      %get3A_41 = tpu.vector_load %arg12[%get3A_40] {strides = array<i32>} : memref<2000xi32, #tpu.memory_space<vmem>>, vector<16xi32>,
      %gather3A = tpu.vector_load_idx %arg13[%get3A_39] : memref<10000xf32, #tpu.memory_space<vmem>>[vector<16xi32>], vector<16xf32>,
      %gather3A_42 = tpu.vector_load_idx %arg13[%get3A_41] : memref<10000xf32, #tpu.memory_space<vmem>>[vector<16xi32>], vector<16xf32>,
      %sub3A = arith.subf %gather3A, %gather3A_42 : vector<16xf32>
      %gather3A_43 = tpu.vector_load_idx %arg14[%get3A_39] : memref<10000xf32, #tpu.memory_space<vmem>>[vector<16xi32>], vector<16xf32>,
      %gather3A_44 = tpu.vector_load_idx %arg14[%get3A_41] : memref<10000xf32, #tpu.memory_space<vmem>>[vector<16xi32>], vector<16xf32>,
      %sub3A_45 = arith.subf %gather3A_43, %gather3A_44 : vector<16xf32>
      %gather3A_46 = tpu.vector_load_idx %arg15[%get3A_39] : memref<10000xf32, #tpu.memory_space<vmem>>[vector<16xi32>], vector<16xf32>,
      %gather3A_47 = tpu.vector_load_idx %arg15[%get3A_41] : memref<10000xf32, #tpu.memory_space<vmem>>[vector<16xi32>], vector<16xf32>,
      %sub3A_48 = arith.subf %gather3A_46, %gather3A_47 : vector<16xf32>
      %mul3A_49 = arith.mulf %sub3A, %sub3A : vector<16xf32>
      %mul3A_50 = arith.mulf %sub3A_45, %sub3A_45 : vector<16xf32>
      %add3A_51 = arith.addf %mul3A_49, %mul3A_50 : vector<16xf32>
      %mul3A_52 = arith.mulf %sub3A_48, %sub3A_48 : vector<16xf32>
      %add3A_53 = arith.addf %add3A_51, %mul3A_52 : vector<16xf32>
      %swap3A = arith.index_cast %mul3A_38 : i32 to index
      %swap3A_54 = tpu.vector_load %arg16[%swap3A] {strides = array<i32>} : memref<2000xf32, #tpu.memory_space<vmem>>, vector<16xf32>,
      tpu.vector_store %arg16[%swap3A], %add3A_53 {strides = array<i32>} : memref<2000xf32, #tpu.memory_space<vmem>>, vector<16xf32>,
    }
    %scan3A_7 = arith.constant 125 : i32
    %run_scoped3A = arith.constant 0 : i32
    "tpu.region"() ({
      %run_scoped3A_36 = tpu.sem_alloc : memref<!tpu.dma_semaphore, #tpu.memory_space<semaphore_mem>>
      %dma_start3A_37 = tpu.memref_slice %arg10[%run_scoped3A, %mul3A_2] : memref<1x64000xf32, #tpu.memory_space<hbm>> -> memref<1x2000xf32, #tpu.memory_space<hbm>>
      %dma_start3A_38 = tpu.memref_squeeze %dma_start3A_37 : memref<1x2000xf32, #tpu.memory_space<hbm>> -> memref<2000xf32, #tpu.memory_space<hbm>>
      %dma_start3A_39 = tpu.memref_slice %arg10[%run_scoped3A, %mul3A_2] : memref<1x64000xf32, #tpu.memory_space<hbm>> -> memref<1x2000xf32, #tpu.memory_space<hbm>>
      %dma_start3A_40 = tpu.memref_squeeze %dma_start3A_39 : memref<1x2000xf32, #tpu.memory_space<hbm>> -> memref<2000xf32, #tpu.memory_space<hbm>>
      tpu.enqueue_dma source(%arg16 : memref<2000xf32, #tpu.memory_space<vmem>>) target(%dma_start3A_40 : memref<2000xf32, #tpu.memory_space<hbm>>) target_semaphore(%run_scoped3A_36 : memref<!tpu.dma_semaphore, #tpu.memory_space<semaphore_mem>>)
      %dma_wait3A_41 = tpu.memref_slice %arg10[%run_scoped3A, %mul3A_2] : memref<1x64000xf32, #tpu.memory_space<hbm>> -> memref<1x2000xf32, #tpu.memory_space<hbm>>
      %dma_wait3A_42 = tpu.memref_squeeze %dma_wait3A_41 : memref<1x2000xf32, #tpu.memory_space<hbm>> -> memref<2000xf32, #tpu.memory_space<hbm>>
      %dma_wait3A_43 = tpu.memref_slice %arg10[%run_scoped3A, %mul3A_2] : memref<1x64000xf32, #tpu.memory_space<hbm>> -> memref<1x2000xf32, #tpu.memory_space<hbm>>
      %dma_wait3A_44 = tpu.memref_squeeze %dma_wait3A_43 : memref<1x2000xf32, #tpu.memory_space<hbm>> -> memref<2000xf32, #tpu.memory_space<hbm>>
      tpu.wait_dma2 semaphore(%run_scoped3A_36 : memref<!tpu.dma_semaphore, #tpu.memory_space<semaphore_mem>>) src(%arg16 : memref<2000xf32, #tpu.memory_space<vmem>>) dst(%dma_wait3A_44 : memref<2000xf32, #tpu.memory_space<hbm>>)
      tpu.yield
    }) : () -> ()
    %scan3A_8 = arith.constant 0 : i32
    %scan3A_9 = arith.constant 0 : i32
    %scan3A_10 = arith.constant 12 : i32
    %scan3A_11 = arith.addi %scan3A_9, %scan3A_10 : i32
    %scan3A_12 = arith.constant 1 : i32
    scf.for %scan3A_36 = %scan3A_9 to %scan3A_11 step %scan3A_12  : i32 {
      %mul3A_37 = arith.constant 2 : i32
      %mul3A_38 = arith.muli %mul3A_37, %scan3A_36 : i32
      %mul3A_39 = arith.constant 80 : i32
      %mul3A_40 = arith.muli %mul3A_38, %mul3A_39 : i32
      %mul3A_41 = arith.constant 2 : i32
      %mul3A_42 = arith.muli %mul3A_41, %scan3A_36 : i32
      %add3A_43 = arith.constant 1 : i32
      %add3A_44 = arith.addi %mul3A_42, %add3A_43 : i32
      %mul3A_45 = arith.constant 80 : i32
      %mul3A_46 = arith.muli %add3A_44, %mul3A_45 : i32
      %dma_start3A_47 = tpu.memref_slice %arg11[%mul3A_40] : memref<2000xi32, #tpu.memory_space<vmem>> -> memref<80xi32, #tpu.memory_space<vmem>>
      %dma_start3A_48 = arith.constant 0 : i32
      %dma_start3A_49 = arith.constant 0 : i32
      %dma_start3A_50 = tpu.memref_slice %arg2[%dma_start3A_48, %dma_start3A_49] : memref<10000x64xi32, #tpu.memory_space<hbm>> -> memref<10000x64xi32, #tpu.memory_space<hbm>>
      tpu.enqueue_indirect_dma source(%dma_start3A_50 : memref<10000x64xi32, #tpu.memory_space<hbm>>) target(%arg17 : memref<80x64xi32, #tpu.memory_space<vmem>>) offsets(%dma_start3A_47 : memref<80xi32, #tpu.memory_space<vmem>>) semaphore(%arg21 : memref<!tpu.dma_semaphore, #tpu.memory_space<semaphore_mem>>)
      %dma_start3A_51 = tpu.memref_slice %arg12[%mul3A_40] : memref<2000xi32, #tpu.memory_space<vmem>> -> memref<80xi32, #tpu.memory_space<vmem>>
      %dma_start3A_52 = arith.constant 0 : i32
      %dma_start3A_53 = arith.constant 0 : i32
      %dma_start3A_54 = tpu.memref_slice %arg3[%dma_start3A_52, %dma_start3A_53] : memref<10000x64xi32, #tpu.memory_space<hbm>> -> memref<10000x64xi32, #tpu.memory_space<hbm>>
      tpu.enqueue_indirect_dma source(%dma_start3A_54 : memref<10000x64xi32, #tpu.memory_space<hbm>>) target(%arg18 : memref<80x64xi32, #tpu.memory_space<vmem>>) offsets(%dma_start3A_51 : memref<80xi32, #tpu.memory_space<vmem>>) semaphore(%arg22 : memref<!tpu.dma_semaphore, #tpu.memory_space<semaphore_mem>>)
      %dma_start3A_55 = tpu.memref_slice %arg11[%mul3A_46] : memref<2000xi32, #tpu.memory_space<vmem>> -> memref<80xi32, #tpu.memory_space<vmem>>
      %dma_start3A_56 = arith.constant 0 : i32
      %dma_start3A_57 = arith.constant 0 : i32
      %dma_start3A_58 = tpu.memref_slice %arg2[%dma_start3A_56, %dma_start3A_57] : memref<10000x64xi32, #tpu.memory_space<hbm>> -> memref<10000x64xi32, #tpu.memory_space<hbm>>
      tpu.enqueue_indirect_dma source(%dma_start3A_58 : memref<10000x64xi32, #tpu.memory_space<hbm>>) target(%arg19 : memref<80x64xi32, #tpu.memory_space<vmem>>) offsets(%dma_start3A_55 : memref<80xi32, #tpu.memory_space<vmem>>) semaphore(%arg23 : memref<!tpu.dma_semaphore, #tpu.memory_space<semaphore_mem>>)
      %dma_start3A_59 = tpu.memref_slice %arg12[%mul3A_46] : memref<2000xi32, #tpu.memory_space<vmem>> -> memref<80xi32, #tpu.memory_space<vmem>>
      %dma_start3A_60 = arith.constant 0 : i32
      %dma_start3A_61 = arith.constant 0 : i32
      %dma_start3A_62 = tpu.memref_slice %arg3[%dma_start3A_60, %dma_start3A_61] : memref<10000x64xi32, #tpu.memory_space<hbm>> -> memref<10000x64xi32, #tpu.memory_space<hbm>>
      tpu.enqueue_indirect_dma source(%dma_start3A_62 : memref<10000x64xi32, #tpu.memory_space<hbm>>) target(%arg20 : memref<80x64xi32, #tpu.memory_space<vmem>>) offsets(%dma_start3A_59 : memref<80xi32, #tpu.memory_space<vmem>>) semaphore(%arg24 : memref<!tpu.dma_semaphore, #tpu.memory_space<semaphore_mem>>)
      %dma_wait3A_63 = tpu.memref_slice %arg11[%mul3A_40] : memref<2000xi32, #tpu.memory_space<vmem>> -> memref<80xi32, #tpu.memory_space<vmem>>
      %dma_wait3A_64 = arith.constant 0 : i32
      %dma_wait3A_65 = arith.constant 0 : i32
      %dma_wait3A_66 = tpu.memref_slice %arg2[%dma_wait3A_64, %dma_wait3A_65] : memref<10000x64xi32, #tpu.memory_space<hbm>> -> memref<10000x64xi32, #tpu.memory_space<hbm>>
      tpu.wait_indirect_dma semaphore(%arg21 : memref<!tpu.dma_semaphore, #tpu.memory_space<semaphore_mem>>) src(%dma_wait3A_66 : memref<10000x64xi32, #tpu.memory_space<hbm>>) dst(%arg17 : memref<80x64xi32, #tpu.memory_space<vmem>>)
      %dma_wait3A_67 = tpu.memref_slice %arg12[%mul3A_40] : memref<2000xi32, #tpu.memory_space<vmem>> -> memref<80xi32, #tpu.memory_space<vmem>>
      %dma_wait3A_68 = arith.constant 0 : i32
      %dma_wait3A_69 = arith.constant 0 : i32
      %dma_wait3A_70 = tpu.memref_slice %arg3[%dma_wait3A_68, %dma_wait3A_69] : memref<10000x64xi32, #tpu.memory_space<hbm>> -> memref<10000x64xi32, #tpu.memory_space<hbm>>
      tpu.wait_indirect_dma semaphore(%arg22 : memref<!tpu.dma_semaphore, #tpu.memory_space<semaphore_mem>>) src(%dma_wait3A_70 : memref<10000x64xi32, #tpu.memory_space<hbm>>) dst(%arg18 : memref<80x64xi32, #tpu.memory_space<vmem>>)
      %add3A_71 = arith.addi %mul3A_2, %mul3A_40 : i32
      "tpu.region"() ({
        %run_scoped3A_83 = tpu.sem_alloc : memref<!tpu.dma_semaphore, #tpu.memory_space<semaphore_mem>>
        %dma_start3A_84 = arith.constant 0 : i32
        %dma_start3A_85 = tpu.memref_slice %arg9[%add3A_71, %dma_start3A_84] : memref<64000x128xi32, #tpu.memory_space<hbm>> -> memref<80x64xi32, #tpu.memory_space<hbm>>
        %dma_start3A_86 = arith.constant 0 : i32
        %dma_start3A_87 = tpu.memref_slice %arg9[%add3A_71, %dma_start3A_86] : memref<64000x128xi32, #tpu.memory_space<hbm>> -> memref<80x64xi32, #tpu.memory_space<hbm>>
        tpu.enqueue_dma source(%arg17 : memref<80x64xi32, #tpu.memory_space<vmem>>) target(%dma_start3A_87 : memref<80x64xi32, #tpu.memory_space<hbm>>) target_semaphore(%run_scoped3A_83 : memref<!tpu.dma_semaphore, #tpu.memory_space<semaphore_mem>>)
        %dma_wait3A_88 = arith.constant 0 : i32
        %dma_wait3A_89 = tpu.memref_slice %arg9[%add3A_71, %dma_wait3A_88] : memref<64000x128xi32, #tpu.memory_space<hbm>> -> memref<80x64xi32, #tpu.memory_space<hbm>>
        %dma_wait3A_90 = arith.constant 0 : i32
        %dma_wait3A_91 = tpu.memref_slice %arg9[%add3A_71, %dma_wait3A_90] : memref<64000x128xi32, #tpu.memory_space<hbm>> -> memref<80x64xi32, #tpu.memory_space<hbm>>
        tpu.wait_dma2 semaphore(%run_scoped3A_83 : memref<!tpu.dma_semaphore, #tpu.memory_space<semaphore_mem>>) src(%arg17 : memref<80x64xi32, #tpu.memory_space<vmem>>) dst(%dma_wait3A_91 : memref<80x64xi32, #tpu.memory_space<hbm>>)
        tpu.yield
      }) : () -> ()
      %add3A_72 = arith.addi %mul3A_2, %mul3A_40 : i32
      "tpu.region"() ({
        %run_scoped3A_83 = tpu.sem_alloc : memref<!tpu.dma_semaphore, #tpu.memory_space<semaphore_mem>>
        %dma_start3A_84 = arith.constant 64 : i32
        %dma_start3A_85 = tpu.memref_slice %arg9[%add3A_72, %dma_start3A_84] : memref<64000x128xi32, #tpu.memory_space<hbm>> -> memref<80x64xi32, #tpu.memory_space<hbm>>
        %dma_start3A_86 = arith.constant 64 : i32
        %dma_start3A_87 = tpu.memref_slice %arg9[%add3A_72, %dma_start3A_86] : memref<64000x128xi32, #tpu.memory_space<hbm>> -> memref<80x64xi32, #tpu.memory_space<hbm>>
        tpu.enqueue_dma source(%arg18 : memref<80x64xi32, #tpu.memory_space<vmem>>) target(%dma_start3A_87 : memref<80x64xi32, #tpu.memory_space<hbm>>) target_semaphore(%run_scoped3A_83 : memref<!tpu.dma_semaphore, #tpu.memory_space<semaphore_mem>>)
        %dma_wait3A_88 = arith.constant 64 : i32
        %dma_wait3A_89 = tpu.memref_slice %arg9[%add3A_72, %dma_wait3A_88] : memref<64000x128xi32, #tpu.memory_space<hbm>> -> memref<80x64xi32, #tpu.memory_space<hbm>>
        %dma_wait3A_90 = arith.constant 64 : i32
        %dma_wait3A_91 = tpu.memref_slice %arg9[%add3A_72, %dma_wait3A_90] : memref<64000x128xi32, #tpu.memory_space<hbm>> -> memref<80x64xi32, #tpu.memory_space<hbm>>
        tpu.wait_dma2 semaphore(%run_scoped3A_83 : memref<!tpu.dma_semaphore, #tpu.memory_space<semaphore_mem>>) src(%arg18 : memref<80x64xi32, #tpu.memory_space<vmem>>) dst(%dma_wait3A_91 : memref<80x64xi32, #tpu.memory_space<hbm>>)
        tpu.yield
      }) : () -> ()
      %dma_wait3A_73 = tpu.memref_slice %arg11[%mul3A_46] : memref<2000xi32, #tpu.memory_space<vmem>> -> memref<80xi32, #tpu.memory_space<vmem>>
      %dma_wait3A_74 = arith.constant 0 : i32
      %dma_wait3A_75 = arith.constant 0 : i32
      %dma_wait3A_76 = tpu.memref_slice %arg2[%dma_wait3A_74, %dma_wait3A_75] : memref<10000x64xi32, #tpu.memory_space<hbm>> -> memref<10000x64xi32, #tpu.memory_space<hbm>>
      tpu.wait_indirect_dma semaphore(%arg23 : memref<!tpu.dma_semaphore, #tpu.memory_space<semaphore_mem>>) src(%dma_wait3A_76 : memref<10000x64xi32, #tpu.memory_space<hbm>>) dst(%arg19 : memref<80x64xi32, #tpu.memory_space<vmem>>)
      %dma_wait3A_77 = tpu.memref_slice %arg12[%mul3A_46] : memref<2000xi32, #tpu.memory_space<vmem>> -> memref<80xi32, #tpu.memory_space<vmem>>
      %dma_wait3A_78 = arith.constant 0 : i32
      %dma_wait3A_79 = arith.constant 0 : i32
      %dma_wait3A_80 = tpu.memref_slice %arg3[%dma_wait3A_78, %dma_wait3A_79] : memref<10000x64xi32, #tpu.memory_space<hbm>> -> memref<10000x64xi32, #tpu.memory_space<hbm>>
      tpu.wait_indirect_dma semaphore(%arg24 : memref<!tpu.dma_semaphore, #tpu.memory_space<semaphore_mem>>) src(%dma_wait3A_80 : memref<10000x64xi32, #tpu.memory_space<hbm>>) dst(%arg20 : memref<80x64xi32, #tpu.memory_space<vmem>>)
      %add3A_81 = arith.addi %mul3A_2, %mul3A_46 : i32
      "tpu.region"() ({
        %run_scoped3A_83 = tpu.sem_alloc : memref<!tpu.dma_semaphore, #tpu.memory_space<semaphore_mem>>
        %dma_start3A_84 = arith.constant 0 : i32
        %dma_start3A_85 = tpu.memref_slice %arg9[%add3A_81, %dma_start3A_84] : memref<64000x128xi32, #tpu.memory_space<hbm>> -> memref<80x64xi32, #tpu.memory_space<hbm>>
        %dma_start3A_86 = arith.constant 0 : i32
        %dma_start3A_87 = tpu.memref_slice %arg9[%add3A_81, %dma_start3A_86] : memref<64000x128xi32, #tpu.memory_space<hbm>> -> memref<80x64xi32, #tpu.memory_space<hbm>>
        tpu.enqueue_dma source(%arg19 : memref<80x64xi32, #tpu.memory_space<vmem>>) target(%dma_start3A_87 : memref<80x64xi32, #tpu.memory_space<hbm>>) target_semaphore(%run_scoped3A_83 : memref<!tpu.dma_semaphore, #tpu.memory_space<semaphore_mem>>)
        %dma_wait3A_88 = arith.constant 0 : i32
        %dma_wait3A_89 = tpu.memref_slice %arg9[%add3A_81, %dma_wait3A_88] : memref<64000x128xi32, #tpu.memory_space<hbm>> -> memref<80x64xi32, #tpu.memory_space<hbm>>
        %dma_wait3A_90 = arith.constant 0 : i32
        %dma_wait3A_91 = tpu.memref_slice %arg9[%add3A_81, %dma_wait3A_90] : memref<64000x128xi32, #tpu.memory_space<hbm>> -> memref<80x64xi32, #tpu.memory_space<hbm>>
        tpu.wait_dma2 semaphore(%run_scoped3A_83 : memref<!tpu.dma_semaphore, #tpu.memory_space<semaphore_mem>>) src(%arg19 : memref<80x64xi32, #tpu.memory_space<vmem>>) dst(%dma_wait3A_91 : memref<80x64xi32, #tpu.memory_space<hbm>>)
        tpu.yield
      }) : () -> ()
      %add3A_82 = arith.addi %mul3A_2, %mul3A_46 : i32
      "tpu.region"() ({
        %run_scoped3A_83 = tpu.sem_alloc : memref<!tpu.dma_semaphore, #tpu.memory_space<semaphore_mem>>
        %dma_start3A_84 = arith.constant 64 : i32
        %dma_start3A_85 = tpu.memref_slice %arg9[%add3A_82, %dma_start3A_84] : memref<64000x128xi32, #tpu.memory_space<hbm>> -> memref<80x64xi32, #tpu.memory_space<hbm>>
        %dma_start3A_86 = arith.constant 64 : i32
        %dma_start3A_87 = tpu.memref_slice %arg9[%add3A_82, %dma_start3A_86] : memref<64000x128xi32, #tpu.memory_space<hbm>> -> memref<80x64xi32, #tpu.memory_space<hbm>>
        tpu.enqueue_dma source(%arg20 : memref<80x64xi32, #tpu.memory_space<vmem>>) target(%dma_start3A_87 : memref<80x64xi32, #tpu.memory_space<hbm>>) target_semaphore(%run_scoped3A_83 : memref<!tpu.dma_semaphore, #tpu.memory_space<semaphore_mem>>)
        %dma_wait3A_88 = arith.constant 64 : i32
        %dma_wait3A_89 = tpu.memref_slice %arg9[%add3A_82, %dma_wait3A_88] : memref<64000x128xi32, #tpu.memory_space<hbm>> -> memref<80x64xi32, #tpu.memory_space<hbm>>
        %dma_wait3A_90 = arith.constant 64 : i32
        %dma_wait3A_91 = tpu.memref_slice %arg9[%add3A_82, %dma_wait3A_90] : memref<64000x128xi32, #tpu.memory_space<hbm>> -> memref<80x64xi32, #tpu.memory_space<hbm>>
        tpu.wait_dma2 semaphore(%run_scoped3A_83 : memref<!tpu.dma_semaphore, #tpu.memory_space<semaphore_mem>>) src(%arg20 : memref<80x64xi32, #tpu.memory_space<vmem>>) dst(%dma_wait3A_91 : memref<80x64xi32, #tpu.memory_space<hbm>>)
        tpu.yield
      }) : () -> ()
    }
    %scan3A_13 = arith.constant 12 : i32
    %dma_start3A = arith.constant 1920 : i32
    %dma_start3A_14 = tpu.memref_slice %arg11[%dma_start3A] : memref<2000xi32, #tpu.memory_space<vmem>> -> memref<80xi32, #tpu.memory_space<vmem>>
    %dma_start3A_15 = arith.constant 0 : i32
    %dma_start3A_16 = arith.constant 0 : i32
    %dma_start3A_17 = tpu.memref_slice %arg2[%dma_start3A_15, %dma_start3A_16] : memref<10000x64xi32, #tpu.memory_space<hbm>> -> memref<10000x64xi32, #tpu.memory_space<hbm>>
    tpu.enqueue_indirect_dma source(%dma_start3A_17 : memref<10000x64xi32, #tpu.memory_space<hbm>>) target(%arg17 : memref<80x64xi32, #tpu.memory_space<vmem>>) offsets(%dma_start3A_14 : memref<80xi32, #tpu.memory_space<vmem>>) semaphore(%arg21 : memref<!tpu.dma_semaphore, #tpu.memory_space<semaphore_mem>>)
    %dma_start3A_18 = arith.constant 1920 : i32
    %dma_start3A_19 = tpu.memref_slice %arg12[%dma_start3A_18] : memref<2000xi32, #tpu.memory_space<vmem>> -> memref<80xi32, #tpu.memory_space<vmem>>
    %dma_start3A_20 = arith.constant 0 : i32
    %dma_start3A_21 = arith.constant 0 : i32
    %dma_start3A_22 = tpu.memref_slice %arg3[%dma_start3A_20, %dma_start3A_21] : memref<10000x64xi32, #tpu.memory_space<hbm>> -> memref<10000x64xi32, #tpu.memory_space<hbm>>
    tpu.enqueue_indirect_dma source(%dma_start3A_22 : memref<10000x64xi32, #tpu.memory_space<hbm>>) target(%arg18 : memref<80x64xi32, #tpu.memory_space<vmem>>) offsets(%dma_start3A_19 : memref<80xi32, #tpu.memory_space<vmem>>) semaphore(%arg22 : memref<!tpu.dma_semaphore, #tpu.memory_space<semaphore_mem>>)
    %dma_wait3A = arith.constant 1920 : i32
    %dma_wait3A_23 = tpu.memref_slice %arg11[%dma_wait3A] : memref<2000xi32, #tpu.memory_space<vmem>> -> memref<80xi32, #tpu.memory_space<vmem>>
    %dma_wait3A_24 = arith.constant 0 : i32
    %dma_wait3A_25 = arith.constant 0 : i32
    %dma_wait3A_26 = tpu.memref_slice %arg2[%dma_wait3A_24, %dma_wait3A_25] : memref<10000x64xi32, #tpu.memory_space<hbm>> -> memref<10000x64xi32, #tpu.memory_space<hbm>>
    tpu.wait_indirect_dma semaphore(%arg21 : memref<!tpu.dma_semaphore, #tpu.memory_space<semaphore_mem>>) src(%dma_wait3A_26 : memref<10000x64xi32, #tpu.memory_space<hbm>>) dst(%arg17 : memref<80x64xi32, #tpu.memory_space<vmem>>)
    %dma_wait3A_27 = arith.constant 1920 : i32
    %dma_wait3A_28 = tpu.memref_slice %arg12[%dma_wait3A_27] : memref<2000xi32, #tpu.memory_space<vmem>> -> memref<80xi32, #tpu.memory_space<vmem>>
    %dma_wait3A_29 = arith.constant 0 : i32
    %dma_wait3A_30 = arith.constant 0 : i32
    %dma_wait3A_31 = tpu.memref_slice %arg3[%dma_wait3A_29, %dma_wait3A_30] : memref<10000x64xi32, #tpu.memory_space<hbm>> -> memref<10000x64xi32, #tpu.memory_space<hbm>>
    tpu.wait_indirect_dma semaphore(%arg22 : memref<!tpu.dma_semaphore, #tpu.memory_space<semaphore_mem>>) src(%dma_wait3A_31 : memref<10000x64xi32, #tpu.memory_space<hbm>>) dst(%arg18 : memref<80x64xi32, #tpu.memory_space<vmem>>)
    %add3A_32 = arith.constant 1920 : i32
    %add3A_33 = arith.addi %mul3A_2, %add3A_32 : i32
    "tpu.region"() ({
      %run_scoped3A_36 = tpu.sem_alloc : memref<!tpu.dma_semaphore, #tpu.memory_space<semaphore_mem>>
      %dma_start3A_37 = arith.constant 0 : i32
      %dma_start3A_38 = tpu.memref_slice %arg9[%add3A_33, %dma_start3A_37] : memref<64000x128xi32, #tpu.memory_space<hbm>> -> memref<80x64xi32, #tpu.memory_space<hbm>>
      %dma_start3A_39 = arith.constant 0 : i32
      %dma_start3A_40 = tpu.memref_slice %arg9[%add3A_33, %dma_start3A_39] : memref<64000x128xi32, #tpu.memory_space<hbm>> -> memref<80x64xi32, #tpu.memory_space<hbm>>
      tpu.enqueue_dma source(%arg17 : memref<80x64xi32, #tpu.memory_space<vmem>>) target(%dma_start3A_40 : memref<80x64xi32, #tpu.memory_space<hbm>>) target_semaphore(%run_scoped3A_36 : memref<!tpu.dma_semaphore, #tpu.memory_space<semaphore_mem>>)
      %dma_wait3A_41 = arith.constant 0 : i32
      %dma_wait3A_42 = tpu.memref_slice %arg9[%add3A_33, %dma_wait3A_41] : memref<64000x128xi32, #tpu.memory_space<hbm>> -> memref<80x64xi32, #tpu.memory_space<hbm>>
      %dma_wait3A_43 = arith.constant 0 : i32
      %dma_wait3A_44 = tpu.memref_slice %arg9[%add3A_33, %dma_wait3A_43] : memref<64000x128xi32, #tpu.memory_space<hbm>> -> memref<80x64xi32, #tpu.memory_space<hbm>>
      tpu.wait_dma2 semaphore(%run_scoped3A_36 : memref<!tpu.dma_semaphore, #tpu.memory_space<semaphore_mem>>) src(%arg17 : memref<80x64xi32, #tpu.memory_space<vmem>>) dst(%dma_wait3A_44 : memref<80x64xi32, #tpu.memory_space<hbm>>)
      tpu.yield
    }) : () -> ()
    %add3A_34 = arith.constant 1920 : i32
    %add3A_35 = arith.addi %mul3A_2, %add3A_34 : i32
    "tpu.region"() ({
      %run_scoped3A_36 = tpu.sem_alloc : memref<!tpu.dma_semaphore, #tpu.memory_space<semaphore_mem>>
      %dma_start3A_37 = arith.constant 64 : i32
      %dma_start3A_38 = tpu.memref_slice %arg9[%add3A_35, %dma_start3A_37] : memref<64000x128xi32, #tpu.memory_space<hbm>> -> memref<80x64xi32, #tpu.memory_space<hbm>>
      %dma_start3A_39 = arith.constant 64 : i32
      %dma_start3A_40 = tpu.memref_slice %arg9[%add3A_35, %dma_start3A_39] : memref<64000x128xi32, #tpu.memory_space<hbm>> -> memref<80x64xi32, #tpu.memory_space<hbm>>
      tpu.enqueue_dma source(%arg18 : memref<80x64xi32, #tpu.memory_space<vmem>>) target(%dma_start3A_40 : memref<80x64xi32, #tpu.memory_space<hbm>>) target_semaphore(%run_scoped3A_36 : memref<!tpu.dma_semaphore, #tpu.memory_space<semaphore_mem>>)
      %dma_wait3A_41 = arith.constant 64 : i32
      %dma_wait3A_42 = tpu.memref_slice %arg9[%add3A_35, %dma_wait3A_41] : memref<64000x128xi32, #tpu.memory_space<hbm>> -> memref<80x64xi32, #tpu.memory_space<hbm>>
      %dma_wait3A_43 = arith.constant 64 : i32
      %dma_wait3A_44 = tpu.memref_slice %arg9[%add3A_35, %dma_wait3A_43] : memref<64000x128xi32, #tpu.memory_space<hbm>> -> memref<80x64xi32, #tpu.memory_space<hbm>>
      tpu.wait_dma2 semaphore(%run_scoped3A_36 : memref<!tpu.dma_semaphore, #tpu.memory_space<semaphore_mem>>) src(%arg18 : memref<80x64xi32, #tpu.memory_space<vmem>>) dst(%dma_wait3A_44 : memref<80x64xi32, #tpu.memory_space<hbm>>)
      tpu.yield
    }) : () -> ()
    return
  }
}

#map = affine_map<(d0, d1) -> (0, 0)>
#map1 = affine_map<(d0, d1) -> (0, 0, 0)>
module attributes {stable_mosaic.version = 14 : i64} {
  func.func @k(%arg0: i32, %arg1: i32, %arg2: memref<128000x128xf32, #tpu.memory_space<hbm>>, %arg3: memref<32x100x40xi32, #tpu.memory_space<hbm>>, %arg4: memref<2x10000x128xf32, #tpu.memory_space<hbm>>, %arg5: memref<100x40xi32, #tpu.memory_space<vmem>>, %arg6: memref<40x128xf32, #tpu.memory_space<vmem>>, %arg7: memref<40x128xf32, #tpu.memory_space<vmem>>, %arg8: memref<200x128xf32, #tpu.memory_space<vmem>>, %arg9: memref<10000x128xf32, #tpu.memory_space<vmem_shared>>, %arg10: memref<!tpu.dma_semaphore, #tpu.memory_space<semaphore_mem>>, %arg11: memref<!tpu.dma_semaphore, #tpu.memory_space<semaphore_mem>>) attributes {dimension_semantics = [#tpu.dimension_semantics<core_parallel>, #tpu.dimension_semantics<subcore_parallel>], iteration_bounds = array<i64: 2, 16>, scalar_prefetch = 0 : i64, scratch_operands = 7 : i64, tpu.core_type = #tpu.core_type<sc_vector_subcore>, window_params = [{transform_indices = #map}, {transform_indices = #map1}, {transform_indices = #map1}]} {
    %mul3A = arith.constant 2 : i32
    %mul3A_0 = arith.muli %arg1, %mul3A : i32
    %add3A = arith.addi %mul3A_0, %arg0 : i32
    %mul3A_1 = arith.constant 4000 : i32
    %mul3A_2 = arith.muli %add3A, %mul3A_1 : i32
    %broadcast_in_dim3A = arith.constant 0.000000e+00 : f32
    %broadcast_in_dim3A_3 = vector.broadcast %broadcast_in_dim3A : f32 to vector<16xf32>
    %scan3A = arith.constant 0 : i32
    %scan3A_4 = arith.constant 0 : i32
    %scan3A_5 = arith.constant 200 : i32
    %scan3A_6 = arith.addi %scan3A_4, %scan3A_5 : i32
    %scan3A_7 = arith.constant 1 : i32
    scf.for %scan3A_69 = %scan3A_4 to %scan3A_6 step %scan3A_7  : i32 {
      %swap3A = arith.index_cast %scan3A_69 : i32 to index
      %swap3A_70 = arith.constant 0 : index
      %swap3A_71 = tpu.vector_load %arg8[%swap3A, %swap3A_70] {strides = array<i32>} : memref<200x128xf32, #tpu.memory_space<vmem>>, vector<1x16xf32>,
      %swap3A_72 = vector.shape_cast %swap3A_71 : vector<1x16xf32> to vector<16xf32>
      %swap3A_73 = vector.shape_cast %broadcast_in_dim3A_3 : vector<16xf32> to vector<1x16xf32>
      tpu.vector_store %arg8[%swap3A, %swap3A_70], %swap3A_73 {strides = array<i32>} : memref<200x128xf32, #tpu.memory_space<vmem>>, vector<1x16xf32>,
      %swap3A_74 = arith.index_cast %scan3A_69 : i32 to index
      %swap3A_75 = arith.constant 16 : index
      %swap3A_76 = tpu.vector_load %arg8[%swap3A_74, %swap3A_75] {strides = array<i32>} : memref<200x128xf32, #tpu.memory_space<vmem>>, vector<1x16xf32>,
      %swap3A_77 = vector.shape_cast %swap3A_76 : vector<1x16xf32> to vector<16xf32>
      %swap3A_78 = vector.shape_cast %broadcast_in_dim3A_3 : vector<16xf32> to vector<1x16xf32>
      tpu.vector_store %arg8[%swap3A_74, %swap3A_75], %swap3A_78 {strides = array<i32>} : memref<200x128xf32, #tpu.memory_space<vmem>>, vector<1x16xf32>,
      %swap3A_79 = arith.index_cast %scan3A_69 : i32 to index
      %swap3A_80 = arith.constant 32 : index
      %swap3A_81 = tpu.vector_load %arg8[%swap3A_79, %swap3A_80] {strides = array<i32>} : memref<200x128xf32, #tpu.memory_space<vmem>>, vector<1x16xf32>,
      %swap3A_82 = vector.shape_cast %swap3A_81 : vector<1x16xf32> to vector<16xf32>
      %swap3A_83 = vector.shape_cast %broadcast_in_dim3A_3 : vector<16xf32> to vector<1x16xf32>
      tpu.vector_store %arg8[%swap3A_79, %swap3A_80], %swap3A_83 {strides = array<i32>} : memref<200x128xf32, #tpu.memory_space<vmem>>, vector<1x16xf32>,
      %swap3A_84 = arith.index_cast %scan3A_69 : i32 to index
      %swap3A_85 = arith.constant 48 : index
      %swap3A_86 = tpu.vector_load %arg8[%swap3A_84, %swap3A_85] {strides = array<i32>} : memref<200x128xf32, #tpu.memory_space<vmem>>, vector<1x16xf32>,
      %swap3A_87 = vector.shape_cast %swap3A_86 : vector<1x16xf32> to vector<16xf32>
      %swap3A_88 = vector.shape_cast %broadcast_in_dim3A_3 : vector<16xf32> to vector<1x16xf32>
      tpu.vector_store %arg8[%swap3A_84, %swap3A_85], %swap3A_88 {strides = array<i32>} : memref<200x128xf32, #tpu.memory_space<vmem>>, vector<1x16xf32>,
      %swap3A_89 = arith.index_cast %scan3A_69 : i32 to index
      %swap3A_90 = arith.constant 64 : index
      %swap3A_91 = tpu.vector_load %arg8[%swap3A_89, %swap3A_90] {strides = array<i32>} : memref<200x128xf32, #tpu.memory_space<vmem>>, vector<1x16xf32>,
      %swap3A_92 = vector.shape_cast %swap3A_91 : vector<1x16xf32> to vector<16xf32>
      %swap3A_93 = vector.shape_cast %broadcast_in_dim3A_3 : vector<16xf32> to vector<1x16xf32>
      tpu.vector_store %arg8[%swap3A_89, %swap3A_90], %swap3A_93 {strides = array<i32>} : memref<200x128xf32, #tpu.memory_space<vmem>>, vector<1x16xf32>,
      %swap3A_94 = arith.index_cast %scan3A_69 : i32 to index
      %swap3A_95 = arith.constant 80 : index
      %swap3A_96 = tpu.vector_load %arg8[%swap3A_94, %swap3A_95] {strides = array<i32>} : memref<200x128xf32, #tpu.memory_space<vmem>>, vector<1x16xf32>,
      %swap3A_97 = vector.shape_cast %swap3A_96 : vector<1x16xf32> to vector<16xf32>
      %swap3A_98 = vector.shape_cast %broadcast_in_dim3A_3 : vector<16xf32> to vector<1x16xf32>
      tpu.vector_store %arg8[%swap3A_94, %swap3A_95], %swap3A_98 {strides = array<i32>} : memref<200x128xf32, #tpu.memory_space<vmem>>, vector<1x16xf32>,
      %swap3A_99 = arith.index_cast %scan3A_69 : i32 to index
      %swap3A_100 = arith.constant 96 : index
      %swap3A_101 = tpu.vector_load %arg8[%swap3A_99, %swap3A_100] {strides = array<i32>} : memref<200x128xf32, #tpu.memory_space<vmem>>, vector<1x16xf32>,
      %swap3A_102 = vector.shape_cast %swap3A_101 : vector<1x16xf32> to vector<16xf32>
      %swap3A_103 = vector.shape_cast %broadcast_in_dim3A_3 : vector<16xf32> to vector<1x16xf32>
      tpu.vector_store %arg8[%swap3A_99, %swap3A_100], %swap3A_103 {strides = array<i32>} : memref<200x128xf32, #tpu.memory_space<vmem>>, vector<1x16xf32>,
      %swap3A_104 = arith.index_cast %scan3A_69 : i32 to index
      %swap3A_105 = arith.constant 112 : index
      %swap3A_106 = tpu.vector_load %arg8[%swap3A_104, %swap3A_105] {strides = array<i32>} : memref<200x128xf32, #tpu.memory_space<vmem>>, vector<1x16xf32>,
      %swap3A_107 = vector.shape_cast %swap3A_106 : vector<1x16xf32> to vector<16xf32>
      %swap3A_108 = vector.shape_cast %broadcast_in_dim3A_3 : vector<16xf32> to vector<1x16xf32>
      tpu.vector_store %arg8[%swap3A_104, %swap3A_105], %swap3A_108 {strides = array<i32>} : memref<200x128xf32, #tpu.memory_space<vmem>>, vector<1x16xf32>,
    }
    %scan3A_8 = arith.constant 200 : i32
    %add3A_9 = arith.constant 0 : i32
    %add3A_10 = arith.addi %arg1, %add3A_9 : i32
    %lt3A = arith.constant 50 : i32
    %lt3A_11 = arith.cmpi slt, %add3A_10, %lt3A : i32
    %convert_element_type3A = arith.extui %lt3A_11 : i1 to i32
    %cond3A = arith.constant 0 : i32
    %cond3A_12 = arith.cmpi ne, %convert_element_type3A, %cond3A : i32
    scf.if %cond3A_12 {
      %mul3A_69 = arith.constant 200 : i32
      %mul3A_70 = arith.muli %add3A_10, %mul3A_69 : i32
      "tpu.region"() ({
        %run_scoped3A = tpu.sem_alloc : memref<!tpu.dma_semaphore, #tpu.memory_space<semaphore_mem>>
        %dma_start3A = arith.constant 0 : i32
        %dma_start3A_71 = tpu.memref_slice %arg9[%mul3A_70, %dma_start3A] : memref<10000x128xf32, #tpu.memory_space<vmem_shared>> -> memref<200x128xf32, #tpu.memory_space<vmem_shared>>
        %dma_start3A_72 = arith.constant 0 : i32
        %dma_start3A_73 = tpu.memref_slice %arg9[%mul3A_70, %dma_start3A_72] : memref<10000x128xf32, #tpu.memory_space<vmem_shared>> -> memref<200x128xf32, #tpu.memory_space<vmem_shared>>
        tpu.enqueue_dma source(%arg8 : memref<200x128xf32, #tpu.memory_space<vmem>>) target(%dma_start3A_73 : memref<200x128xf32, #tpu.memory_space<vmem_shared>>) target_semaphore(%run_scoped3A : memref<!tpu.dma_semaphore, #tpu.memory_space<semaphore_mem>>)
        %dma_wait3A = arith.constant 0 : i32
        %dma_wait3A_74 = tpu.memref_slice %arg9[%mul3A_70, %dma_wait3A] : memref<10000x128xf32, #tpu.memory_space<vmem_shared>> -> memref<200x128xf32, #tpu.memory_space<vmem_shared>>
        %dma_wait3A_75 = arith.constant 0 : i32
        %dma_wait3A_76 = tpu.memref_slice %arg9[%mul3A_70, %dma_wait3A_75] : memref<10000x128xf32, #tpu.memory_space<vmem_shared>> -> memref<200x128xf32, #tpu.memory_space<vmem_shared>>
        tpu.wait_dma2 semaphore(%run_scoped3A : memref<!tpu.dma_semaphore, #tpu.memory_space<semaphore_mem>>) src(%arg8 : memref<200x128xf32, #tpu.memory_space<vmem>>) dst(%dma_wait3A_76 : memref<200x128xf32, #tpu.memory_space<vmem_shared>>)
        tpu.yield
      }) : () -> ()
    } else {
    }
    %add3A_13 = arith.constant 16 : i32
    %add3A_14 = arith.addi %arg1, %add3A_13 : i32
    %lt3A_15 = arith.constant 50 : i32
    %lt3A_16 = arith.cmpi slt, %add3A_14, %lt3A_15 : i32
    %convert_element_type3A_17 = arith.extui %lt3A_16 : i1 to i32
    %cond3A_18 = arith.constant 0 : i32
    %cond3A_19 = arith.cmpi ne, %convert_element_type3A_17, %cond3A_18 : i32
    scf.if %cond3A_19 {
      %mul3A_69 = arith.constant 200 : i32
      %mul3A_70 = arith.muli %add3A_14, %mul3A_69 : i32
      "tpu.region"() ({
        %run_scoped3A = tpu.sem_alloc : memref<!tpu.dma_semaphore, #tpu.memory_space<semaphore_mem>>
        %dma_start3A = arith.constant 0 : i32
        %dma_start3A_71 = tpu.memref_slice %arg9[%mul3A_70, %dma_start3A] : memref<10000x128xf32, #tpu.memory_space<vmem_shared>> -> memref<200x128xf32, #tpu.memory_space<vmem_shared>>
        %dma_start3A_72 = arith.constant 0 : i32
        %dma_start3A_73 = tpu.memref_slice %arg9[%mul3A_70, %dma_start3A_72] : memref<10000x128xf32, #tpu.memory_space<vmem_shared>> -> memref<200x128xf32, #tpu.memory_space<vmem_shared>>
        tpu.enqueue_dma source(%arg8 : memref<200x128xf32, #tpu.memory_space<vmem>>) target(%dma_start3A_73 : memref<200x128xf32, #tpu.memory_space<vmem_shared>>) target_semaphore(%run_scoped3A : memref<!tpu.dma_semaphore, #tpu.memory_space<semaphore_mem>>)
        %dma_wait3A = arith.constant 0 : i32
        %dma_wait3A_74 = tpu.memref_slice %arg9[%mul3A_70, %dma_wait3A] : memref<10000x128xf32, #tpu.memory_space<vmem_shared>> -> memref<200x128xf32, #tpu.memory_space<vmem_shared>>
        %dma_wait3A_75 = arith.constant 0 : i32
        %dma_wait3A_76 = tpu.memref_slice %arg9[%mul3A_70, %dma_wait3A_75] : memref<10000x128xf32, #tpu.memory_space<vmem_shared>> -> memref<200x128xf32, #tpu.memory_space<vmem_shared>>
        tpu.wait_dma2 semaphore(%run_scoped3A : memref<!tpu.dma_semaphore, #tpu.memory_space<semaphore_mem>>) src(%arg8 : memref<200x128xf32, #tpu.memory_space<vmem>>) dst(%dma_wait3A_76 : memref<200x128xf32, #tpu.memory_space<vmem_shared>>)
        tpu.yield
      }) : () -> ()
    } else {
    }
    %add3A_20 = arith.constant 32 : i32
    %add3A_21 = arith.addi %arg1, %add3A_20 : i32
    %lt3A_22 = arith.constant 50 : i32
    %lt3A_23 = arith.cmpi slt, %add3A_21, %lt3A_22 : i32
    %convert_element_type3A_24 = arith.extui %lt3A_23 : i1 to i32
    %cond3A_25 = arith.constant 0 : i32
    %cond3A_26 = arith.cmpi ne, %convert_element_type3A_24, %cond3A_25 : i32
    scf.if %cond3A_26 {
      %mul3A_69 = arith.constant 200 : i32
      %mul3A_70 = arith.muli %add3A_21, %mul3A_69 : i32
      "tpu.region"() ({
        %run_scoped3A = tpu.sem_alloc : memref<!tpu.dma_semaphore, #tpu.memory_space<semaphore_mem>>
        %dma_start3A = arith.constant 0 : i32
        %dma_start3A_71 = tpu.memref_slice %arg9[%mul3A_70, %dma_start3A] : memref<10000x128xf32, #tpu.memory_space<vmem_shared>> -> memref<200x128xf32, #tpu.memory_space<vmem_shared>>
        %dma_start3A_72 = arith.constant 0 : i32
        %dma_start3A_73 = tpu.memref_slice %arg9[%mul3A_70, %dma_start3A_72] : memref<10000x128xf32, #tpu.memory_space<vmem_shared>> -> memref<200x128xf32, #tpu.memory_space<vmem_shared>>
        tpu.enqueue_dma source(%arg8 : memref<200x128xf32, #tpu.memory_space<vmem>>) target(%dma_start3A_73 : memref<200x128xf32, #tpu.memory_space<vmem_shared>>) target_semaphore(%run_scoped3A : memref<!tpu.dma_semaphore, #tpu.memory_space<semaphore_mem>>)
        %dma_wait3A = arith.constant 0 : i32
        %dma_wait3A_74 = tpu.memref_slice %arg9[%mul3A_70, %dma_wait3A] : memref<10000x128xf32, #tpu.memory_space<vmem_shared>> -> memref<200x128xf32, #tpu.memory_space<vmem_shared>>
        %dma_wait3A_75 = arith.constant 0 : i32
        %dma_wait3A_76 = tpu.memref_slice %arg9[%mul3A_70, %dma_wait3A_75] : memref<10000x128xf32, #tpu.memory_space<vmem_shared>> -> memref<200x128xf32, #tpu.memory_space<vmem_shared>>
        tpu.wait_dma2 semaphore(%run_scoped3A : memref<!tpu.dma_semaphore, #tpu.memory_space<semaphore_mem>>) src(%arg8 : memref<200x128xf32, #tpu.memory_space<vmem>>) dst(%dma_wait3A_76 : memref<200x128xf32, #tpu.memory_space<vmem_shared>>)
        tpu.yield
      }) : () -> ()
    } else {
    }
    %add3A_27 = arith.constant 48 : i32
    %add3A_28 = arith.addi %arg1, %add3A_27 : i32
    %lt3A_29 = arith.constant 50 : i32
    %lt3A_30 = arith.cmpi slt, %add3A_28, %lt3A_29 : i32
    %convert_element_type3A_31 = arith.extui %lt3A_30 : i1 to i32
    %cond3A_32 = arith.constant 0 : i32
    %cond3A_33 = arith.cmpi ne, %convert_element_type3A_31, %cond3A_32 : i32
    scf.if %cond3A_33 {
      %mul3A_69 = arith.constant 200 : i32
      %mul3A_70 = arith.muli %add3A_28, %mul3A_69 : i32
      "tpu.region"() ({
        %run_scoped3A = tpu.sem_alloc : memref<!tpu.dma_semaphore, #tpu.memory_space<semaphore_mem>>
        %dma_start3A = arith.constant 0 : i32
        %dma_start3A_71 = tpu.memref_slice %arg9[%mul3A_70, %dma_start3A] : memref<10000x128xf32, #tpu.memory_space<vmem_shared>> -> memref<200x128xf32, #tpu.memory_space<vmem_shared>>
        %dma_start3A_72 = arith.constant 0 : i32
        %dma_start3A_73 = tpu.memref_slice %arg9[%mul3A_70, %dma_start3A_72] : memref<10000x128xf32, #tpu.memory_space<vmem_shared>> -> memref<200x128xf32, #tpu.memory_space<vmem_shared>>
        tpu.enqueue_dma source(%arg8 : memref<200x128xf32, #tpu.memory_space<vmem>>) target(%dma_start3A_73 : memref<200x128xf32, #tpu.memory_space<vmem_shared>>) target_semaphore(%run_scoped3A : memref<!tpu.dma_semaphore, #tpu.memory_space<semaphore_mem>>)
        %dma_wait3A = arith.constant 0 : i32
        %dma_wait3A_74 = tpu.memref_slice %arg9[%mul3A_70, %dma_wait3A] : memref<10000x128xf32, #tpu.memory_space<vmem_shared>> -> memref<200x128xf32, #tpu.memory_space<vmem_shared>>
        %dma_wait3A_75 = arith.constant 0 : i32
        %dma_wait3A_76 = tpu.memref_slice %arg9[%mul3A_70, %dma_wait3A_75] : memref<10000x128xf32, #tpu.memory_space<vmem_shared>> -> memref<200x128xf32, #tpu.memory_space<vmem_shared>>
        tpu.wait_dma2 semaphore(%run_scoped3A : memref<!tpu.dma_semaphore, #tpu.memory_space<semaphore_mem>>) src(%arg8 : memref<200x128xf32, #tpu.memory_space<vmem>>) dst(%dma_wait3A_76 : memref<200x128xf32, #tpu.memory_space<vmem_shared>>)
        tpu.yield
      }) : () -> ()
    } else {
    }
    %barrier3A = arith.constant 0 : index
    tpu.barrier barrier_id(%barrier3A)
    "tpu.region"() ({
      %run_scoped3A = tpu.sem_alloc : memref<!tpu.dma_semaphore, #tpu.memory_space<semaphore_mem>>
      %dma_start3A = arith.constant 0 : i32
      %dma_start3A_69 = arith.constant 0 : i32
      %dma_start3A_70 = tpu.memref_slice %arg3[%add3A, %dma_start3A, %dma_start3A_69] : memref<32x100x40xi32, #tpu.memory_space<hbm>> -> memref<1x100x40xi32, #tpu.memory_space<hbm>>
      %dma_start3A_71 = tpu.memref_squeeze %dma_start3A_70 : memref<1x100x40xi32, #tpu.memory_space<hbm>> -> memref<100x40xi32, #tpu.memory_space<hbm>>
      %dma_start3A_72 = arith.constant 0 : i32
      %dma_start3A_73 = arith.constant 0 : i32
      %dma_start3A_74 = tpu.memref_slice %arg3[%add3A, %dma_start3A_72, %dma_start3A_73] : memref<32x100x40xi32, #tpu.memory_space<hbm>> -> memref<1x100x40xi32, #tpu.memory_space<hbm>>
      %dma_start3A_75 = tpu.memref_squeeze %dma_start3A_74 : memref<1x100x40xi32, #tpu.memory_space<hbm>> -> memref<100x40xi32, #tpu.memory_space<hbm>>
      tpu.enqueue_dma source(%dma_start3A_75 : memref<100x40xi32, #tpu.memory_space<hbm>>) target(%arg5 : memref<100x40xi32, #tpu.memory_space<vmem>>) target_semaphore(%run_scoped3A : memref<!tpu.dma_semaphore, #tpu.memory_space<semaphore_mem>>)
      %dma_wait3A = arith.constant 0 : i32
      %dma_wait3A_76 = arith.constant 0 : i32
      %dma_wait3A_77 = tpu.memref_slice %arg3[%add3A, %dma_wait3A, %dma_wait3A_76] : memref<32x100x40xi32, #tpu.memory_space<hbm>> -> memref<1x100x40xi32, #tpu.memory_space<hbm>>
      %dma_wait3A_78 = tpu.memref_squeeze %dma_wait3A_77 : memref<1x100x40xi32, #tpu.memory_space<hbm>> -> memref<100x40xi32, #tpu.memory_space<hbm>>
      %dma_wait3A_79 = arith.constant 0 : i32
      %dma_wait3A_80 = arith.constant 0 : i32
      %dma_wait3A_81 = tpu.memref_slice %arg3[%add3A, %dma_wait3A_79, %dma_wait3A_80] : memref<32x100x40xi32, #tpu.memory_space<hbm>> -> memref<1x100x40xi32, #tpu.memory_space<hbm>>
      %dma_wait3A_82 = tpu.memref_squeeze %dma_wait3A_81 : memref<1x100x40xi32, #tpu.memory_space<hbm>> -> memref<100x40xi32, #tpu.memory_space<hbm>>
      tpu.wait_dma2 semaphore(%run_scoped3A : memref<!tpu.dma_semaphore, #tpu.memory_space<semaphore_mem>>) src(%dma_wait3A_82 : memref<100x40xi32, #tpu.memory_space<hbm>>) dst(%arg5 : memref<100x40xi32, #tpu.memory_space<vmem>>)
      tpu.yield
    }) : () -> ()
    %scan3A_34 = arith.constant 0 : i32
    %scan3A_35 = arith.constant 0 : i32
    %scan3A_36 = arith.constant 50 : i32
    %scan3A_37 = arith.addi %scan3A_35, %scan3A_36 : i32
    %scan3A_38 = arith.constant 1 : i32
    scf.for %scan3A_69 = %scan3A_35 to %scan3A_37 step %scan3A_38  : i32 {
      %mul3A_70 = arith.constant 2 : i32
      %mul3A_71 = arith.muli %mul3A_70, %scan3A_69 : i32
      %mul3A_72 = arith.constant 2 : i32
      %mul3A_73 = arith.muli %mul3A_72, %scan3A_69 : i32
      %add3A_74 = arith.constant 1 : i32
      %add3A_75 = arith.addi %mul3A_73, %add3A_74 : i32
      %mul3A_76 = arith.constant 40 : i32
      %mul3A_77 = arith.muli %mul3A_71, %mul3A_76 : i32
      %add3A_78 = arith.addi %mul3A_2, %mul3A_77 : i32
      %dma_start3A = arith.constant 0 : i32
      %dma_start3A_79 = tpu.memref_slice %arg2[%add3A_78, %dma_start3A] : memref<128000x128xf32, #tpu.memory_space<hbm>> -> memref<40x128xf32, #tpu.memory_space<hbm>>
      %dma_start3A_80 = arith.constant 0 : i32
      %dma_start3A_81 = tpu.memref_slice %arg2[%add3A_78, %dma_start3A_80] : memref<128000x128xf32, #tpu.memory_space<hbm>> -> memref<40x128xf32, #tpu.memory_space<hbm>>
      tpu.enqueue_dma source(%dma_start3A_81 : memref<40x128xf32, #tpu.memory_space<hbm>>) target(%arg6 : memref<40x128xf32, #tpu.memory_space<vmem>>) target_semaphore(%arg10 : memref<!tpu.dma_semaphore, #tpu.memory_space<semaphore_mem>>)
      %mul3A_82 = arith.constant 40 : i32
      %mul3A_83 = arith.muli %add3A_75, %mul3A_82 : i32
      %add3A_84 = arith.addi %mul3A_2, %mul3A_83 : i32
      %dma_start3A_85 = arith.constant 0 : i32
      %dma_start3A_86 = tpu.memref_slice %arg2[%add3A_84, %dma_start3A_85] : memref<128000x128xf32, #tpu.memory_space<hbm>> -> memref<40x128xf32, #tpu.memory_space<hbm>>
      %dma_start3A_87 = arith.constant 0 : i32
      %dma_start3A_88 = tpu.memref_slice %arg2[%add3A_84, %dma_start3A_87] : memref<128000x128xf32, #tpu.memory_space<hbm>> -> memref<40x128xf32, #tpu.memory_space<hbm>>
      tpu.enqueue_dma source(%dma_start3A_88 : memref<40x128xf32, #tpu.memory_space<hbm>>) target(%arg7 : memref<40x128xf32, #tpu.memory_space<vmem>>) target_semaphore(%arg11 : memref<!tpu.dma_semaphore, #tpu.memory_space<semaphore_mem>>)
      %dma_wait3A = arith.constant 0 : i32
      %dma_wait3A_89 = tpu.memref_slice %arg2[%add3A_78, %dma_wait3A] : memref<128000x128xf32, #tpu.memory_space<hbm>> -> memref<40x128xf32, #tpu.memory_space<hbm>>
      %dma_wait3A_90 = arith.constant 0 : i32
      %dma_wait3A_91 = tpu.memref_slice %arg2[%add3A_78, %dma_wait3A_90] : memref<128000x128xf32, #tpu.memory_space<hbm>> -> memref<40x128xf32, #tpu.memory_space<hbm>>
      tpu.wait_dma2 semaphore(%arg10 : memref<!tpu.dma_semaphore, #tpu.memory_space<semaphore_mem>>) src(%dma_wait3A_91 : memref<40x128xf32, #tpu.memory_space<hbm>>) dst(%arg6 : memref<40x128xf32, #tpu.memory_space<vmem>>)
      "tpu.region"() ({
        %run_scoped3A = tpu.sem_alloc : memref<!tpu.dma_semaphore, #tpu.memory_space<semaphore_mem>>
        %dma_start3A_96 = arith.constant 0 : i32
        %dma_start3A_97 = tpu.memref_slice %arg5[%mul3A_71, %dma_start3A_96] : memref<100x40xi32, #tpu.memory_space<vmem>> -> memref<1x40xi32, #tpu.memory_space<vmem>>
        %dma_start3A_98 = tpu.memref_squeeze %dma_start3A_97 : memref<1x40xi32, #tpu.memory_space<vmem>> -> memref<40xi32, #tpu.memory_space<vmem>>
        %dma_start3A_99 = arith.constant 0 : i32
        %dma_start3A_100 = arith.constant 0 : i32
        %dma_start3A_101 = tpu.memref_slice %arg9[%dma_start3A_99, %dma_start3A_100] : memref<10000x128xf32, #tpu.memory_space<vmem_shared>> -> memref<10000x128xf32, #tpu.memory_space<vmem_shared>>
        tpu.enqueue_indirect_dma source(%arg6 : memref<40x128xf32, #tpu.memory_space<vmem>>) target(%dma_start3A_101 : memref<10000x128xf32, #tpu.memory_space<vmem_shared>>) offsets(%dma_start3A_98 : memref<40xi32, #tpu.memory_space<vmem>>) semaphore(%run_scoped3A : memref<!tpu.dma_semaphore, #tpu.memory_space<semaphore_mem>>) {add = true}
        %dma_wait3A_102 = arith.constant 0 : i32
        %dma_wait3A_103 = tpu.memref_slice %arg5[%mul3A_71, %dma_wait3A_102] : memref<100x40xi32, #tpu.memory_space<vmem>> -> memref<1x40xi32, #tpu.memory_space<vmem>>
        %dma_wait3A_104 = tpu.memref_squeeze %dma_wait3A_103 : memref<1x40xi32, #tpu.memory_space<vmem>> -> memref<40xi32, #tpu.memory_space<vmem>>
        %dma_wait3A_105 = arith.constant 0 : i32
        %dma_wait3A_106 = arith.constant 0 : i32
        %dma_wait3A_107 = tpu.memref_slice %arg9[%dma_wait3A_105, %dma_wait3A_106] : memref<10000x128xf32, #tpu.memory_space<vmem_shared>> -> memref<10000x128xf32, #tpu.memory_space<vmem_shared>>
        tpu.wait_indirect_dma semaphore(%run_scoped3A : memref<!tpu.dma_semaphore, #tpu.memory_space<semaphore_mem>>) src(%arg6 : memref<40x128xf32, #tpu.memory_space<vmem>>) dst(%dma_wait3A_107 : memref<10000x128xf32, #tpu.memory_space<vmem_shared>>)
        tpu.yield
      }) : () -> ()
      %dma_wait3A_92 = arith.constant 0 : i32
      %dma_wait3A_93 = tpu.memref_slice %arg2[%add3A_84, %dma_wait3A_92] : memref<128000x128xf32, #tpu.memory_space<hbm>> -> memref<40x128xf32, #tpu.memory_space<hbm>>
      %dma_wait3A_94 = arith.constant 0 : i32
      %dma_wait3A_95 = tpu.memref_slice %arg2[%add3A_84, %dma_wait3A_94] : memref<128000x128xf32, #tpu.memory_space<hbm>> -> memref<40x128xf32, #tpu.memory_space<hbm>>
      tpu.wait_dma2 semaphore(%arg11 : memref<!tpu.dma_semaphore, #tpu.memory_space<semaphore_mem>>) src(%dma_wait3A_95 : memref<40x128xf32, #tpu.memory_space<hbm>>) dst(%arg7 : memref<40x128xf32, #tpu.memory_space<vmem>>)
      "tpu.region"() ({
        %run_scoped3A = tpu.sem_alloc : memref<!tpu.dma_semaphore, #tpu.memory_space<semaphore_mem>>
        %dma_start3A_96 = arith.constant 0 : i32
        %dma_start3A_97 = tpu.memref_slice %arg5[%add3A_75, %dma_start3A_96] : memref<100x40xi32, #tpu.memory_space<vmem>> -> memref<1x40xi32, #tpu.memory_space<vmem>>
        %dma_start3A_98 = tpu.memref_squeeze %dma_start3A_97 : memref<1x40xi32, #tpu.memory_space<vmem>> -> memref<40xi32, #tpu.memory_space<vmem>>
        %dma_start3A_99 = arith.constant 0 : i32
        %dma_start3A_100 = arith.constant 0 : i32
        %dma_start3A_101 = tpu.memref_slice %arg9[%dma_start3A_99, %dma_start3A_100] : memref<10000x128xf32, #tpu.memory_space<vmem_shared>> -> memref<10000x128xf32, #tpu.memory_space<vmem_shared>>
        tpu.enqueue_indirect_dma source(%arg7 : memref<40x128xf32, #tpu.memory_space<vmem>>) target(%dma_start3A_101 : memref<10000x128xf32, #tpu.memory_space<vmem_shared>>) offsets(%dma_start3A_98 : memref<40xi32, #tpu.memory_space<vmem>>) semaphore(%run_scoped3A : memref<!tpu.dma_semaphore, #tpu.memory_space<semaphore_mem>>) {add = true}
        %dma_wait3A_102 = arith.constant 0 : i32
        %dma_wait3A_103 = tpu.memref_slice %arg5[%add3A_75, %dma_wait3A_102] : memref<100x40xi32, #tpu.memory_space<vmem>> -> memref<1x40xi32, #tpu.memory_space<vmem>>
        %dma_wait3A_104 = tpu.memref_squeeze %dma_wait3A_103 : memref<1x40xi32, #tpu.memory_space<vmem>> -> memref<40xi32, #tpu.memory_space<vmem>>
        %dma_wait3A_105 = arith.constant 0 : i32
        %dma_wait3A_106 = arith.constant 0 : i32
        %dma_wait3A_107 = tpu.memref_slice %arg9[%dma_wait3A_105, %dma_wait3A_106] : memref<10000x128xf32, #tpu.memory_space<vmem_shared>> -> memref<10000x128xf32, #tpu.memory_space<vmem_shared>>
        tpu.wait_indirect_dma semaphore(%run_scoped3A : memref<!tpu.dma_semaphore, #tpu.memory_space<semaphore_mem>>) src(%arg7 : memref<40x128xf32, #tpu.memory_space<vmem>>) dst(%dma_wait3A_107 : memref<10000x128xf32, #tpu.memory_space<vmem_shared>>)
        tpu.yield
      }) : () -> ()
    }
    %scan3A_39 = arith.constant 50 : i32
    %barrier3A_40 = arith.constant 0 : index
    tpu.barrier barrier_id(%barrier3A_40)
    %add3A_41 = arith.constant 0 : i32
    %add3A_42 = arith.addi %arg1, %add3A_41 : i32
    %lt3A_43 = arith.constant 50 : i32
    %lt3A_44 = arith.cmpi slt, %add3A_42, %lt3A_43 : i32
    %convert_element_type3A_45 = arith.extui %lt3A_44 : i1 to i32
    %cond3A_46 = arith.constant 0 : i32
    %cond3A_47 = arith.cmpi ne, %convert_element_type3A_45, %cond3A_46 : i32
    scf.if %cond3A_47 {
      %mul3A_69 = arith.constant 200 : i32
      %mul3A_70 = arith.muli %add3A_42, %mul3A_69 : i32
      %mul3A_71 = arith.constant 200 : i32
      %mul3A_72 = arith.muli %add3A_42, %mul3A_71 : i32
      "tpu.region"() ({
        %run_scoped3A = tpu.sem_alloc : memref<!tpu.dma_semaphore, #tpu.memory_space<semaphore_mem>>
        %dma_start3A = arith.constant 0 : i32
        %dma_start3A_73 = tpu.memref_slice %arg4[%arg0, %mul3A_72, %dma_start3A] : memref<2x10000x128xf32, #tpu.memory_space<hbm>> -> memref<1x200x128xf32, #tpu.memory_space<hbm>>
        %dma_start3A_74 = tpu.memref_squeeze %dma_start3A_73 : memref<1x200x128xf32, #tpu.memory_space<hbm>> -> memref<200x128xf32, #tpu.memory_space<hbm>>
        %dma_start3A_75 = arith.constant 0 : i32
        %dma_start3A_76 = tpu.memref_slice %arg9[%mul3A_70, %dma_start3A_75] : memref<10000x128xf32, #tpu.memory_space<vmem_shared>> -> memref<200x128xf32, #tpu.memory_space<vmem_shared>>
        tpu.enqueue_dma source(%dma_start3A_76 : memref<200x128xf32, #tpu.memory_space<vmem_shared>>) target(%dma_start3A_74 : memref<200x128xf32, #tpu.memory_space<hbm>>) target_semaphore(%run_scoped3A : memref<!tpu.dma_semaphore, #tpu.memory_space<semaphore_mem>>)
        %dma_wait3A = arith.constant 0 : i32
        %dma_wait3A_77 = tpu.memref_slice %arg4[%arg0, %mul3A_72, %dma_wait3A] : memref<2x10000x128xf32, #tpu.memory_space<hbm>> -> memref<1x200x128xf32, #tpu.memory_space<hbm>>
        %dma_wait3A_78 = tpu.memref_squeeze %dma_wait3A_77 : memref<1x200x128xf32, #tpu.memory_space<hbm>> -> memref<200x128xf32, #tpu.memory_space<hbm>>
        %dma_wait3A_79 = arith.constant 0 : i32
        %dma_wait3A_80 = tpu.memref_slice %arg9[%mul3A_70, %dma_wait3A_79] : memref<10000x128xf32, #tpu.memory_space<vmem_shared>> -> memref<200x128xf32, #tpu.memory_space<vmem_shared>>
        tpu.wait_dma2 semaphore(%run_scoped3A : memref<!tpu.dma_semaphore, #tpu.memory_space<semaphore_mem>>) src(%dma_wait3A_80 : memref<200x128xf32, #tpu.memory_space<vmem_shared>>) dst(%dma_wait3A_78 : memref<200x128xf32, #tpu.memory_space<hbm>>)
        tpu.yield
      }) : () -> ()
    } else {
    }
    %add3A_48 = arith.constant 16 : i32
    %add3A_49 = arith.addi %arg1, %add3A_48 : i32
    %lt3A_50 = arith.constant 50 : i32
    %lt3A_51 = arith.cmpi slt, %add3A_49, %lt3A_50 : i32
    %convert_element_type3A_52 = arith.extui %lt3A_51 : i1 to i32
    %cond3A_53 = arith.constant 0 : i32
    %cond3A_54 = arith.cmpi ne, %convert_element_type3A_52, %cond3A_53 : i32
    scf.if %cond3A_54 {
      %mul3A_69 = arith.constant 200 : i32
      %mul3A_70 = arith.muli %add3A_49, %mul3A_69 : i32
      %mul3A_71 = arith.constant 200 : i32
      %mul3A_72 = arith.muli %add3A_49, %mul3A_71 : i32
      "tpu.region"() ({
        %run_scoped3A = tpu.sem_alloc : memref<!tpu.dma_semaphore, #tpu.memory_space<semaphore_mem>>
        %dma_start3A = arith.constant 0 : i32
        %dma_start3A_73 = tpu.memref_slice %arg4[%arg0, %mul3A_72, %dma_start3A] : memref<2x10000x128xf32, #tpu.memory_space<hbm>> -> memref<1x200x128xf32, #tpu.memory_space<hbm>>
        %dma_start3A_74 = tpu.memref_squeeze %dma_start3A_73 : memref<1x200x128xf32, #tpu.memory_space<hbm>> -> memref<200x128xf32, #tpu.memory_space<hbm>>
        %dma_start3A_75 = arith.constant 0 : i32
        %dma_start3A_76 = tpu.memref_slice %arg9[%mul3A_70, %dma_start3A_75] : memref<10000x128xf32, #tpu.memory_space<vmem_shared>> -> memref<200x128xf32, #tpu.memory_space<vmem_shared>>
        tpu.enqueue_dma source(%dma_start3A_76 : memref<200x128xf32, #tpu.memory_space<vmem_shared>>) target(%dma_start3A_74 : memref<200x128xf32, #tpu.memory_space<hbm>>) target_semaphore(%run_scoped3A : memref<!tpu.dma_semaphore, #tpu.memory_space<semaphore_mem>>)
        %dma_wait3A = arith.constant 0 : i32
        %dma_wait3A_77 = tpu.memref_slice %arg4[%arg0, %mul3A_72, %dma_wait3A] : memref<2x10000x128xf32, #tpu.memory_space<hbm>> -> memref<1x200x128xf32, #tpu.memory_space<hbm>>
        %dma_wait3A_78 = tpu.memref_squeeze %dma_wait3A_77 : memref<1x200x128xf32, #tpu.memory_space<hbm>> -> memref<200x128xf32, #tpu.memory_space<hbm>>
        %dma_wait3A_79 = arith.constant 0 : i32
        %dma_wait3A_80 = tpu.memref_slice %arg9[%mul3A_70, %dma_wait3A_79] : memref<10000x128xf32, #tpu.memory_space<vmem_shared>> -> memref<200x128xf32, #tpu.memory_space<vmem_shared>>
        tpu.wait_dma2 semaphore(%run_scoped3A : memref<!tpu.dma_semaphore, #tpu.memory_space<semaphore_mem>>) src(%dma_wait3A_80 : memref<200x128xf32, #tpu.memory_space<vmem_shared>>) dst(%dma_wait3A_78 : memref<200x128xf32, #tpu.memory_space<hbm>>)
        tpu.yield
      }) : () -> ()
    } else {
    }
    %add3A_55 = arith.constant 32 : i32
    %add3A_56 = arith.addi %arg1, %add3A_55 : i32
    %lt3A_57 = arith.constant 50 : i32
    %lt3A_58 = arith.cmpi slt, %add3A_56, %lt3A_57 : i32
    %convert_element_type3A_59 = arith.extui %lt3A_58 : i1 to i32
    %cond3A_60 = arith.constant 0 : i32
    %cond3A_61 = arith.cmpi ne, %convert_element_type3A_59, %cond3A_60 : i32
    scf.if %cond3A_61 {
      %mul3A_69 = arith.constant 200 : i32
      %mul3A_70 = arith.muli %add3A_56, %mul3A_69 : i32
      %mul3A_71 = arith.constant 200 : i32
      %mul3A_72 = arith.muli %add3A_56, %mul3A_71 : i32
      "tpu.region"() ({
        %run_scoped3A = tpu.sem_alloc : memref<!tpu.dma_semaphore, #tpu.memory_space<semaphore_mem>>
        %dma_start3A = arith.constant 0 : i32
        %dma_start3A_73 = tpu.memref_slice %arg4[%arg0, %mul3A_72, %dma_start3A] : memref<2x10000x128xf32, #tpu.memory_space<hbm>> -> memref<1x200x128xf32, #tpu.memory_space<hbm>>
        %dma_start3A_74 = tpu.memref_squeeze %dma_start3A_73 : memref<1x200x128xf32, #tpu.memory_space<hbm>> -> memref<200x128xf32, #tpu.memory_space<hbm>>
        %dma_start3A_75 = arith.constant 0 : i32
        %dma_start3A_76 = tpu.memref_slice %arg9[%mul3A_70, %dma_start3A_75] : memref<10000x128xf32, #tpu.memory_space<vmem_shared>> -> memref<200x128xf32, #tpu.memory_space<vmem_shared>>
        tpu.enqueue_dma source(%dma_start3A_76 : memref<200x128xf32, #tpu.memory_space<vmem_shared>>) target(%dma_start3A_74 : memref<200x128xf32, #tpu.memory_space<hbm>>) target_semaphore(%run_scoped3A : memref<!tpu.dma_semaphore, #tpu.memory_space<semaphore_mem>>)
        %dma_wait3A = arith.constant 0 : i32
        %dma_wait3A_77 = tpu.memref_slice %arg4[%arg0, %mul3A_72, %dma_wait3A] : memref<2x10000x128xf32, #tpu.memory_space<hbm>> -> memref<1x200x128xf32, #tpu.memory_space<hbm>>
        %dma_wait3A_78 = tpu.memref_squeeze %dma_wait3A_77 : memref<1x200x128xf32, #tpu.memory_space<hbm>> -> memref<200x128xf32, #tpu.memory_space<hbm>>
        %dma_wait3A_79 = arith.constant 0 : i32
        %dma_wait3A_80 = tpu.memref_slice %arg9[%mul3A_70, %dma_wait3A_79] : memref<10000x128xf32, #tpu.memory_space<vmem_shared>> -> memref<200x128xf32, #tpu.memory_space<vmem_shared>>
        tpu.wait_dma2 semaphore(%run_scoped3A : memref<!tpu.dma_semaphore, #tpu.memory_space<semaphore_mem>>) src(%dma_wait3A_80 : memref<200x128xf32, #tpu.memory_space<vmem_shared>>) dst(%dma_wait3A_78 : memref<200x128xf32, #tpu.memory_space<hbm>>)
        tpu.yield
      }) : () -> ()
    } else {
    }
    %add3A_62 = arith.constant 48 : i32
    %add3A_63 = arith.addi %arg1, %add3A_62 : i32
    %lt3A_64 = arith.constant 50 : i32
    %lt3A_65 = arith.cmpi slt, %add3A_63, %lt3A_64 : i32
    %convert_element_type3A_66 = arith.extui %lt3A_65 : i1 to i32
    %cond3A_67 = arith.constant 0 : i32
    %cond3A_68 = arith.cmpi ne, %convert_element_type3A_66, %cond3A_67 : i32
    scf.if %cond3A_68 {
      %mul3A_69 = arith.constant 200 : i32
      %mul3A_70 = arith.muli %add3A_63, %mul3A_69 : i32
      %mul3A_71 = arith.constant 200 : i32
      %mul3A_72 = arith.muli %add3A_63, %mul3A_71 : i32
      "tpu.region"() ({
        %run_scoped3A = tpu.sem_alloc : memref<!tpu.dma_semaphore, #tpu.memory_space<semaphore_mem>>
        %dma_start3A = arith.constant 0 : i32
        %dma_start3A_73 = tpu.memref_slice %arg4[%arg0, %mul3A_72, %dma_start3A] : memref<2x10000x128xf32, #tpu.memory_space<hbm>> -> memref<1x200x128xf32, #tpu.memory_space<hbm>>
        %dma_start3A_74 = tpu.memref_squeeze %dma_start3A_73 : memref<1x200x128xf32, #tpu.memory_space<hbm>> -> memref<200x128xf32, #tpu.memory_space<hbm>>
        %dma_start3A_75 = arith.constant 0 : i32
        %dma_start3A_76 = tpu.memref_slice %arg9[%mul3A_70, %dma_start3A_75] : memref<10000x128xf32, #tpu.memory_space<vmem_shared>> -> memref<200x128xf32, #tpu.memory_space<vmem_shared>>
        tpu.enqueue_dma source(%dma_start3A_76 : memref<200x128xf32, #tpu.memory_space<vmem_shared>>) target(%dma_start3A_74 : memref<200x128xf32, #tpu.memory_space<hbm>>) target_semaphore(%run_scoped3A : memref<!tpu.dma_semaphore, #tpu.memory_space<semaphore_mem>>)
        %dma_wait3A = arith.constant 0 : i32
        %dma_wait3A_77 = tpu.memref_slice %arg4[%arg0, %mul3A_72, %dma_wait3A] : memref<2x10000x128xf32, #tpu.memory_space<hbm>> -> memref<1x200x128xf32, #tpu.memory_space<hbm>>
        %dma_wait3A_78 = tpu.memref_squeeze %dma_wait3A_77 : memref<1x200x128xf32, #tpu.memory_space<hbm>> -> memref<200x128xf32, #tpu.memory_space<hbm>>
        %dma_wait3A_79 = arith.constant 0 : i32
        %dma_wait3A_80 = tpu.memref_slice %arg9[%mul3A_70, %dma_wait3A_79] : memref<10000x128xf32, #tpu.memory_space<vmem_shared>> -> memref<200x128xf32, #tpu.memory_space<vmem_shared>>
        tpu.wait_dma2 semaphore(%run_scoped3A : memref<!tpu.dma_semaphore, #tpu.memory_space<semaphore_mem>>) src(%dma_wait3A_80 : memref<200x128xf32, #tpu.memory_space<vmem_shared>>) dst(%dma_wait3A_78 : memref<200x128xf32, #tpu.memory_space<hbm>>)
        tpu.yield
      }) : () -> ()
    } else {
    }
    return
  }
}

#map = affine_map<(d0, d1) -> (0, 0)>
#map1 = affine_map<(d0, d1) -> (0, 0, 0)>
module attributes {stable_mosaic.version = 14 : i64} {
  func.func @k(%arg0: i32, %arg1: i32, %arg2: memref<64000x128xf32, #tpu.memory_space<hbm>>, %arg3: memref<32x50x40xi32, #tpu.memory_space<hbm>>, %arg4: memref<2x10000x128xf32, #tpu.memory_space<hbm>>, %arg5: memref<50x40xi32, #tpu.memory_space<vmem>>, %arg6: memref<40x128xf32, #tpu.memory_space<vmem>>, %arg7: memref<40x128xf32, #tpu.memory_space<vmem>>, %arg8: memref<200x128xf32, #tpu.memory_space<vmem>>, %arg9: memref<10000x128xf32, #tpu.memory_space<vmem_shared>>, %arg10: memref<!tpu.dma_semaphore, #tpu.memory_space<semaphore_mem>>, %arg11: memref<!tpu.dma_semaphore, #tpu.memory_space<semaphore_mem>>) attributes {dimension_semantics = [#tpu.dimension_semantics<core_parallel>, #tpu.dimension_semantics<subcore_parallel>], iteration_bounds = array<i64: 2, 16>, scalar_prefetch = 0 : i64, scratch_operands = 7 : i64, tpu.core_type = #tpu.core_type<sc_vector_subcore>, window_params = [{transform_indices = #map}, {transform_indices = #map1}, {transform_indices = #map1}]} {
    %mul3A = arith.constant 2 : i32
    %mul3A_0 = arith.muli %arg1, %mul3A : i32
    %add3A = arith.addi %mul3A_0, %arg0 : i32
    %mul3A_1 = arith.constant 2000 : i32
    %mul3A_2 = arith.muli %add3A, %mul3A_1 : i32
    %broadcast_in_dim3A = arith.constant 0.000000e+00 : f32
    %broadcast_in_dim3A_3 = vector.broadcast %broadcast_in_dim3A : f32 to vector<16xf32>
    %scan3A = arith.constant 0 : i32
    %scan3A_4 = arith.constant 0 : i32
    %scan3A_5 = arith.constant 200 : i32
    %scan3A_6 = arith.addi %scan3A_4, %scan3A_5 : i32
    %scan3A_7 = arith.constant 1 : i32
    scf.for %scan3A_69 = %scan3A_4 to %scan3A_6 step %scan3A_7  : i32 {
      %swap3A = arith.index_cast %scan3A_69 : i32 to index
      %swap3A_70 = arith.constant 0 : index
      %swap3A_71 = tpu.vector_load %arg8[%swap3A, %swap3A_70] {strides = array<i32>} : memref<200x128xf32, #tpu.memory_space<vmem>>, vector<1x16xf32>,
      %swap3A_72 = vector.shape_cast %swap3A_71 : vector<1x16xf32> to vector<16xf32>
      %swap3A_73 = vector.shape_cast %broadcast_in_dim3A_3 : vector<16xf32> to vector<1x16xf32>
      tpu.vector_store %arg8[%swap3A, %swap3A_70], %swap3A_73 {strides = array<i32>} : memref<200x128xf32, #tpu.memory_space<vmem>>, vector<1x16xf32>,
      %swap3A_74 = arith.index_cast %scan3A_69 : i32 to index
      %swap3A_75 = arith.constant 16 : index
      %swap3A_76 = tpu.vector_load %arg8[%swap3A_74, %swap3A_75] {strides = array<i32>} : memref<200x128xf32, #tpu.memory_space<vmem>>, vector<1x16xf32>,
      %swap3A_77 = vector.shape_cast %swap3A_76 : vector<1x16xf32> to vector<16xf32>
      %swap3A_78 = vector.shape_cast %broadcast_in_dim3A_3 : vector<16xf32> to vector<1x16xf32>
      tpu.vector_store %arg8[%swap3A_74, %swap3A_75], %swap3A_78 {strides = array<i32>} : memref<200x128xf32, #tpu.memory_space<vmem>>, vector<1x16xf32>,
      %swap3A_79 = arith.index_cast %scan3A_69 : i32 to index
      %swap3A_80 = arith.constant 32 : index
      %swap3A_81 = tpu.vector_load %arg8[%swap3A_79, %swap3A_80] {strides = array<i32>} : memref<200x128xf32, #tpu.memory_space<vmem>>, vector<1x16xf32>,
      %swap3A_82 = vector.shape_cast %swap3A_81 : vector<1x16xf32> to vector<16xf32>
      %swap3A_83 = vector.shape_cast %broadcast_in_dim3A_3 : vector<16xf32> to vector<1x16xf32>
      tpu.vector_store %arg8[%swap3A_79, %swap3A_80], %swap3A_83 {strides = array<i32>} : memref<200x128xf32, #tpu.memory_space<vmem>>, vector<1x16xf32>,
      %swap3A_84 = arith.index_cast %scan3A_69 : i32 to index
      %swap3A_85 = arith.constant 48 : index
      %swap3A_86 = tpu.vector_load %arg8[%swap3A_84, %swap3A_85] {strides = array<i32>} : memref<200x128xf32, #tpu.memory_space<vmem>>, vector<1x16xf32>,
      %swap3A_87 = vector.shape_cast %swap3A_86 : vector<1x16xf32> to vector<16xf32>
      %swap3A_88 = vector.shape_cast %broadcast_in_dim3A_3 : vector<16xf32> to vector<1x16xf32>
      tpu.vector_store %arg8[%swap3A_84, %swap3A_85], %swap3A_88 {strides = array<i32>} : memref<200x128xf32, #tpu.memory_space<vmem>>, vector<1x16xf32>,
      %swap3A_89 = arith.index_cast %scan3A_69 : i32 to index
      %swap3A_90 = arith.constant 64 : index
      %swap3A_91 = tpu.vector_load %arg8[%swap3A_89, %swap3A_90] {strides = array<i32>} : memref<200x128xf32, #tpu.memory_space<vmem>>, vector<1x16xf32>,
      %swap3A_92 = vector.shape_cast %swap3A_91 : vector<1x16xf32> to vector<16xf32>
      %swap3A_93 = vector.shape_cast %broadcast_in_dim3A_3 : vector<16xf32> to vector<1x16xf32>
      tpu.vector_store %arg8[%swap3A_89, %swap3A_90], %swap3A_93 {strides = array<i32>} : memref<200x128xf32, #tpu.memory_space<vmem>>, vector<1x16xf32>,
      %swap3A_94 = arith.index_cast %scan3A_69 : i32 to index
      %swap3A_95 = arith.constant 80 : index
      %swap3A_96 = tpu.vector_load %arg8[%swap3A_94, %swap3A_95] {strides = array<i32>} : memref<200x128xf32, #tpu.memory_space<vmem>>, vector<1x16xf32>,
      %swap3A_97 = vector.shape_cast %swap3A_96 : vector<1x16xf32> to vector<16xf32>
      %swap3A_98 = vector.shape_cast %broadcast_in_dim3A_3 : vector<16xf32> to vector<1x16xf32>
      tpu.vector_store %arg8[%swap3A_94, %swap3A_95], %swap3A_98 {strides = array<i32>} : memref<200x128xf32, #tpu.memory_space<vmem>>, vector<1x16xf32>,
      %swap3A_99 = arith.index_cast %scan3A_69 : i32 to index
      %swap3A_100 = arith.constant 96 : index
      %swap3A_101 = tpu.vector_load %arg8[%swap3A_99, %swap3A_100] {strides = array<i32>} : memref<200x128xf32, #tpu.memory_space<vmem>>, vector<1x16xf32>,
      %swap3A_102 = vector.shape_cast %swap3A_101 : vector<1x16xf32> to vector<16xf32>
      %swap3A_103 = vector.shape_cast %broadcast_in_dim3A_3 : vector<16xf32> to vector<1x16xf32>
      tpu.vector_store %arg8[%swap3A_99, %swap3A_100], %swap3A_103 {strides = array<i32>} : memref<200x128xf32, #tpu.memory_space<vmem>>, vector<1x16xf32>,
      %swap3A_104 = arith.index_cast %scan3A_69 : i32 to index
      %swap3A_105 = arith.constant 112 : index
      %swap3A_106 = tpu.vector_load %arg8[%swap3A_104, %swap3A_105] {strides = array<i32>} : memref<200x128xf32, #tpu.memory_space<vmem>>, vector<1x16xf32>,
      %swap3A_107 = vector.shape_cast %swap3A_106 : vector<1x16xf32> to vector<16xf32>
      %swap3A_108 = vector.shape_cast %broadcast_in_dim3A_3 : vector<16xf32> to vector<1x16xf32>
      tpu.vector_store %arg8[%swap3A_104, %swap3A_105], %swap3A_108 {strides = array<i32>} : memref<200x128xf32, #tpu.memory_space<vmem>>, vector<1x16xf32>,
    }
    %scan3A_8 = arith.constant 200 : i32
    %add3A_9 = arith.constant 0 : i32
    %add3A_10 = arith.addi %arg1, %add3A_9 : i32
    %lt3A = arith.constant 50 : i32
    %lt3A_11 = arith.cmpi slt, %add3A_10, %lt3A : i32
    %convert_element_type3A = arith.extui %lt3A_11 : i1 to i32
    %cond3A = arith.constant 0 : i32
    %cond3A_12 = arith.cmpi ne, %convert_element_type3A, %cond3A : i32
    scf.if %cond3A_12 {
      %mul3A_69 = arith.constant 200 : i32
      %mul3A_70 = arith.muli %add3A_10, %mul3A_69 : i32
      "tpu.region"() ({
        %run_scoped3A = tpu.sem_alloc : memref<!tpu.dma_semaphore, #tpu.memory_space<semaphore_mem>>
        %dma_start3A = arith.constant 0 : i32
        %dma_start3A_71 = tpu.memref_slice %arg9[%mul3A_70, %dma_start3A] : memref<10000x128xf32, #tpu.memory_space<vmem_shared>> -> memref<200x128xf32, #tpu.memory_space<vmem_shared>>
        %dma_start3A_72 = arith.constant 0 : i32
        %dma_start3A_73 = tpu.memref_slice %arg9[%mul3A_70, %dma_start3A_72] : memref<10000x128xf32, #tpu.memory_space<vmem_shared>> -> memref<200x128xf32, #tpu.memory_space<vmem_shared>>
        tpu.enqueue_dma source(%arg8 : memref<200x128xf32, #tpu.memory_space<vmem>>) target(%dma_start3A_73 : memref<200x128xf32, #tpu.memory_space<vmem_shared>>) target_semaphore(%run_scoped3A : memref<!tpu.dma_semaphore, #tpu.memory_space<semaphore_mem>>)
        %dma_wait3A = arith.constant 0 : i32
        %dma_wait3A_74 = tpu.memref_slice %arg9[%mul3A_70, %dma_wait3A] : memref<10000x128xf32, #tpu.memory_space<vmem_shared>> -> memref<200x128xf32, #tpu.memory_space<vmem_shared>>
        %dma_wait3A_75 = arith.constant 0 : i32
        %dma_wait3A_76 = tpu.memref_slice %arg9[%mul3A_70, %dma_wait3A_75] : memref<10000x128xf32, #tpu.memory_space<vmem_shared>> -> memref<200x128xf32, #tpu.memory_space<vmem_shared>>
        tpu.wait_dma2 semaphore(%run_scoped3A : memref<!tpu.dma_semaphore, #tpu.memory_space<semaphore_mem>>) src(%arg8 : memref<200x128xf32, #tpu.memory_space<vmem>>) dst(%dma_wait3A_76 : memref<200x128xf32, #tpu.memory_space<vmem_shared>>)
        tpu.yield
      }) : () -> ()
    } else {
    }
    %add3A_13 = arith.constant 16 : i32
    %add3A_14 = arith.addi %arg1, %add3A_13 : i32
    %lt3A_15 = arith.constant 50 : i32
    %lt3A_16 = arith.cmpi slt, %add3A_14, %lt3A_15 : i32
    %convert_element_type3A_17 = arith.extui %lt3A_16 : i1 to i32
    %cond3A_18 = arith.constant 0 : i32
    %cond3A_19 = arith.cmpi ne, %convert_element_type3A_17, %cond3A_18 : i32
    scf.if %cond3A_19 {
      %mul3A_69 = arith.constant 200 : i32
      %mul3A_70 = arith.muli %add3A_14, %mul3A_69 : i32
      "tpu.region"() ({
        %run_scoped3A = tpu.sem_alloc : memref<!tpu.dma_semaphore, #tpu.memory_space<semaphore_mem>>
        %dma_start3A = arith.constant 0 : i32
        %dma_start3A_71 = tpu.memref_slice %arg9[%mul3A_70, %dma_start3A] : memref<10000x128xf32, #tpu.memory_space<vmem_shared>> -> memref<200x128xf32, #tpu.memory_space<vmem_shared>>
        %dma_start3A_72 = arith.constant 0 : i32
        %dma_start3A_73 = tpu.memref_slice %arg9[%mul3A_70, %dma_start3A_72] : memref<10000x128xf32, #tpu.memory_space<vmem_shared>> -> memref<200x128xf32, #tpu.memory_space<vmem_shared>>
        tpu.enqueue_dma source(%arg8 : memref<200x128xf32, #tpu.memory_space<vmem>>) target(%dma_start3A_73 : memref<200x128xf32, #tpu.memory_space<vmem_shared>>) target_semaphore(%run_scoped3A : memref<!tpu.dma_semaphore, #tpu.memory_space<semaphore_mem>>)
        %dma_wait3A = arith.constant 0 : i32
        %dma_wait3A_74 = tpu.memref_slice %arg9[%mul3A_70, %dma_wait3A] : memref<10000x128xf32, #tpu.memory_space<vmem_shared>> -> memref<200x128xf32, #tpu.memory_space<vmem_shared>>
        %dma_wait3A_75 = arith.constant 0 : i32
        %dma_wait3A_76 = tpu.memref_slice %arg9[%mul3A_70, %dma_wait3A_75] : memref<10000x128xf32, #tpu.memory_space<vmem_shared>> -> memref<200x128xf32, #tpu.memory_space<vmem_shared>>
        tpu.wait_dma2 semaphore(%run_scoped3A : memref<!tpu.dma_semaphore, #tpu.memory_space<semaphore_mem>>) src(%arg8 : memref<200x128xf32, #tpu.memory_space<vmem>>) dst(%dma_wait3A_76 : memref<200x128xf32, #tpu.memory_space<vmem_shared>>)
        tpu.yield
      }) : () -> ()
    } else {
    }
    %add3A_20 = arith.constant 32 : i32
    %add3A_21 = arith.addi %arg1, %add3A_20 : i32
    %lt3A_22 = arith.constant 50 : i32
    %lt3A_23 = arith.cmpi slt, %add3A_21, %lt3A_22 : i32
    %convert_element_type3A_24 = arith.extui %lt3A_23 : i1 to i32
    %cond3A_25 = arith.constant 0 : i32
    %cond3A_26 = arith.cmpi ne, %convert_element_type3A_24, %cond3A_25 : i32
    scf.if %cond3A_26 {
      %mul3A_69 = arith.constant 200 : i32
      %mul3A_70 = arith.muli %add3A_21, %mul3A_69 : i32
      "tpu.region"() ({
        %run_scoped3A = tpu.sem_alloc : memref<!tpu.dma_semaphore, #tpu.memory_space<semaphore_mem>>
        %dma_start3A = arith.constant 0 : i32
        %dma_start3A_71 = tpu.memref_slice %arg9[%mul3A_70, %dma_start3A] : memref<10000x128xf32, #tpu.memory_space<vmem_shared>> -> memref<200x128xf32, #tpu.memory_space<vmem_shared>>
        %dma_start3A_72 = arith.constant 0 : i32
        %dma_start3A_73 = tpu.memref_slice %arg9[%mul3A_70, %dma_start3A_72] : memref<10000x128xf32, #tpu.memory_space<vmem_shared>> -> memref<200x128xf32, #tpu.memory_space<vmem_shared>>
        tpu.enqueue_dma source(%arg8 : memref<200x128xf32, #tpu.memory_space<vmem>>) target(%dma_start3A_73 : memref<200x128xf32, #tpu.memory_space<vmem_shared>>) target_semaphore(%run_scoped3A : memref<!tpu.dma_semaphore, #tpu.memory_space<semaphore_mem>>)
        %dma_wait3A = arith.constant 0 : i32
        %dma_wait3A_74 = tpu.memref_slice %arg9[%mul3A_70, %dma_wait3A] : memref<10000x128xf32, #tpu.memory_space<vmem_shared>> -> memref<200x128xf32, #tpu.memory_space<vmem_shared>>
        %dma_wait3A_75 = arith.constant 0 : i32
        %dma_wait3A_76 = tpu.memref_slice %arg9[%mul3A_70, %dma_wait3A_75] : memref<10000x128xf32, #tpu.memory_space<vmem_shared>> -> memref<200x128xf32, #tpu.memory_space<vmem_shared>>
        tpu.wait_dma2 semaphore(%run_scoped3A : memref<!tpu.dma_semaphore, #tpu.memory_space<semaphore_mem>>) src(%arg8 : memref<200x128xf32, #tpu.memory_space<vmem>>) dst(%dma_wait3A_76 : memref<200x128xf32, #tpu.memory_space<vmem_shared>>)
        tpu.yield
      }) : () -> ()
    } else {
    }
    %add3A_27 = arith.constant 48 : i32
    %add3A_28 = arith.addi %arg1, %add3A_27 : i32
    %lt3A_29 = arith.constant 50 : i32
    %lt3A_30 = arith.cmpi slt, %add3A_28, %lt3A_29 : i32
    %convert_element_type3A_31 = arith.extui %lt3A_30 : i1 to i32
    %cond3A_32 = arith.constant 0 : i32
    %cond3A_33 = arith.cmpi ne, %convert_element_type3A_31, %cond3A_32 : i32
    scf.if %cond3A_33 {
      %mul3A_69 = arith.constant 200 : i32
      %mul3A_70 = arith.muli %add3A_28, %mul3A_69 : i32
      "tpu.region"() ({
        %run_scoped3A = tpu.sem_alloc : memref<!tpu.dma_semaphore, #tpu.memory_space<semaphore_mem>>
        %dma_start3A = arith.constant 0 : i32
        %dma_start3A_71 = tpu.memref_slice %arg9[%mul3A_70, %dma_start3A] : memref<10000x128xf32, #tpu.memory_space<vmem_shared>> -> memref<200x128xf32, #tpu.memory_space<vmem_shared>>
        %dma_start3A_72 = arith.constant 0 : i32
        %dma_start3A_73 = tpu.memref_slice %arg9[%mul3A_70, %dma_start3A_72] : memref<10000x128xf32, #tpu.memory_space<vmem_shared>> -> memref<200x128xf32, #tpu.memory_space<vmem_shared>>
        tpu.enqueue_dma source(%arg8 : memref<200x128xf32, #tpu.memory_space<vmem>>) target(%dma_start3A_73 : memref<200x128xf32, #tpu.memory_space<vmem_shared>>) target_semaphore(%run_scoped3A : memref<!tpu.dma_semaphore, #tpu.memory_space<semaphore_mem>>)
        %dma_wait3A = arith.constant 0 : i32
        %dma_wait3A_74 = tpu.memref_slice %arg9[%mul3A_70, %dma_wait3A] : memref<10000x128xf32, #tpu.memory_space<vmem_shared>> -> memref<200x128xf32, #tpu.memory_space<vmem_shared>>
        %dma_wait3A_75 = arith.constant 0 : i32
        %dma_wait3A_76 = tpu.memref_slice %arg9[%mul3A_70, %dma_wait3A_75] : memref<10000x128xf32, #tpu.memory_space<vmem_shared>> -> memref<200x128xf32, #tpu.memory_space<vmem_shared>>
        tpu.wait_dma2 semaphore(%run_scoped3A : memref<!tpu.dma_semaphore, #tpu.memory_space<semaphore_mem>>) src(%arg8 : memref<200x128xf32, #tpu.memory_space<vmem>>) dst(%dma_wait3A_76 : memref<200x128xf32, #tpu.memory_space<vmem_shared>>)
        tpu.yield
      }) : () -> ()
    } else {
    }
    %barrier3A = arith.constant 0 : index
    tpu.barrier barrier_id(%barrier3A)
    "tpu.region"() ({
      %run_scoped3A = tpu.sem_alloc : memref<!tpu.dma_semaphore, #tpu.memory_space<semaphore_mem>>
      %dma_start3A = arith.constant 0 : i32
      %dma_start3A_69 = arith.constant 0 : i32
      %dma_start3A_70 = tpu.memref_slice %arg3[%add3A, %dma_start3A, %dma_start3A_69] : memref<32x50x40xi32, #tpu.memory_space<hbm>> -> memref<1x50x40xi32, #tpu.memory_space<hbm>>
      %dma_start3A_71 = tpu.memref_squeeze %dma_start3A_70 : memref<1x50x40xi32, #tpu.memory_space<hbm>> -> memref<50x40xi32, #tpu.memory_space<hbm>>
      %dma_start3A_72 = arith.constant 0 : i32
      %dma_start3A_73 = arith.constant 0 : i32
      %dma_start3A_74 = tpu.memref_slice %arg3[%add3A, %dma_start3A_72, %dma_start3A_73] : memref<32x50x40xi32, #tpu.memory_space<hbm>> -> memref<1x50x40xi32, #tpu.memory_space<hbm>>
      %dma_start3A_75 = tpu.memref_squeeze %dma_start3A_74 : memref<1x50x40xi32, #tpu.memory_space<hbm>> -> memref<50x40xi32, #tpu.memory_space<hbm>>
      tpu.enqueue_dma source(%dma_start3A_75 : memref<50x40xi32, #tpu.memory_space<hbm>>) target(%arg5 : memref<50x40xi32, #tpu.memory_space<vmem>>) target_semaphore(%run_scoped3A : memref<!tpu.dma_semaphore, #tpu.memory_space<semaphore_mem>>)
      %dma_wait3A = arith.constant 0 : i32
      %dma_wait3A_76 = arith.constant 0 : i32
      %dma_wait3A_77 = tpu.memref_slice %arg3[%add3A, %dma_wait3A, %dma_wait3A_76] : memref<32x50x40xi32, #tpu.memory_space<hbm>> -> memref<1x50x40xi32, #tpu.memory_space<hbm>>
      %dma_wait3A_78 = tpu.memref_squeeze %dma_wait3A_77 : memref<1x50x40xi32, #tpu.memory_space<hbm>> -> memref<50x40xi32, #tpu.memory_space<hbm>>
      %dma_wait3A_79 = arith.constant 0 : i32
      %dma_wait3A_80 = arith.constant 0 : i32
      %dma_wait3A_81 = tpu.memref_slice %arg3[%add3A, %dma_wait3A_79, %dma_wait3A_80] : memref<32x50x40xi32, #tpu.memory_space<hbm>> -> memref<1x50x40xi32, #tpu.memory_space<hbm>>
      %dma_wait3A_82 = tpu.memref_squeeze %dma_wait3A_81 : memref<1x50x40xi32, #tpu.memory_space<hbm>> -> memref<50x40xi32, #tpu.memory_space<hbm>>
      tpu.wait_dma2 semaphore(%run_scoped3A : memref<!tpu.dma_semaphore, #tpu.memory_space<semaphore_mem>>) src(%dma_wait3A_82 : memref<50x40xi32, #tpu.memory_space<hbm>>) dst(%arg5 : memref<50x40xi32, #tpu.memory_space<vmem>>)
      tpu.yield
    }) : () -> ()
    %scan3A_34 = arith.constant 0 : i32
    %scan3A_35 = arith.constant 0 : i32
    %scan3A_36 = arith.constant 25 : i32
    %scan3A_37 = arith.addi %scan3A_35, %scan3A_36 : i32
    %scan3A_38 = arith.constant 1 : i32
    scf.for %scan3A_69 = %scan3A_35 to %scan3A_37 step %scan3A_38  : i32 {
      %mul3A_70 = arith.constant 2 : i32
      %mul3A_71 = arith.muli %mul3A_70, %scan3A_69 : i32
      %mul3A_72 = arith.constant 2 : i32
      %mul3A_73 = arith.muli %mul3A_72, %scan3A_69 : i32
      %add3A_74 = arith.constant 1 : i32
      %add3A_75 = arith.addi %mul3A_73, %add3A_74 : i32
      %mul3A_76 = arith.constant 40 : i32
      %mul3A_77 = arith.muli %mul3A_71, %mul3A_76 : i32
      %add3A_78 = arith.addi %mul3A_2, %mul3A_77 : i32
      %dma_start3A = arith.constant 0 : i32
      %dma_start3A_79 = tpu.memref_slice %arg2[%add3A_78, %dma_start3A] : memref<64000x128xf32, #tpu.memory_space<hbm>> -> memref<40x128xf32, #tpu.memory_space<hbm>>
      %dma_start3A_80 = arith.constant 0 : i32
      %dma_start3A_81 = tpu.memref_slice %arg2[%add3A_78, %dma_start3A_80] : memref<64000x128xf32, #tpu.memory_space<hbm>> -> memref<40x128xf32, #tpu.memory_space<hbm>>
      tpu.enqueue_dma source(%dma_start3A_81 : memref<40x128xf32, #tpu.memory_space<hbm>>) target(%arg6 : memref<40x128xf32, #tpu.memory_space<vmem>>) target_semaphore(%arg10 : memref<!tpu.dma_semaphore, #tpu.memory_space<semaphore_mem>>)
      %mul3A_82 = arith.constant 40 : i32
      %mul3A_83 = arith.muli %add3A_75, %mul3A_82 : i32
      %add3A_84 = arith.addi %mul3A_2, %mul3A_83 : i32
      %dma_start3A_85 = arith.constant 0 : i32
      %dma_start3A_86 = tpu.memref_slice %arg2[%add3A_84, %dma_start3A_85] : memref<64000x128xf32, #tpu.memory_space<hbm>> -> memref<40x128xf32, #tpu.memory_space<hbm>>
      %dma_start3A_87 = arith.constant 0 : i32
      %dma_start3A_88 = tpu.memref_slice %arg2[%add3A_84, %dma_start3A_87] : memref<64000x128xf32, #tpu.memory_space<hbm>> -> memref<40x128xf32, #tpu.memory_space<hbm>>
      tpu.enqueue_dma source(%dma_start3A_88 : memref<40x128xf32, #tpu.memory_space<hbm>>) target(%arg7 : memref<40x128xf32, #tpu.memory_space<vmem>>) target_semaphore(%arg11 : memref<!tpu.dma_semaphore, #tpu.memory_space<semaphore_mem>>)
      %dma_wait3A = arith.constant 0 : i32
      %dma_wait3A_89 = tpu.memref_slice %arg2[%add3A_78, %dma_wait3A] : memref<64000x128xf32, #tpu.memory_space<hbm>> -> memref<40x128xf32, #tpu.memory_space<hbm>>
      %dma_wait3A_90 = arith.constant 0 : i32
      %dma_wait3A_91 = tpu.memref_slice %arg2[%add3A_78, %dma_wait3A_90] : memref<64000x128xf32, #tpu.memory_space<hbm>> -> memref<40x128xf32, #tpu.memory_space<hbm>>
      tpu.wait_dma2 semaphore(%arg10 : memref<!tpu.dma_semaphore, #tpu.memory_space<semaphore_mem>>) src(%dma_wait3A_91 : memref<40x128xf32, #tpu.memory_space<hbm>>) dst(%arg6 : memref<40x128xf32, #tpu.memory_space<vmem>>)
      "tpu.region"() ({
        %run_scoped3A = tpu.sem_alloc : memref<!tpu.dma_semaphore, #tpu.memory_space<semaphore_mem>>
        %dma_start3A_96 = arith.constant 0 : i32
        %dma_start3A_97 = tpu.memref_slice %arg5[%mul3A_71, %dma_start3A_96] : memref<50x40xi32, #tpu.memory_space<vmem>> -> memref<1x40xi32, #tpu.memory_space<vmem>>
        %dma_start3A_98 = tpu.memref_squeeze %dma_start3A_97 : memref<1x40xi32, #tpu.memory_space<vmem>> -> memref<40xi32, #tpu.memory_space<vmem>>
        %dma_start3A_99 = arith.constant 0 : i32
        %dma_start3A_100 = arith.constant 0 : i32
        %dma_start3A_101 = tpu.memref_slice %arg9[%dma_start3A_99, %dma_start3A_100] : memref<10000x128xf32, #tpu.memory_space<vmem_shared>> -> memref<10000x128xf32, #tpu.memory_space<vmem_shared>>
        tpu.enqueue_indirect_dma source(%arg6 : memref<40x128xf32, #tpu.memory_space<vmem>>) target(%dma_start3A_101 : memref<10000x128xf32, #tpu.memory_space<vmem_shared>>) offsets(%dma_start3A_98 : memref<40xi32, #tpu.memory_space<vmem>>) semaphore(%run_scoped3A : memref<!tpu.dma_semaphore, #tpu.memory_space<semaphore_mem>>) {add = true}
        %dma_wait3A_102 = arith.constant 0 : i32
        %dma_wait3A_103 = tpu.memref_slice %arg5[%mul3A_71, %dma_wait3A_102] : memref<50x40xi32, #tpu.memory_space<vmem>> -> memref<1x40xi32, #tpu.memory_space<vmem>>
        %dma_wait3A_104 = tpu.memref_squeeze %dma_wait3A_103 : memref<1x40xi32, #tpu.memory_space<vmem>> -> memref<40xi32, #tpu.memory_space<vmem>>
        %dma_wait3A_105 = arith.constant 0 : i32
        %dma_wait3A_106 = arith.constant 0 : i32
        %dma_wait3A_107 = tpu.memref_slice %arg9[%dma_wait3A_105, %dma_wait3A_106] : memref<10000x128xf32, #tpu.memory_space<vmem_shared>> -> memref<10000x128xf32, #tpu.memory_space<vmem_shared>>
        tpu.wait_indirect_dma semaphore(%run_scoped3A : memref<!tpu.dma_semaphore, #tpu.memory_space<semaphore_mem>>) src(%arg6 : memref<40x128xf32, #tpu.memory_space<vmem>>) dst(%dma_wait3A_107 : memref<10000x128xf32, #tpu.memory_space<vmem_shared>>)
        tpu.yield
      }) : () -> ()
      %dma_wait3A_92 = arith.constant 0 : i32
      %dma_wait3A_93 = tpu.memref_slice %arg2[%add3A_84, %dma_wait3A_92] : memref<64000x128xf32, #tpu.memory_space<hbm>> -> memref<40x128xf32, #tpu.memory_space<hbm>>
      %dma_wait3A_94 = arith.constant 0 : i32
      %dma_wait3A_95 = tpu.memref_slice %arg2[%add3A_84, %dma_wait3A_94] : memref<64000x128xf32, #tpu.memory_space<hbm>> -> memref<40x128xf32, #tpu.memory_space<hbm>>
      tpu.wait_dma2 semaphore(%arg11 : memref<!tpu.dma_semaphore, #tpu.memory_space<semaphore_mem>>) src(%dma_wait3A_95 : memref<40x128xf32, #tpu.memory_space<hbm>>) dst(%arg7 : memref<40x128xf32, #tpu.memory_space<vmem>>)
      "tpu.region"() ({
        %run_scoped3A = tpu.sem_alloc : memref<!tpu.dma_semaphore, #tpu.memory_space<semaphore_mem>>
        %dma_start3A_96 = arith.constant 0 : i32
        %dma_start3A_97 = tpu.memref_slice %arg5[%add3A_75, %dma_start3A_96] : memref<50x40xi32, #tpu.memory_space<vmem>> -> memref<1x40xi32, #tpu.memory_space<vmem>>
        %dma_start3A_98 = tpu.memref_squeeze %dma_start3A_97 : memref<1x40xi32, #tpu.memory_space<vmem>> -> memref<40xi32, #tpu.memory_space<vmem>>
        %dma_start3A_99 = arith.constant 0 : i32
        %dma_start3A_100 = arith.constant 0 : i32
        %dma_start3A_101 = tpu.memref_slice %arg9[%dma_start3A_99, %dma_start3A_100] : memref<10000x128xf32, #tpu.memory_space<vmem_shared>> -> memref<10000x128xf32, #tpu.memory_space<vmem_shared>>
        tpu.enqueue_indirect_dma source(%arg7 : memref<40x128xf32, #tpu.memory_space<vmem>>) target(%dma_start3A_101 : memref<10000x128xf32, #tpu.memory_space<vmem_shared>>) offsets(%dma_start3A_98 : memref<40xi32, #tpu.memory_space<vmem>>) semaphore(%run_scoped3A : memref<!tpu.dma_semaphore, #tpu.memory_space<semaphore_mem>>) {add = true}
        %dma_wait3A_102 = arith.constant 0 : i32
        %dma_wait3A_103 = tpu.memref_slice %arg5[%add3A_75, %dma_wait3A_102] : memref<50x40xi32, #tpu.memory_space<vmem>> -> memref<1x40xi32, #tpu.memory_space<vmem>>
        %dma_wait3A_104 = tpu.memref_squeeze %dma_wait3A_103 : memref<1x40xi32, #tpu.memory_space<vmem>> -> memref<40xi32, #tpu.memory_space<vmem>>
        %dma_wait3A_105 = arith.constant 0 : i32
        %dma_wait3A_106 = arith.constant 0 : i32
        %dma_wait3A_107 = tpu.memref_slice %arg9[%dma_wait3A_105, %dma_wait3A_106] : memref<10000x128xf32, #tpu.memory_space<vmem_shared>> -> memref<10000x128xf32, #tpu.memory_space<vmem_shared>>
        tpu.wait_indirect_dma semaphore(%run_scoped3A : memref<!tpu.dma_semaphore, #tpu.memory_space<semaphore_mem>>) src(%arg7 : memref<40x128xf32, #tpu.memory_space<vmem>>) dst(%dma_wait3A_107 : memref<10000x128xf32, #tpu.memory_space<vmem_shared>>)
        tpu.yield
      }) : () -> ()
    }
    %scan3A_39 = arith.constant 25 : i32
    %barrier3A_40 = arith.constant 0 : index
    tpu.barrier barrier_id(%barrier3A_40)
    %add3A_41 = arith.constant 0 : i32
    %add3A_42 = arith.addi %arg1, %add3A_41 : i32
    %lt3A_43 = arith.constant 50 : i32
    %lt3A_44 = arith.cmpi slt, %add3A_42, %lt3A_43 : i32
    %convert_element_type3A_45 = arith.extui %lt3A_44 : i1 to i32
    %cond3A_46 = arith.constant 0 : i32
    %cond3A_47 = arith.cmpi ne, %convert_element_type3A_45, %cond3A_46 : i32
    scf.if %cond3A_47 {
      %mul3A_69 = arith.constant 200 : i32
      %mul3A_70 = arith.muli %add3A_42, %mul3A_69 : i32
      %mul3A_71 = arith.constant 200 : i32
      %mul3A_72 = arith.muli %add3A_42, %mul3A_71 : i32
      "tpu.region"() ({
        %run_scoped3A = tpu.sem_alloc : memref<!tpu.dma_semaphore, #tpu.memory_space<semaphore_mem>>
        %dma_start3A = arith.constant 0 : i32
        %dma_start3A_73 = tpu.memref_slice %arg4[%arg0, %mul3A_72, %dma_start3A] : memref<2x10000x128xf32, #tpu.memory_space<hbm>> -> memref<1x200x128xf32, #tpu.memory_space<hbm>>
        %dma_start3A_74 = tpu.memref_squeeze %dma_start3A_73 : memref<1x200x128xf32, #tpu.memory_space<hbm>> -> memref<200x128xf32, #tpu.memory_space<hbm>>
        %dma_start3A_75 = arith.constant 0 : i32
        %dma_start3A_76 = tpu.memref_slice %arg9[%mul3A_70, %dma_start3A_75] : memref<10000x128xf32, #tpu.memory_space<vmem_shared>> -> memref<200x128xf32, #tpu.memory_space<vmem_shared>>
        tpu.enqueue_dma source(%dma_start3A_76 : memref<200x128xf32, #tpu.memory_space<vmem_shared>>) target(%dma_start3A_74 : memref<200x128xf32, #tpu.memory_space<hbm>>) target_semaphore(%run_scoped3A : memref<!tpu.dma_semaphore, #tpu.memory_space<semaphore_mem>>)
        %dma_wait3A = arith.constant 0 : i32
        %dma_wait3A_77 = tpu.memref_slice %arg4[%arg0, %mul3A_72, %dma_wait3A] : memref<2x10000x128xf32, #tpu.memory_space<hbm>> -> memref<1x200x128xf32, #tpu.memory_space<hbm>>
        %dma_wait3A_78 = tpu.memref_squeeze %dma_wait3A_77 : memref<1x200x128xf32, #tpu.memory_space<hbm>> -> memref<200x128xf32, #tpu.memory_space<hbm>>
        %dma_wait3A_79 = arith.constant 0 : i32
        %dma_wait3A_80 = tpu.memref_slice %arg9[%mul3A_70, %dma_wait3A_79] : memref<10000x128xf32, #tpu.memory_space<vmem_shared>> -> memref<200x128xf32, #tpu.memory_space<vmem_shared>>
        tpu.wait_dma2 semaphore(%run_scoped3A : memref<!tpu.dma_semaphore, #tpu.memory_space<semaphore_mem>>) src(%dma_wait3A_80 : memref<200x128xf32, #tpu.memory_space<vmem_shared>>) dst(%dma_wait3A_78 : memref<200x128xf32, #tpu.memory_space<hbm>>)
        tpu.yield
      }) : () -> ()
    } else {
    }
    %add3A_48 = arith.constant 16 : i32
    %add3A_49 = arith.addi %arg1, %add3A_48 : i32
    %lt3A_50 = arith.constant 50 : i32
    %lt3A_51 = arith.cmpi slt, %add3A_49, %lt3A_50 : i32
    %convert_element_type3A_52 = arith.extui %lt3A_51 : i1 to i32
    %cond3A_53 = arith.constant 0 : i32
    %cond3A_54 = arith.cmpi ne, %convert_element_type3A_52, %cond3A_53 : i32
    scf.if %cond3A_54 {
      %mul3A_69 = arith.constant 200 : i32
      %mul3A_70 = arith.muli %add3A_49, %mul3A_69 : i32
      %mul3A_71 = arith.constant 200 : i32
      %mul3A_72 = arith.muli %add3A_49, %mul3A_71 : i32
      "tpu.region"() ({
        %run_scoped3A = tpu.sem_alloc : memref<!tpu.dma_semaphore, #tpu.memory_space<semaphore_mem>>
        %dma_start3A = arith.constant 0 : i32
        %dma_start3A_73 = tpu.memref_slice %arg4[%arg0, %mul3A_72, %dma_start3A] : memref<2x10000x128xf32, #tpu.memory_space<hbm>> -> memref<1x200x128xf32, #tpu.memory_space<hbm>>
        %dma_start3A_74 = tpu.memref_squeeze %dma_start3A_73 : memref<1x200x128xf32, #tpu.memory_space<hbm>> -> memref<200x128xf32, #tpu.memory_space<hbm>>
        %dma_start3A_75 = arith.constant 0 : i32
        %dma_start3A_76 = tpu.memref_slice %arg9[%mul3A_70, %dma_start3A_75] : memref<10000x128xf32, #tpu.memory_space<vmem_shared>> -> memref<200x128xf32, #tpu.memory_space<vmem_shared>>
        tpu.enqueue_dma source(%dma_start3A_76 : memref<200x128xf32, #tpu.memory_space<vmem_shared>>) target(%dma_start3A_74 : memref<200x128xf32, #tpu.memory_space<hbm>>) target_semaphore(%run_scoped3A : memref<!tpu.dma_semaphore, #tpu.memory_space<semaphore_mem>>)
        %dma_wait3A = arith.constant 0 : i32
        %dma_wait3A_77 = tpu.memref_slice %arg4[%arg0, %mul3A_72, %dma_wait3A] : memref<2x10000x128xf32, #tpu.memory_space<hbm>> -> memref<1x200x128xf32, #tpu.memory_space<hbm>>
        %dma_wait3A_78 = tpu.memref_squeeze %dma_wait3A_77 : memref<1x200x128xf32, #tpu.memory_space<hbm>> -> memref<200x128xf32, #tpu.memory_space<hbm>>
        %dma_wait3A_79 = arith.constant 0 : i32
        %dma_wait3A_80 = tpu.memref_slice %arg9[%mul3A_70, %dma_wait3A_79] : memref<10000x128xf32, #tpu.memory_space<vmem_shared>> -> memref<200x128xf32, #tpu.memory_space<vmem_shared>>
        tpu.wait_dma2 semaphore(%run_scoped3A : memref<!tpu.dma_semaphore, #tpu.memory_space<semaphore_mem>>) src(%dma_wait3A_80 : memref<200x128xf32, #tpu.memory_space<vmem_shared>>) dst(%dma_wait3A_78 : memref<200x128xf32, #tpu.memory_space<hbm>>)
        tpu.yield
      }) : () -> ()
    } else {
    }
    %add3A_55 = arith.constant 32 : i32
    %add3A_56 = arith.addi %arg1, %add3A_55 : i32
    %lt3A_57 = arith.constant 50 : i32
    %lt3A_58 = arith.cmpi slt, %add3A_56, %lt3A_57 : i32
    %convert_element_type3A_59 = arith.extui %lt3A_58 : i1 to i32
    %cond3A_60 = arith.constant 0 : i32
    %cond3A_61 = arith.cmpi ne, %convert_element_type3A_59, %cond3A_60 : i32
    scf.if %cond3A_61 {
      %mul3A_69 = arith.constant 200 : i32
      %mul3A_70 = arith.muli %add3A_56, %mul3A_69 : i32
      %mul3A_71 = arith.constant 200 : i32
      %mul3A_72 = arith.muli %add3A_56, %mul3A_71 : i32
      "tpu.region"() ({
        %run_scoped3A = tpu.sem_alloc : memref<!tpu.dma_semaphore, #tpu.memory_space<semaphore_mem>>
        %dma_start3A = arith.constant 0 : i32
        %dma_start3A_73 = tpu.memref_slice %arg4[%arg0, %mul3A_72, %dma_start3A] : memref<2x10000x128xf32, #tpu.memory_space<hbm>> -> memref<1x200x128xf32, #tpu.memory_space<hbm>>
        %dma_start3A_74 = tpu.memref_squeeze %dma_start3A_73 : memref<1x200x128xf32, #tpu.memory_space<hbm>> -> memref<200x128xf32, #tpu.memory_space<hbm>>
        %dma_start3A_75 = arith.constant 0 : i32
        %dma_start3A_76 = tpu.memref_slice %arg9[%mul3A_70, %dma_start3A_75] : memref<10000x128xf32, #tpu.memory_space<vmem_shared>> -> memref<200x128xf32, #tpu.memory_space<vmem_shared>>
        tpu.enqueue_dma source(%dma_start3A_76 : memref<200x128xf32, #tpu.memory_space<vmem_shared>>) target(%dma_start3A_74 : memref<200x128xf32, #tpu.memory_space<hbm>>) target_semaphore(%run_scoped3A : memref<!tpu.dma_semaphore, #tpu.memory_space<semaphore_mem>>)
        %dma_wait3A = arith.constant 0 : i32
        %dma_wait3A_77 = tpu.memref_slice %arg4[%arg0, %mul3A_72, %dma_wait3A] : memref<2x10000x128xf32, #tpu.memory_space<hbm>> -> memref<1x200x128xf32, #tpu.memory_space<hbm>>
        %dma_wait3A_78 = tpu.memref_squeeze %dma_wait3A_77 : memref<1x200x128xf32, #tpu.memory_space<hbm>> -> memref<200x128xf32, #tpu.memory_space<hbm>>
        %dma_wait3A_79 = arith.constant 0 : i32
        %dma_wait3A_80 = tpu.memref_slice %arg9[%mul3A_70, %dma_wait3A_79] : memref<10000x128xf32, #tpu.memory_space<vmem_shared>> -> memref<200x128xf32, #tpu.memory_space<vmem_shared>>
        tpu.wait_dma2 semaphore(%run_scoped3A : memref<!tpu.dma_semaphore, #tpu.memory_space<semaphore_mem>>) src(%dma_wait3A_80 : memref<200x128xf32, #tpu.memory_space<vmem_shared>>) dst(%dma_wait3A_78 : memref<200x128xf32, #tpu.memory_space<hbm>>)
        tpu.yield
      }) : () -> ()
    } else {
    }
    %add3A_62 = arith.constant 48 : i32
    %add3A_63 = arith.addi %arg1, %add3A_62 : i32
    %lt3A_64 = arith.constant 50 : i32
    %lt3A_65 = arith.cmpi slt, %add3A_63, %lt3A_64 : i32
    %convert_element_type3A_66 = arith.extui %lt3A_65 : i1 to i32
    %cond3A_67 = arith.constant 0 : i32
    %cond3A_68 = arith.cmpi ne, %convert_element_type3A_66, %cond3A_67 : i32
    scf.if %cond3A_68 {
      %mul3A_69 = arith.constant 200 : i32
      %mul3A_70 = arith.muli %add3A_63, %mul3A_69 : i32
      %mul3A_71 = arith.constant 200 : i32
      %mul3A_72 = arith.muli %add3A_63, %mul3A_71 : i32
      "tpu.region"() ({
        %run_scoped3A = tpu.sem_alloc : memref<!tpu.dma_semaphore, #tpu.memory_space<semaphore_mem>>
        %dma_start3A = arith.constant 0 : i32
        %dma_start3A_73 = tpu.memref_slice %arg4[%arg0, %mul3A_72, %dma_start3A] : memref<2x10000x128xf32, #tpu.memory_space<hbm>> -> memref<1x200x128xf32, #tpu.memory_space<hbm>>
        %dma_start3A_74 = tpu.memref_squeeze %dma_start3A_73 : memref<1x200x128xf32, #tpu.memory_space<hbm>> -> memref<200x128xf32, #tpu.memory_space<hbm>>
        %dma_start3A_75 = arith.constant 0 : i32
        %dma_start3A_76 = tpu.memref_slice %arg9[%mul3A_70, %dma_start3A_75] : memref<10000x128xf32, #tpu.memory_space<vmem_shared>> -> memref<200x128xf32, #tpu.memory_space<vmem_shared>>
        tpu.enqueue_dma source(%dma_start3A_76 : memref<200x128xf32, #tpu.memory_space<vmem_shared>>) target(%dma_start3A_74 : memref<200x128xf32, #tpu.memory_space<hbm>>) target_semaphore(%run_scoped3A : memref<!tpu.dma_semaphore, #tpu.memory_space<semaphore_mem>>)
        %dma_wait3A = arith.constant 0 : i32
        %dma_wait3A_77 = tpu.memref_slice %arg4[%arg0, %mul3A_72, %dma_wait3A] : memref<2x10000x128xf32, #tpu.memory_space<hbm>> -> memref<1x200x128xf32, #tpu.memory_space<hbm>>
        %dma_wait3A_78 = tpu.memref_squeeze %dma_wait3A_77 : memref<1x200x128xf32, #tpu.memory_space<hbm>> -> memref<200x128xf32, #tpu.memory_space<hbm>>
        %dma_wait3A_79 = arith.constant 0 : i32
        %dma_wait3A_80 = tpu.memref_slice %arg9[%mul3A_70, %dma_wait3A_79] : memref<10000x128xf32, #tpu.memory_space<vmem_shared>> -> memref<200x128xf32, #tpu.memory_space<vmem_shared>>
        tpu.wait_dma2 semaphore(%run_scoped3A : memref<!tpu.dma_semaphore, #tpu.memory_space<semaphore_mem>>) src(%dma_wait3A_80 : memref<200x128xf32, #tpu.memory_space<vmem_shared>>) dst(%dma_wait3A_78 : memref<200x128xf32, #tpu.memory_space<hbm>>)
        tpu.yield
      }) : () -> ()
    } else {
    }
    return
  }
}

module attributes {stable_mosaic.version = 14 : i64} {
  func.func @_prep_body(%arg0: i32, %arg1: memref<1000x128xf32, #tpu.memory_space<vmem>>, %arg2: memref<128x128xf32, #tpu.memory_space<vmem>>, %arg3: memref<1x128xf32, #tpu.memory_space<vmem>>, %arg4: memref<128x128xf32, #tpu.memory_space<vmem>>, %arg5: memref<1x128xf32, #tpu.memory_space<vmem>>, %arg6: memref<128x128xf32, #tpu.memory_space<vmem>>, %arg7: memref<128x128xf32, #tpu.memory_space<vmem>>, %arg8: memref<1000x128xf32, #tpu.memory_space<vmem>>, %arg9: memref<1000x128xf32, #tpu.memory_space<vmem>>, %arg10: memref<1000x64xi32, #tpu.memory_space<vmem>>, %arg11: memref<1000x64xi32, #tpu.memory_space<vmem>>) attributes {dimension_semantics = [#tpu.dimension_semantics<arbitrary>], iteration_bounds = array<i64: 10>, scalar_prefetch = 0 : i64, scratch_operands = 0 : i64, tpu.core_type = #tpu.core_type<tc>, window_params = [{transform_indices = @transform_0, window_bounds = array<i64: 1000, 128>}, {pipeline_mode = #tpu.pipeline_mode<synchronous>, transform_indices = @transform_1, window_bounds = array<i64: 128, 128>}, {pipeline_mode = #tpu.pipeline_mode<synchronous>, transform_indices = @transform_2, window_bounds = array<i64: 1, 128>}, {pipeline_mode = #tpu.pipeline_mode<synchronous>, transform_indices = @transform_3, window_bounds = array<i64: 128, 128>}, {pipeline_mode = #tpu.pipeline_mode<synchronous>, transform_indices = @transform_4, window_bounds = array<i64: 1, 128>}, {pipeline_mode = #tpu.pipeline_mode<synchronous>, transform_indices = @transform_5, window_bounds = array<i64: 128, 128>}, {pipeline_mode = #tpu.pipeline_mode<synchronous>, transform_indices = @transform_6, window_bounds = array<i64: 128, 128>}, {transform_indices = @transform_7, window_bounds = array<i64: 1000, 128>}, {transform_indices = @transform_8, window_bounds = array<i64: 1000, 128>}, {transform_indices = @transform_9, window_bounds = array<i64: 1000, 64>}, {transform_indices = @transform_10, window_bounds = array<i64: 1000, 64>}]} {
    %get3A = arith.constant 0 : index
    %get3A_0 = arith.constant 0 : index
    %get3A_1 = vector.load %arg1[%get3A, %get3A_0] : memref<1000x128xf32, #tpu.memory_space<vmem>>, vector<1000x128xf32>
    %get3A_2 = arith.constant 0 : index
    %get3A_3 = arith.constant 0 : index
    %get3A_4 = vector.load %arg2[%get3A_2, %get3A_3] : memref<128x128xf32, #tpu.memory_space<vmem>>, vector<128x128xf32>
    %dot_general3A = arith.constant dense<0.000000e+00> : vector<1000x128xf32>
    %dot_general3A_5 = tpu.matmul %get3A_1, %get3A_4, %dot_general3A {dimension_numbers = #tpu.dot_dimension_numbers<[1], [0], [0], [1], [0, 0, 1, 1], [], []>, transpose_lhs_hint = false} : vector<1000x128xf32>, vector<128x128xf32>, vector<1000x128xf32> -> vector<1000x128xf32>
    %get3A_6 = arith.constant 0 : index
    %get3A_7 = arith.constant 0 : index
    %get3A_8 = vector.load %arg3[%get3A_6, %get3A_7] : memref<1x128xf32, #tpu.memory_space<vmem>>, vector<1x128xf32>
    %add3A = vector.broadcast %get3A_8 : vector<1x128xf32> to vector<1000x128xf32>
    %add3A_9 = arith.addf %dot_general3A_5, %add3A : vector<1000x128xf32>
    %get3A_10 = arith.constant 0 : index
    %get3A_11 = arith.constant 0 : index
    %get3A_12 = vector.load %arg4[%get3A_10, %get3A_11] : memref<128x128xf32, #tpu.memory_space<vmem>>, vector<128x128xf32>
    %dot_general3A_13 = arith.constant dense<0.000000e+00> : vector<1000x128xf32>
    %dot_general3A_14 = tpu.matmul %add3A_9, %get3A_12, %dot_general3A_13 {dimension_numbers = #tpu.dot_dimension_numbers<[1], [0], [0], [1], [0, 0, 1, 1], [], []>, transpose_lhs_hint = false} : vector<1000x128xf32>, vector<128x128xf32>, vector<1000x128xf32> -> vector<1000x128xf32>
    %get3A_15 = arith.constant 0 : index
    %get3A_16 = arith.constant 0 : index
    %get3A_17 = vector.load %arg5[%get3A_15, %get3A_16] : memref<1x128xf32, #tpu.memory_space<vmem>>, vector<1x128xf32>
    %add3A_18 = vector.broadcast %get3A_17 : vector<1x128xf32> to vector<1000x128xf32>
    %add3A_19 = arith.addf %dot_general3A_14, %add3A_18 : vector<1000x128xf32>
    %swap3A = arith.constant 0 : index
    %swap3A_20 = arith.constant 0 : index
    %swap3A_21 = vector.load %arg8[%swap3A, %swap3A_20] : memref<1000x128xf32, #tpu.memory_space<vmem>>, vector<1000x128xf32>
    tpu.vector_store %arg8[%swap3A, %swap3A_20], %add3A_9 {strides = array<i32>} : memref<1000x128xf32, #tpu.memory_space<vmem>>, vector<1000x128xf32>,
    %swap3A_22 = arith.constant 0 : index
    %swap3A_23 = arith.constant 0 : index
    %swap3A_24 = vector.load %arg9[%swap3A_22, %swap3A_23] : memref<1000x128xf32, #tpu.memory_space<vmem>>, vector<1000x128xf32>
    tpu.vector_store %arg9[%swap3A_22, %swap3A_23], %add3A_19 {strides = array<i32>} : memref<1000x128xf32, #tpu.memory_space<vmem>>, vector<1000x128xf32>,
    %get3A_25 = arith.constant 0 : index
    %get3A_26 = arith.constant 0 : index
    %get3A_27 = vector.load %arg6[%get3A_25, %get3A_26] : memref<128x128xf32, #tpu.memory_space<vmem>>, vector<128x128xf32>
    %dot_general3A_28 = arith.constant dense<0.000000e+00> : vector<1000x128xf32>
    %dot_general3A_29 = tpu.matmul %add3A_19, %get3A_27, %dot_general3A_28 {dimension_numbers = #tpu.dot_dimension_numbers<[1], [0], [0], [1], [0, 0, 1, 1], [], []>, transpose_lhs_hint = false} : vector<1000x128xf32>, vector<128x128xf32>, vector<1000x128xf32> -> vector<1000x128xf32>
    %get3A_30 = arith.constant 0 : index
    %get3A_31 = arith.constant 0 : index
    %get3A_32 = vector.load %arg7[%get3A_30, %get3A_31] : memref<128x128xf32, #tpu.memory_space<vmem>>, vector<128x128xf32>
    %dot_general3A_33 = arith.constant dense<0.000000e+00> : vector<1000x128xf32>
    %dot_general3A_34 = tpu.matmul %add3A_19, %get3A_32, %dot_general3A_33 {dimension_numbers = #tpu.dot_dimension_numbers<[1], [0], [0], [1], [0, 0, 1, 1], [], []>, transpose_lhs_hint = false} : vector<1000x128xf32>, vector<128x128xf32>, vector<1000x128xf32> -> vector<1000x128xf32>
    %convert_element_type3A = arith.truncf %dot_general3A_29 : vector<1000x128xf32> to vector<1000x128xbf16>
    %convert_element_type3A_35 = arith.extf %convert_element_type3A : vector<1000x128xbf16> to vector<1000x128xf32>
    %bitcast_convert_type3A = tpu.bitcast %convert_element_type3A_35 : vector<1000x128xf32> -> vector<1000x128xi32>
    %slice3A = vector.extract_strided_slice %bitcast_convert_type3A {offsets = [0, 0], sizes = [1000, 64], strides = [1, 1]} : vector<1000x128xi32> to vector<1000x64xi32>
    %shift_right_logical3A = arith.constant 16 : i32
    %shift_right_logical3A_36 = vector.broadcast %shift_right_logical3A : i32 to vector<1000x64xi32>
    %shift_right_logical3A_37 = arith.shrui %slice3A, %shift_right_logical3A_36 : vector<1000x64xi32>
    %slice3A_38 = vector.extract_strided_slice %bitcast_convert_type3A {offsets = [0, 64], sizes = [1000, 64], strides = [1, 1]} : vector<1000x128xi32> to vector<1000x64xi32>
    %and3A = arith.constant -65536 : i32
    %and3A_39 = vector.broadcast %and3A : i32 to vector<1000x64xi32>
    %and3A_40 = arith.andi %slice3A_38, %and3A_39 : vector<1000x64xi32>
    %or3A = arith.ori %shift_right_logical3A_37, %and3A_40 : vector<1000x64xi32>
    %swap3A_41 = arith.constant 0 : index
    %swap3A_42 = arith.constant 0 : index
    %swap3A_43 = vector.load %arg10[%swap3A_41, %swap3A_42] : memref<1000x64xi32, #tpu.memory_space<vmem>>, vector<1000x64xi32>
    tpu.vector_store %arg10[%swap3A_41, %swap3A_42], %or3A {strides = array<i32>} : memref<1000x64xi32, #tpu.memory_space<vmem>>, vector<1000x64xi32>,
    %convert_element_type3A_44 = arith.truncf %dot_general3A_34 : vector<1000x128xf32> to vector<1000x128xbf16>
    %convert_element_type3A_45 = arith.extf %convert_element_type3A_44 : vector<1000x128xbf16> to vector<1000x128xf32>
    %bitcast_convert_type3A_46 = tpu.bitcast %convert_element_type3A_45 : vector<1000x128xf32> -> vector<1000x128xi32>
    %slice3A_47 = vector.extract_strided_slice %bitcast_convert_type3A_46 {offsets = [0, 0], sizes = [1000, 64], strides = [1, 1]} : vector<1000x128xi32> to vector<1000x64xi32>
    %shift_right_logical3A_48 = arith.constant 16 : i32
    %shift_right_logical3A_49 = vector.broadcast %shift_right_logical3A_48 : i32 to vector<1000x64xi32>
    %shift_right_logical3A_50 = arith.shrui %slice3A_47, %shift_right_logical3A_49 : vector<1000x64xi32>
    %slice3A_51 = vector.extract_strided_slice %bitcast_convert_type3A_46 {offsets = [0, 64], sizes = [1000, 64], strides = [1, 1]} : vector<1000x128xi32> to vector<1000x64xi32>
    %and3A_52 = arith.constant -65536 : i32
    %and3A_53 = vector.broadcast %and3A_52 : i32 to vector<1000x64xi32>
    %and3A_54 = arith.andi %slice3A_51, %and3A_53 : vector<1000x64xi32>
    %or3A_55 = arith.ori %shift_right_logical3A_50, %and3A_54 : vector<1000x64xi32>
    %swap3A_56 = arith.constant 0 : index
    %swap3A_57 = arith.constant 0 : index
    %swap3A_58 = vector.load %arg11[%swap3A_56, %swap3A_57] : memref<1000x64xi32, #tpu.memory_space<vmem>>, vector<1000x64xi32>
    tpu.vector_store %arg11[%swap3A_56, %swap3A_57], %or3A_55 {strides = array<i32>} : memref<1000x64xi32, #tpu.memory_space<vmem>>, vector<1000x64xi32>,
    return
  }
  func.func @transform_0(%arg0: i32) -> (i32, i32) {
    %c0_i32 = arith.constant 0 : i32
    %c0_i32_0 = arith.constant 0 : i32
    return %arg0, %c0_i32 : i32, i32
  }
  func.func @transform_1(%arg0: i32) -> (i32, i32) {
    %c0_i32 = arith.constant 0 : i32
    %c0_i32_0 = arith.constant 0 : i32
    %c0_i32_1 = arith.constant 0 : i32
    return %c0_i32, %c0_i32_0 : i32, i32
  }
  func.func @transform_2(%arg0: i32) -> (i32, i32) {
    %c0_i32 = arith.constant 0 : i32
    %c0_i32_0 = arith.constant 0 : i32
    %c0_i32_1 = arith.constant 0 : i32
    return %c0_i32, %c0_i32_0 : i32, i32
  }
  func.func @transform_3(%arg0: i32) -> (i32, i32) {
    %c0_i32 = arith.constant 0 : i32
    %c0_i32_0 = arith.constant 0 : i32
    %c0_i32_1 = arith.constant 0 : i32
    return %c0_i32, %c0_i32_0 : i32, i32
  }
  func.func @transform_4(%arg0: i32) -> (i32, i32) {
    %c0_i32 = arith.constant 0 : i32
    %c0_i32_0 = arith.constant 0 : i32
    %c0_i32_1 = arith.constant 0 : i32
    return %c0_i32, %c0_i32_0 : i32, i32
  }
  func.func @transform_5(%arg0: i32) -> (i32, i32) {
    %c0_i32 = arith.constant 0 : i32
    %c0_i32_0 = arith.constant 0 : i32
    %c0_i32_1 = arith.constant 0 : i32
    return %c0_i32, %c0_i32_0 : i32, i32
  }
  func.func @transform_6(%arg0: i32) -> (i32, i32) {
    %c0_i32 = arith.constant 0 : i32
    %c0_i32_0 = arith.constant 0 : i32
    %c0_i32_1 = arith.constant 0 : i32
    return %c0_i32, %c0_i32_0 : i32, i32
  }
  func.func @transform_7(%arg0: i32) -> (i32, i32) {
    %c0_i32 = arith.constant 0 : i32
    %c0_i32_0 = arith.constant 0 : i32
    return %arg0, %c0_i32 : i32, i32
  }
  func.func @transform_8(%arg0: i32) -> (i32, i32) {
    %c0_i32 = arith.constant 0 : i32
    %c0_i32_0 = arith.constant 0 : i32
    return %arg0, %c0_i32 : i32, i32
  }
  func.func @transform_9(%arg0: i32) -> (i32, i32) {
    %c0_i32 = arith.constant 0 : i32
    %c0_i32_0 = arith.constant 0 : i32
    return %arg0, %c0_i32 : i32, i32
  }
  func.func @transform_10(%arg0: i32) -> (i32, i32) {
    %c0_i32 = arith.constant 0 : i32
    %c0_i32_0 = arith.constant 0 : i32
    return %arg0, %c0_i32 : i32, i32
  }
}

module attributes {stable_mosaic.version = 14 : i64} {
  func.func @_emlp_body(%arg0: i32, %arg1: memref<3200x128xi32, #tpu.memory_space<vmem>>, %arg2: memref<1x3200xf32, #tpu.memory_space<vmem>>, %arg3: memref<4x3200xf32, #tpu.memory_space<vmem>>, %arg4: memref<1x128xf32, #tpu.memory_space<vmem>>, %arg5: memref<4x128xf32, #tpu.memory_space<vmem>>, %arg6: memref<1x128xf32, #tpu.memory_space<vmem>>, %arg7: memref<128x128xbf16, #tpu.memory_space<vmem>>, %arg8: memref<1x128xf32, #tpu.memory_space<vmem>>, %arg9: memref<3200x128xf32, #tpu.memory_space<vmem>>) attributes {dimension_semantics = [#tpu.dimension_semantics<arbitrary>], iteration_bounds = array<i64: 40>, scalar_prefetch = 0 : i64, scratch_operands = 0 : i64, tpu.core_type = #tpu.core_type<tc>, window_params = [{transform_indices = @transform_0, window_bounds = array<i64: 3200, 128>}, {transform_indices = @transform_1, window_bounds = array<i64: 1, 3200>}, {transform_indices = @transform_2, window_bounds = array<i64: 4, 3200>}, {pipeline_mode = #tpu.pipeline_mode<synchronous>, transform_indices = @transform_3, window_bounds = array<i64: 1, 128>}, {pipeline_mode = #tpu.pipeline_mode<synchronous>, transform_indices = @transform_4, window_bounds = array<i64: 4, 128>}, {pipeline_mode = #tpu.pipeline_mode<synchronous>, transform_indices = @transform_5, window_bounds = array<i64: 1, 128>}, {pipeline_mode = #tpu.pipeline_mode<synchronous>, transform_indices = @transform_6, window_bounds = array<i64: 128, 128>}, {pipeline_mode = #tpu.pipeline_mode<synchronous>, transform_indices = @transform_7, window_bounds = array<i64: 1, 128>}, {transform_indices = @transform_8, window_bounds = array<i64: 3200, 128>}]} {
    %get3A = arith.constant 0 : index
    %get3A_0 = arith.constant 0 : index
    %get3A_1 = vector.load %arg1[%get3A, %get3A_0] : memref<3200x128xi32, #tpu.memory_space<vmem>>, vector<3200x128xi32>
    %shift_left3A = arith.constant 16 : i32
    %shift_left3A_2 = vector.broadcast %shift_left3A : i32 to vector<3200x128xi32>
    %shift_left3A_3 = arith.shli %get3A_1, %shift_left3A_2 : vector<3200x128xi32>
    %bitcast_convert_type3A = tpu.bitcast %shift_left3A_3 : vector<3200x128xi32> -> vector<3200x128xf32>
    %and3A = arith.constant -65536 : i32
    %and3A_4 = vector.broadcast %and3A : i32 to vector<3200x128xi32>
    %and3A_5 = arith.andi %get3A_1, %and3A_4 : vector<3200x128xi32>
    %bitcast_convert_type3A_6 = tpu.bitcast %and3A_5 : vector<3200x128xi32> -> vector<3200x128xf32>
    %slice3A = vector.extract_strided_slice %bitcast_convert_type3A {offsets = [0, 0], sizes = [3200, 64], strides = [1, 1]} : vector<3200x128xf32> to vector<3200x64xf32>
    %slice3A_7 = vector.extract_strided_slice %bitcast_convert_type3A {offsets = [0, 64], sizes = [3200, 64], strides = [1, 1]} : vector<3200x128xf32> to vector<3200x64xf32>
    %add3A = arith.addf %slice3A, %slice3A_7 : vector<3200x64xf32>
    %slice3A_8 = vector.extract_strided_slice %bitcast_convert_type3A_6 {offsets = [0, 0], sizes = [3200, 64], strides = [1, 1]} : vector<3200x128xf32> to vector<3200x64xf32>
    %slice3A_9 = vector.extract_strided_slice %bitcast_convert_type3A_6 {offsets = [0, 64], sizes = [3200, 64], strides = [1, 1]} : vector<3200x128xf32> to vector<3200x64xf32>
    %add3A_10 = arith.addf %slice3A_8, %slice3A_9 : vector<3200x64xf32>
    %concatenate3A = tpu.concatenate %add3A, %add3A_10 in 1 : vector<3200x64xf32>, vector<3200x64xf32> -> vector<3200x128xf32>
    %get3A_11 = arith.constant 0 : index
    %get3A_12 = arith.constant 0 : index
    %get3A_13 = vector.load %arg2[%get3A_11, %get3A_12] : memref<1x3200xf32, #tpu.memory_space<vmem>>, vector<1x3200xf32>
    %get3A_14 = arith.constant 0 : index
    %get3A_15 = arith.constant 0 : index
    %get3A_16 = vector.load %arg4[%get3A_14, %get3A_15] : memref<1x128xf32, #tpu.memory_space<vmem>>, vector<1x128xf32>
    %dot_general3A = arith.constant dense<0.000000e+00> : vector<3200x128xf32>
    %dot_general3A_17 = tpu.matmul %get3A_13, %get3A_16, %dot_general3A {dimension_numbers = #tpu.dot_dimension_numbers<[0], [0], [1], [1], [0, 1, 1, 1], [], []>, transpose_lhs_hint = false} : vector<1x3200xf32>, vector<1x128xf32>, vector<3200x128xf32> -> vector<3200x128xf32>
    %add3A_18 = arith.addf %concatenate3A, %dot_general3A_17 : vector<3200x128xf32>
    %get3A_19 = arith.constant 0 : index
    %get3A_20 = arith.constant 0 : index
    %get3A_21 = vector.load %arg3[%get3A_19, %get3A_20] : memref<4x3200xf32, #tpu.memory_space<vmem>>, vector<4x3200xf32>
    %get3A_22 = arith.constant 0 : index
    %get3A_23 = arith.constant 0 : index
    %get3A_24 = vector.load %arg5[%get3A_22, %get3A_23] : memref<4x128xf32, #tpu.memory_space<vmem>>, vector<4x128xf32>
    %dot_general3A_25 = arith.constant dense<0.000000e+00> : vector<3200x128xf32>
    %dot_general3A_26 = tpu.matmul %get3A_21, %get3A_24, %dot_general3A_25 {dimension_numbers = #tpu.dot_dimension_numbers<[0], [0], [1], [1], [0, 1, 1, 1], [], []>, transpose_lhs_hint = false} : vector<4x3200xf32>, vector<4x128xf32>, vector<3200x128xf32> -> vector<3200x128xf32>
    %add3A_27 = arith.addf %add3A_18, %dot_general3A_26 : vector<3200x128xf32>
    %get3A_28 = arith.constant 0 : index
    %get3A_29 = arith.constant 0 : index
    %get3A_30 = vector.load %arg6[%get3A_28, %get3A_29] : memref<1x128xf32, #tpu.memory_space<vmem>>, vector<1x128xf32>
    %add3A_31 = vector.broadcast %get3A_30 : vector<1x128xf32> to vector<3200x128xf32>
    %add3A_32 = arith.addf %add3A_27, %add3A_31 : vector<3200x128xf32>
    %max3A = arith.constant 0.000000e+00 : f32
    %max3A_33 = vector.broadcast %max3A : f32 to vector<3200x128xf32>
    %max3A_34 = arith.maximumf %add3A_32, %max3A_33 : vector<3200x128xf32>
    %abs3A = math.absf %add3A_32 : vector<3200x128xf32>
    %neg3A = arith.constant 0.000000e+00 : f32
    %neg3A_35 = vector.broadcast %neg3A : f32 to vector<3200x128xf32>
    %neg3A_36 = arith.subf %neg3A_35, %abs3A : vector<3200x128xf32>
    %exp3A = math.exp %neg3A_36 : vector<3200x128xf32>
    %log1p3A = math.log1p %exp3A : vector<3200x128xf32>
    %add3A_37 = arith.addf %max3A_34, %log1p3A : vector<3200x128xf32>
    %sub3A = arith.constant 0.693147182 : f32
    %sub3A_38 = vector.broadcast %sub3A : f32 to vector<3200x128xf32>
    %sub3A_39 = arith.subf %add3A_37, %sub3A_38 : vector<3200x128xf32>
    %convert_element_type3A = arith.truncf %sub3A_39 : vector<3200x128xf32> to vector<3200x128xbf16>
    %get3A_40 = arith.constant 0 : index
    %get3A_41 = arith.constant 0 : index
    %get3A_42 = vector.load %arg7[%get3A_40, %get3A_41] : memref<128x128xbf16, #tpu.memory_space<vmem>>, vector<128x128xbf16>
    %dot_general3A_43 = arith.constant dense<0.000000e+00> : vector<3200x128xf32>
    %dot_general3A_44 = tpu.matmul %convert_element_type3A, %get3A_42, %dot_general3A_43 {dimension_numbers = #tpu.dot_dimension_numbers<[1], [0], [0], [1], [0, 0, 1, 1], [], []>, transpose_lhs_hint = false} : vector<3200x128xbf16>, vector<128x128xbf16>, vector<3200x128xf32> -> vector<3200x128xf32>
    %get3A_45 = arith.constant 0 : index
    %get3A_46 = arith.constant 0 : index
    %get3A_47 = vector.load %arg8[%get3A_45, %get3A_46] : memref<1x128xf32, #tpu.memory_space<vmem>>, vector<1x128xf32>
    %add3A_48 = vector.broadcast %get3A_47 : vector<1x128xf32> to vector<3200x128xf32>
    %add3A_49 = arith.addf %dot_general3A_44, %add3A_48 : vector<3200x128xf32>
    %max3A_50 = arith.constant 0.000000e+00 : f32
    %max3A_51 = vector.broadcast %max3A_50 : f32 to vector<3200x128xf32>
    %max3A_52 = arith.maximumf %add3A_49, %max3A_51 : vector<3200x128xf32>
    %abs3A_53 = math.absf %add3A_49 : vector<3200x128xf32>
    %neg3A_54 = arith.constant 0.000000e+00 : f32
    %neg3A_55 = vector.broadcast %neg3A_54 : f32 to vector<3200x128xf32>
    %neg3A_56 = arith.subf %neg3A_55, %abs3A_53 : vector<3200x128xf32>
    %exp3A_57 = math.exp %neg3A_56 : vector<3200x128xf32>
    %log1p3A_58 = math.log1p %exp3A_57 : vector<3200x128xf32>
    %add3A_59 = arith.addf %max3A_52, %log1p3A_58 : vector<3200x128xf32>
    %sub3A_60 = arith.constant 0.693147182 : f32
    %sub3A_61 = vector.broadcast %sub3A_60 : f32 to vector<3200x128xf32>
    %sub3A_62 = arith.subf %add3A_59, %sub3A_61 : vector<3200x128xf32>
    %swap3A = arith.constant 0 : index
    %swap3A_63 = arith.constant 0 : index
    %swap3A_64 = vector.load %arg9[%swap3A, %swap3A_63] : memref<3200x128xf32, #tpu.memory_space<vmem>>, vector<3200x128xf32>
    tpu.vector_store %arg9[%swap3A, %swap3A_63], %sub3A_62 {strides = array<i32>} : memref<3200x128xf32, #tpu.memory_space<vmem>>, vector<3200x128xf32>,
    return
  }
  func.func @transform_0(%arg0: i32) -> (i32, i32) {
    %c0_i32 = arith.constant 0 : i32
    %c0_i32_0 = arith.constant 0 : i32
    return %arg0, %c0_i32 : i32, i32
  }
  func.func @transform_1(%arg0: i32) -> (i32, i32) {
    %c0_i32 = arith.constant 0 : i32
    %c0_i32_0 = arith.constant 0 : i32
    return %c0_i32, %arg0 : i32, i32
  }
  func.func @transform_2(%arg0: i32) -> (i32, i32) {
    %c0_i32 = arith.constant 0 : i32
    %c0_i32_0 = arith.constant 0 : i32
    return %c0_i32, %arg0 : i32, i32
  }
  func.func @transform_3(%arg0: i32) -> (i32, i32) {
    %c0_i32 = arith.constant 0 : i32
    %c0_i32_0 = arith.constant 0 : i32
    %c0_i32_1 = arith.constant 0 : i32
    return %c0_i32, %c0_i32_0 : i32, i32
  }
  func.func @transform_4(%arg0: i32) -> (i32, i32) {
    %c0_i32 = arith.constant 0 : i32
    %c0_i32_0 = arith.constant 0 : i32
    %c0_i32_1 = arith.constant 0 : i32
    return %c0_i32, %c0_i32_0 : i32, i32
  }
  func.func @transform_5(%arg0: i32) -> (i32, i32) {
    %c0_i32 = arith.constant 0 : i32
    %c0_i32_0 = arith.constant 0 : i32
    %c0_i32_1 = arith.constant 0 : i32
    return %c0_i32, %c0_i32_0 : i32, i32
  }
  func.func @transform_6(%arg0: i32) -> (i32, i32) {
    %c0_i32 = arith.constant 0 : i32
    %c0_i32_0 = arith.constant 0 : i32
    %c0_i32_1 = arith.constant 0 : i32
    return %c0_i32, %c0_i32_0 : i32, i32
  }
  func.func @transform_7(%arg0: i32) -> (i32, i32) {
    %c0_i32 = arith.constant 0 : i32
    %c0_i32_0 = arith.constant 0 : i32
    %c0_i32_1 = arith.constant 0 : i32
    return %c0_i32, %c0_i32_0 : i32, i32
  }
  func.func @transform_8(%arg0: i32) -> (i32, i32) {
    %c0_i32 = arith.constant 0 : i32
    %c0_i32_0 = arith.constant 0 : i32
    return %arg0, %c0_i32 : i32, i32
  }
}

module attributes {stable_mosaic.version = 14 : i64} {
  func.func @_emlp_body(%arg0: i32, %arg1: memref<3200x128xi32, #tpu.memory_space<vmem>>, %arg2: memref<1x3200xf32, #tpu.memory_space<vmem>>, %arg3: memref<4x3200xf32, #tpu.memory_space<vmem>>, %arg4: memref<1x128xf32, #tpu.memory_space<vmem>>, %arg5: memref<4x128xf32, #tpu.memory_space<vmem>>, %arg6: memref<1x128xf32, #tpu.memory_space<vmem>>, %arg7: memref<128x128xbf16, #tpu.memory_space<vmem>>, %arg8: memref<1x128xf32, #tpu.memory_space<vmem>>, %arg9: memref<3200x128xf32, #tpu.memory_space<vmem>>) attributes {dimension_semantics = [#tpu.dimension_semantics<arbitrary>], iteration_bounds = array<i64: 20>, scalar_prefetch = 0 : i64, scratch_operands = 0 : i64, tpu.core_type = #tpu.core_type<tc>, window_params = [{transform_indices = @transform_0, window_bounds = array<i64: 3200, 128>}, {transform_indices = @transform_1, window_bounds = array<i64: 1, 3200>}, {transform_indices = @transform_2, window_bounds = array<i64: 4, 3200>}, {pipeline_mode = #tpu.pipeline_mode<synchronous>, transform_indices = @transform_3, window_bounds = array<i64: 1, 128>}, {pipeline_mode = #tpu.pipeline_mode<synchronous>, transform_indices = @transform_4, window_bounds = array<i64: 4, 128>}, {pipeline_mode = #tpu.pipeline_mode<synchronous>, transform_indices = @transform_5, window_bounds = array<i64: 1, 128>}, {pipeline_mode = #tpu.pipeline_mode<synchronous>, transform_indices = @transform_6, window_bounds = array<i64: 128, 128>}, {pipeline_mode = #tpu.pipeline_mode<synchronous>, transform_indices = @transform_7, window_bounds = array<i64: 1, 128>}, {transform_indices = @transform_8, window_bounds = array<i64: 3200, 128>}]} {
    %get3A = arith.constant 0 : index
    %get3A_0 = arith.constant 0 : index
    %get3A_1 = vector.load %arg1[%get3A, %get3A_0] : memref<3200x128xi32, #tpu.memory_space<vmem>>, vector<3200x128xi32>
    %shift_left3A = arith.constant 16 : i32
    %shift_left3A_2 = vector.broadcast %shift_left3A : i32 to vector<3200x128xi32>
    %shift_left3A_3 = arith.shli %get3A_1, %shift_left3A_2 : vector<3200x128xi32>
    %bitcast_convert_type3A = tpu.bitcast %shift_left3A_3 : vector<3200x128xi32> -> vector<3200x128xf32>
    %and3A = arith.constant -65536 : i32
    %and3A_4 = vector.broadcast %and3A : i32 to vector<3200x128xi32>
    %and3A_5 = arith.andi %get3A_1, %and3A_4 : vector<3200x128xi32>
    %bitcast_convert_type3A_6 = tpu.bitcast %and3A_5 : vector<3200x128xi32> -> vector<3200x128xf32>
    %slice3A = vector.extract_strided_slice %bitcast_convert_type3A {offsets = [0, 0], sizes = [3200, 64], strides = [1, 1]} : vector<3200x128xf32> to vector<3200x64xf32>
    %slice3A_7 = vector.extract_strided_slice %bitcast_convert_type3A {offsets = [0, 64], sizes = [3200, 64], strides = [1, 1]} : vector<3200x128xf32> to vector<3200x64xf32>
    %add3A = arith.addf %slice3A, %slice3A_7 : vector<3200x64xf32>
    %slice3A_8 = vector.extract_strided_slice %bitcast_convert_type3A_6 {offsets = [0, 0], sizes = [3200, 64], strides = [1, 1]} : vector<3200x128xf32> to vector<3200x64xf32>
    %slice3A_9 = vector.extract_strided_slice %bitcast_convert_type3A_6 {offsets = [0, 64], sizes = [3200, 64], strides = [1, 1]} : vector<3200x128xf32> to vector<3200x64xf32>
    %add3A_10 = arith.addf %slice3A_8, %slice3A_9 : vector<3200x64xf32>
    %concatenate3A = tpu.concatenate %add3A, %add3A_10 in 1 : vector<3200x64xf32>, vector<3200x64xf32> -> vector<3200x128xf32>
    %get3A_11 = arith.constant 0 : index
    %get3A_12 = arith.constant 0 : index
    %get3A_13 = vector.load %arg2[%get3A_11, %get3A_12] : memref<1x3200xf32, #tpu.memory_space<vmem>>, vector<1x3200xf32>
    %get3A_14 = arith.constant 0 : index
    %get3A_15 = arith.constant 0 : index
    %get3A_16 = vector.load %arg4[%get3A_14, %get3A_15] : memref<1x128xf32, #tpu.memory_space<vmem>>, vector<1x128xf32>
    %dot_general3A = arith.constant dense<0.000000e+00> : vector<3200x128xf32>
    %dot_general3A_17 = tpu.matmul %get3A_13, %get3A_16, %dot_general3A {dimension_numbers = #tpu.dot_dimension_numbers<[0], [0], [1], [1], [0, 1, 1, 1], [], []>, transpose_lhs_hint = false} : vector<1x3200xf32>, vector<1x128xf32>, vector<3200x128xf32> -> vector<3200x128xf32>
    %add3A_18 = arith.addf %concatenate3A, %dot_general3A_17 : vector<3200x128xf32>
    %get3A_19 = arith.constant 0 : index
    %get3A_20 = arith.constant 0 : index
    %get3A_21 = vector.load %arg3[%get3A_19, %get3A_20] : memref<4x3200xf32, #tpu.memory_space<vmem>>, vector<4x3200xf32>
    %get3A_22 = arith.constant 0 : index
    %get3A_23 = arith.constant 0 : index
    %get3A_24 = vector.load %arg5[%get3A_22, %get3A_23] : memref<4x128xf32, #tpu.memory_space<vmem>>, vector<4x128xf32>
    %dot_general3A_25 = arith.constant dense<0.000000e+00> : vector<3200x128xf32>
    %dot_general3A_26 = tpu.matmul %get3A_21, %get3A_24, %dot_general3A_25 {dimension_numbers = #tpu.dot_dimension_numbers<[0], [0], [1], [1], [0, 1, 1, 1], [], []>, transpose_lhs_hint = false} : vector<4x3200xf32>, vector<4x128xf32>, vector<3200x128xf32> -> vector<3200x128xf32>
    %add3A_27 = arith.addf %add3A_18, %dot_general3A_26 : vector<3200x128xf32>
    %get3A_28 = arith.constant 0 : index
    %get3A_29 = arith.constant 0 : index
    %get3A_30 = vector.load %arg6[%get3A_28, %get3A_29] : memref<1x128xf32, #tpu.memory_space<vmem>>, vector<1x128xf32>
    %add3A_31 = vector.broadcast %get3A_30 : vector<1x128xf32> to vector<3200x128xf32>
    %add3A_32 = arith.addf %add3A_27, %add3A_31 : vector<3200x128xf32>
    %max3A = arith.constant 0.000000e+00 : f32
    %max3A_33 = vector.broadcast %max3A : f32 to vector<3200x128xf32>
    %max3A_34 = arith.maximumf %add3A_32, %max3A_33 : vector<3200x128xf32>
    %abs3A = math.absf %add3A_32 : vector<3200x128xf32>
    %neg3A = arith.constant 0.000000e+00 : f32
    %neg3A_35 = vector.broadcast %neg3A : f32 to vector<3200x128xf32>
    %neg3A_36 = arith.subf %neg3A_35, %abs3A : vector<3200x128xf32>
    %exp3A = math.exp %neg3A_36 : vector<3200x128xf32>
    %log1p3A = math.log1p %exp3A : vector<3200x128xf32>
    %add3A_37 = arith.addf %max3A_34, %log1p3A : vector<3200x128xf32>
    %sub3A = arith.constant 0.693147182 : f32
    %sub3A_38 = vector.broadcast %sub3A : f32 to vector<3200x128xf32>
    %sub3A_39 = arith.subf %add3A_37, %sub3A_38 : vector<3200x128xf32>
    %convert_element_type3A = arith.truncf %sub3A_39 : vector<3200x128xf32> to vector<3200x128xbf16>
    %get3A_40 = arith.constant 0 : index
    %get3A_41 = arith.constant 0 : index
    %get3A_42 = vector.load %arg7[%get3A_40, %get3A_41] : memref<128x128xbf16, #tpu.memory_space<vmem>>, vector<128x128xbf16>
    %dot_general3A_43 = arith.constant dense<0.000000e+00> : vector<3200x128xf32>
    %dot_general3A_44 = tpu.matmul %convert_element_type3A, %get3A_42, %dot_general3A_43 {dimension_numbers = #tpu.dot_dimension_numbers<[1], [0], [0], [1], [0, 0, 1, 1], [], []>, transpose_lhs_hint = false} : vector<3200x128xbf16>, vector<128x128xbf16>, vector<3200x128xf32> -> vector<3200x128xf32>
    %get3A_45 = arith.constant 0 : index
    %get3A_46 = arith.constant 0 : index
    %get3A_47 = vector.load %arg8[%get3A_45, %get3A_46] : memref<1x128xf32, #tpu.memory_space<vmem>>, vector<1x128xf32>
    %add3A_48 = vector.broadcast %get3A_47 : vector<1x128xf32> to vector<3200x128xf32>
    %add3A_49 = arith.addf %dot_general3A_44, %add3A_48 : vector<3200x128xf32>
    %max3A_50 = arith.constant 0.000000e+00 : f32
    %max3A_51 = vector.broadcast %max3A_50 : f32 to vector<3200x128xf32>
    %max3A_52 = arith.maximumf %add3A_49, %max3A_51 : vector<3200x128xf32>
    %abs3A_53 = math.absf %add3A_49 : vector<3200x128xf32>
    %neg3A_54 = arith.constant 0.000000e+00 : f32
    %neg3A_55 = vector.broadcast %neg3A_54 : f32 to vector<3200x128xf32>
    %neg3A_56 = arith.subf %neg3A_55, %abs3A_53 : vector<3200x128xf32>
    %exp3A_57 = math.exp %neg3A_56 : vector<3200x128xf32>
    %log1p3A_58 = math.log1p %exp3A_57 : vector<3200x128xf32>
    %add3A_59 = arith.addf %max3A_52, %log1p3A_58 : vector<3200x128xf32>
    %sub3A_60 = arith.constant 0.693147182 : f32
    %sub3A_61 = vector.broadcast %sub3A_60 : f32 to vector<3200x128xf32>
    %sub3A_62 = arith.subf %add3A_59, %sub3A_61 : vector<3200x128xf32>
    %swap3A = arith.constant 0 : index
    %swap3A_63 = arith.constant 0 : index
    %swap3A_64 = vector.load %arg9[%swap3A, %swap3A_63] : memref<3200x128xf32, #tpu.memory_space<vmem>>, vector<3200x128xf32>
    tpu.vector_store %arg9[%swap3A, %swap3A_63], %sub3A_62 {strides = array<i32>} : memref<3200x128xf32, #tpu.memory_space<vmem>>, vector<3200x128xf32>,
    return
  }
  func.func @transform_0(%arg0: i32) -> (i32, i32) {
    %c0_i32 = arith.constant 0 : i32
    %c0_i32_0 = arith.constant 0 : i32
    return %arg0, %c0_i32 : i32, i32
  }
  func.func @transform_1(%arg0: i32) -> (i32, i32) {
    %c0_i32 = arith.constant 0 : i32
    %c0_i32_0 = arith.constant 0 : i32
    return %c0_i32, %arg0 : i32, i32
  }
  func.func @transform_2(%arg0: i32) -> (i32, i32) {
    %c0_i32 = arith.constant 0 : i32
    %c0_i32_0 = arith.constant 0 : i32
    return %c0_i32, %arg0 : i32, i32
  }
  func.func @transform_3(%arg0: i32) -> (i32, i32) {
    %c0_i32 = arith.constant 0 : i32
    %c0_i32_0 = arith.constant 0 : i32
    %c0_i32_1 = arith.constant 0 : i32
    return %c0_i32, %c0_i32_0 : i32, i32
  }
  func.func @transform_4(%arg0: i32) -> (i32, i32) {
    %c0_i32 = arith.constant 0 : i32
    %c0_i32_0 = arith.constant 0 : i32
    %c0_i32_1 = arith.constant 0 : i32
    return %c0_i32, %c0_i32_0 : i32, i32
  }
  func.func @transform_5(%arg0: i32) -> (i32, i32) {
    %c0_i32 = arith.constant 0 : i32
    %c0_i32_0 = arith.constant 0 : i32
    %c0_i32_1 = arith.constant 0 : i32
    return %c0_i32, %c0_i32_0 : i32, i32
  }
  func.func @transform_6(%arg0: i32) -> (i32, i32) {
    %c0_i32 = arith.constant 0 : i32
    %c0_i32_0 = arith.constant 0 : i32
    %c0_i32_1 = arith.constant 0 : i32
    return %c0_i32, %c0_i32_0 : i32, i32
  }
  func.func @transform_7(%arg0: i32) -> (i32, i32) {
    %c0_i32 = arith.constant 0 : i32
    %c0_i32_0 = arith.constant 0 : i32
    %c0_i32_1 = arith.constant 0 : i32
    return %c0_i32, %c0_i32_0 : i32, i32
  }
  func.func @transform_8(%arg0: i32) -> (i32, i32) {
    %c0_i32 = arith.constant 0 : i32
    %c0_i32_0 = arith.constant 0 : i32
    return %arg0, %c0_i32 : i32, i32
  }
}

module attributes {stable_mosaic.version = 14 : i64} {
  func.func @_node_body(%arg0: i32, %arg1: memref<1000x128xf32, #tpu.memory_space<vmem>>, %arg2: memref<1000x128xf32, #tpu.memory_space<vmem>>, %arg3: memref<2x1000x128xf32, #tpu.memory_space<vmem>>, %arg4: memref<2x1000x128xf32, #tpu.memory_space<vmem>>, %arg5: memref<2x1000x128xf32, #tpu.memory_space<vmem>>, %arg6: memref<128x128xf32, #tpu.memory_space<vmem>>, %arg7: memref<128x128xf32, #tpu.memory_space<vmem>>, %arg8: memref<1x128xf32, #tpu.memory_space<vmem>>, %arg9: memref<128x128xf32, #tpu.memory_space<vmem>>, %arg10: memref<1x128xf32, #tpu.memory_space<vmem>>, %arg11: memref<128x128xf32, #tpu.memory_space<vmem>>, %arg12: memref<1x128xf32, #tpu.memory_space<vmem>>, %arg13: memref<2x1000x128xf32, #tpu.memory_space<vmem>>) attributes {dimension_semantics = [#tpu.dimension_semantics<arbitrary>], iteration_bounds = array<i64: 10>, scalar_prefetch = 0 : i64, scratch_operands = 0 : i64, tpu.core_type = #tpu.core_type<tc>, window_params = [{transform_indices = @transform_0, window_bounds = array<i64: 1000, 128>}, {transform_indices = @transform_1, window_bounds = array<i64: 1000, 128>}, {transform_indices = @transform_2, window_bounds = array<i64: 2, 1000, 128>}, {transform_indices = @transform_3, window_bounds = array<i64: 2, 1000, 128>}, {transform_indices = @transform_4, window_bounds = array<i64: 2, 1000, 128>}, {pipeline_mode = #tpu.pipeline_mode<synchronous>, transform_indices = @transform_5, window_bounds = array<i64: 128, 128>}, {pipeline_mode = #tpu.pipeline_mode<synchronous>, transform_indices = @transform_6, window_bounds = array<i64: 128, 128>}, {pipeline_mode = #tpu.pipeline_mode<synchronous>, transform_indices = @transform_7, window_bounds = array<i64: 1, 128>}, {pipeline_mode = #tpu.pipeline_mode<synchronous>, transform_indices = @transform_8, window_bounds = array<i64: 128, 128>}, {pipeline_mode = #tpu.pipeline_mode<synchronous>, transform_indices = @transform_9, window_bounds = array<i64: 1, 128>}, {pipeline_mode = #tpu.pipeline_mode<synchronous>, transform_indices = @transform_10, window_bounds = array<i64: 128, 128>}, {pipeline_mode = #tpu.pipeline_mode<synchronous>, transform_indices = @transform_11, window_bounds = array<i64: 1, 128>}, {transform_indices = @transform_12, window_bounds = array<i64: 2, 1000, 128>}]} {
    %get3A = arith.constant 0 : index
    %get3A_0 = arith.constant 0 : index
    %get3A_1 = arith.constant 0 : index
    %get3A_2 = vector.load %arg3[%get3A, %get3A_0, %get3A_1] : memref<2x1000x128xf32, #tpu.memory_space<vmem>>, vector<1x1000x128xf32>
    %get3A_3 = vector.shape_cast %get3A_2 : vector<1x1000x128xf32> to vector<1000x128xf32>
    %get3A_4 = arith.constant 1 : index
    %get3A_5 = arith.constant 0 : index
    %get3A_6 = arith.constant 0 : index
    %get3A_7 = vector.load %arg3[%get3A_4, %get3A_5, %get3A_6] : memref<2x1000x128xf32, #tpu.memory_space<vmem>>, vector<1x1000x128xf32>
    %get3A_8 = vector.shape_cast %get3A_7 : vector<1x1000x128xf32> to vector<1000x128xf32>
    %add3A = arith.addf %get3A_3, %get3A_8 : vector<1000x128xf32>
    %get3A_9 = arith.constant 0 : index
    %get3A_10 = arith.constant 0 : index
    %get3A_11 = arith.constant 0 : index
    %get3A_12 = vector.load %arg4[%get3A_9, %get3A_10, %get3A_11] : memref<2x1000x128xf32, #tpu.memory_space<vmem>>, vector<1x1000x128xf32>
    %get3A_13 = vector.shape_cast %get3A_12 : vector<1x1000x128xf32> to vector<1000x128xf32>
    %add3A_14 = arith.addf %add3A, %get3A_13 : vector<1000x128xf32>
    %get3A_15 = arith.constant 1 : index
    %get3A_16 = arith.constant 0 : index
    %get3A_17 = arith.constant 0 : index
    %get3A_18 = vector.load %arg4[%get3A_15, %get3A_16, %get3A_17] : memref<2x1000x128xf32, #tpu.memory_space<vmem>>, vector<1x1000x128xf32>
    %get3A_19 = vector.shape_cast %get3A_18 : vector<1x1000x128xf32> to vector<1000x128xf32>
    %add3A_20 = arith.addf %add3A_14, %get3A_19 : vector<1000x128xf32>
    %get3A_21 = arith.constant 0 : index
    %get3A_22 = arith.constant 0 : index
    %get3A_23 = arith.constant 0 : index
    %get3A_24 = vector.load %arg5[%get3A_21, %get3A_22, %get3A_23] : memref<2x1000x128xf32, #tpu.memory_space<vmem>>, vector<1x1000x128xf32>
    %get3A_25 = vector.shape_cast %get3A_24 : vector<1x1000x128xf32> to vector<1000x128xf32>
    %add3A_26 = arith.addf %add3A_20, %get3A_25 : vector<1000x128xf32>
    %get3A_27 = arith.constant 1 : index
    %get3A_28 = arith.constant 0 : index
    %get3A_29 = arith.constant 0 : index
    %get3A_30 = vector.load %arg5[%get3A_27, %get3A_28, %get3A_29] : memref<2x1000x128xf32, #tpu.memory_space<vmem>>, vector<1x1000x128xf32>
    %get3A_31 = vector.shape_cast %get3A_30 : vector<1x1000x128xf32> to vector<1000x128xf32>
    %add3A_32 = arith.addf %add3A_26, %get3A_31 : vector<1000x128xf32>
    %get3A_33 = arith.constant 0 : index
    %get3A_34 = arith.constant 0 : index
    %get3A_35 = vector.load %arg2[%get3A_33, %get3A_34] : memref<1000x128xf32, #tpu.memory_space<vmem>>, vector<1000x128xf32>
    %get3A_36 = arith.constant 0 : index
    %get3A_37 = arith.constant 0 : index
    %get3A_38 = vector.load %arg6[%get3A_36, %get3A_37] : memref<128x128xf32, #tpu.memory_space<vmem>>, vector<128x128xf32>
    %dot_general3A = arith.constant dense<0.000000e+00> : vector<1000x128xf32>
    %dot_general3A_39 = tpu.matmul %get3A_35, %get3A_38, %dot_general3A {dimension_numbers = #tpu.dot_dimension_numbers<[1], [0], [0], [1], [0, 0, 1, 1], [], []>, transpose_lhs_hint = false} : vector<1000x128xf32>, vector<128x128xf32>, vector<1000x128xf32> -> vector<1000x128xf32>
    %get3A_40 = arith.constant 0 : index
    %get3A_41 = arith.constant 0 : index
    %get3A_42 = vector.load %arg7[%get3A_40, %get3A_41] : memref<128x128xf32, #tpu.memory_space<vmem>>, vector<128x128xf32>
    %dot_general3A_43 = arith.constant dense<0.000000e+00> : vector<1000x128xf32>
    %dot_general3A_44 = tpu.matmul %add3A_32, %get3A_42, %dot_general3A_43 {dimension_numbers = #tpu.dot_dimension_numbers<[1], [0], [0], [1], [0, 0, 1, 1], [], []>, transpose_lhs_hint = false} : vector<1000x128xf32>, vector<128x128xf32>, vector<1000x128xf32> -> vector<1000x128xf32>
    %add3A_45 = arith.addf %dot_general3A_39, %dot_general3A_44 : vector<1000x128xf32>
    %get3A_46 = arith.constant 0 : index
    %get3A_47 = arith.constant 0 : index
    %get3A_48 = vector.load %arg8[%get3A_46, %get3A_47] : memref<1x128xf32, #tpu.memory_space<vmem>>, vector<1x128xf32>
    %add3A_49 = vector.broadcast %get3A_48 : vector<1x128xf32> to vector<1000x128xf32>
    %add3A_50 = arith.addf %add3A_45, %add3A_49 : vector<1000x128xf32>
    %max3A = arith.constant 0.000000e+00 : f32
    %max3A_51 = vector.broadcast %max3A : f32 to vector<1000x128xf32>
    %max3A_52 = arith.maximumf %add3A_50, %max3A_51 : vector<1000x128xf32>
    %abs3A = math.absf %add3A_50 : vector<1000x128xf32>
    %neg3A = arith.constant 0.000000e+00 : f32
    %neg3A_53 = vector.broadcast %neg3A : f32 to vector<1000x128xf32>
    %neg3A_54 = arith.subf %neg3A_53, %abs3A : vector<1000x128xf32>
    %exp3A = math.exp %neg3A_54 : vector<1000x128xf32>
    %log1p3A = math.log1p %exp3A : vector<1000x128xf32>
    %add3A_55 = arith.addf %max3A_52, %log1p3A : vector<1000x128xf32>
    %sub3A = arith.constant 0.693147182 : f32
    %sub3A_56 = vector.broadcast %sub3A : f32 to vector<1000x128xf32>
    %sub3A_57 = arith.subf %add3A_55, %sub3A_56 : vector<1000x128xf32>
    %get3A_58 = arith.constant 0 : index
    %get3A_59 = arith.constant 0 : index
    %get3A_60 = vector.load %arg9[%get3A_58, %get3A_59] : memref<128x128xf32, #tpu.memory_space<vmem>>, vector<128x128xf32>
    %dot_general3A_61 = arith.constant dense<0.000000e+00> : vector<1000x128xf32>
    %dot_general3A_62 = tpu.matmul %sub3A_57, %get3A_60, %dot_general3A_61 {dimension_numbers = #tpu.dot_dimension_numbers<[1], [0], [0], [1], [0, 0, 1, 1], [], []>, transpose_lhs_hint = false} : vector<1000x128xf32>, vector<128x128xf32>, vector<1000x128xf32> -> vector<1000x128xf32>
    %get3A_63 = arith.constant 0 : index
    %get3A_64 = arith.constant 0 : index
    %get3A_65 = vector.load %arg10[%get3A_63, %get3A_64] : memref<1x128xf32, #tpu.memory_space<vmem>>, vector<1x128xf32>
    %add3A_66 = vector.broadcast %get3A_65 : vector<1x128xf32> to vector<1000x128xf32>
    %add3A_67 = arith.addf %dot_general3A_62, %add3A_66 : vector<1000x128xf32>
    %get3A_68 = arith.constant 0 : index
    %get3A_69 = arith.constant 0 : index
    %get3A_70 = vector.load %arg11[%get3A_68, %get3A_69] : memref<128x128xf32, #tpu.memory_space<vmem>>, vector<128x128xf32>
    %dot_general3A_71 = arith.constant dense<0.000000e+00> : vector<1000x128xf32>
    %dot_general3A_72 = tpu.matmul %add3A_67, %get3A_70, %dot_general3A_71 {dimension_numbers = #tpu.dot_dimension_numbers<[1], [0], [0], [1], [0, 0, 1, 1], [], []>, transpose_lhs_hint = false} : vector<1000x128xf32>, vector<128x128xf32>, vector<1000x128xf32> -> vector<1000x128xf32>
    %get3A_73 = arith.constant 0 : index
    %get3A_74 = arith.constant 0 : index
    %get3A_75 = vector.load %arg12[%get3A_73, %get3A_74] : memref<1x128xf32, #tpu.memory_space<vmem>>, vector<1x128xf32>
    %add3A_76 = vector.broadcast %get3A_75 : vector<1x128xf32> to vector<1000x128xf32>
    %add3A_77 = arith.addf %dot_general3A_72, %add3A_76 : vector<1000x128xf32>
    %get3A_78 = arith.constant 0 : index
    %get3A_79 = arith.constant 0 : index
    %get3A_80 = vector.load %arg1[%get3A_78, %get3A_79] : memref<1000x128xf32, #tpu.memory_space<vmem>>, vector<1000x128xf32>
    %swap3A = arith.constant 0 : index
    %swap3A_81 = arith.constant 0 : index
    %swap3A_82 = arith.constant 0 : index
    %swap3A_83 = vector.load %arg13[%swap3A, %swap3A_81, %swap3A_82] : memref<2x1000x128xf32, #tpu.memory_space<vmem>>, vector<1x1000x128xf32>
    %swap3A_84 = vector.shape_cast %swap3A_83 : vector<1x1000x128xf32> to vector<1000x128xf32>
    %swap3A_85 = vector.shape_cast %get3A_80 : vector<1000x128xf32> to vector<1x1000x128xf32>
    tpu.vector_store %arg13[%swap3A, %swap3A_81, %swap3A_82], %swap3A_85 {strides = array<i32>} : memref<2x1000x128xf32, #tpu.memory_space<vmem>>, vector<1x1000x128xf32>,
    %add3A_86 = arith.addf %get3A_80, %add3A_77 : vector<1000x128xf32>
    %swap3A_87 = arith.constant 1 : index
    %swap3A_88 = arith.constant 0 : index
    %swap3A_89 = arith.constant 0 : index
    %swap3A_90 = vector.load %arg13[%swap3A_87, %swap3A_88, %swap3A_89] : memref<2x1000x128xf32, #tpu.memory_space<vmem>>, vector<1x1000x128xf32>
    %swap3A_91 = vector.shape_cast %swap3A_90 : vector<1x1000x128xf32> to vector<1000x128xf32>
    %swap3A_92 = vector.shape_cast %add3A_86 : vector<1000x128xf32> to vector<1x1000x128xf32>
    tpu.vector_store %arg13[%swap3A_87, %swap3A_88, %swap3A_89], %swap3A_92 {strides = array<i32>} : memref<2x1000x128xf32, #tpu.memory_space<vmem>>, vector<1x1000x128xf32>,
    return
  }
  func.func @transform_0(%arg0: i32) -> (i32, i32) {
    %c0_i32 = arith.constant 0 : i32
    %c0_i32_0 = arith.constant 0 : i32
    return %arg0, %c0_i32 : i32, i32
  }
  func.func @transform_1(%arg0: i32) -> (i32, i32) {
    %c0_i32 = arith.constant 0 : i32
    %c0_i32_0 = arith.constant 0 : i32
    return %arg0, %c0_i32 : i32, i32
  }
  func.func @transform_2(%arg0: i32) -> (i32, i32, i32) {
    %c0_i32 = arith.constant 0 : i32
    %c0_i32_0 = arith.constant 0 : i32
    %c0_i32_1 = arith.constant 0 : i32
    return %c0_i32, %arg0, %c0_i32_0 : i32, i32, i32
  }
  func.func @transform_3(%arg0: i32) -> (i32, i32, i32) {
    %c0_i32 = arith.constant 0 : i32
    %c0_i32_0 = arith.constant 0 : i32
    %c0_i32_1 = arith.constant 0 : i32
    return %c0_i32, %arg0, %c0_i32_0 : i32, i32, i32
  }
  func.func @transform_4(%arg0: i32) -> (i32, i32, i32) {
    %c0_i32 = arith.constant 0 : i32
    %c0_i32_0 = arith.constant 0 : i32
    %c0_i32_1 = arith.constant 0 : i32
    return %c0_i32, %arg0, %c0_i32_0 : i32, i32, i32
  }
  func.func @transform_5(%arg0: i32) -> (i32, i32) {
    %c0_i32 = arith.constant 0 : i32
    %c0_i32_0 = arith.constant 0 : i32
    %c0_i32_1 = arith.constant 0 : i32
    return %c0_i32, %c0_i32_0 : i32, i32
  }
  func.func @transform_6(%arg0: i32) -> (i32, i32) {
    %c0_i32 = arith.constant 0 : i32
    %c0_i32_0 = arith.constant 0 : i32
    %c0_i32_1 = arith.constant 0 : i32
    return %c0_i32, %c0_i32_0 : i32, i32
  }
  func.func @transform_7(%arg0: i32) -> (i32, i32) {
    %c0_i32 = arith.constant 0 : i32
    %c0_i32_0 = arith.constant 0 : i32
    %c0_i32_1 = arith.constant 0 : i32
    return %c0_i32, %c0_i32_0 : i32, i32
  }
  func.func @transform_8(%arg0: i32) -> (i32, i32) {
    %c0_i32 = arith.constant 0 : i32
    %c0_i32_0 = arith.constant 0 : i32
    %c0_i32_1 = arith.constant 0 : i32
    return %c0_i32, %c0_i32_0 : i32, i32
  }
  func.func @transform_9(%arg0: i32) -> (i32, i32) {
    %c0_i32 = arith.constant 0 : i32
    %c0_i32_0 = arith.constant 0 : i32
    %c0_i32_1 = arith.constant 0 : i32
    return %c0_i32, %c0_i32_0 : i32, i32
  }
  func.func @transform_10(%arg0: i32) -> (i32, i32) {
    %c0_i32 = arith.constant 0 : i32
    %c0_i32_0 = arith.constant 0 : i32
    %c0_i32_1 = arith.constant 0 : i32
    return %c0_i32, %c0_i32_0 : i32, i32
  }
  func.func @transform_11(%arg0: i32) -> (i32, i32) {
    %c0_i32 = arith.constant 0 : i32
    %c0_i32_0 = arith.constant 0 : i32
    %c0_i32_1 = arith.constant 0 : i32
    return %c0_i32, %c0_i32_0 : i32, i32
  }
  func.func @transform_12(%arg0: i32) -> (i32, i32, i32) {
    %c0_i32 = arith.constant 0 : i32
    %c0_i32_0 = arith.constant 0 : i32
    %c0_i32_1 = arith.constant 0 : i32
    return %c0_i32, %arg0, %c0_i32_0 : i32, i32, i32
  }
}

</mosaic_0001>

<sc_bundles>
// kernel: kernel.13.cloned.1.call-start
scs
__scs_entry_jumppad:
0x0: {  	(pc) =	sbr.rel $0x88, $3  }
0x1: {  	(tag) =	ssettag $0x0;
	lr =	simm.s32 $0x1  }
0x2: {  	[smem:$0x3F8F] =	sst lr;
	_ =	strace $0xD0000000  }
0x3: {  	_ = 	snop  }
0x4: {  	_ = 	snop  }
0x5: {  	_ = 	snop  }
0x6: {  	_ = 	snop  }
0x7: {  	_ = 	snop  }
__scs_overlays_trampoline_lowered:
0x8: {  	[smem:$0x3F9E] =	sst s0  }
0x9: {  	[smem:$0x3F9F] =	sst s1  }
0xa: {  	[smem:$0x3FA0] =	sst s2  }
0xb: {  	[smem:$0x3FA1] =	sst s3  }
0xc: {  	[smem:$0x3FA2] =	sst s4  }
0xd: {  	[smem:$0x3FA3] =	sst s5  }
0xe: {  	[smem:$0x3FA4] =	sst s6  }
0xf: {  	[smem:$0x3FA5] =	sst s7  }
0x10: {  	[smem:$0x3FA6] =	sst s8  }
0x11: {  	[smem:$0x3FA7] =	sst s9;
	s0 =	simm.s32 @!p0 $0x0  }
0x12: {  	s1 =	sld [smem:$0x3F8D];
	s0 =	simm.s32 @p0 $0x1  }
0x13: {  	[smem:$0x3FA8] =	sst s0;
	s0 =	simm.s32 @!p1 $0x0  }
0x14: {  	s2 =	sld [smem:$0x3F8C];
	s0 =	simm.s32 @p1 $0x1  }
0x15: {  	[smem:$0x3FA9] =	sst s0;
	s0 =	simm.s32 @!p2 $0x0  }
0x16: {  	s3 =	sld [smem:$0x3FDB];
	s0 =	simm.s32 @p2 $0x1  }
0x17: {  	s4 =	simm.s32 $0x1BF5;
	[smem:$0x3FAB] =	sst s0  }
0x18: {  	s0 =	sld [smem:$0x3F8E];
	_ =	swait.ge [sflag:s4], $0x0  }
0x19: {  	s7 =	sld [smem:$0x3F8F]  }
0x1a: {  	s8 =	sadd.s32 $0xFFFFE003, lr  }
0x1b: {  	s9 =	sadd.s32 $0xFFFFFEF7, lr;
	s5 =	simm.s32 $0xFFFFFFFF;
	p2 =	slt.u32 s8, $0xFFFFF086  }
0x1c: {  	p1 =	slt.u32 s9, $0xF7A;
	s5 =	simm.s32 @!p2 $0x0  }
0x1d: {  	s5 =	simm.s32 @p1 $0x1;
	p0 =	seq.s32 s7, s2  }
0x1e: {  	s7 =	smul.u32 @!p0 $0xF7A, s2;
	p2 =	seq.s32 @!p0 s5, $0x0  }
0x1f: {  	s9 =	smul.u32 $0xF7A, s1;
	s8 =	simm.s32 @!p0 $0x1BF5;
	p2 =	por !p2, p0  }
0x20: {  	[sflag:s8] =	ssyncset.s32 @!p0 $0xFFFFF086;
	s6 =	sadd.s32 @!p0 s3, s7;
	s7 =	simm.s32 @!p0 $0x108  }
0x21: {  	s3 =	sadd.s32 s3, s9;
	s6 =	sadd.s32 @!p0 $0x88, s6;
	s7 =	simm.s32 @p2 $0x1082  }
0x22: {  	[simem:s7], [sflag:s8] =	dma.local @!p0 [hbm:s6], $0xF7A  }
0x23: {  	s9 =	sor.u32 $0xD0000000, s2;
	s6 =	simm.s32 $0x108;
	_ =	swait.ge @!p0 [sflag:s8], $0x0  }
0x24: {  	s3 =	sadd.s32 $0x88, s3;
	s6 =	simm.s32 @!p1 $0x1082;
	[sflag:s4] =	ssyncset.s32 $0xFFFFF086  }
0x25: {  	[simem:s6], [sflag:s4] =	dma.local [hbm:s3], $0xF7A  }
0x26: {  	[smem:$0x3F8F] =	sst s1;
	(tag) =	ssettag s2;
	_ =	strace s9  }
0x27: {  	s1 =	sld [smem:$0x3F9F]  }
0x28: {  	s2 =	sld [smem:$0x3FA0]  }
0x29: {  	s4 =	sld [smem:$0x3FA2]  }
0x2a: {  	p0 =	seq.s32 s5, $0x0;
	s5 =	sld [smem:$0x3FA3]  }
0x2b: {  	s6 =	sld [smem:$0x3FA4]  }
0x2c: {  	s7 =	sld [smem:$0x3FA5]  }
0x2d: {  	s3 =	simm.s32 $0x108;
	s8 =	sld [smem:$0x3FA6]  }
0x2e: {  	s3 =	simm.s32 @!p0 $0x1082;
	s9 =	sld [smem:$0x3FA7]  }
0x2f: {  	lr =	sadd.s32 s0, s3;
	s0 =	sld [smem:$0x3F9E]  }
0x30: {  	s3 =	sld [smem:$0x3FA1]  }
0x31: {  	[smem:$0x3FAA] =	sst s10  }
0x32: {  	s10 =	sld [smem:$0x3FA8];
	_ =	sdelay $0x3  }
0x33: {  	p0 =	seq.s32 s10, $0x1;
	s10 =	sld [smem:$0x3FAA];
	_ =	sdelay $0x3  }
0x34: {  	[smem:$0x3FAA] =	sst s10  }
0x35: {  	s10 =	sld [smem:$0x3FA9];
	_ =	sdelay $0x3  }
0x36: {  	p1 =	seq.s32 s10, $0x1;
	s10 =	sld [smem:$0x3FAA];
	_ =	sdelay $0x3  }
0x37: {  	[smem:$0x3FAA] =	sst s10  }
0x38: {  	s10 =	sld [smem:$0x3FAB]  }
0x39: {  	_ = 	snop;
	(pc) =	sbr.ind lr, $3  }
0x3a: {  	_ = 	snop  }
0x3b: {  	_ = 	snop  }
0x3c: {  	p2 =	seq.s32 s10, $0x1;
	s10 =	sld [smem:$0x3FAA]  }
0x3d: {  	_ =	shalt  }
0x3e: {  	_ =	shalt  }
0x3f: {  	_ =	shalt  }
0x40: {  	_ =	shalt  }
0x41: {  	_ =	shalt  }
0x42: {  	_ =	shalt  }
0x43: {  	_ =	shalt  }
0x44: {  	_ =	shalt  }
0x45: {  	_ =	shalt  }
0x46: {  	_ =	shalt  }
0x47: {  	_ =	shalt  }
0x48: {  	_ =	shalt  }
0x49: {  	_ =	shalt  }
0x4a: {  	_ =	shalt  }
0x4b: {  	_ =	shalt  }
0x4c: {  	_ =	shalt  }
0x4d: {  	_ =	shalt  }
0x4e: {  	_ =	shalt  }
0x4f: {  	_ =	shalt  }
0x50: {  	_ =	shalt  }
0x51: {  	_ =	shalt  }
0x52: {  	_ =	shalt  }
0x53: {  	_ =	shalt  }
0x54: {  	_ =	shalt  }
0x55: {  	_ =	shalt  }
0x56: {  	_ =	shalt  }
0x57: {  	_ =	shalt  }
0x58: {  	_ =	shalt  }
0x59: {  	_ =	shalt  }
0x5a: {  	_ =	shalt  }
0x5b: {  	_ =	shalt  }
0x5c: {  	_ =	shalt  }
0x5d: {  	_ =	shalt  }
0x5e: {  	_ =	shalt  }
0x5f: {  	_ =	shalt  }
0x60: {  	_ =	shalt  }
0x61: {  	_ =	shalt  }
0x62: {  	_ =	shalt  }
0x63: {  	_ =	shalt  }
0x64: {  	_ =	shalt  }
0x65: {  	_ =	shalt  }
0x66: {  	_ =	shalt  }
0x67: {  	_ =	shalt  }
0x68: {  	_ =	shalt  }
0x69: {  	_ =	shalt  }
0x6a: {  	_ =	shalt  }
0x6b: {  	_ =	shalt  }
0x6c: {  	_ =	shalt  }
0x6d: {  	_ =	shalt  }
0x6e: {  	_ =	shalt  }
0x6f: {  	_ =	shalt  }
0x70: {  	_ =	shalt  }
0x71: {  	_ =	shalt  }
0x72: {  	_ =	shalt  }
0x73: {  	_ =	shalt  }
0x74: {  	_ =	shalt  }
0x75: {  	_ =	shalt  }
0x76: {  	_ =	shalt  }
0x77: {  	_ =	shalt  }
0x78: {  	_ =	shalt  }
0x79: {  	_ =	shalt  }
0x7a: {  	_ =	shalt  }
0x7b: {  	_ =	shalt  }
0x7c: {  	_ =	shalt  }
0x7d: {  	_ =	shalt  }
0x7e: {  	_ =	shalt  }
0x7f: {  	_ =	shalt  }
0x80: {  	_ =	shalt  }
0x81: {  	_ =	shalt  }
0x82: {  	_ =	shalt  }
0x83: {  	_ =	shalt  }
0x84: {  	_ =	shalt  }
0x85: {  	_ =	shalt  }
0x86: {  	_ =	shalt  }
0x87: {  	_ =	shalt  }
.Lfunc_end0:
.L_simem_size_0:
called_computation_lowered:
.L_overlay_start_0:
0x88: {  	s2 =	sld [smem:$0x3FD9]  }
0x89: {  	s3 =	sld [smem:$0x3FFE];
	_ =	sdelay $0x1  }
0x8a: {  	s1 =	srdreg.scid  }
0x8b: {  	s0 =	sand.u32 $0x1, s1  }
0x8c: {  	s17 =	sshll.u32 s0, $0xA;
	s2 =	sadd.s32 s3, s2  }
0x8d: {  	s2 =	sadd.s32 s2, s17  }
0x8e: {  	[smem:$0x3FB6] =	sst s2  }
0x8f: {  	_ = 	snop  }
0x90: {  	s2 =	sld [smem:$0x3FD0];
	(tm) =	ssettm $0x1  }
0x91: {  	s18 =	sld [smem:$0x3FFB];
	_ =	sdelay $0x3  }
0x92: {  	_ =	strace s18  }
0x93: {  	s3 =	sld [smem:$0x3FFC];
	_ =	sdelay $0x3  }
0x94: {  	_ =	strace s3  }
0x95: {  	s3 =	sld [smem:$0x3FFD];
	_ =	sdelay $0x3  }
0x96: {  	_ =	strace s3  }
0x97: {  	_ =	strace $0x8FFFFFFF  }
0x98: {  	s19 =	sld [smem:$0x3FDB];
	_ =	sdelay $0x1  }
0x99: {  	s4 =	simm.s32 $_scs_section_size  }
0x9a: {  	s5 =	simm.s32 $_size__tile_overlayer_lowered;
	s6 =	simm.s32 $_tile_overlayer_lowered  }
0x9b: {  	s22 =	simm.s32 $0x1BFF;
	s21 =	sshll.u32 s6, $0x1;
	s3 =	sadd.s32 s4, s19  }
0x9c: {  	s7 =	simm.s32 $0x0;
	s20 =	sshll.u32 s5, $0x1;
	s5 =	sadd.s32 s21, s3  }
0x9d: {  	[timem:s7], [sflag:s22] =	dma.local [hbm:s5], s20  }
0x9e: {  	_ =	swait.ge [sflag:s22], s20  }
0x9f: {  	s4 =	ssub.s32 $0x0, s20;
	[sflag:s22] =	ssyncset.done $0x0  }
0xa0: {  	[sflag:s22] =	ssyncadd.s32 s4;
	_ =	sdelay $0x1  }
0xa1: {  	s23 =	simm.s32 $0x1B8B  }
0xa2: {  	_ =	swait.ge [sflag:s23], $0x1  }
0xa3: {  	[sflag:s23] =	ssyncset.done $0x0  }
0xa4: {  	s25 =	simm.s32 $0x1B8E;
	s24 =	sld [smem:$0x3FFE];
	[sflag:s23] =	ssyncadd.s32 $0xFFFFFFFF  }
0xa5: {  	s26 =	simm.s32 $execute0_lowered;
	[smem:$0x3FD2] =	sst s25  }
0xa6: {  	s5 =	sshll.u32 s26, $0x1;
	_ =	strace $0x80000046;
	[dreg:$0x1] =	wrdreg $0xFFFFFFFF  }
0xa7: {  	s28 =	simm.s32 $_size_execute0_lowered;
	s3 =	sadd.s32 s3, s5;
	[dreg:$0x0] =	wrdreg $0x0  }
0xa8: {  	s5 =	sshll.u32 s28, $0x1;
	[dreg:$0x2] =	wrdreg s3  }
0xa9: {  	[dreg:$0x3] =	wrdreg s5  }
0xaa: {  	[dreg:$0x4] =	wrdreg $0xC0  }
0xab: {  	_ =	task [dreg:s7], $0x5FFFF  }
0xac: {  	[dreg:$0x1] =	wrdreg $0xFFFFFFFF  }
0xad: {  	[dreg:$0x0] =	wrdreg $0x60  }
0xae: {  	[dreg:$0x2] =	wrdreg s24  }
0xaf: {  	[dreg:$0x3] =	wrdreg s2  }
0xb0: {  	[dreg:$0x4] =	wrdreg $0x9  }
0xb1: {  	_ =	task.clear_ibuf [dreg:s7], $0x5FFFF;
	_ =	strace $0x90000046  }
0xb2: {  	s29 =	simm.s32 $0x9;
	_ =	strace $0x80000048  }
0xb3: {  	_ =	swait.ge [sflag:s29], $0x1  }
0xb4: {  	[sflag:s29] =	ssyncadd.s32 $0xFFFFFFFF  }
0xb5: {  	_ =	strace $0x90000048  }
0xb6: {  	_ =	sfence  }
0xb7: {  	s30 =	sld [smem:$0x0];
	_ =	sdelay $0x2  }
0xb8: {  	s31 =	sshll.u32 s1, $0xD;
	s1 =	sshrl.u32 s1, $0x2  }
0xb9: {  	s3 =	sand.u32 $0x4000, s31;
	s1 =	sadd.s32 s1, s30  }
0xba: {  	s0 =	sor.u32 s3, s0;
	s1 =	sshll.u32 s1, $0x11  }
0xbb: {  	s0 =	sor.u32 s1, s0  }
0xbc: {  	s0 =	sadd.s32 $0x8F2B, s0  }
0xbd: {  	[sflag:s0] =	ssyncadd.remote.s32 $0x1  }
0xbe: {  	_ =	sfence.sel $0xFFFF  }
0xbf: {  	[dreg:$0x0] =	wrdreg $0xFFFFFFFF;
	(pc) =	sbr.abs _section_cstart, $3  }
0xc0: {  	[dreg:$0x1] =	wrdreg $0xFFFFFFFF  }
0xc1: {  	_ =	task.clear_ibuf [dreg:s7], $0x2FFFF;
	_ =	strace $0x9FFFFFFF  }
0xc2: {  	(tm) =	ssettm $0x7FFFFFFF  }
0xc3: {  	_ =	shalt  }
tec
execute0_lowered:
.L_overlay_start_1:
0x0: {  	(tag) =	ssettag $0x1  }
0x1: {  	s0 =	rddreg [dreg:$0x0]  }
0x2: {  	s1 =	rddreg [dreg:$0x1]  }
0x3: {  	s2 =	simm.s32 $0x0;
	s10 =	stileid.u32;
	s3 =	srdreg.scid  }
0x4: {  	s15 =	simm.s32 $0x1F40;
	s16 =	simm.s32 $0x4650;
	s17 =	simm.s32 $0x6D60  }
0x5: {  	s19 =	simm.s32 $0x50;
	s20 =	simm.s32 $0xA410;
	s21 =	simm.s32 $0xB810  }
0x6: {  	s22 =	simm.s32 $0xCC10;
	s23 =	simm.s32 $0xE010;
	s24 =	simm.s32 $0x1  }
0x7: {  	s28 =	simm.s32 $0x80;
	s29 =	simm.s32 $0x3;
	s30 =	simm.s32 $0x4  }
0x8: {  	s31 =	simm.s32 $0x0;
	[smem:$0x7FF] =	sst s2;
	s8 =	sand.u32 $0x1, s3  }
0x9: {  	s5 =	sshll.u32 s10, $0x1;
	s3 =	sadd.s32 $0x53400, s0;
	s4 =	sadd.s32 $0x66E00, s0  }
0xa: {  	s25 =	sadd.s32 $0x7F400, s0;
	s6 =	sadd.s32 $0x7EE00, s0;
	s10 =	smul.u32 $0x1F400, s10  }
0xb: {  	_ =	strace $0x80000047;
	s7 =	sor.u32 s8, s5;
	[dreg:$0x3] =	wrdreg s25  }
0xc: {  	s11 =	ssub.s32 $0x2, s8;
	s13 =	smul.u32 $0xFA00, s8;
	s25 =	simm.s32 $0x2  }
0xd: {  	s9 =	smul.u32 $0xFA0, s7;
	s12 =	sshrl.u32 s11, $0x1;
	s10 =	sadd.s32 s10, s0  }
0xe: {  	s7 =	sadd.s32 $0x7E800, s0;
	s11 =	ssub.s32 s11, s12;
	s26 =	sadd.s32 s13, s10  }
0xf: {  	s13 =	simm.s32 $0x5;
	s9 =	sshrl.u32 s9, $0x3;
	s11 =	smax.u32 s11, $0x1  }
0x10: {  	s12 =	sadd.s32 $0x83F08, s26;
	s26 =	simm.s32 $0x40;
	s0 =	sadd.s32 s9, s0  }
0x11: {  	s9 =	sadd.s32 s1, s9;
	s8 =	sadd.s32 $0x7A800, s0;
	s10 =	sadd.s32 $0x7FA00, s0  }
.LBB2_1:
0x12: {  	[tilespmem:s2], [sflag:$0x5] =	stream.linear.gather [hbm4b:s8+s2], $0xFA0, $0x38;
	[tilespmem:$0xF410] =	vst v63  }
0x13: {  	_ =	swait.ge [sflag:s13], $0xFA0  }
0x14: {  	[sflag:s13] =	ssyncset.done $0x0  }
0x15: {  	s0 =	simm.s32 $0xFA0;
	[sflag:s13] =	ssyncadd.s32 $0xFFFFF060  }
0x16: {  	[tilespmem:s0], [sflag:$0x5] =	stream.linear.gather [hbm4b:s9+s2], $0xFA0, $0x38;
	[tilespmem:$0xF410] =	vst v63  }
0x17: {  	_ =	swait.ge [sflag:s13], $0xFA0  }
0x18: {  	[sflag:s13] =	ssyncset.done $0x0  }
0x19: {  	s18 =	rddreg [dreg:$0x3];
	[sflag:s13] =	ssyncadd.s32 $0xFFFFF060  }
0x1a: {  	[tilespmem:s15], [sflag:$0x5] =	stream.linear.gather [hbm4b:s18+s2], $0x2710, $0x38;
	[tilespmem:$0xF410] =	vst v63  }
0x1b: {  	_ =	swait.ge [sflag:s13], $0x2710  }
0x1c: {  	[sflag:s13] =	ssyncset.done $0x0  }
0x1d: {  	[sflag:s13] =	ssyncadd.s32 $0xFFFFD8F0  }
0x1e: {  	[tilespmem:s16], [sflag:$0x5] =	stream.linear.gather [hbm4b:s6+s2], $0x2710, $0x38;
	[tilespmem:$0xF410] =	vst v63  }
0x1f: {  	_ =	swait.ge [sflag:s13], $0x2710  }
0x20: {  	[sflag:s13] =	ssyncset.done $0x0  }
0x21: {  	[sflag:s13] =	ssyncadd.s32 $0xFFFFD8F0  }
0x22: {  	[tilespmem:s17], [sflag:$0x5] =	stream.linear.gather [hbm4b:s7+s2], $0x2710, $0x38;
	[tilespmem:$0xF410] =	vst v63  }
0x23: {  	_ =	swait.ge [sflag:s13], $0x2710  }
0x24: {  	[sflag:s13] =	ssyncset.done $0x0  }
0x25: {  	s0 =	simm.s32 $0x0;
	[sflag:s13] =	ssyncadd.s32 $0xFFFFD8F0  }
0x26: {  	v0 =	vld [tilespmem:s0+$0xFA0]  }
0x27: {  	v1 =	vld [tilespmem:s0+$0x0];
	_ =	sdelay $0x6  }
0x28: {  	v2 =	vld.idx.msk [tilespmem:v0+s15+$0x0], $0xffff  }
0x29: {  	v3 =	vld.idx.msk [tilespmem:v1+s15+$0x0], $0xffff  }
0x2a: {  	v4 =	vld.idx.msk [tilespmem:v1+s16+$0x0], $0xffff  }
0x2b: {  	v5 =	vld.idx.msk [tilespmem:v0+s16+$0x0], $0xffff  }
0x2c: {  	v6 =	vld.idx.msk [tilespmem:v1+s17+$0x0], $0xffff  }
0x2d: {  	v7 =	vld.idx.msk [tilespmem:v0+s17+$0x0], $0xffff;
	_ =	sdelay $0x2  }
0x2e: {  	s1 =	simm.s32 $0x10;
	v3 =	vsub.f32 v3, v2;
	v4 =	vsub.f32 v4, v5  }
0x2f: {  	v0 =	vld [tilespmem:s1+$0xFA0]  }
0x30: {  	v1 =	vld [tilespmem:s1+$0x0];
	v2 =	vsub.f32 v6, v7;
	v3 =	vmul.f32 v3, v3;
	v4 =	vmul.f32 v4, v4  }
0x31: {  	s14 =	simm.s32 $0x80  }
.LBB2_2:
0x32: {  	p0 =	sne.s32 s14, $0x3E40;
	v3 =	vadd.f32 v4, v3;
	v2 =	vmul.f32 v2, v2;
	_ =	sdelay $0x1  }
0x33: {  	v2 =	vadd.f32 v2, v3;
	_ =	sdelay $0x1  }
0x34: {  	[tilespmem:s0+$0x9470] =	vst v2;
	s0 =	smov.u32 s1  }
0x35: {  	v2 =	vld.idx.msk [tilespmem:v0+s15+$0x0], $0xffff  }
0x36: {  	v3 =	vld.idx.msk [tilespmem:v1+s15+$0x0], $0xffff  }
0x37: {  	v4 =	vld.idx.msk [tilespmem:v1+s16+$0x0], $0xffff  }
0x38: {  	v5 =	vld.idx.msk [tilespmem:v0+s16+$0x0], $0xffff  }
0x39: {  	v6 =	vld.idx.msk [tilespmem:v1+s17+$0x0], $0xffff  }
0x3a: {  	v7 =	vld.idx.msk [tilespmem:v0+s17+$0x0], $0xffff;
	_ =	sdelay $0x2  }
.Ltmp0:
0x3b: {  	(pc) =	sbr.rel @p0 .LBB2_2-.Ltmp0, $4  }
0x3c: {  	s1 =	sshra.s32 s14, $0x2;
	v3 =	vsub.f32 v3, v2;
	v4 =	vsub.f32 v4, v5  }
0x3d: {  	v0 =	vld [tilespmem:s1+$0xFA0]  }
0x3e: {  	v3 =	vmul.f32 v3, v3;
	v2 =	vsub.f32 v6, v7;
	v4 =	vmul.f32 v4, v4;
	v1 =	vld [tilespmem:s1+$0x0]  }
0x3f: {  	s14 =	sadd.s32 $0x40, s14  }
0x40: {  	_ = 	snop  }
0x41: {  	v3 =	vadd.f32 v4, v3;
	v2 =	vmul.f32 v2, v2;
	_ =	sdelay $0x1  }
0x42: {  	v2 =	vadd.f32 v2, v3;
	_ =	sdelay $0x1  }
0x43: {  	[tilespmem:s0+$0x9470] =	vst v2  }
0x44: {  	v2 =	vld.idx.msk [tilespmem:v0+s15+$0x0], $0xffff  }
0x45: {  	v57 =	vld.idx.msk [tilespmem:v1+s15+$0x0], $0xffff  }
0x46: {  	v58 =	vld.idx.msk [tilespmem:v1+s16+$0x0], $0xffff  }
0x47: {  	v5 =	vld.idx.msk [tilespmem:v0+s16+$0x0], $0xffff  }
0x48: {  	v59 =	vld.idx.msk [tilespmem:v1+s17+$0x0], $0xffff  }
0x49: {  	v60 =	vld.idx.msk [tilespmem:v0+s17+$0x0], $0xffff;
	_ =	sdelay $0x2  }
0x4a: {  	v2 =	vsub.f32 v57, v2;
	v61 =	vsub.f32 v58, v5;
	_ =	sdelay $0x1  }
0x4b: {  	v0 =	vsub.f32 v59, v60;
	v62 =	vmul.f32 v2, v2;
	v63 =	vmul.f32 v61, v61;
	_ =	sdelay $0x1  }
0x4c: {  	v0 =	vmul.f32 v0, v0;
	v1 =	vadd.f32 v63, v62;
	_ =	sdelay $0x1  }
0x4d: {  	v0 =	vadd.f32 v0, v1;
	_ =	sdelay $0x1  }
0x4e: {  	s14 =	simm.s32 $0x0;
	s18 =	simm.s32 $0x9470;
	[tilespmem:s1+$0x9470] =	vst v0  }
0x4f: {  	[hbm4b:s10+s14] =	stream.linear.scatter [tilespmem:s18], [sflag:$0x5], $0xFA0, $0x38;
	[tilespmem:$0xF410] =	vst v63  }
0x50: {  	_ =	swait.ge [sflag:s13], $0xFA0  }
0x51: {  	[sflag:s13] =	ssyncset.done $0x0  }
0x52: {  	s5 =	simm.s32 $0x0;
	[sflag:s13] =	ssyncadd.s32 $0xFFFFF060  }
0x53: {  	[tilespmem:s20], [sflag:$0x1] =	stream.indirect.gather [hbm4b:s3+s19], $0x40, s5, s19, $0xb8;
	[tilespmem:$0xF410] =	vst v63  }
0x54: {  	s14 =	simm.s32 $0xFA0  }
0x55: {  	[tilespmem:s21], [sflag:$0x2] =	stream.indirect.gather [hbm4b:s4+s19], $0x40, s14, s19, $0xb8;
	[tilespmem:$0xF410] =	vst v63  }
0x56: {  	s18 =	simm.s32 $0x50  }
0x57: {  	[tilespmem:s22], [sflag:$0x3] =	stream.indirect.gather [hbm4b:s3+s19], $0x40, s18, s19, $0xb8;
	[tilespmem:$0xF410] =	vst v63  }
0x58: {  	s1 =	simm.s32 $0xFF0  }
0x59: {  	[tilespmem:s23], [sflag:$0x4] =	stream.indirect.gather [hbm4b:s4+s19], $0x40, s1, s19, $0xb8;
	[tilespmem:$0xF410] =	vst v63  }
0x5a: {  	_ =	swait.ge [sflag:s24], $0x1400  }
0x5b: {  	[sflag:s24] =	ssyncset.done $0x0  }
0x5c: {  	[sflag:s24] =	ssyncadd.s32 $0xFFFFEC00  }
0x5d: {  	_ =	swait.ge [sflag:s25], $0x1400  }
0x5e: {  	[sflag:s25] =	ssyncset.done $0x0  }
0x5f: {  	s5 =	sadd.s32 $0xFFFFFAF8, s12;
	[sflag:s25] =	ssyncadd.s32 $0xFFFFEC00  }
0x60: {  	[hbm4b:s5+s26] =	stream.strided.scatter [tilespmem:s20], [sflag:$0x5], $0x1400, s28, s26, $0x38;
	[tilespmem:$0xF410] =	vst v63  }
0x61: {  	_ =	swait.ge [sflag:s13], $0x1400  }
0x62: {  	[sflag:s13] =	ssyncset.done $0x0  }
0x63: {  	s14 =	sadd.s32 $0xFFFFFB00, s12;
	[sflag:s13] =	ssyncadd.s32 $0xFFFFEC00  }
0x64: {  	[hbm4b:s14+s26] =	stream.strided.scatter [tilespmem:s21], [sflag:$0x5], $0x1400, s28, s26, $0x38;
	[tilespmem:$0xF410] =	vst v63  }
0x65: {  	_ =	swait.ge [sflag:s13], $0x1400  }
0x66: {  	[sflag:s13] =	ssyncset.done $0x0  }
0x67: {  	[sflag:s13] =	ssyncadd.s32 $0xFFFFEC00  }
0x68: {  	_ =	swait.ge [sflag:s29], $0x1400  }
0x69: {  	[sflag:s29] =	ssyncset.done $0x0  }
0x6a: {  	[sflag:s29] =	ssyncadd.s32 $0xFFFFEC00  }
0x6b: {  	_ =	swait.ge [sflag:s30], $0x1400  }
0x6c: {  	[sflag:s30] =	ssyncset.done $0x0  }
0x6d: {  	s18 =	sadd.s32 $0xFFFFFFF8, s12;
	[sflag:s30] =	ssyncadd.s32 $0xFFFFEC00  }
0x6e: {  	[hbm4b:s18+s26] =	stream.strided.scatter [tilespmem:s22], [sflag:$0x5], $0x1400, s28, s26, $0x38;
	[tilespmem:$0xF410] =	vst v63  }
0x6f: {  	_ =	swait.ge [sflag:s13], $0x1400  }
0x70: {  	[sflag:s13] =	ssyncset.done $0x0  }
0x71: {  	[sflag:s13] =	ssyncadd.s32 $0xFFFFEC00  }
0x72: {  	[hbm4b:s12+s26] =	stream.strided.scatter [tilespmem:s23], [sflag:$0x5], $0x1400, s28, s26, $0x38;
	[tilespmem:$0xF410] =	vst v63  }
0x73: {  	s0 =	sadd.s32 $0xA00, s12;
	_ =	swait.ge [sflag:s13], $0x1400  }
0x74: {  	s1 =	simm.s32 $0x280;
	s14 =	simm.s32 $0x500;
	[sflag:s13] =	ssyncset.done $0x0  }
.LBB2_4:
0x75: {  	s5 =	sshra.s32 s1, $0x2  }
0x76: {  	[sflag:s13] =	ssyncadd.s32 $0xFFFFEC00;
	s1 =	smov.u32 s14;
	s18 =	sadd.s32 $0x280, s14  }
0x77: {  	[tilespmem:s20], [sflag:$0x1] =	stream.indirect.gather [hbm4b:s3+s19], $0x40, s5, s19, $0xb8;
	[tilespmem:$0xF410] =	vst v63  }
0x78: {  	p0 =	sne.s32 s14, $0x3C00;
	s14 =	sadd.s32 $0xFA0, s5  }
0x79: {  	[tilespmem:s21], [sflag:$0x2] =	stream.indirect.gather [hbm4b:s4+s19], $0x40, s14, s19, $0xb8;
	[tilespmem:$0xF410] =	vst v63  }
0x7a: {  	s14 =	sadd.s32 $0x50, s5  }
0x7b: {  	[tilespmem:s22], [sflag:$0x3] =	stream.indirect.gather [hbm4b:s3+s19], $0x40, s14, s19, $0xb8;
	[tilespmem:$0xF410] =	vst v63  }
0x7c: {  	s5 =	sadd.s32 $0xFF0, s5  }
0x7d: {  	[tilespmem:s23], [sflag:$0x4] =	stream.indirect.gather [hbm4b:s4+s19], $0x40, s5, s19, $0xb8;
	[tilespmem:$0xF410] =	vst v63  }
0x7e: {  	_ =	swait.ge [sflag:s24], $0x1400  }
0x7f: {  	[sflag:s24] =	ssyncset.done $0x0  }
0x80: {  	[sflag:s24] =	ssyncadd.s32 $0xFFFFEC00  }
0x81: {  	_ =	swait.ge [sflag:s25], $0x1400  }
0x82: {  	[sflag:s25] =	ssyncset.done $0x0  }
0x83: {  	s5 =	sadd.s32 $0xFFFFFAF8, s0;
	[sflag:s25] =	ssyncadd.s32 $0xFFFFEC00  }
0x84: {  	[hbm4b:s5+s26] =	stream.strided.scatter [tilespmem:s20], [sflag:$0x5], $0x1400, s28, s26, $0x38;
	[tilespmem:$0xF410] =	vst v63  }
0x85: {  	_ =	swait.ge [sflag:s13], $0x1400  }
0x86: {  	[sflag:s13] =	ssyncset.done $0x0  }
0x87: {  	s5 =	sadd.s32 $0xFFFFFB00, s0;
	[sflag:s13] =	ssyncadd.s32 $0xFFFFEC00  }
0x88: {  	[hbm4b:s5+s26] =	stream.strided.scatter [tilespmem:s21], [sflag:$0x5], $0x1400, s28, s26, $0x38;
	[tilespmem:$0xF410] =	vst v63  }
0x89: {  	_ =	swait.ge [sflag:s13], $0x1400  }
0x8a: {  	[sflag:s13] =	ssyncset.done $0x0  }
0x8b: {  	[sflag:s13] =	ssyncadd.s32 $0xFFFFEC00  }
0x8c: {  	_ =	swait.ge [sflag:s29], $0x1400  }
0x8d: {  	[sflag:s29] =	ssyncset.done $0x0  }
0x8e: {  	[sflag:s29] =	ssyncadd.s32 $0xFFFFEC00  }
0x8f: {  	_ =	swait.ge [sflag:s30], $0x1400  }
0x90: {  	[sflag:s30] =	ssyncset.done $0x0  }
0x91: {  	s5 =	sadd.s32 $0xFFFFFFF8, s0;
	[sflag:s30] =	ssyncadd.s32 $0xFFFFEC00  }
0x92: {  	[hbm4b:s5+s26] =	stream.strided.scatter [tilespmem:s22], [sflag:$0x5], $0x1400, s28, s26, $0x38;
	[tilespmem:$0xF410] =	vst v63  }
0x93: {  	_ =	swait.ge [sflag:s13], $0x1400  }
.Ltmp1:
0x94: {  	[sflag:s13] =	ssyncset.done $0x0;
	(pc) =	sbr.rel @p0 .LBB2_4-.Ltmp1, $4  }
0x95: {  	[sflag:s13] =	ssyncadd.s32 $0xFFFFEC00  }
0x96: {  	[hbm4b:s0+s26] =	stream.strided.scatter [tilespmem:s23], [sflag:$0x5], $0x1400, s28, s26, $0x38;
	[tilespmem:$0xF410] =	vst v63  }
0x97: {  	_ =	swait.ge [sflag:s13], $0x1400  }
0x98: {  	s14 =	smov.u32 s18;
	s0 =	sadd.s32 $0xA00, s0;
	[sflag:s13] =	ssyncset.done $0x0  }
0x99: {  	s1 =	sshra.s32 s1, $0x2;
	[sflag:s13] =	ssyncadd.s32 $0xFFFFEC00  }
0x9a: {  	[tilespmem:s20], [sflag:$0x1] =	stream.indirect.gather [hbm4b:s3+s19], $0x40, s1, s19, $0xb8;
	[tilespmem:$0xF410] =	vst v63  }
0x9b: {  	s5 =	sadd.s32 $0xFA0, s1  }
0x9c: {  	[tilespmem:s21], [sflag:$0x2] =	stream.indirect.gather [hbm4b:s4+s19], $0x40, s5, s19, $0xb8;
	[tilespmem:$0xF410] =	vst v63  }
0x9d: {  	s18 =	sadd.s32 $0x50, s1  }
0x9e: {  	[tilespmem:s22], [sflag:$0x3] =	stream.indirect.gather [hbm4b:s3+s19], $0x40, s18, s19, $0xb8;
	[tilespmem:$0xF410] =	vst v63  }
0x9f: {  	s1 =	sadd.s32 $0xFF0, s1  }
0xa0: {  	[tilespmem:s23], [sflag:$0x4] =	stream.indirect.gather [hbm4b:s4+s19], $0x40, s1, s19, $0xb8;
	[tilespmem:$0xF410] =	vst v63  }
0xa1: {  	_ =	swait.ge [sflag:s24], $0x1400  }
0xa2: {  	[sflag:s24] =	ssyncset.done $0x0  }
0xa3: {  	[sflag:s24] =	ssyncadd.s32 $0xFFFFEC00  }
0xa4: {  	_ =	swait.ge [sflag:s25], $0x1400  }
0xa5: {  	[sflag:s25] =	ssyncset.done $0x0  }
0xa6: {  	s5 =	sadd.s32 $0xFFFFFAF8, s0;
	[sflag:s25] =	ssyncadd.s32 $0xFFFFEC00  }
0xa7: {  	[hbm4b:s5+s26] =	stream.strided.scatter [tilespmem:s20], [sflag:$0x5], $0x1400, s28, s26, $0x38;
	[tilespmem:$0xF410] =	vst v63  }
0xa8: {  	_ =	swait.ge [sflag:s13], $0x1400  }
0xa9: {  	[sflag:s13] =	ssyncset.done $0x0  }
0xaa: {  	s14 =	sadd.s32 $0xFFFFFB00, s0;
	[sflag:s13] =	ssyncadd.s32 $0xFFFFEC00  }
0xab: {  	[hbm4b:s14+s26] =	stream.strided.scatter [tilespmem:s21], [sflag:$0x5], $0x1400, s28, s26, $0x38;
	[tilespmem:$0xF410] =	vst v63  }
0xac: {  	_ =	swait.ge [sflag:s13], $0x1400  }
0xad: {  	[sflag:s13] =	ssyncset.done $0x0  }
0xae: {  	[sflag:s13] =	ssyncadd.s32 $0xFFFFEC00  }
0xaf: {  	_ =	swait.ge [sflag:s29], $0x1400  }
0xb0: {  	[sflag:s29] =	ssyncset.done $0x0  }
0xb1: {  	[sflag:s29] =	ssyncadd.s32 $0xFFFFEC00  }
0xb2: {  	_ =	swait.ge [sflag:s30], $0x1400  }
0xb3: {  	[sflag:s30] =	ssyncset.done $0x0  }
0xb4: {  	s18 =	sadd.s32 $0xFFFFFFF8, s0;
	[sflag:s30] =	ssyncadd.s32 $0xFFFFEC00  }
0xb5: {  	[hbm4b:s18+s26] =	stream.strided.scatter [tilespmem:s22], [sflag:$0x5], $0x1400, s28, s26, $0x38;
	[tilespmem:$0xF410] =	vst v63  }
0xb6: {  	s31 =	sadd.s32 $0x1, s31;
	_ =	swait.ge [sflag:s13], $0x1400  }
0xb7: {  	p0 =	sne.s32 s31, s11;
	[sflag:s13] =	ssyncset.done $0x0  }
.Ltmp2:
0xb8: {  	[sflag:s13] =	ssyncadd.s32 $0xFFFFEC00;
	(pc) =	sbr.rel @p0 .LBB2_1-.Ltmp2, $4  }
0xb9: {  	[hbm4b:s0+s26] =	stream.strided.scatter [tilespmem:s23], [sflag:$0x5], $0x1400, s28, s26, $0x38;
	[tilespmem:$0xF410] =	vst v63  }
0xba: {  	_ =	swait.ge [sflag:s13], $0x1400  }
0xbb: {  	[sflag:s13] =	ssyncset.done $0x0  }
0xbc: {  	[sflag:s13] =	ssyncadd.s32 $0xFFFFEC00  }
0xbd: {  	_ =	sfence.sel $0x180000  }
0xbe: {  	[bflag:$0x0] =	sbarrier.arrive $0xFFFF  }
0xbf: {  	_ =	strace $0x90000047  }
0xc0: {  	s0 =	stileid.u32;
	[bflag:$0x2] =	sbarrier.arrive $0xFFFF  }
0xc1: {  	p0 =	sne.s32 s0, $0x0;
	s0 =	rddreg [dreg:$0x2]  }
0xc2: {  	s0 =	sadd.s32 @!p0 $0x100000, s0  }
0xc3: {  	[sflag:s0] =	ssyncadd.tile.s32 @!p0 $0x1;
	_ =	shalt  }
.Lfunc_end2:
_tile_overlayer_lowered:
.L_overlay_start_2:
0xc4: {  	(tag) =	ssettag $0x2  }
0xc5: {  	s0 =	rddreg [dreg:$0x0];
	s2 =	stileid.u32  }
0xc6: {  	s1 =	rddreg [dreg:$0x1];
	p0 =	sne.s32 s2, $0x0  }
0xc7: {  	s3 =	rddreg [dreg:$0x2];
	[bflag:$0x3] =	sbarrier.arrive $0xFFFF;
	s2 =	simm.s32 @!p0 $0x1C05  }
0xc8: {  	[timem:s3], [sflag:s2] =	dma.local @!p0 [hbm:s0], s1  }
0xc9: {  	s0 =	simm.s32 @!p0 $0x5  }
0xca: {  	_ =	swait.ge @!p0 [sflag:s0], s1  }
0xcb: {  	s1 =	ssub.s32 @!p0 $0x0, s1;
	[sflag:s0] =	ssyncset.done @!p0 $0x0  }
0xcc: {  	[sflag:s0] =	ssyncadd.s32 @!p0 s1  }
0xcd: {  	[bflag:$0x3] =	sbarrier.arrive $0xFFFF  }
0xce: {  	_ =	shalt  }

// kernel: kernel.16.cloned.1.call-start
scs
__scs_entry_jumppad:
0x0: {  	(pc) =	sbr.rel $0x88, $3  }
0x1: {  	(tag) =	ssettag $0x0;
	lr =	simm.s32 $0x1  }
0x2: {  	[smem:$0x3F8F] =	sst lr;
	_ =	strace $0xD0000000  }
0x3: {  	_ = 	snop  }
0x4: {  	_ = 	snop  }
0x5: {  	_ = 	snop  }
0x6: {  	_ = 	snop  }
0x7: {  	_ = 	snop  }
__scs_overlays_trampoline_lowered:
0x8: {  	[smem:$0x3F9E] =	sst s0  }
0x9: {  	[smem:$0x3F9F] =	sst s1  }
0xa: {  	[smem:$0x3FA0] =	sst s2  }
0xb: {  	[smem:$0x3FA1] =	sst s3  }
0xc: {  	[smem:$0x3FA2] =	sst s4  }
0xd: {  	[smem:$0x3FA3] =	sst s5  }
0xe: {  	[smem:$0x3FA4] =	sst s6  }
0xf: {  	[smem:$0x3FA5] =	sst s7  }
0x10: {  	[smem:$0x3FA6] =	sst s8  }
0x11: {  	[smem:$0x3FA7] =	sst s9;
	s0 =	simm.s32 @!p0 $0x0  }
0x12: {  	s1 =	sld [smem:$0x3F8D];
	s0 =	simm.s32 @p0 $0x1  }
0x13: {  	[smem:$0x3FA8] =	sst s0;
	s0 =	simm.s32 @!p1 $0x0  }
0x14: {  	s2 =	sld [smem:$0x3F8C];
	s0 =	simm.s32 @p1 $0x1  }
0x15: {  	[smem:$0x3FA9] =	sst s0;
	s0 =	simm.s32 @!p2 $0x0  }
0x16: {  	s3 =	sld [smem:$0x3FDB];
	s0 =	simm.s32 @p2 $0x1  }
0x17: {  	s4 =	simm.s32 $0x1BF5;
	[smem:$0x3FAB] =	sst s0  }
0x18: {  	s0 =	sld [smem:$0x3F8E];
	_ =	swait.ge [sflag:s4], $0x0  }
0x19: {  	s7 =	sld [smem:$0x3F8F]  }
0x1a: {  	s8 =	sadd.s32 $0xFFFFE003, lr  }
0x1b: {  	s9 =	sadd.s32 $0xFFFFFEF7, lr;
	s5 =	simm.s32 $0xFFFFFFFF;
	p2 =	slt.u32 s8, $0xFFFFF086  }
0x1c: {  	p1 =	slt.u32 s9, $0xF7A;
	s5 =	simm.s32 @!p2 $0x0  }
0x1d: {  	s5 =	simm.s32 @p1 $0x1;
	p0 =	seq.s32 s7, s2  }
0x1e: {  	s7 =	smul.u32 @!p0 $0xF7A, s2;
	p2 =	seq.s32 @!p0 s5, $0x0  }
0x1f: {  	s9 =	smul.u32 $0xF7A, s1;
	s8 =	simm.s32 @!p0 $0x1BF5;
	p2 =	por !p2, p0  }
0x20: {  	[sflag:s8] =	ssyncset.s32 @!p0 $0xFFFFF086;
	s6 =	sadd.s32 @!p0 s3, s7;
	s7 =	simm.s32 @!p0 $0x108  }
0x21: {  	s3 =	sadd.s32 s3, s9;
	s6 =	sadd.s32 @!p0 $0x88, s6;
	s7 =	simm.s32 @p2 $0x1082  }
0x22: {  	[simem:s7], [sflag:s8] =	dma.local @!p0 [hbm:s6], $0xF7A  }
0x23: {  	s9 =	sor.u32 $0xD0000000, s2;
	s6 =	simm.s32 $0x108;
	_ =	swait.ge @!p0 [sflag:s8], $0x0  }
0x24: {  	s3 =	sadd.s32 $0x88, s3;
	s6 =	simm.s32 @!p1 $0x1082;
	[sflag:s4] =	ssyncset.s32 $0xFFFFF086  }
0x25: {  	[simem:s6], [sflag:s4] =	dma.local [hbm:s3], $0xF7A  }
0x26: {  	[smem:$0x3F8F] =	sst s1;
	(tag) =	ssettag s2;
	_ =	strace s9  }
0x27: {  	s1 =	sld [smem:$0x3F9F]  }
0x28: {  	s2 =	sld [smem:$0x3FA0]  }
0x29: {  	s4 =	sld [smem:$0x3FA2]  }
0x2a: {  	p0 =	seq.s32 s5, $0x0;
	s5 =	sld [smem:$0x3FA3]  }
0x2b: {  	s6 =	sld [smem:$0x3FA4]  }
0x2c: {  	s7 =	sld [smem:$0x3FA5]  }
0x2d: {  	s3 =	simm.s32 $0x108;
	s8 =	sld [smem:$0x3FA6]  }
0x2e: {  	s3 =	simm.s32 @!p0 $0x1082;
	s9 =	sld [smem:$0x3FA7]  }
0x2f: {  	lr =	sadd.s32 s0, s3;
	s0 =	sld [smem:$0x3F9E]  }
0x30: {  	s3 =	sld [smem:$0x3FA1]  }
0x31: {  	[smem:$0x3FAA] =	sst s10  }
0x32: {  	s10 =	sld [smem:$0x3FA8];
	_ =	sdelay $0x3  }
0x33: {  	p0 =	seq.s32 s10, $0x1;
	s10 =	sld [smem:$0x3FAA];
	_ =	sdelay $0x3  }
0x34: {  	[smem:$0x3FAA] =	sst s10  }
0x35: {  	s10 =	sld [smem:$0x3FA9];
	_ =	sdelay $0x3  }
0x36: {  	p1 =	seq.s32 s10, $0x1;
	s10 =	sld [smem:$0x3FAA];
	_ =	sdelay $0x3  }
0x37: {  	[smem:$0x3FAA] =	sst s10  }
0x38: {  	s10 =	sld [smem:$0x3FAB]  }
0x39: {  	_ = 	snop;
	(pc) =	sbr.ind lr, $3  }
0x3a: {  	_ = 	snop  }
0x3b: {  	_ = 	snop  }
0x3c: {  	p2 =	seq.s32 s10, $0x1;
	s10 =	sld [smem:$0x3FAA]  }
0x3d: {  	_ =	shalt  }
0x3e: {  	_ =	shalt  }
0x3f: {  	_ =	shalt  }
0x40: {  	_ =	shalt  }
0x41: {  	_ =	shalt  }
0x42: {  	_ =	shalt  }
0x43: {  	_ =	shalt  }
0x44: {  	_ =	shalt  }
0x45: {  	_ =	shalt  }
0x46: {  	_ =	shalt  }
0x47: {  	_ =	shalt  }
0x48: {  	_ =	shalt  }
0x49: {  	_ =	shalt  }
0x4a: {  	_ =	shalt  }
0x4b: {  	_ =	shalt  }
0x4c: {  	_ =	shalt  }
0x4d: {  	_ =	shalt  }
0x4e: {  	_ =	shalt  }
0x4f: {  	_ =	shalt  }
0x50: {  	_ =	shalt  }
0x51: {  	_ =	shalt  }
0x52: {  	_ =	shalt  }
0x53: {  	_ =	shalt  }
0x54: {  	_ =	shalt  }
0x55: {  	_ =	shalt  }
0x56: {  	_ =	shalt  }
0x57: {  	_ =	shalt  }
0x58: {  	_ =	shalt  }
0x59: {  	_ =	shalt  }
0x5a: {  	_ =	shalt  }
0x5b: {  	_ =	shalt  }
0x5c: {  	_ =	shalt  }
0x5d: {  	_ =	shalt  }
0x5e: {  	_ =	shalt  }
0x5f: {  	_ =	shalt  }
0x60: {  	_ =	shalt  }
0x61: {  	_ =	shalt  }
0x62: {  	_ =	shalt  }
0x63: {  	_ =	shalt  }
0x64: {  	_ =	shalt  }
0x65: {  	_ =	shalt  }
0x66: {  	_ =	shalt  }
0x67: {  	_ =	shalt  }
0x68: {  	_ =	shalt  }
0x69: {  	_ =	shalt  }
0x6a: {  	_ =	shalt  }
0x6b: {  	_ =	shalt  }
0x6c: {  	_ =	shalt  }
0x6d: {  	_ =	shalt  }
0x6e: {  	_ =	shalt  }
0x6f: {  	_ =	shalt  }
0x70: {  	_ =	shalt  }
0x71: {  	_ =	shalt  }
0x72: {  	_ =	shalt  }
0x73: {  	_ =	shalt  }
0x74: {  	_ =	shalt  }
0x75: {  	_ =	shalt  }
0x76: {  	_ =	shalt  }
0x77: {  	_ =	shalt  }
0x78: {  	_ =	shalt  }
0x79: {  	_ =	shalt  }
0x7a: {  	_ =	shalt  }
0x7b: {  	_ =	shalt  }
0x7c: {  	_ =	shalt  }
0x7d: {  	_ =	shalt  }
0x7e: {  	_ =	shalt  }
0x7f: {  	_ =	shalt  }
0x80: {  	_ =	shalt  }
0x81: {  	_ =	shalt  }
0x82: {  	_ =	shalt  }
0x83: {  	_ =	shalt  }
0x84: {  	_ =	shalt  }
0x85: {  	_ =	shalt  }
0x86: {  	_ =	shalt  }
0x87: {  	_ =	shalt  }
.Lfunc_end0:
.L_simem_size_0:
called_computation.1_lowered:
.L_overlay_start_0:
0x88: {  	s2 =	sld [smem:$0x3FD9]  }
0x89: {  	s3 =	sld [smem:$0x3FFE];
	_ =	sdelay $0x1  }
0x8a: {  	s1 =	srdreg.scid  }
0x8b: {  	s0 =	sand.u32 $0x1, s1  }
0x8c: {  	s17 =	sshll.u32 s0, $0xA;
	s2 =	sadd.s32 s3, s2  }
0x8d: {  	s2 =	sadd.s32 s2, s17  }
0x8e: {  	[smem:$0x3FB6] =	sst s2  }
0x8f: {  	_ = 	snop  }
0x90: {  	s18 =	sld [smem:$0x3FD0];
	(tm) =	ssettm $0x1  }
0x91: {  	s19 =	sld [smem:$0x3FFB];
	_ =	sdelay $0x3  }
0x92: {  	_ =	strace s19  }
0x93: {  	s2 =	sld [smem:$0x3FFC];
	_ =	sdelay $0x3  }
0x94: {  	_ =	strace s2  }
0x95: {  	s2 =	sld [smem:$0x3FFD];
	_ =	sdelay $0x3  }
0x96: {  	_ =	strace s2  }
0x97: {  	_ =	strace $0x8FFFFFFF  }
0x98: {  	s20 =	sld [smem:$0x3FDB];
	_ =	sdelay $0x1  }
0x99: {  	s4 =	simm.s32 $_scs_section_size  }
0x9a: {  	s5 =	simm.s32 $_size__tile_overlayer_lowered;
	s6 =	simm.s32 $_tile_overlayer_lowered  }
0x9b: {  	s7 =	simm.s32 $0x1BFF;
	s21 =	sshll.u32 s6, $0x1;
	s4 =	sadd.s32 s4, s20  }
0x9c: {  	s22 =	simm.s32 $0x0;
	s5 =	sshll.u32 s5, $0x1;
	s6 =	sadd.s32 s21, s4  }
0x9d: {  	[timem:s22], [sflag:s7] =	dma.local [hbm:s6], s5  }
0x9e: {  	_ =	swait.ge [sflag:s7], s5  }
0x9f: {  	s5 =	ssub.s32 $0x0, s5;
	[sflag:s7] =	ssyncset.done $0x0  }
0xa0: {  	[sflag:s7] =	ssyncadd.s32 s5;
	_ =	sdelay $0x1  }
0xa1: {  	s23 =	simm.s32 $0x1B8B  }
0xa2: {  	_ =	swait.ge [sflag:s23], $0x1  }
0xa3: {  	[sflag:s23] =	ssyncset.done $0x0  }
0xa4: {  	[sflag:s23] =	ssyncadd.s32 $0xFFFFFFFF  }
0xa5: {  	s5 =	sld [smem:$0x0]  }
0xa6: {  	s6 =	sand.u32 $0xFFFFFFFE, s1  }
0xa7: {  	p0 =	sne.s32 s1, s6  }
0xa8: {  	s6 =	sshll.u32 @p0 s6, $0xE  }
0xa9: {  	s6 =	sadd.s32 @p0 $0x11B8D, s6;
	s7 =	sshll.u32 @p0 s5, $0x11  }
0xaa: {  	s6 =	sor.u32 @p0 s7, s6  }
0xab: {  	[sflag:s6] =	ssyncadd.remote.s32 @p0 $0x1;
	_ =	sdelay $0x1  }
0xac: {  	s6 =	simm.s32 @p0 $0x1B8D  }
0xad: {  	_ =	swait.eq @p0 [sflag:s6], $0x1  }
0xae: {  	[sflag:s6] =	ssyncadd.s32 @p0 $0xFFFFFFFF  }
0xaf: {  	s7 =	sshll.u32 @!p0 s1, $0xE  }
0xb0: {  	s7 =	sor.u32 @!p0 $0x4000, s7;
	s6 =	simm.s32 @!p0 $0x1B8D  }
0xb1: {  	s5 =	sshll.u32 @!p0 s5, $0x11;
	s7 =	sadd.s32 @!p0 $0x11B8D, s7;
	_ =	swait.eq @!p0 [sflag:s6], $0x1  }
0xb2: {  	s5 =	sor.u32 @!p0 s5, s7;
	[sflag:s6] =	ssyncadd.s32 @!p0 $0xFFFFFFFF  }
0xb3: {  	s25 =	simm.s32 $0x1B8E;
	s24 =	sld [smem:$0x3FFE];
	[sflag:s5] =	ssyncadd.remote.s32 @!p0 $0x1  }
0xb4: {  	s26 =	simm.s32 $execute0_lowered;
	[smem:$0x3FD2] =	sst s25  }
0xb5: {  	s6 =	sshll.u32 s26, $0x1;
	_ =	strace $0x8000004F;
	[dreg:$0x1] =	wrdreg $0xFFFFFFFF  }
0xb6: {  	s28 =	simm.s32 $_size_execute0_lowered;
	s4 =	sadd.s32 s4, s6;
	[dreg:$0x0] =	wrdreg $0x0  }
0xb7: {  	s6 =	sshll.u32 s28, $0x1;
	[dreg:$0x2] =	wrdreg s4  }
0xb8: {  	[dreg:$0x3] =	wrdreg s6  }
0xb9: {  	[dreg:$0x4] =	wrdreg $0xC0  }
0xba: {  	_ =	task [dreg:s22], $0x5FFFF  }
0xbb: {  	[dreg:$0x1] =	wrdreg $0xFFFFFFFF  }
0xbc: {  	[dreg:$0x0] =	wrdreg $0x60  }
0xbd: {  	[dreg:$0x2] =	wrdreg s24  }
0xbe: {  	[dreg:$0x3] =	wrdreg s18  }
0xbf: {  	[dreg:$0x4] =	wrdreg $0xC0000  }
0xc0: {  	[dreg:$0x5] =	wrdreg $0x9  }
0xc1: {  	_ =	task.clear_ibuf [dreg:s22], $0x6FFFF;
	_ =	strace $0x9000004F  }
0xc2: {  	s29 =	simm.s32 $0x9;
	_ =	strace $0x80000051  }
0xc3: {  	_ =	swait.ge [sflag:s29], $0x1  }
0xc4: {  	[sflag:s29] =	ssyncadd.s32 $0xFFFFFFFF  }
0xc5: {  	_ =	strace $0x90000051  }
0xc6: {  	_ =	sfence  }
0xc7: {  	s30 =	sld [smem:$0x0];
	_ =	sdelay $0x2  }
0xc8: {  	s31 =	sshll.u32 s1, $0xD;
	s1 =	sshrl.u32 s1, $0x2  }
0xc9: {  	s4 =	sand.u32 $0x4000, s31;
	s1 =	sadd.s32 s1, s30  }
0xca: {  	s0 =	sor.u32 s4, s0;
	s1 =	sshll.u32 s1, $0x11  }
0xcb: {  	s0 =	sor.u32 s1, s0  }
0xcc: {  	s0 =	sadd.s32 $0x8F2B, s0  }
0xcd: {  	[sflag:s0] =	ssyncadd.remote.s32 $0x1  }
0xce: {  	_ =	sfence.sel $0xFFFF  }
0xcf: {  	[dreg:$0x0] =	wrdreg $0xFFFFFFFF;
	(pc) =	sbr.abs _section_cstart, $3  }
0xd0: {  	[dreg:$0x1] =	wrdreg $0xFFFFFFFF  }
0xd1: {  	_ =	task.clear_ibuf [dreg:s22], $0x2FFFF;
	_ =	strace $0x9FFFFFFF  }
0xd2: {  	(tm) =	ssettm $0x7FFFFFFF  }
0xd3: {  	_ =	shalt  }
tec
execute0_lowered:
.L_overlay_start_1:
0x0: {  	(tag) =	ssettag $0x1  }
0x1: {  	s1 =	stileid.u32  }
0x2: {  	s6 =	smul.u32 $0x1F400, s1  }
0x3: {  	s20 =	smul.u32 $0x19000, s1  }
0x4: {  	s4 =	rddreg [dreg:$0x0];
	s8 =	sor.u32 $0x10, s1;
	s18 =	smul.u32 $0x6400, s1  }
0x5: {  	s12 =	rddreg [dreg:$0x1];
	s11 =	sor.u32 $0x20, s1;
	s21 =	smul.u32 $0x19000, s8  }
0x6: {  	s5 =	srdreg.scid;
	s14 =	sor.u32 $0x30, s1;
	s7 =	smul.u32 $0x19000, s11  }
0x7: {  	s2 =	rddreg [dreg:$0x2];
	s10 =	sand.u32 $0x1, s5;
	s16 =	smul.u32 $0x19000, s14  }
0x8: {  	s0 =	rddreg [dreg:$0x3];
	s17 =	smul.u32 $0x138800, s10  }
0x9: {  	s3 =	simm.s32 $0x0;
	s19 =	sshll.u32 s1, $0x1;
	s26 =	smul.u32 $0x6400, s8  }
0xa: {  	[smem:$0x7FF] =	sst s3;
	p0 =	sgt.u32 s1, $0x1;
	s11 =	smul.u32 $0x6400, s11  }
0xb: {  	s5 =	sor.u32 s10, s19;
	_ =	strace $0x80000050;
	s14 =	smul.u32 $0x6400, s14  }
0xc: {  	s22 =	ssub.s32 $0x2, s10;
	s30 =	smul.u32 $0xFA00, s10;
	s19 =	simm.s32 $0x1  }
0xd: {  	s5 =	smul.u32 $0x680, s5;
	s13 =	sadd.s32 s6, s4;
	s15 =	sshrl.u32 s22, $0x1  }
0xe: {  	s6 =	sshrl.u32 s20, $0x2;
	s20 =	simm.s32 $0x28;
	s15 =	ssub.s32 s22, s15  }
0xf: {  	s23 =	sshrl.u32 s7, $0x2;
	s24 =	sshrl.u32 s16, $0x2;
	s25 =	sadd.s32 s18, s17  }
0x10: {  	s29 =	sadd.s32 s17, s26;
	s11 =	sadd.s32 s17, s11;
	s14 =	sadd.s32 s17, s14  }
0x11: {  	s31 =	sadd.s32 s30, s13;
	s17 =	simm.s32 $0x3400;
	s18 =	simm.s32 $0x4800  }
0x12: {  	s22 =	simm.s32 $0x0;
	s9 =	sadd.s32 s5, s4;
	s4 =	sadd.s32 s6, s2  }
0x13: {  	s5 =	sshrl.u32 s21, $0x2;
	s6 =	sadd.s32 s23, s2;
	s7 =	sadd.s32 s24, s2  }
0x14: {  	s28 =	sshrl.u32 s25, $0x3;
	s16 =	sshrl.u32 s29, $0x3;
	s11 =	sshrl.u32 s11, $0x3  }
0x15: {  	s14 =	sshrl.u32 s14, $0x3;
	s13 =	smax.u32 s15, $0x1;
	s15 =	simm.s32 $0x5C00  }
0x16: {  	s21 =	simm.s32 $0x2;
	s5 =	sadd.s32 s5, s2;
	s8 =	sadd.s32 $0x577A00, s9  }
0x17: {  	s9 =	sadd.s32 s12, s28;
	s10 =	sadd.s32 s12, s16;
	s11 =	sadd.s32 s12, s11  }
0x18: {  	v0 =	vimm.f32 $0.0e+00;
	s12 =	sadd.s32 s12, s14;
	s14 =	sadd.s32 $0x584A00, s31;
	s16 =	simm.s32 $0x3  }
.LBB2_1:
0x19: {  	s23 =	simm.s32 $0x0;
	s24 =	simm.s32 $0x200  }
.LBB2_2:
0x1a: {  	p1 =	sne.s32 s24, $0x18E00;
	[tilespmem:s23+$0x5C70] =	vst v0  }
0x1b: {  	[tilespmem:s23+$0x5C00] =	vst v0  }
0x1c: {  	[tilespmem:s23+$0x5C10] =	vst v0  }
.Ltmp0:
0x1d: {  	[tilespmem:s23+$0x5C20] =	vst v0;
	(pc) =	sbr.rel @p1 .LBB2_2-.Ltmp0, $4  }
0x1e: {  	[tilespmem:s23+$0x5C30] =	vst v0  }
0x1f: {  	[tilespmem:s23+$0x5C40] =	vst v0  }
0x20: {  	[tilespmem:s23+$0x5C50] =	vst v0  }
0x21: {  	[tilespmem:s23+$0x5C60] =	vst v0;
	s23 =	sshra.s32 s24, $0x2;
	s24 =	sadd.s32 $0x200, s24  }
0x22: {  	[tilespmem:s23+$0x5C70] =	vst v0  }
0x23: {  	[tilespmem:s23+$0x5C00] =	vst v0  }
0x24: {  	[tilespmem:s23+$0x5C10] =	vst v0  }
0x25: {  	[tilespmem:s23+$0x5C20] =	vst v0  }
0x26: {  	[tilespmem:s23+$0x5C30] =	vst v0  }
0x27: {  	[tilespmem:s23+$0x5C40] =	vst v0  }
0x28: {  	[tilespmem:s23+$0x5C50] =	vst v0  }
0x29: {  	[tilespmem:s23+$0x5C60] =	vst v0  }
0x2a: {  	[spmem:s4] =	stream.linear.scatter [tilespmem:s15], [sflag:$0x3], $0x6400, $0x38;
	[tilespmem:$0x1F880] =	vst v63  }
0x2b: {  	_ =	swait.ge [sflag:s16], $0x6400  }
0x2c: {  	[sflag:s16] =	ssyncset.done $0x0  }
0x2d: {  	[sflag:s16] =	ssyncadd.s32 $0xFFFF9C00  }
0x2e: {  	[spmem:s5] =	stream.linear.scatter [tilespmem:s15], [sflag:$0x3], $0x6400, $0x38;
	[tilespmem:$0x1F880] =	vst v63  }
0x2f: {  	_ =	swait.ge [sflag:s16], $0x6400  }
0x30: {  	[sflag:s16] =	ssyncset.done $0x0  }
0x31: {  	[sflag:s16] =	ssyncadd.s32 $0xFFFF9C00  }
0x32: {  	[spmem:s6] =	stream.linear.scatter [tilespmem:s15], [sflag:$0x3], $0x6400, $0x38;
	[tilespmem:$0x1F880] =	vst v63  }
0x33: {  	_ =	swait.ge [sflag:s16], $0x6400  }
0x34: {  	[sflag:s16] =	ssyncset.done $0x0  }
0x35: {  	s23 =	simm.s32 @!p0 $0x5C00;
	[sflag:s16] =	ssyncadd.s32 $0xFFFF9C00  }
0x36: {  	[spmem:s7] =	stream.linear.scatter @!p0 [tilespmem:s23], [sflag:$0x3], $0x6400, $0x38;
	[tilespmem:$0x1F880] =	vst v63  }
0x37: {  	s23 =	simm.s32 @!p0 $0x3  }
0x38: {  	_ =	swait.ge @!p0 [sflag:s23], $0x6400  }
0x39: {  	[sflag:s23] =	ssyncset.done @!p0 $0x0  }
0x3a: {  	[sflag:s23] =	ssyncadd.s32 @!p0 $0xFFFF9C00  }
0x3b: {  	s30 =	simm.s32 $0x0;
	[bflag:$0x0] =	sbarrier.arrive $0xFFFF  }
0x3c: {  	[tilespmem:s30], [sflag:$0x3] =	stream.linear.gather [hbm4b:s8+s30], $0x3200, $0x38;
	[tilespmem:$0x1F880] =	vst v63  }
0x3d: {  	_ =	swait.ge [sflag:s16], $0x3200  }
0x3e: {  	[sflag:s16] =	ssyncset.done $0x0  }
0x3f: {  	s24 =	sadd.s32 $0x0, s14;
	[sflag:s16] =	ssyncadd.s32 $0xFFFFCE00  }
0x40: {  	[tilespmem:s17], [sflag:$0x1] =	stream.linear.gather [hbm4b:s24+s3], $0x1400, $0x38;
	[tilespmem:$0x1F880] =	vst v63  }
0x41: {  	s24 =	sadd.s32 $0x280, s24  }
0x42: {  	[tilespmem:s18], [sflag:$0x2] =	stream.linear.gather [hbm4b:s24+s3], $0x1400, $0x38;
	[tilespmem:$0x1F880] =	vst v63  }
0x43: {  	_ =	swait.ge [sflag:s19], $0x1400  }
0x44: {  	[sflag:s19] =	ssyncset.done $0x0  }
0x45: {  	[sflag:s19] =	ssyncadd.s32 $0xFFFFEC00  }
0x46: {  	[spmem:s2] =	stream.indirect.scatter.add.f32 [tilespmem:s17], [sflag:$0x3], $0x80, s30, s20, $0xb8;
	[tilespmem:$0x1F880] =	vst v63  }
0x47: {  	_ =	swait.ge [sflag:s16], $0x1400  }
0x48: {  	[sflag:s16] =	ssyncset.done $0x0  }
0x49: {  	[sflag:s16] =	ssyncadd.s32 $0xFFFFEC00  }
0x4a: {  	_ =	swait.ge [sflag:s21], $0x1400  }
0x4b: {  	[sflag:s21] =	ssyncset.done $0x0  }
0x4c: {  	s31 =	simm.s32 $0x80;
	[sflag:s21] =	ssyncadd.s32 $0xFFFFEC00  }
0x4d: {  	[spmem:s2] =	stream.indirect.scatter.add.f32 [tilespmem:s18], [sflag:$0x3], $0x80, s31, s20, $0xb8;
	[tilespmem:$0x1F880] =	vst v63  }
0x4e: {  	s25 =	simm.s32 $0xA00;
	_ =	swait.ge [sflag:s16], $0x1400  }
0x4f: {  	s23 =	simm.s32 $0x100;
	s24 =	simm.s32 $0x500;
	[sflag:s16] =	ssyncset.done $0x0  }
.LBB2_4:
0x50: {  	s26 =	sadd.s32 s24, s14  }
0x51: {  	[sflag:s16] =	ssyncadd.s32 $0xFFFFEC00;
	s24 =	smov.u32 s25;
	s28 =	sadd.s32 $0x500, s25  }
0x52: {  	[tilespmem:s17], [sflag:$0x1] =	stream.linear.gather [hbm4b:s26+s3], $0x1400, $0x38;
	[tilespmem:$0x1F880] =	vst v63  }
0x53: {  	p1 =	sne.s32 s25, $0xF500;
	s25 =	sadd.s32 $0x280, s26  }
0x54: {  	[tilespmem:s18], [sflag:$0x2] =	stream.linear.gather [hbm4b:s25+s3], $0x1400, $0x38;
	[tilespmem:$0x1F880] =	vst v63  }
0x55: {  	_ =	swait.ge [sflag:s19], $0x1400  }
0x56: {  	[sflag:s19] =	ssyncset.done $0x0  }
0x57: {  	[sflag:s19] =	ssyncadd.s32 $0xFFFFEC00  }
0x58: {  	[spmem:s2] =	stream.indirect.scatter.add.f32 [tilespmem:s17], [sflag:$0x3], $0x80, s23, s20, $0xb8;
	[tilespmem:$0x1F880] =	vst v63  }
0x59: {  	_ =	swait.ge [sflag:s16], $0x1400  }
0x5a: {  	[sflag:s16] =	ssyncset.done $0x0  }
0x5b: {  	[sflag:s16] =	ssyncadd.s32 $0xFFFFEC00  }
0x5c: {  	_ =	swait.ge [sflag:s21], $0x1400  }
.Ltmp1:
0x5d: {  	[sflag:s21] =	ssyncset.done $0x0;
	(pc) =	sbr.rel @p1 .LBB2_4-.Ltmp1, $4  }
0x5e: {  	s25 =	sadd.s32 $0x80, s23;
	[sflag:s21] =	ssyncadd.s32 $0xFFFFEC00  }
0x5f: {  	[spmem:s2] =	stream.indirect.scatter.add.f32 [tilespmem:s18], [sflag:$0x3], $0x80, s25, s20, $0xb8;
	[tilespmem:$0x1F880] =	vst v63  }
0x60: {  	_ =	swait.ge [sflag:s16], $0x1400  }
0x61: {  	s23 =	sadd.s32 $0x100, s23;
	s25 =	smov.u32 s28;
	[sflag:s16] =	ssyncset.done $0x0  }
0x62: {  	s24 =	sadd.s32 s24, s14;
	[sflag:s16] =	ssyncadd.s32 $0xFFFFEC00  }
0x63: {  	[tilespmem:s17], [sflag:$0x1] =	stream.linear.gather [hbm4b:s24+s3], $0x1400, $0x38;
	[tilespmem:$0x1F880] =	vst v63  }
0x64: {  	s24 =	sadd.s32 $0x280, s24  }
0x65: {  	[tilespmem:s18], [sflag:$0x2] =	stream.linear.gather [hbm4b:s24+s3], $0x1400, $0x38;
	[tilespmem:$0x1F880] =	vst v63  }
0x66: {  	_ =	swait.ge [sflag:s19], $0x1400  }
0x67: {  	[sflag:s19] =	ssyncset.done $0x0  }
0x68: {  	[sflag:s19] =	ssyncadd.s32 $0xFFFFEC00  }
0x69: {  	[spmem:s2] =	stream.indirect.scatter.add.f32 [tilespmem:s17], [sflag:$0x3], $0x80, s23, s20, $0xb8;
	[tilespmem:$0x1F880] =	vst v63  }
0x6a: {  	_ =	swait.ge [sflag:s16], $0x1400  }
0x6b: {  	[sflag:s16] =	ssyncset.done $0x0  }
0x6c: {  	[sflag:s16] =	ssyncadd.s32 $0xFFFFEC00  }
0x6d: {  	_ =	swait.ge [sflag:s21], $0x1400  }
0x6e: {  	[sflag:s21] =	ssyncset.done $0x0  }
0x6f: {  	s26 =	sadd.s32 $0x80, s23;
	[sflag:s21] =	ssyncadd.s32 $0xFFFFEC00  }
0x70: {  	[spmem:s2] =	stream.indirect.scatter.add.f32 [tilespmem:s18], [sflag:$0x3], $0x80, s26, s20, $0xb8;
	[tilespmem:$0x1F880] =	vst v63  }
0x71: {  	_ =	swait.ge [sflag:s16], $0x1400  }
0x72: {  	[sflag:s16] =	ssyncset.done $0x0  }
0x73: {  	s28 =	sshll.u32 s1, $0x6;
	[sflag:s16] =	ssyncadd.s32 $0xFFFFEC00  }
0x74: {  	s29 =	sshrl.u32 s4, $0x3;
	s23 =	sor.u32 $0x1C03, s28;
	[bflag:$0x0] =	sbarrier.arrive $0xFFFF  }
0x75: {  	[hbm:s9], [sflag:s23] =	dma.local [spmem:s29], $0xC80  }
0x76: {  	_ =	swait.ge [sflag:s16], $0xC80  }
0x77: {  	[sflag:s16] =	ssyncset.done $0x0  }
0x78: {  	s30 =	sshrl.u32 s5, $0x3;
	[sflag:s16] =	ssyncadd.s32 $0xFFFFF380  }
0x79: {  	[hbm:s10], [sflag:s23] =	dma.local [spmem:s30], $0xC80  }
0x7a: {  	_ =	swait.ge [sflag:s16], $0xC80  }
0x7b: {  	[sflag:s16] =	ssyncset.done $0x0  }
0x7c: {  	s31 =	sshrl.u32 s6, $0x3;
	[sflag:s16] =	ssyncadd.s32 $0xFFFFF380  }
0x7d: {  	[hbm:s11], [sflag:s23] =	dma.local [spmem:s31], $0xC80  }
0x7e: {  	_ =	swait.ge [sflag:s16], $0xC80  }
0x7f: {  	s22 =	sadd.s32 $0x1, s22;
	[sflag:s16] =	ssyncset.done $0x0  }
0x80: {  	p1 =	sne.s32 s22, s13;
	s24 =	sshrl.u32 @!p0 s7, $0x3;
	[sflag:s16] =	ssyncadd.s32 $0xFFFFF380  }
0x81: {  	[hbm:s12], [sflag:s23] =	dma.local @!p0 [spmem:s24], $0xC80  }
.Ltmp2:
0x82: {  	_ = 	snop;
	(pc) =	sbr.rel @p1 .LBB2_1-.Ltmp2, $4  }
0x83: {  	s23 =	simm.s32 @!p0 $0x3  }
0x84: {  	_ =	swait.ge @!p0 [sflag:s23], $0xC80  }
0x85: {  	[sflag:s23] =	ssyncset.done @!p0 $0x0  }
0x86: {  	[sflag:s23] =	ssyncadd.s32 @!p0 $0xFFFFF380  }
0x87: {  	_ =	sfence.sel $0x180000  }
0x88: {  	[bflag:$0x0] =	sbarrier.arrive $0xFFFF  }
0x89: {  	p0 =	sne.s32 s1, $0x0;
	_ =	strace $0x90000050  }
0x8a: {  	s0 =	sadd.s32 @!p0 $0x100000, s0;
	[bflag:$0x2] =	sbarrier.arrive $0xFFFF  }
0x8b: {  	[sflag:s0] =	ssyncadd.tile.s32 @!p0 $0x1;
	_ =	shalt  }
.Lfunc_end2:
_tile_overlayer_lowered:
.L_overlay_start_2:
0x8c: {  	(tag) =	ssettag $0x2  }
0x8d: {  	s0 =	rddreg [dreg:$0x0];
	s2 =	stileid.u32  }
0x8e: {  	s1 =	rddreg [dreg:$0x1];
	p0 =	sne.s32 s2, $0x0  }
0x8f: {  	s3 =	rddreg [dreg:$0x2];
	[bflag:$0x3] =	sbarrier.arrive $0xFFFF;
	s2 =	simm.s32 @!p0 $0x1C03  }
0x90: {  	[timem:s3], [sflag:s2] =	dma.local @!p0 [hbm:s0], s1  }
0x91: {  	s0 =	simm.s32 @!p0 $0x3  }
0x92: {  	_ =	swait.ge @!p0 [sflag:s0], s1  }
0x93: {  	s1 =	ssub.s32 @!p0 $0x0, s1;
	[sflag:s0] =	ssyncset.done @!p0 $0x0  }
0x94: {  	[sflag:s0] =	ssyncadd.s32 @!p0 s1  }
0x95: {  	[bflag:$0x3] =	sbarrier.arrive $0xFFFF  }
0x96: {  	_ =	shalt  }

// kernel: kernel.19.cloned.1.call-start
scs
__scs_entry_jumppad:
0x0: {  	(pc) =	sbr.rel $0x88, $3  }
0x1: {  	(tag) =	ssettag $0x0;
	lr =	simm.s32 $0x1  }
0x2: {  	[smem:$0x3F8F] =	sst lr;
	_ =	strace $0xD0000000  }
0x3: {  	_ = 	snop  }
0x4: {  	_ = 	snop  }
0x5: {  	_ = 	snop  }
0x6: {  	_ = 	snop  }
0x7: {  	_ = 	snop  }
__scs_overlays_trampoline_lowered:
0x8: {  	[smem:$0x3F9E] =	sst s0  }
0x9: {  	[smem:$0x3F9F] =	sst s1  }
0xa: {  	[smem:$0x3FA0] =	sst s2  }
0xb: {  	[smem:$0x3FA1] =	sst s3  }
0xc: {  	[smem:$0x3FA2] =	sst s4  }
0xd: {  	[smem:$0x3FA3] =	sst s5  }
0xe: {  	[smem:$0x3FA4] =	sst s6  }
0xf: {  	[smem:$0x3FA5] =	sst s7  }
0x10: {  	[smem:$0x3FA6] =	sst s8  }
0x11: {  	[smem:$0x3FA7] =	sst s9;
	s0 =	simm.s32 @!p0 $0x0  }
0x12: {  	s1 =	sld [smem:$0x3F8D];
	s0 =	simm.s32 @p0 $0x1  }
0x13: {  	[smem:$0x3FA8] =	sst s0;
	s0 =	simm.s32 @!p1 $0x0  }
0x14: {  	s2 =	sld [smem:$0x3F8C];
	s0 =	simm.s32 @p1 $0x1  }
0x15: {  	[smem:$0x3FA9] =	sst s0;
	s0 =	simm.s32 @!p2 $0x0  }
0x16: {  	s3 =	sld [smem:$0x3FDB];
	s0 =	simm.s32 @p2 $0x1  }
0x17: {  	s4 =	simm.s32 $0x1BF5;
	[smem:$0x3FAB] =	sst s0  }
0x18: {  	s0 =	sld [smem:$0x3F8E];
	_ =	swait.ge [sflag:s4], $0x0  }
0x19: {  	s7 =	sld [smem:$0x3F8F]  }
0x1a: {  	s8 =	sadd.s32 $0xFFFFE003, lr  }
0x1b: {  	s9 =	sadd.s32 $0xFFFFFEF7, lr;
	s5 =	simm.s32 $0xFFFFFFFF;
	p2 =	slt.u32 s8, $0xFFFFF086  }
0x1c: {  	p1 =	slt.u32 s9, $0xF7A;
	s5 =	simm.s32 @!p2 $0x0  }
0x1d: {  	s5 =	simm.s32 @p1 $0x1;
	p0 =	seq.s32 s7, s2  }
0x1e: {  	s7 =	smul.u32 @!p0 $0xF7A, s2;
	p2 =	seq.s32 @!p0 s5, $0x0  }
0x1f: {  	s9 =	smul.u32 $0xF7A, s1;
	s8 =	simm.s32 @!p0 $0x1BF5;
	p2 =	por !p2, p0  }
0x20: {  	[sflag:s8] =	ssyncset.s32 @!p0 $0xFFFFF086;
	s6 =	sadd.s32 @!p0 s3, s7;
	s7 =	simm.s32 @!p0 $0x108  }
0x21: {  	s3 =	sadd.s32 s3, s9;
	s6 =	sadd.s32 @!p0 $0x88, s6;
	s7 =	simm.s32 @p2 $0x1082  }
0x22: {  	[simem:s7], [sflag:s8] =	dma.local @!p0 [hbm:s6], $0xF7A  }
0x23: {  	s9 =	sor.u32 $0xD0000000, s2;
	s6 =	simm.s32 $0x108;
	_ =	swait.ge @!p0 [sflag:s8], $0x0  }
0x24: {  	s3 =	sadd.s32 $0x88, s3;
	s6 =	simm.s32 @!p1 $0x1082;
	[sflag:s4] =	ssyncset.s32 $0xFFFFF086  }
0x25: {  	[simem:s6], [sflag:s4] =	dma.local [hbm:s3], $0xF7A  }
0x26: {  	[smem:$0x3F8F] =	sst s1;
	(tag) =	ssettag s2;
	_ =	strace s9  }
0x27: {  	s1 =	sld [smem:$0x3F9F]  }
0x28: {  	s2 =	sld [smem:$0x3FA0]  }
0x29: {  	s4 =	sld [smem:$0x3FA2]  }
0x2a: {  	p0 =	seq.s32 s5, $0x0;
	s5 =	sld [smem:$0x3FA3]  }
0x2b: {  	s6 =	sld [smem:$0x3FA4]  }
0x2c: {  	s7 =	sld [smem:$0x3FA5]  }
0x2d: {  	s3 =	simm.s32 $0x108;
	s8 =	sld [smem:$0x3FA6]  }
0x2e: {  	s3 =	simm.s32 @!p0 $0x1082;
	s9 =	sld [smem:$0x3FA7]  }
0x2f: {  	lr =	sadd.s32 s0, s3;
	s0 =	sld [smem:$0x3F9E]  }
0x30: {  	s3 =	sld [smem:$0x3FA1]  }
0x31: {  	[smem:$0x3FAA] =	sst s10  }
0x32: {  	s10 =	sld [smem:$0x3FA8];
	_ =	sdelay $0x3  }
0x33: {  	p0 =	seq.s32 s10, $0x1;
	s10 =	sld [smem:$0x3FAA];
	_ =	sdelay $0x3  }
0x34: {  	[smem:$0x3FAA] =	sst s10  }
0x35: {  	s10 =	sld [smem:$0x3FA9];
	_ =	sdelay $0x3  }
0x36: {  	p1 =	seq.s32 s10, $0x1;
	s10 =	sld [smem:$0x3FAA];
	_ =	sdelay $0x3  }
0x37: {  	[smem:$0x3FAA] =	sst s10  }
0x38: {  	s10 =	sld [smem:$0x3FAB]  }
0x39: {  	_ = 	snop;
	(pc) =	sbr.ind lr, $3  }
0x3a: {  	_ = 	snop  }
0x3b: {  	_ = 	snop  }
0x3c: {  	p2 =	seq.s32 s10, $0x1;
	s10 =	sld [smem:$0x3FAA]  }
0x3d: {  	_ =	shalt  }
0x3e: {  	_ =	shalt  }
0x3f: {  	_ =	shalt  }
0x40: {  	_ =	shalt  }
0x41: {  	_ =	shalt  }
0x42: {  	_ =	shalt  }
0x43: {  	_ =	shalt  }
0x44: {  	_ =	shalt  }
0x45: {  	_ =	shalt  }
0x46: {  	_ =	shalt  }
0x47: {  	_ =	shalt  }
0x48: {  	_ =	shalt  }
0x49: {  	_ =	shalt  }
0x4a: {  	_ =	shalt  }
0x4b: {  	_ =	shalt  }
0x4c: {  	_ =	shalt  }
0x4d: {  	_ =	shalt  }
0x4e: {  	_ =	shalt  }
0x4f: {  	_ =	shalt  }
0x50: {  	_ =	shalt  }
0x51: {  	_ =	shalt  }
0x52: {  	_ =	shalt  }
0x53: {  	_ =	shalt  }
0x54: {  	_ =	shalt  }
0x55: {  	_ =	shalt  }
0x56: {  	_ =	shalt  }
0x57: {  	_ =	shalt  }
0x58: {  	_ =	shalt  }
0x59: {  	_ =	shalt  }
0x5a: {  	_ =	shalt  }
0x5b: {  	_ =	shalt  }
0x5c: {  	_ =	shalt  }
0x5d: {  	_ =	shalt  }
0x5e: {  	_ =	shalt  }
0x5f: {  	_ =	shalt  }
0x60: {  	_ =	shalt  }
0x61: {  	_ =	shalt  }
0x62: {  	_ =	shalt  }
0x63: {  	_ =	shalt  }
0x64: {  	_ =	shalt  }
0x65: {  	_ =	shalt  }
0x66: {  	_ =	shalt  }
0x67: {  	_ =	shalt  }
0x68: {  	_ =	shalt  }
0x69: {  	_ =	shalt  }
0x6a: {  	_ =	shalt  }
0x6b: {  	_ =	shalt  }
0x6c: {  	_ =	shalt  }
0x6d: {  	_ =	shalt  }
0x6e: {  	_ =	shalt  }
0x6f: {  	_ =	shalt  }
0x70: {  	_ =	shalt  }
0x71: {  	_ =	shalt  }
0x72: {  	_ =	shalt  }
0x73: {  	_ =	shalt  }
0x74: {  	_ =	shalt  }
0x75: {  	_ =	shalt  }
0x76: {  	_ =	shalt  }
0x77: {  	_ =	shalt  }
0x78: {  	_ =	shalt  }
0x79: {  	_ =	shalt  }
0x7a: {  	_ =	shalt  }
0x7b: {  	_ =	shalt  }
0x7c: {  	_ =	shalt  }
0x7d: {  	_ =	shalt  }
0x7e: {  	_ =	shalt  }
0x7f: {  	_ =	shalt  }
0x80: {  	_ =	shalt  }
0x81: {  	_ =	shalt  }
0x82: {  	_ =	shalt  }
0x83: {  	_ =	shalt  }
0x84: {  	_ =	shalt  }
0x85: {  	_ =	shalt  }
0x86: {  	_ =	shalt  }
0x87: {  	_ =	shalt  }
.Lfunc_end0:
.L_simem_size_0:
called_computation.2_lowered:
.L_overlay_start_0:
0x88: {  	s2 =	sld [smem:$0x3FD9]  }
0x89: {  	s3 =	sld [smem:$0x3FFE];
	_ =	sdelay $0x1  }
0x8a: {  	s1 =	srdreg.scid  }
0x8b: {  	s0 =	sand.u32 $0x1, s1  }
0x8c: {  	s17 =	sshll.u32 s0, $0xA;
	s2 =	sadd.s32 s3, s2  }
0x8d: {  	s2 =	sadd.s32 s2, s17  }
0x8e: {  	[smem:$0x3FB6] =	sst s2  }
0x8f: {  	_ = 	snop  }
0x90: {  	(tm) =	ssettm $0x1  }
0x91: {  	s18 =	sld [smem:$0x3FFB];
	_ =	sdelay $0x3  }
0x92: {  	_ =	strace s18  }
0x93: {  	s2 =	sld [smem:$0x3FFC];
	_ =	sdelay $0x3  }
0x94: {  	_ =	strace s2  }
0x95: {  	s2 =	sld [smem:$0x3FFD];
	_ =	sdelay $0x3  }
0x96: {  	_ =	strace s2  }
0x97: {  	_ =	strace $0x8FFFFFFF  }
0x98: {  	s19 =	sld [smem:$0x3FDB];
	_ =	sdelay $0x1  }
0x99: {  	s20 =	simm.s32 $_scs_section_size  }
0x9a: {  	s4 =	simm.s32 $_size__tile_overlayer_lowered;
	s5 =	simm.s32 $_tile_overlayer_lowered  }
0x9b: {  	s6 =	simm.s32 $0x1BFF;
	s21 =	sshll.u32 s5, $0x1;
	s3 =	sadd.s32 s20, s19  }
0x9c: {  	s22 =	simm.s32 $0x0;
	s4 =	sshll.u32 s4, $0x1;
	s5 =	sadd.s32 s21, s3  }
0x9d: {  	[timem:s22], [sflag:s6] =	dma.local [hbm:s5], s4  }
0x9e: {  	_ =	swait.ge [sflag:s6], s4  }
0x9f: {  	s4 =	ssub.s32 $0x0, s4;
	[sflag:s6] =	ssyncset.done $0x0  }
0xa0: {  	[sflag:s6] =	ssyncadd.s32 s4;
	_ =	sdelay $0x1  }
0xa1: {  	s23 =	simm.s32 $0x1B8B  }
0xa2: {  	_ =	swait.ge [sflag:s23], $0x1  }
0xa3: {  	[sflag:s23] =	ssyncset.done $0x0  }
0xa4: {  	[sflag:s23] =	ssyncadd.s32 $0xFFFFFFFF  }
0xa5: {  	s4 =	sld [smem:$0x0]  }
0xa6: {  	s5 =	sand.u32 $0xFFFFFFFE, s1  }
0xa7: {  	p0 =	sne.s32 s1, s5  }
0xa8: {  	s5 =	sshll.u32 @p0 s5, $0xE  }
0xa9: {  	s5 =	sadd.s32 @p0 $0x11B8D, s5;
	s6 =	sshll.u32 @p0 s4, $0x11  }
0xaa: {  	s5 =	sor.u32 @p0 s6, s5  }
0xab: {  	[sflag:s5] =	ssyncadd.remote.s32 @p0 $0x1;
	_ =	sdelay $0x1  }
0xac: {  	s5 =	simm.s32 @p0 $0x1B8D  }
0xad: {  	_ =	swait.eq @p0 [sflag:s5], $0x1  }
0xae: {  	[sflag:s5] =	ssyncadd.s32 @p0 $0xFFFFFFFF  }
0xaf: {  	s6 =	sshll.u32 @!p0 s1, $0xE  }
0xb0: {  	s6 =	sor.u32 @!p0 $0x4000, s6;
	s5 =	simm.s32 @!p0 $0x1B8D  }
0xb1: {  	s4 =	sshll.u32 @!p0 s4, $0x11;
	s6 =	sadd.s32 @!p0 $0x11B8D, s6;
	_ =	swait.eq @!p0 [sflag:s5], $0x1  }
0xb2: {  	s4 =	sor.u32 @!p0 s4, s6;
	[sflag:s5] =	ssyncadd.s32 @!p0 $0xFFFFFFFF  }
0xb3: {  	s25 =	simm.s32 $0x1B8E;
	s24 =	sld [smem:$0x3FFE];
	[sflag:s4] =	ssyncadd.remote.s32 @!p0 $0x1  }
0xb4: {  	s26 =	simm.s32 $execute0_lowered;
	[smem:$0x3FD2] =	sst s25  }
0xb5: {  	s5 =	sshll.u32 s26, $0x1;
	_ =	strace $0x80000049;
	[dreg:$0x1] =	wrdreg $0xFFFFFFFF  }
0xb6: {  	s28 =	simm.s32 $_size_execute0_lowered;
	s3 =	sadd.s32 s3, s5;
	[dreg:$0x0] =	wrdreg $0x0  }
0xb7: {  	s5 =	sshll.u32 s28, $0x1;
	[dreg:$0x2] =	wrdreg s3  }
0xb8: {  	[dreg:$0x3] =	wrdreg s5  }
0xb9: {  	[dreg:$0x4] =	wrdreg $0xC0  }
0xba: {  	_ =	task [dreg:s22], $0x5FFFF  }
0xbb: {  	[dreg:$0x1] =	wrdreg $0xFFFFFFFF  }
0xbc: {  	[dreg:$0x0] =	wrdreg $0x60  }
0xbd: {  	[dreg:$0x2] =	wrdreg s24  }
0xbe: {  	[dreg:$0x3] =	wrdreg $0xB  }
0xbf: {  	_ =	task.clear_ibuf [dreg:s22], $0x4FFFF;
	_ =	strace $0x90000049  }
0xc0: {  	s29 =	simm.s32 $0xB;
	_ =	strace $0x8000004B  }
0xc1: {  	_ =	swait.ge [sflag:s29], $0x1  }
0xc2: {  	[sflag:s29] =	ssyncadd.s32 $0xFFFFFFFF  }
0xc3: {  	_ =	strace $0x9000004B  }
0xc4: {  	_ =	sfence  }
0xc5: {  	s30 =	sld [smem:$0x0];
	_ =	sdelay $0x2  }
0xc6: {  	s31 =	sshll.u32 s1, $0xD;
	s1 =	sshrl.u32 s1, $0x2  }
0xc7: {  	s4 =	sand.u32 $0x4000, s31;
	s1 =	sadd.s32 s1, s30  }
0xc8: {  	s0 =	sor.u32 s4, s0;
	s1 =	sshll.u32 s1, $0x11  }
0xc9: {  	s0 =	sor.u32 s1, s0  }
0xca: {  	s0 =	sadd.s32 $0x8F2B, s0  }
0xcb: {  	[sflag:s0] =	ssyncadd.remote.s32 $0x1  }
0xcc: {  	_ =	sfence.sel $0xFFFF  }
0xcd: {  	[dreg:$0x0] =	wrdreg $0xFFFFFFFF;
	(pc) =	sbr.abs _section_cstart, $3  }
0xce: {  	[dreg:$0x1] =	wrdreg $0xFFFFFFFF  }
0xcf: {  	_ =	task.clear_ibuf [dreg:s22], $0x2FFFF;
	_ =	strace $0x9FFFFFFF  }
0xd0: {  	(tm) =	ssettm $0x7FFFFFFF  }
0xd1: {  	_ =	shalt  }
tec
execute0_lowered:
.L_overlay_start_1:
0x0: {  	(tag) =	ssettag $0x1  }
0x1: {  	s0 =	rddreg [dreg:$0x0]  }
0x2: {  	s2 =	simm.s32 $0x0;
	s9 =	stileid.u32;
	s1 =	srdreg.scid  }
0x3: {  	s13 =	simm.s32 $0x5;
	s15 =	simm.s32 $0x1F40;
	s16 =	simm.s32 $0x4650  }
0x4: {  	s17 =	simm.s32 $0x6D60;
	s19 =	simm.s32 $0x50;
	s20 =	simm.s32 $0xA410  }
0x5: {  	s21 =	simm.s32 $0xB810;
	s22 =	simm.s32 $0xCC10;
	s23 =	simm.s32 $0xE010  }
0x6: {  	s24 =	simm.s32 $0x1;
	s25 =	simm.s32 $0x2;
	s28 =	simm.s32 $0x80  }
0x7: {  	s29 =	simm.s32 $0x3;
	s30 =	simm.s32 $0x4;
	s31 =	simm.s32 $0x0  }
0x8: {  	[smem:$0x7FF] =	sst s2;
	s1 =	sand.u32 $0x1, s1;
	s5 =	sshll.u32 s9, $0x1  }
0x9: {  	s3 =	sadd.s32 $0x53400, s0;
	s4 =	sadd.s32 $0x66E00, s0;
	s26 =	sadd.s32 $0x7F400, s0  }
0xa: {  	s6 =	sadd.s32 $0x7EE00, s0;
	s9 =	smul.u32 $0x1F400, s9;
	s7 =	sor.u32 s1, s5  }
0xb: {  	_ =	strace $0x8000004A;
	[dreg:$0x2] =	wrdreg s26;
	s8 =	smul.u32 $0xFA0, s7  }
0xc: {  	s10 =	ssub.s32 $0x2, s1;
	s1 =	smul.u32 $0xFA00, s1;
	s26 =	simm.s32 $0x40  }
0xd: {  	s7 =	sadd.s32 $0x7E800, s0;
	s12 =	sadd.s32 s9, s0;
	s8 =	sshrl.u32 s8, $0x3  }
0xe: {  	s11 =	sshrl.u32 s10, $0x1;
	s1 =	sadd.s32 s1, s12;
	s0 =	sadd.s32 s8, s0  }
0xf: {  	s11 =	ssub.s32 s10, s11;
	s12 =	sadd.s32 $0x283F08, s1;
	s8 =	sadd.s32 $0x277A00, s0  }
0x10: {  	s11 =	smax.u32 s11, $0x1;
	s9 =	sadd.s32 $0x27BA00, s0;
	s10 =	sadd.s32 $0x27FA00, s0  }
.LBB2_1:
0x11: {  	[tilespmem:s2], [sflag:$0x5] =	stream.linear.gather [hbm4b:s8+s2], $0xFA0, $0x38;
	[tilespmem:$0xF410] =	vst v63  }
0x12: {  	_ =	swait.ge [sflag:s13], $0xFA0  }
0x13: {  	[sflag:s13] =	ssyncset.done $0x0  }
0x14: {  	s0 =	simm.s32 $0xFA0;
	[sflag:s13] =	ssyncadd.s32 $0xFFFFF060  }
0x15: {  	[tilespmem:s0], [sflag:$0x5] =	stream.linear.gather [hbm4b:s9+s2], $0xFA0, $0x38;
	[tilespmem:$0xF410] =	vst v63  }
0x16: {  	_ =	swait.ge [sflag:s13], $0xFA0  }
0x17: {  	[sflag:s13] =	ssyncset.done $0x0  }
0x18: {  	s18 =	rddreg [dreg:$0x2];
	[sflag:s13] =	ssyncadd.s32 $0xFFFFF060  }
0x19: {  	[tilespmem:s15], [sflag:$0x5] =	stream.linear.gather [hbm4b:s18+s2], $0x2710, $0x38;
	[tilespmem:$0xF410] =	vst v63  }
0x1a: {  	_ =	swait.ge [sflag:s13], $0x2710  }
0x1b: {  	[sflag:s13] =	ssyncset.done $0x0  }
0x1c: {  	[sflag:s13] =	ssyncadd.s32 $0xFFFFD8F0  }
0x1d: {  	[tilespmem:s16], [sflag:$0x5] =	stream.linear.gather [hbm4b:s6+s2], $0x2710, $0x38;
	[tilespmem:$0xF410] =	vst v63  }
0x1e: {  	_ =	swait.ge [sflag:s13], $0x2710  }
0x1f: {  	[sflag:s13] =	ssyncset.done $0x0  }
0x20: {  	[sflag:s13] =	ssyncadd.s32 $0xFFFFD8F0  }
0x21: {  	[tilespmem:s17], [sflag:$0x5] =	stream.linear.gather [hbm4b:s7+s2], $0x2710, $0x38;
	[tilespmem:$0xF410] =	vst v63  }
0x22: {  	_ =	swait.ge [sflag:s13], $0x2710  }
0x23: {  	[sflag:s13] =	ssyncset.done $0x0  }
0x24: {  	s0 =	simm.s32 $0x0;
	[sflag:s13] =	ssyncadd.s32 $0xFFFFD8F0  }
0x25: {  	v0 =	vld [tilespmem:s0+$0xFA0]  }
0x26: {  	v1 =	vld [tilespmem:s0+$0x0];
	_ =	sdelay $0x6  }
0x27: {  	v2 =	vld.idx.msk [tilespmem:v0+s15+$0x0], $0xffff  }
0x28: {  	v3 =	vld.idx.msk [tilespmem:v1+s15+$0x0], $0xffff  }
0x29: {  	v4 =	vld.idx.msk [tilespmem:v1+s16+$0x0], $0xffff  }
0x2a: {  	v5 =	vld.idx.msk [tilespmem:v0+s16+$0x0], $0xffff  }
0x2b: {  	v6 =	vld.idx.msk [tilespmem:v1+s17+$0x0], $0xffff  }
0x2c: {  	v7 =	vld.idx.msk [tilespmem:v0+s17+$0x0], $0xffff;
	_ =	sdelay $0x2  }
0x2d: {  	s1 =	simm.s32 $0x10;
	v3 =	vsub.f32 v3, v2;
	v4 =	vsub.f32 v4, v5  }
0x2e: {  	v0 =	vld [tilespmem:s1+$0xFA0]  }
0x2f: {  	v1 =	vld [tilespmem:s1+$0x0];
	v2 =	vsub.f32 v6, v7;
	v3 =	vmul.f32 v3, v3;
	v4 =	vmul.f32 v4, v4  }
0x30: {  	s14 =	simm.s32 $0x80  }
.LBB2_2:
0x31: {  	p0 =	sne.s32 s14, $0x3E40;
	v3 =	vadd.f32 v4, v3;
	v2 =	vmul.f32 v2, v2;
	_ =	sdelay $0x1  }
0x32: {  	v2 =	vadd.f32 v2, v3;
	_ =	sdelay $0x1  }
0x33: {  	[tilespmem:s0+$0x9470] =	vst v2;
	s0 =	smov.u32 s1  }
0x34: {  	v2 =	vld.idx.msk [tilespmem:v0+s15+$0x0], $0xffff  }
0x35: {  	v3 =	vld.idx.msk [tilespmem:v1+s15+$0x0], $0xffff  }
0x36: {  	v4 =	vld.idx.msk [tilespmem:v1+s16+$0x0], $0xffff  }
0x37: {  	v5 =	vld.idx.msk [tilespmem:v0+s16+$0x0], $0xffff  }
0x38: {  	v6 =	vld.idx.msk [tilespmem:v1+s17+$0x0], $0xffff  }
0x39: {  	v7 =	vld.idx.msk [tilespmem:v0+s17+$0x0], $0xffff;
	_ =	sdelay $0x2  }
.Ltmp0:
0x3a: {  	(pc) =	sbr.rel @p0 .LBB2_2-.Ltmp0, $4  }
0x3b: {  	s1 =	sshra.s32 s14, $0x2;
	v3 =	vsub.f32 v3, v2;
	v4 =	vsub.f32 v4, v5  }
0x3c: {  	v0 =	vld [tilespmem:s1+$0xFA0]  }
0x3d: {  	v3 =	vmul.f32 v3, v3;
	v2 =	vsub.f32 v6, v7;
	v4 =	vmul.f32 v4, v4;
	v1 =	vld [tilespmem:s1+$0x0]  }
0x3e: {  	s14 =	sadd.s32 $0x40, s14  }
0x3f: {  	_ = 	snop  }
0x40: {  	v3 =	vadd.f32 v4, v3;
	v2 =	vmul.f32 v2, v2;
	_ =	sdelay $0x1  }
0x41: {  	v2 =	vadd.f32 v2, v3;
	_ =	sdelay $0x1  }
0x42: {  	[tilespmem:s0+$0x9470] =	vst v2  }
0x43: {  	v2 =	vld.idx.msk [tilespmem:v0+s15+$0x0], $0xffff  }
0x44: {  	v57 =	vld.idx.msk [tilespmem:v1+s15+$0x0], $0xffff  }
0x45: {  	v58 =	vld.idx.msk [tilespmem:v1+s16+$0x0], $0xffff  }
0x46: {  	v5 =	vld.idx.msk [tilespmem:v0+s16+$0x0], $0xffff  }
0x47: {  	v59 =	vld.idx.msk [tilespmem:v1+s17+$0x0], $0xffff  }
0x48: {  	v60 =	vld.idx.msk [tilespmem:v0+s17+$0x0], $0xffff;
	_ =	sdelay $0x2  }
0x49: {  	v2 =	vsub.f32 v57, v2;
	v61 =	vsub.f32 v58, v5;
	_ =	sdelay $0x1  }
0x4a: {  	v0 =	vsub.f32 v59, v60;
	v62 =	vmul.f32 v2, v2;
	v63 =	vmul.f32 v61, v61;
	_ =	sdelay $0x1  }
0x4b: {  	v0 =	vmul.f32 v0, v0;
	v1 =	vadd.f32 v63, v62;
	_ =	sdelay $0x1  }
0x4c: {  	v0 =	vadd.f32 v0, v1;
	_ =	sdelay $0x1  }
0x4d: {  	s14 =	simm.s32 $0x0;
	s18 =	simm.s32 $0x9470;
	[tilespmem:s1+$0x9470] =	vst v0  }
0x4e: {  	[hbm4b:s10+s14] =	stream.linear.scatter [tilespmem:s18], [sflag:$0x5], $0xFA0, $0x38;
	[tilespmem:$0xF410] =	vst v63  }
0x4f: {  	_ =	swait.ge [sflag:s13], $0xFA0  }
0x50: {  	[sflag:s13] =	ssyncset.done $0x0  }
0x51: {  	s5 =	simm.s32 $0x0;
	[sflag:s13] =	ssyncadd.s32 $0xFFFFF060  }
0x52: {  	[tilespmem:s20], [sflag:$0x1] =	stream.indirect.gather [hbm4b:s3+s19], $0x40, s5, s19, $0xb8;
	[tilespmem:$0xF410] =	vst v63  }
0x53: {  	s14 =	simm.s32 $0xFA0  }
0x54: {  	[tilespmem:s21], [sflag:$0x2] =	stream.indirect.gather [hbm4b:s4+s19], $0x40, s14, s19, $0xb8;
	[tilespmem:$0xF410] =	vst v63  }
0x55: {  	s18 =	simm.s32 $0x50  }
0x56: {  	[tilespmem:s22], [sflag:$0x3] =	stream.indirect.gather [hbm4b:s3+s19], $0x40, s18, s19, $0xb8;
	[tilespmem:$0xF410] =	vst v63  }
0x57: {  	s1 =	simm.s32 $0xFF0  }
0x58: {  	[tilespmem:s23], [sflag:$0x4] =	stream.indirect.gather [hbm4b:s4+s19], $0x40, s1, s19, $0xb8;
	[tilespmem:$0xF410] =	vst v63  }
0x59: {  	_ =	swait.ge [sflag:s24], $0x1400  }
0x5a: {  	[sflag:s24] =	ssyncset.done $0x0  }
0x5b: {  	[sflag:s24] =	ssyncadd.s32 $0xFFFFEC00  }
0x5c: {  	_ =	swait.ge [sflag:s25], $0x1400  }
0x5d: {  	[sflag:s25] =	ssyncset.done $0x0  }
0x5e: {  	s5 =	sadd.s32 $0xFFFFFAF8, s12;
	[sflag:s25] =	ssyncadd.s32 $0xFFFFEC00  }
0x5f: {  	[hbm4b:s5+s26] =	stream.strided.scatter [tilespmem:s20], [sflag:$0x5], $0x1400, s28, s26, $0x38;
	[tilespmem:$0xF410] =	vst v63  }
0x60: {  	_ =	swait.ge [sflag:s13], $0x1400  }
0x61: {  	[sflag:s13] =	ssyncset.done $0x0  }
0x62: {  	s14 =	sadd.s32 $0xFFFFFB00, s12;
	[sflag:s13] =	ssyncadd.s32 $0xFFFFEC00  }
0x63: {  	[hbm4b:s14+s26] =	stream.strided.scatter [tilespmem:s21], [sflag:$0x5], $0x1400, s28, s26, $0x38;
	[tilespmem:$0xF410] =	vst v63  }
0x64: {  	_ =	swait.ge [sflag:s13], $0x1400  }
0x65: {  	[sflag:s13] =	ssyncset.done $0x0  }
0x66: {  	[sflag:s13] =	ssyncadd.s32 $0xFFFFEC00  }
0x67: {  	_ =	swait.ge [sflag:s29], $0x1400  }
0x68: {  	[sflag:s29] =	ssyncset.done $0x0  }
0x69: {  	[sflag:s29] =	ssyncadd.s32 $0xFFFFEC00  }
0x6a: {  	_ =	swait.ge [sflag:s30], $0x1400  }
0x6b: {  	[sflag:s30] =	ssyncset.done $0x0  }
0x6c: {  	s18 =	sadd.s32 $0xFFFFFFF8, s12;
	[sflag:s30] =	ssyncadd.s32 $0xFFFFEC00  }
0x6d: {  	[hbm4b:s18+s26] =	stream.strided.scatter [tilespmem:s22], [sflag:$0x5], $0x1400, s28, s26, $0x38;
	[tilespmem:$0xF410] =	vst v63  }
0x6e: {  	_ =	swait.ge [sflag:s13], $0x1400  }
0x6f: {  	[sflag:s13] =	ssyncset.done $0x0  }
0x70: {  	[sflag:s13] =	ssyncadd.s32 $0xFFFFEC00  }
0x71: {  	[hbm4b:s12+s26] =	stream.strided.scatter [tilespmem:s23], [sflag:$0x5], $0x1400, s28, s26, $0x38;
	[tilespmem:$0xF410] =	vst v63  }
0x72: {  	s0 =	sadd.s32 $0xA00, s12;
	_ =	swait.ge [sflag:s13], $0x1400  }
0x73: {  	s1 =	simm.s32 $0x280;
	s14 =	simm.s32 $0x500;
	[sflag:s13] =	ssyncset.done $0x0  }
.LBB2_4:
0x74: {  	s5 =	sshra.s32 s1, $0x2  }
0x75: {  	[sflag:s13] =	ssyncadd.s32 $0xFFFFEC00;
	s1 =	smov.u32 s14;
	s18 =	sadd.s32 $0x280, s14  }
0x76: {  	[tilespmem:s20], [sflag:$0x1] =	stream.indirect.gather [hbm4b:s3+s19], $0x40, s5, s19, $0xb8;
	[tilespmem:$0xF410] =	vst v63  }
0x77: {  	p0 =	sne.s32 s14, $0x3C00;
	s14 =	sadd.s32 $0xFA0, s5  }
0x78: {  	[tilespmem:s21], [sflag:$0x2] =	stream.indirect.gather [hbm4b:s4+s19], $0x40, s14, s19, $0xb8;
	[tilespmem:$0xF410] =	vst v63  }
0x79: {  	s14 =	sadd.s32 $0x50, s5  }
0x7a: {  	[tilespmem:s22], [sflag:$0x3] =	stream.indirect.gather [hbm4b:s3+s19], $0x40, s14, s19, $0xb8;
	[tilespmem:$0xF410] =	vst v63  }
0x7b: {  	s5 =	sadd.s32 $0xFF0, s5  }
0x7c: {  	[tilespmem:s23], [sflag:$0x4] =	stream.indirect.gather [hbm4b:s4+s19], $0x40, s5, s19, $0xb8;
	[tilespmem:$0xF410] =	vst v63  }
0x7d: {  	_ =	swait.ge [sflag:s24], $0x1400  }
0x7e: {  	[sflag:s24] =	ssyncset.done $0x0  }
0x7f: {  	[sflag:s24] =	ssyncadd.s32 $0xFFFFEC00  }
0x80: {  	_ =	swait.ge [sflag:s25], $0x1400  }
0x81: {  	[sflag:s25] =	ssyncset.done $0x0  }
0x82: {  	s5 =	sadd.s32 $0xFFFFFAF8, s0;
	[sflag:s25] =	ssyncadd.s32 $0xFFFFEC00  }
0x83: {  	[hbm4b:s5+s26] =	stream.strided.scatter [tilespmem:s20], [sflag:$0x5], $0x1400, s28, s26, $0x38;
	[tilespmem:$0xF410] =	vst v63  }
0x84: {  	_ =	swait.ge [sflag:s13], $0x1400  }
0x85: {  	[sflag:s13] =	ssyncset.done $0x0  }
0x86: {  	s5 =	sadd.s32 $0xFFFFFB00, s0;
	[sflag:s13] =	ssyncadd.s32 $0xFFFFEC00  }
0x87: {  	[hbm4b:s5+s26] =	stream.strided.scatter [tilespmem:s21], [sflag:$0x5], $0x1400, s28, s26, $0x38;
	[tilespmem:$0xF410] =	vst v63  }
0x88: {  	_ =	swait.ge [sflag:s13], $0x1400  }
0x89: {  	[sflag:s13] =	ssyncset.done $0x0  }
0x8a: {  	[sflag:s13] =	ssyncadd.s32 $0xFFFFEC00  }
0x8b: {  	_ =	swait.ge [sflag:s29], $0x1400  }
0x8c: {  	[sflag:s29] =	ssyncset.done $0x0  }
0x8d: {  	[sflag:s29] =	ssyncadd.s32 $0xFFFFEC00  }
0x8e: {  	_ =	swait.ge [sflag:s30], $0x1400  }
0x8f: {  	[sflag:s30] =	ssyncset.done $0x0  }
0x90: {  	s5 =	sadd.s32 $0xFFFFFFF8, s0;
	[sflag:s30] =	ssyncadd.s32 $0xFFFFEC00  }
0x91: {  	[hbm4b:s5+s26] =	stream.strided.scatter [tilespmem:s22], [sflag:$0x5], $0x1400, s28, s26, $0x38;
	[tilespmem:$0xF410] =	vst v63  }
0x92: {  	_ =	swait.ge [sflag:s13], $0x1400  }
.Ltmp1:
0x93: {  	[sflag:s13] =	ssyncset.done $0x0;
	(pc) =	sbr.rel @p0 .LBB2_4-.Ltmp1, $4  }
0x94: {  	[sflag:s13] =	ssyncadd.s32 $0xFFFFEC00  }
0x95: {  	[hbm4b:s0+s26] =	stream.strided.scatter [tilespmem:s23], [sflag:$0x5], $0x1400, s28, s26, $0x38;
	[tilespmem:$0xF410] =	vst v63  }
0x96: {  	_ =	swait.ge [sflag:s13], $0x1400  }
0x97: {  	s14 =	smov.u32 s18;
	s0 =	sadd.s32 $0xA00, s0;
	[sflag:s13] =	ssyncset.done $0x0  }
0x98: {  	s1 =	sshra.s32 s1, $0x2;
	[sflag:s13] =	ssyncadd.s32 $0xFFFFEC00  }
0x99: {  	[tilespmem:s20], [sflag:$0x1] =	stream.indirect.gather [hbm4b:s3+s19], $0x40, s1, s19, $0xb8;
	[tilespmem:$0xF410] =	vst v63  }
0x9a: {  	s5 =	sadd.s32 $0xFA0, s1  }
0x9b: {  	[tilespmem:s21], [sflag:$0x2] =	stream.indirect.gather [hbm4b:s4+s19], $0x40, s5, s19, $0xb8;
	[tilespmem:$0xF410] =	vst v63  }
0x9c: {  	s18 =	sadd.s32 $0x50, s1  }
0x9d: {  	[tilespmem:s22], [sflag:$0x3] =	stream.indirect.gather [hbm4b:s3+s19], $0x40, s18, s19, $0xb8;
	[tilespmem:$0xF410] =	vst v63  }
0x9e: {  	s1 =	sadd.s32 $0xFF0, s1  }
0x9f: {  	[tilespmem:s23], [sflag:$0x4] =	stream.indirect.gather [hbm4b:s4+s19], $0x40, s1, s19, $0xb8;
	[tilespmem:$0xF410] =	vst v63  }
0xa0: {  	_ =	swait.ge [sflag:s24], $0x1400  }
0xa1: {  	[sflag:s24] =	ssyncset.done $0x0  }
0xa2: {  	[sflag:s24] =	ssyncadd.s32 $0xFFFFEC00  }
0xa3: {  	_ =	swait.ge [sflag:s25], $0x1400  }
0xa4: {  	[sflag:s25] =	ssyncset.done $0x0  }
0xa5: {  	s5 =	sadd.s32 $0xFFFFFAF8, s0;
	[sflag:s25] =	ssyncadd.s32 $0xFFFFEC00  }
0xa6: {  	[hbm4b:s5+s26] =	stream.strided.scatter [tilespmem:s20], [sflag:$0x5], $0x1400, s28, s26, $0x38;
	[tilespmem:$0xF410] =	vst v63  }
0xa7: {  	_ =	swait.ge [sflag:s13], $0x1400  }
0xa8: {  	[sflag:s13] =	ssyncset.done $0x0  }
0xa9: {  	s14 =	sadd.s32 $0xFFFFFB00, s0;
	[sflag:s13] =	ssyncadd.s32 $0xFFFFEC00  }
0xaa: {  	[hbm4b:s14+s26] =	stream.strided.scatter [tilespmem:s21], [sflag:$0x5], $0x1400, s28, s26, $0x38;
	[tilespmem:$0xF410] =	vst v63  }
0xab: {  	_ =	swait.ge [sflag:s13], $0x1400  }
0xac: {  	[sflag:s13] =	ssyncset.done $0x0  }
0xad: {  	[sflag:s13] =	ssyncadd.s32 $0xFFFFEC00  }
0xae: {  	_ =	swait.ge [sflag:s29], $0x1400  }
0xaf: {  	[sflag:s29] =	ssyncset.done $0x0  }
0xb0: {  	[sflag:s29] =	ssyncadd.s32 $0xFFFFEC00  }
0xb1: {  	_ =	swait.ge [sflag:s30], $0x1400  }
0xb2: {  	[sflag:s30] =	ssyncset.done $0x0  }
0xb3: {  	s18 =	sadd.s32 $0xFFFFFFF8, s0;
	[sflag:s30] =	ssyncadd.s32 $0xFFFFEC00  }
0xb4: {  	[hbm4b:s18+s26] =	stream.strided.scatter [tilespmem:s22], [sflag:$0x5], $0x1400, s28, s26, $0x38;
	[tilespmem:$0xF410] =	vst v63  }
0xb5: {  	s31 =	sadd.s32 $0x1, s31;
	_ =	swait.ge [sflag:s13], $0x1400  }
0xb6: {  	p0 =	sne.s32 s31, s11;
	[sflag:s13] =	ssyncset.done $0x0  }
.Ltmp2:
0xb7: {  	[sflag:s13] =	ssyncadd.s32 $0xFFFFEC00;
	(pc) =	sbr.rel @p0 .LBB2_1-.Ltmp2, $4  }
0xb8: {  	[hbm4b:s0+s26] =	stream.strided.scatter [tilespmem:s23], [sflag:$0x5], $0x1400, s28, s26, $0x38;
	[tilespmem:$0xF410] =	vst v63  }
0xb9: {  	_ =	swait.ge [sflag:s13], $0x1400  }
0xba: {  	[sflag:s13] =	ssyncset.done $0x0  }
0xbb: {  	[sflag:s13] =	ssyncadd.s32 $0xFFFFEC00  }
0xbc: {  	_ =	sfence.sel $0x180000  }
0xbd: {  	[bflag:$0x0] =	sbarrier.arrive $0xFFFF  }
0xbe: {  	_ =	strace $0x9000004A  }
0xbf: {  	s0 =	stileid.u32;
	[bflag:$0x2] =	sbarrier.arrive $0xFFFF  }
0xc0: {  	p0 =	sne.s32 s0, $0x0;
	s0 =	rddreg [dreg:$0x1]  }
0xc1: {  	s0 =	sadd.s32 @!p0 $0x100000, s0  }
0xc2: {  	[sflag:s0] =	ssyncadd.tile.s32 @!p0 $0x1;
	_ =	shalt  }
.Lfunc_end2:
_tile_overlayer_lowered:
.L_overlay_start_2:
0xc3: {  	(tag) =	ssettag $0x2  }
0xc4: {  	s0 =	rddreg [dreg:$0x0];
	s2 =	stileid.u32  }
0xc5: {  	s1 =	rddreg [dreg:$0x1];
	p0 =	sne.s32 s2, $0x0  }
0xc6: {  	s3 =	rddreg [dreg:$0x2];
	[bflag:$0x3] =	sbarrier.arrive $0xFFFF;
	s2 =	simm.s32 @!p0 $0x1C05  }
0xc7: {  	[timem:s3], [sflag:s2] =	dma.local @!p0 [hbm:s0], s1  }
0xc8: {  	s0 =	simm.s32 @!p0 $0x5  }
0xc9: {  	_ =	swait.ge @!p0 [sflag:s0], s1  }
0xca: {  	s1 =	ssub.s32 @!p0 $0x0, s1;
	[sflag:s0] =	ssyncset.done @!p0 $0x0  }
0xcb: {  	[sflag:s0] =	ssyncadd.s32 @!p0 s1  }
0xcc: {  	[bflag:$0x3] =	sbarrier.arrive $0xFFFF  }
0xcd: {  	_ =	shalt  }

// kernel: kernel.22.cloned.1.call-start
scs
__scs_entry_jumppad:
0x0: {  	(pc) =	sbr.rel $0x88, $3  }
0x1: {  	(tag) =	ssettag $0x0;
	lr =	simm.s32 $0x1  }
0x2: {  	[smem:$0x3F8F] =	sst lr;
	_ =	strace $0xD0000000  }
0x3: {  	_ = 	snop  }
0x4: {  	_ = 	snop  }
0x5: {  	_ = 	snop  }
0x6: {  	_ = 	snop  }
0x7: {  	_ = 	snop  }
__scs_overlays_trampoline_lowered:
0x8: {  	[smem:$0x3F9E] =	sst s0  }
0x9: {  	[smem:$0x3F9F] =	sst s1  }
0xa: {  	[smem:$0x3FA0] =	sst s2  }
0xb: {  	[smem:$0x3FA1] =	sst s3  }
0xc: {  	[smem:$0x3FA2] =	sst s4  }
0xd: {  	[smem:$0x3FA3] =	sst s5  }
0xe: {  	[smem:$0x3FA4] =	sst s6  }
0xf: {  	[smem:$0x3FA5] =	sst s7  }
0x10: {  	[smem:$0x3FA6] =	sst s8  }
0x11: {  	[smem:$0x3FA7] =	sst s9;
	s0 =	simm.s32 @!p0 $0x0  }
0x12: {  	s1 =	sld [smem:$0x3F8D];
	s0 =	simm.s32 @p0 $0x1  }
0x13: {  	[smem:$0x3FA8] =	sst s0;
	s0 =	simm.s32 @!p1 $0x0  }
0x14: {  	s2 =	sld [smem:$0x3F8C];
	s0 =	simm.s32 @p1 $0x1  }
0x15: {  	[smem:$0x3FA9] =	sst s0;
	s0 =	simm.s32 @!p2 $0x0  }
0x16: {  	s3 =	sld [smem:$0x3FDB];
	s0 =	simm.s32 @p2 $0x1  }
0x17: {  	s4 =	simm.s32 $0x1BF5;
	[smem:$0x3FAB] =	sst s0  }
0x18: {  	s0 =	sld [smem:$0x3F8E];
	_ =	swait.ge [sflag:s4], $0x0  }
0x19: {  	s7 =	sld [smem:$0x3F8F]  }
0x1a: {  	s8 =	sadd.s32 $0xFFFFE003, lr  }
0x1b: {  	s9 =	sadd.s32 $0xFFFFFEF7, lr;
	s5 =	simm.s32 $0xFFFFFFFF;
	p2 =	slt.u32 s8, $0xFFFFF086  }
0x1c: {  	p1 =	slt.u32 s9, $0xF7A;
	s5 =	simm.s32 @!p2 $0x0  }
0x1d: {  	s5 =	simm.s32 @p1 $0x1;
	p0 =	seq.s32 s7, s2  }
0x1e: {  	s7 =	smul.u32 @!p0 $0xF7A, s2;
	p2 =	seq.s32 @!p0 s5, $0x0  }
0x1f: {  	s9 =	smul.u32 $0xF7A, s1;
	s8 =	simm.s32 @!p0 $0x1BF5;
	p2 =	por !p2, p0  }
0x20: {  	[sflag:s8] =	ssyncset.s32 @!p0 $0xFFFFF086;
	s6 =	sadd.s32 @!p0 s3, s7;
	s7 =	simm.s32 @!p0 $0x108  }
0x21: {  	s3 =	sadd.s32 s3, s9;
	s6 =	sadd.s32 @!p0 $0x88, s6;
	s7 =	simm.s32 @p2 $0x1082  }
0x22: {  	[simem:s7], [sflag:s8] =	dma.local @!p0 [hbm:s6], $0xF7A  }
0x23: {  	s9 =	sor.u32 $0xD0000000, s2;
	s6 =	simm.s32 $0x108;
	_ =	swait.ge @!p0 [sflag:s8], $0x0  }
0x24: {  	s3 =	sadd.s32 $0x88, s3;
	s6 =	simm.s32 @!p1 $0x1082;
	[sflag:s4] =	ssyncset.s32 $0xFFFFF086  }
0x25: {  	[simem:s6], [sflag:s4] =	dma.local [hbm:s3], $0xF7A  }
0x26: {  	[smem:$0x3F8F] =	sst s1;
	(tag) =	ssettag s2;
	_ =	strace s9  }
0x27: {  	s1 =	sld [smem:$0x3F9F]  }
0x28: {  	s2 =	sld [smem:$0x3FA0]  }
0x29: {  	s4 =	sld [smem:$0x3FA2]  }
0x2a: {  	p0 =	seq.s32 s5, $0x0;
	s5 =	sld [smem:$0x3FA3]  }
0x2b: {  	s6 =	sld [smem:$0x3FA4]  }
0x2c: {  	s7 =	sld [smem:$0x3FA5]  }
0x2d: {  	s3 =	simm.s32 $0x108;
	s8 =	sld [smem:$0x3FA6]  }
0x2e: {  	s3 =	simm.s32 @!p0 $0x1082;
	s9 =	sld [smem:$0x3FA7]  }
0x2f: {  	lr =	sadd.s32 s0, s3;
	s0 =	sld [smem:$0x3F9E]  }
0x30: {  	s3 =	sld [smem:$0x3FA1]  }
0x31: {  	[smem:$0x3FAA] =	sst s10  }
0x32: {  	s10 =	sld [smem:$0x3FA8];
	_ =	sdelay $0x3  }
0x33: {  	p0 =	seq.s32 s10, $0x1;
	s10 =	sld [smem:$0x3FAA];
	_ =	sdelay $0x3  }
0x34: {  	[smem:$0x3FAA] =	sst s10  }
0x35: {  	s10 =	sld [smem:$0x3FA9];
	_ =	sdelay $0x3  }
0x36: {  	p1 =	seq.s32 s10, $0x1;
	s10 =	sld [smem:$0x3FAA];
	_ =	sdelay $0x3  }
0x37: {  	[smem:$0x3FAA] =	sst s10  }
0x38: {  	s10 =	sld [smem:$0x3FAB]  }
0x39: {  	_ = 	snop;
	(pc) =	sbr.ind lr, $3  }
0x3a: {  	_ = 	snop  }
0x3b: {  	_ = 	snop  }
0x3c: {  	p2 =	seq.s32 s10, $0x1;
	s10 =	sld [smem:$0x3FAA]  }
0x3d: {  	_ =	shalt  }
0x3e: {  	_ =	shalt  }
0x3f: {  	_ =	shalt  }
0x40: {  	_ =	shalt  }
0x41: {  	_ =	shalt  }
0x42: {  	_ =	shalt  }
0x43: {  	_ =	shalt  }
0x44: {  	_ =	shalt  }
0x45: {  	_ =	shalt  }
0x46: {  	_ =	shalt  }
0x47: {  	_ =	shalt  }
0x48: {  	_ =	shalt  }
0x49: {  	_ =	shalt  }
0x4a: {  	_ =	shalt  }
0x4b: {  	_ =	shalt  }
0x4c: {  	_ =	shalt  }
0x4d: {  	_ =	shalt  }
0x4e: {  	_ =	shalt  }
0x4f: {  	_ =	shalt  }
0x50: {  	_ =	shalt  }
0x51: {  	_ =	shalt  }
0x52: {  	_ =	shalt  }
0x53: {  	_ =	shalt  }
0x54: {  	_ =	shalt  }
0x55: {  	_ =	shalt  }
0x56: {  	_ =	shalt  }
0x57: {  	_ =	shalt  }
0x58: {  	_ =	shalt  }
0x59: {  	_ =	shalt  }
0x5a: {  	_ =	shalt  }
0x5b: {  	_ =	shalt  }
0x5c: {  	_ =	shalt  }
0x5d: {  	_ =	shalt  }
0x5e: {  	_ =	shalt  }
0x5f: {  	_ =	shalt  }
0x60: {  	_ =	shalt  }
0x61: {  	_ =	shalt  }
0x62: {  	_ =	shalt  }
0x63: {  	_ =	shalt  }
0x64: {  	_ =	shalt  }
0x65: {  	_ =	shalt  }
0x66: {  	_ =	shalt  }
0x67: {  	_ =	shalt  }
0x68: {  	_ =	shalt  }
0x69: {  	_ =	shalt  }
0x6a: {  	_ =	shalt  }
0x6b: {  	_ =	shalt  }
0x6c: {  	_ =	shalt  }
0x6d: {  	_ =	shalt  }
0x6e: {  	_ =	shalt  }
0x6f: {  	_ =	shalt  }
0x70: {  	_ =	shalt  }
0x71: {  	_ =	shalt  }
0x72: {  	_ =	shalt  }
0x73: {  	_ =	shalt  }
0x74: {  	_ =	shalt  }
0x75: {  	_ =	shalt  }
0x76: {  	_ =	shalt  }
0x77: {  	_ =	shalt  }
0x78: {  	_ =	shalt  }
0x79: {  	_ =	shalt  }
0x7a: {  	_ =	shalt  }
0x7b: {  	_ =	shalt  }
0x7c: {  	_ =	shalt  }
0x7d: {  	_ =	shalt  }
0x7e: {  	_ =	shalt  }
0x7f: {  	_ =	shalt  }
0x80: {  	_ =	shalt  }
0x81: {  	_ =	shalt  }
0x82: {  	_ =	shalt  }
0x83: {  	_ =	shalt  }
0x84: {  	_ =	shalt  }
0x85: {  	_ =	shalt  }
0x86: {  	_ =	shalt  }
0x87: {  	_ =	shalt  }
.Lfunc_end0:
.L_simem_size_0:
called_computation.3_lowered:
.L_overlay_start_0:
0x88: {  	s2 =	sld [smem:$0x3FD9]  }
0x89: {  	s3 =	sld [smem:$0x3FFE];
	_ =	sdelay $0x1  }
0x8a: {  	s1 =	srdreg.scid  }
0x8b: {  	s0 =	sand.u32 $0x1, s1  }
0x8c: {  	s17 =	sshll.u32 s0, $0xA;
	s2 =	sadd.s32 s3, s2  }
0x8d: {  	s2 =	sadd.s32 s2, s17  }
0x8e: {  	[smem:$0x3FB6] =	sst s2  }
0x8f: {  	_ = 	snop  }
0x90: {  	(tm) =	ssettm $0x1  }
0x91: {  	s18 =	sld [smem:$0x3FFB];
	_ =	sdelay $0x3  }
0x92: {  	_ =	strace s18  }
0x93: {  	s2 =	sld [smem:$0x3FFC];
	_ =	sdelay $0x3  }
0x94: {  	_ =	strace s2  }
0x95: {  	s2 =	sld [smem:$0x3FFD];
	_ =	sdelay $0x3  }
0x96: {  	_ =	strace s2  }
0x97: {  	_ =	strace $0x8FFFFFFF  }
0x98: {  	s19 =	sld [smem:$0x3FDB];
	_ =	sdelay $0x1  }
0x99: {  	s20 =	simm.s32 $_scs_section_size  }
0x9a: {  	s4 =	simm.s32 $_size__tile_overlayer_lowered;
	s5 =	simm.s32 $_tile_overlayer_lowered  }
0x9b: {  	s6 =	simm.s32 $0x1BFF;
	s21 =	sshll.u32 s5, $0x1;
	s3 =	sadd.s32 s20, s19  }
0x9c: {  	s22 =	simm.s32 $0x0;
	s4 =	sshll.u32 s4, $0x1;
	s5 =	sadd.s32 s21, s3  }
0x9d: {  	[timem:s22], [sflag:s6] =	dma.local [hbm:s5], s4  }
0x9e: {  	_ =	swait.ge [sflag:s6], s4  }
0x9f: {  	s4 =	ssub.s32 $0x0, s4;
	[sflag:s6] =	ssyncset.done $0x0  }
0xa0: {  	[sflag:s6] =	ssyncadd.s32 s4;
	_ =	sdelay $0x1  }
0xa1: {  	s23 =	simm.s32 $0x1B8B  }
0xa2: {  	_ =	swait.ge [sflag:s23], $0x1  }
0xa3: {  	[sflag:s23] =	ssyncset.done $0x0  }
0xa4: {  	[sflag:s23] =	ssyncadd.s32 $0xFFFFFFFF  }
0xa5: {  	s4 =	sld [smem:$0x0]  }
0xa6: {  	s5 =	sand.u32 $0xFFFFFFFE, s1  }
0xa7: {  	p0 =	sne.s32 s1, s5  }
0xa8: {  	s5 =	sshll.u32 @p0 s5, $0xE  }
0xa9: {  	s5 =	sadd.s32 @p0 $0x11B8D, s5;
	s6 =	sshll.u32 @p0 s4, $0x11  }
0xaa: {  	s5 =	sor.u32 @p0 s6, s5  }
0xab: {  	[sflag:s5] =	ssyncadd.remote.s32 @p0 $0x1;
	_ =	sdelay $0x1  }
0xac: {  	s5 =	simm.s32 @p0 $0x1B8D  }
0xad: {  	_ =	swait.eq @p0 [sflag:s5], $0x1  }
0xae: {  	[sflag:s5] =	ssyncadd.s32 @p0 $0xFFFFFFFF  }
0xaf: {  	s6 =	sshll.u32 @!p0 s1, $0xE  }
0xb0: {  	s6 =	sor.u32 @!p0 $0x4000, s6;
	s5 =	simm.s32 @!p0 $0x1B8D  }
0xb1: {  	s4 =	sshll.u32 @!p0 s4, $0x11;
	s6 =	sadd.s32 @!p0 $0x11B8D, s6;
	_ =	swait.eq @!p0 [sflag:s5], $0x1  }
0xb2: {  	s4 =	sor.u32 @!p0 s4, s6;
	[sflag:s5] =	ssyncadd.s32 @!p0 $0xFFFFFFFF  }
0xb3: {  	s25 =	simm.s32 $0x1B8E;
	s24 =	sld [smem:$0x3FFE];
	[sflag:s4] =	ssyncadd.remote.s32 @!p0 $0x1  }
0xb4: {  	s26 =	simm.s32 $execute0_lowered;
	[smem:$0x3FD2] =	sst s25  }
0xb5: {  	s5 =	sshll.u32 s26, $0x1;
	_ =	strace $0x80000052;
	[dreg:$0x1] =	wrdreg $0xFFFFFFFF  }
0xb6: {  	s28 =	simm.s32 $_size_execute0_lowered;
	s3 =	sadd.s32 s3, s5;
	[dreg:$0x0] =	wrdreg $0x0  }
0xb7: {  	s5 =	sshll.u32 s28, $0x1;
	[dreg:$0x2] =	wrdreg s3  }
0xb8: {  	[dreg:$0x3] =	wrdreg s5  }
0xb9: {  	[dreg:$0x4] =	wrdreg $0xC0  }
0xba: {  	_ =	task [dreg:s22], $0x5FFFF  }
0xbb: {  	[dreg:$0x1] =	wrdreg $0xFFFFFFFF  }
0xbc: {  	[dreg:$0x0] =	wrdreg $0x60  }
0xbd: {  	[dreg:$0x2] =	wrdreg s24  }
0xbe: {  	[dreg:$0x3] =	wrdreg $0xC0000  }
0xbf: {  	[dreg:$0x4] =	wrdreg $0xB  }
0xc0: {  	_ =	task.clear_ibuf [dreg:s22], $0x5FFFF;
	_ =	strace $0x90000052  }
0xc1: {  	s29 =	simm.s32 $0xB;
	_ =	strace $0x80000054  }
0xc2: {  	_ =	swait.ge [sflag:s29], $0x1  }
0xc3: {  	[sflag:s29] =	ssyncadd.s32 $0xFFFFFFFF  }
0xc4: {  	_ =	strace $0x90000054  }
0xc5: {  	_ =	sfence  }
0xc6: {  	s30 =	sld [smem:$0x0];
	_ =	sdelay $0x2  }
0xc7: {  	s31 =	sshll.u32 s1, $0xD;
	s1 =	sshrl.u32 s1, $0x2  }
0xc8: {  	s4 =	sand.u32 $0x4000, s31;
	s1 =	sadd.s32 s1, s30  }
0xc9: {  	s0 =	sor.u32 s4, s0;
	s1 =	sshll.u32 s1, $0x11  }
0xca: {  	s0 =	sor.u32 s1, s0  }
0xcb: {  	s0 =	sadd.s32 $0x8F2B, s0  }
0xcc: {  	[sflag:s0] =	ssyncadd.remote.s32 $0x1  }
0xcd: {  	_ =	sfence.sel $0xFFFF  }
0xce: {  	[dreg:$0x0] =	wrdreg $0xFFFFFFFF;
	(pc) =	sbr.abs _section_cstart, $3  }
0xcf: {  	[dreg:$0x1] =	wrdreg $0xFFFFFFFF  }
0xd0: {  	_ =	task.clear_ibuf [dreg:s22], $0x2FFFF;
	_ =	strace $0x9FFFFFFF  }
0xd1: {  	(tm) =	ssettm $0x7FFFFFFF  }
tec
execute0_lowered:
.L_overlay_start_1:
0x0: {  	(tag) =	ssettag $0x1  }
0x1: {  	s1 =	stileid.u32  }
0x2: {  	s6 =	smul.u32 $0x1F400, s1  }
0x3: {  	s19 =	smul.u32 $0x19000, s1  }
0x4: {  	s9 =	sor.u32 $0x10, s1;
	s18 =	smul.u32 $0x6400, s1  }
0x5: {  	s11 =	sor.u32 $0x20, s1;
	s20 =	smul.u32 $0x19000, s9  }
0x6: {  	s3 =	srdreg.scid;
	s14 =	sor.u32 $0x30, s1;
	s7 =	smul.u32 $0x19000, s11  }
0x7: {  	s4 =	rddreg [dreg:$0x0];
	s10 =	sand.u32 $0x1, s3;
	s16 =	smul.u32 $0x19000, s14  }
0x8: {  	s2 =	rddreg [dreg:$0x1];
	s17 =	smul.u32 $0x138800, s10  }
0x9: {  	s0 =	rddreg [dreg:$0x2];
	s26 =	smul.u32 $0x6400, s9  }
0xa: {  	s5 =	sshll.u32 s1, $0x1;
	s3 =	simm.s32 $0x0;
	s11 =	smul.u32 $0x6400, s11  }
0xb: {  	s13 =	sadd.s32 $0x280A00, s4;
	p0 =	sgt.u32 s1, $0x1;
	s14 =	smul.u32 $0x6400, s14  }
0xc: {  	s5 =	sor.u32 s10, s5;
	s21 =	ssub.s32 $0x2, s10;
	s30 =	smul.u32 $0xFA00, s10  }
0xd: {  	[smem:$0x7FF] =	sst s3;
	s5 =	smul.u32 $0x680, s5;
	s15 =	sshrl.u32 s21, $0x1  }
0xe: {  	_ =	strace $0x80000053;
	s12 =	sadd.s32 s6, s4;
	s15 =	ssub.s32 s21, s15  }
0xf: {  	s22 =	sshrl.u32 s20, $0x2;
	s23 =	sshrl.u32 s7, $0x2;
	s24 =	sshrl.u32 s16, $0x2  }
0x10: {  	s25 =	sadd.s32 s18, s17;
	s29 =	sadd.s32 s17, s26;
	s11 =	sadd.s32 s17, s11  }
0x11: {  	s14 =	sadd.s32 s17, s14;
	s31 =	sadd.s32 s30, s12;
	s17 =	simm.s32 $0x3400  }
0x12: {  	s18 =	simm.s32 $0x4800;
	s20 =	simm.s32 $0x28;
	s21 =	simm.s32 $0x2  }
0x13: {  	s8 =	sadd.s32 s5, s4;
	s5 =	sshrl.u32 s19, $0x2;
	s6 =	sadd.s32 s23, s2  }
0x14: {  	s7 =	sadd.s32 s24, s2;
	s28 =	sshrl.u32 s25, $0x3;
	s16 =	sshrl.u32 s29, $0x3  }
0x15: {  	s11 =	sshrl.u32 s11, $0x3;
	s14 =	sshrl.u32 s14, $0x3;
	s19 =	simm.s32 $0x1  }
0x16: {  	s4 =	sadd.s32 s5, s2;
	s5 =	sadd.s32 s22, s2;
	s8 =	sadd.s32 $0x7FA00, s8  }
0x17: {  	s9 =	sadd.s32 s13, s28;
	s10 =	sadd.s32 s13, s16;
	s11 =	sadd.s32 s13, s11  }
0x18: {  	s12 =	sadd.s32 s13, s14;
	s13 =	smax.u32 s15, $0x1;
	s14 =	sadd.s32 $0x8CA00, s31  }
0x19: {  	v0 =	vimm.f32 $0.0e+00;
	s15 =	simm.s32 $0x5C00;
	s16 =	simm.s32 $0x3;
	s22 =	simm.s32 $0x0  }
.LBB2_1:
0x1a: {  	s23 =	simm.s32 $0x0;
	s24 =	simm.s32 $0x200  }
.LBB2_2:
0x1b: {  	p1 =	sne.s32 s24, $0x18E00;
	[tilespmem:s23+$0x5C70] =	vst v0  }
0x1c: {  	[tilespmem:s23+$0x5C00] =	vst v0  }
0x1d: {  	[tilespmem:s23+$0x5C10] =	vst v0  }
.Ltmp0:
0x1e: {  	[tilespmem:s23+$0x5C20] =	vst v0;
	(pc) =	sbr.rel @p1 .LBB2_2-.Ltmp0, $4  }
0x1f: {  	[tilespmem:s23+$0x5C30] =	vst v0  }
0x20: {  	[tilespmem:s23+$0x5C40] =	vst v0  }
0x21: {  	[tilespmem:s23+$0x5C50] =	vst v0  }
0x22: {  	[tilespmem:s23+$0x5C60] =	vst v0;
	s23 =	sshra.s32 s24, $0x2;
	s24 =	sadd.s32 $0x200, s24  }
0x23: {  	[tilespmem:s23+$0x5C70] =	vst v0  }
0x24: {  	[tilespmem:s23+$0x5C00] =	vst v0  }
0x25: {  	[tilespmem:s23+$0x5C10] =	vst v0  }
0x26: {  	[tilespmem:s23+$0x5C20] =	vst v0  }
0x27: {  	[tilespmem:s23+$0x5C30] =	vst v0  }
0x28: {  	[tilespmem:s23+$0x5C40] =	vst v0  }
0x29: {  	[tilespmem:s23+$0x5C50] =	vst v0  }
0x2a: {  	[tilespmem:s23+$0x5C60] =	vst v0  }
0x2b: {  	[spmem:s4] =	stream.linear.scatter [tilespmem:s15], [sflag:$0x3], $0x6400, $0x38;
	[tilespmem:$0x1F880] =	vst v63  }
0x2c: {  	_ =	swait.ge [sflag:s16], $0x6400  }
0x2d: {  	[sflag:s16] =	ssyncset.done $0x0  }
0x2e: {  	[sflag:s16] =	ssyncadd.s32 $0xFFFF9C00  }
0x2f: {  	[spmem:s5] =	stream.linear.scatter [tilespmem:s15], [sflag:$0x3], $0x6400, $0x38;
	[tilespmem:$0x1F880] =	vst v63  }
0x30: {  	_ =	swait.ge [sflag:s16], $0x6400  }
0x31: {  	[sflag:s16] =	ssyncset.done $0x0  }
0x32: {  	[sflag:s16] =	ssyncadd.s32 $0xFFFF9C00  }
0x33: {  	[spmem:s6] =	stream.linear.scatter [tilespmem:s15], [sflag:$0x3], $0x6400, $0x38;
	[tilespmem:$0x1F880] =	vst v63  }
0x34: {  	_ =	swait.ge [sflag:s16], $0x6400  }
0x35: {  	[sflag:s16] =	ssyncset.done $0x0  }
0x36: {  	s23 =	simm.s32 @!p0 $0x5C00;
	[sflag:s16] =	ssyncadd.s32 $0xFFFF9C00  }
0x37: {  	[spmem:s7] =	stream.linear.scatter @!p0 [tilespmem:s23], [sflag:$0x3], $0x6400, $0x38;
	[tilespmem:$0x1F880] =	vst v63  }
0x38: {  	s23 =	simm.s32 @!p0 $0x3  }
0x39: {  	_ =	swait.ge @!p0 [sflag:s23], $0x6400  }
0x3a: {  	[sflag:s23] =	ssyncset.done @!p0 $0x0  }
0x3b: {  	[sflag:s23] =	ssyncadd.s32 @!p0 $0xFFFF9C00  }
0x3c: {  	s30 =	simm.s32 $0x0;
	[bflag:$0x0] =	sbarrier.arrive $0xFFFF  }
0x3d: {  	[tilespmem:s30], [sflag:$0x3] =	stream.linear.gather [hbm4b:s8+s30], $0x3200, $0x38;
	[tilespmem:$0x1F880] =	vst v63  }
0x3e: {  	_ =	swait.ge [sflag:s16], $0x3200  }
0x3f: {  	[sflag:s16] =	ssyncset.done $0x0  }
0x40: {  	s24 =	sadd.s32 $0x0, s14;
	[sflag:s16] =	ssyncadd.s32 $0xFFFFCE00  }
0x41: {  	[tilespmem:s17], [sflag:$0x1] =	stream.linear.gather [hbm4b:s24+s3], $0x1400, $0x38;
	[tilespmem:$0x1F880] =	vst v63  }
0x42: {  	s24 =	sadd.s32 $0x280, s24  }
0x43: {  	[tilespmem:s18], [sflag:$0x2] =	stream.linear.gather [hbm4b:s24+s3], $0x1400, $0x38;
	[tilespmem:$0x1F880] =	vst v63  }
0x44: {  	_ =	swait.ge [sflag:s19], $0x1400  }
0x45: {  	[sflag:s19] =	ssyncset.done $0x0  }
0x46: {  	[sflag:s19] =	ssyncadd.s32 $0xFFFFEC00  }
0x47: {  	[spmem:s2] =	stream.indirect.scatter.add.f32 [tilespmem:s17], [sflag:$0x3], $0x80, s30, s20, $0xb8;
	[tilespmem:$0x1F880] =	vst v63  }
0x48: {  	_ =	swait.ge [sflag:s16], $0x1400  }
0x49: {  	[sflag:s16] =	ssyncset.done $0x0  }
0x4a: {  	[sflag:s16] =	ssyncadd.s32 $0xFFFFEC00  }
0x4b: {  	_ =	swait.ge [sflag:s21], $0x1400  }
0x4c: {  	[sflag:s21] =	ssyncset.done $0x0  }
0x4d: {  	s31 =	simm.s32 $0x80;
	[sflag:s21] =	ssyncadd.s32 $0xFFFFEC00  }
0x4e: {  	[spmem:s2] =	stream.indirect.scatter.add.f32 [tilespmem:s18], [sflag:$0x3], $0x80, s31, s20, $0xb8;
	[tilespmem:$0x1F880] =	vst v63  }
0x4f: {  	s25 =	simm.s32 $0xA00;
	_ =	swait.ge [sflag:s16], $0x1400  }
0x50: {  	s23 =	simm.s32 $0x100;
	s24 =	simm.s32 $0x500;
	[sflag:s16] =	ssyncset.done $0x0  }
.LBB2_4:
0x51: {  	s26 =	sadd.s32 s24, s14  }
0x52: {  	[sflag:s16] =	ssyncadd.s32 $0xFFFFEC00;
	s24 =	smov.u32 s25;
	s28 =	sadd.s32 $0x500, s25  }
0x53: {  	[tilespmem:s17], [sflag:$0x1] =	stream.linear.gather [hbm4b:s26+s3], $0x1400, $0x38;
	[tilespmem:$0x1F880] =	vst v63  }
0x54: {  	p1 =	sne.s32 s25, $0xF500;
	s25 =	sadd.s32 $0x280, s26  }
0x55: {  	[tilespmem:s18], [sflag:$0x2] =	stream.linear.gather [hbm4b:s25+s3], $0x1400, $0x38;
	[tilespmem:$0x1F880] =	vst v63  }
0x56: {  	_ =	swait.ge [sflag:s19], $0x1400  }
0x57: {  	[sflag:s19] =	ssyncset.done $0x0  }
0x58: {  	[sflag:s19] =	ssyncadd.s32 $0xFFFFEC00  }
0x59: {  	[spmem:s2] =	stream.indirect.scatter.add.f32 [tilespmem:s17], [sflag:$0x3], $0x80, s23, s20, $0xb8;
	[tilespmem:$0x1F880] =	vst v63  }
0x5a: {  	_ =	swait.ge [sflag:s16], $0x1400  }
0x5b: {  	[sflag:s16] =	ssyncset.done $0x0  }
0x5c: {  	[sflag:s16] =	ssyncadd.s32 $0xFFFFEC00  }
0x5d: {  	_ =	swait.ge [sflag:s21], $0x1400  }
.Ltmp1:
0x5e: {  	[sflag:s21] =	ssyncset.done $0x0;
	(pc) =	sbr.rel @p1 .LBB2_4-.Ltmp1, $4  }
0x5f: {  	s25 =	sadd.s32 $0x80, s23;
	[sflag:s21] =	ssyncadd.s32 $0xFFFFEC00  }
0x60: {  	[spmem:s2] =	stream.indirect.scatter.add.f32 [tilespmem:s18], [sflag:$0x3], $0x80, s25, s20, $0xb8;
	[tilespmem:$0x1F880] =	vst v63  }
0x61: {  	_ =	swait.ge [sflag:s16], $0x1400  }
0x62: {  	s23 =	sadd.s32 $0x100, s23;
	s25 =	smov.u32 s28;
	[sflag:s16] =	ssyncset.done $0x0  }
0x63: {  	s24 =	sadd.s32 s24, s14;
	[sflag:s16] =	ssyncadd.s32 $0xFFFFEC00  }
0x64: {  	[tilespmem:s17], [sflag:$0x1] =	stream.linear.gather [hbm4b:s24+s3], $0x1400, $0x38;
	[tilespmem:$0x1F880] =	vst v63  }
0x65: {  	s24 =	sadd.s32 $0x280, s24  }
0x66: {  	[tilespmem:s18], [sflag:$0x2] =	stream.linear.gather [hbm4b:s24+s3], $0x1400, $0x38;
	[tilespmem:$0x1F880] =	vst v63  }
0x67: {  	_ =	swait.ge [sflag:s19], $0x1400  }
0x68: {  	[sflag:s19] =	ssyncset.done $0x0  }
0x69: {  	[sflag:s19] =	ssyncadd.s32 $0xFFFFEC00  }
0x6a: {  	[spmem:s2] =	stream.indirect.scatter.add.f32 [tilespmem:s17], [sflag:$0x3], $0x80, s23, s20, $0xb8;
	[tilespmem:$0x1F880] =	vst v63  }
0x6b: {  	_ =	swait.ge [sflag:s16], $0x1400  }
0x6c: {  	[sflag:s16] =	ssyncset.done $0x0  }
0x6d: {  	[sflag:s16] =	ssyncadd.s32 $0xFFFFEC00  }
0x6e: {  	_ =	swait.ge [sflag:s21], $0x1400  }
0x6f: {  	[sflag:s21] =	ssyncset.done $0x0  }
0x70: {  	s26 =	sadd.s32 $0x80, s23;
	[sflag:s21] =	ssyncadd.s32 $0xFFFFEC00  }
0x71: {  	[spmem:s2] =	stream.indirect.scatter.add.f32 [tilespmem:s18], [sflag:$0x3], $0x80, s26, s20, $0xb8;
	[tilespmem:$0x1F880] =	vst v63  }
0x72: {  	_ =	swait.ge [sflag:s16], $0x1400  }
0x73: {  	[sflag:s16] =	ssyncset.done $0x0  }
0x74: {  	s28 =	sshll.u32 s1, $0x6;
	[sflag:s16] =	ssyncadd.s32 $0xFFFFEC00  }
0x75: {  	s29 =	sshrl.u32 s4, $0x3;
	s23 =	sor.u32 $0x1C03, s28;
	[bflag:$0x0] =	sbarrier.arrive $0xFFFF  }
0x76: {  	[hbm:s9], [sflag:s23] =	dma.local [spmem:s29], $0xC80  }
0x77: {  	_ =	swait.ge [sflag:s16], $0xC80  }
0x78: {  	[sflag:s16] =	ssyncset.done $0x0  }
0x79: {  	s30 =	sshrl.u32 s5, $0x3;
	[sflag:s16] =	ssyncadd.s32 $0xFFFFF380  }
0x7a: {  	[hbm:s10], [sflag:s23] =	dma.local [spmem:s30], $0xC80  }
0x7b: {  	_ =	swait.ge [sflag:s16], $0xC80  }
0x7c: {  	[sflag:s16] =	ssyncset.done $0x0  }
0x7d: {  	s31 =	sshrl.u32 s6, $0x3;
	[sflag:s16] =	ssyncadd.s32 $0xFFFFF380  }
0x7e: {  	[hbm:s11], [sflag:s23] =	dma.local [spmem:s31], $0xC80  }
0x7f: {  	_ =	swait.ge [sflag:s16], $0xC80  }
0x80: {  	s22 =	sadd.s32 $0x1, s22;
	[sflag:s16] =	ssyncset.done $0x0  }
0x81: {  	p1 =	sne.s32 s22, s13;
	s24 =	sshrl.u32 @!p0 s7, $0x3;
	[sflag:s16] =	ssyncadd.s32 $0xFFFFF380  }
0x82: {  	[hbm:s12], [sflag:s23] =	dma.local @!p0 [spmem:s24], $0xC80  }
.Ltmp2:
0x83: {  	_ = 	snop;
	(pc) =	sbr.rel @p1 .LBB2_1-.Ltmp2, $4  }
0x84: {  	s23 =	simm.s32 @!p0 $0x3  }
0x85: {  	_ =	swait.ge @!p0 [sflag:s23], $0xC80  }
0x86: {  	[sflag:s23] =	ssyncset.done @!p0 $0x0  }
0x87: {  	[sflag:s23] =	ssyncadd.s32 @!p0 $0xFFFFF380  }
0x88: {  	_ =	sfence.sel $0x180000  }
0x89: {  	[bflag:$0x0] =	sbarrier.arrive $0xFFFF  }
0x8a: {  	p0 =	sne.s32 s1, $0x0;
	_ =	strace $0x90000053  }
0x8b: {  	s0 =	sadd.s32 @!p0 $0x100000, s0;
	[bflag:$0x2] =	sbarrier.arrive $0xFFFF  }
0x8c: {  	[sflag:s0] =	ssyncadd.tile.s32 @!p0 $0x1;
	_ =	shalt  }
.Lfunc_end2:
_tile_overlayer_lowered:
.L_overlay_start_2:
0x8d: {  	(tag) =	ssettag $0x2  }
0x8e: {  	s0 =	rddreg [dreg:$0x0];
	s2 =	stileid.u32  }
0x8f: {  	s1 =	rddreg [dreg:$0x1];
	p0 =	sne.s32 s2, $0x0  }
0x90: {  	s3 =	rddreg [dreg:$0x2];
	[bflag:$0x3] =	sbarrier.arrive $0xFFFF;
	s2 =	simm.s32 @!p0 $0x1C03  }
0x91: {  	[timem:s3], [sflag:s2] =	dma.local @!p0 [hbm:s0], s1  }
0x92: {  	s0 =	simm.s32 @!p0 $0x3  }
0x93: {  	_ =	swait.ge @!p0 [sflag:s0], s1  }
0x94: {  	s1 =	ssub.s32 @!p0 $0x0, s1;
	[sflag:s0] =	ssyncset.done @!p0 $0x0  }
0x95: {  	[sflag:s0] =	ssyncadd.s32 @!p0 s1  }
0x96: {  	[bflag:$0x3] =	sbarrier.arrive $0xFFFF  }
0x97: {  	_ =	shalt  }

// kernel: kernel.25.cloned.1.call-start
scs
__scs_entry_jumppad:
0x0: {  	(pc) =	sbr.rel $0x88, $3  }
0x1: {  	(tag) =	ssettag $0x0;
	lr =	simm.s32 $0x1  }
0x2: {  	[smem:$0x3F8F] =	sst lr;
	_ =	strace $0xD0000000  }
0x3: {  	_ = 	snop  }
0x4: {  	_ = 	snop  }
0x5: {  	_ = 	snop  }
0x6: {  	_ = 	snop  }
0x7: {  	_ = 	snop  }
__scs_overlays_trampoline_lowered:
0x8: {  	[smem:$0x3F9E] =	sst s0  }
0x9: {  	[smem:$0x3F9F] =	sst s1  }
0xa: {  	[smem:$0x3FA0] =	sst s2  }
0xb: {  	[smem:$0x3FA1] =	sst s3  }
0xc: {  	[smem:$0x3FA2] =	sst s4  }
0xd: {  	[smem:$0x3FA3] =	sst s5  }
0xe: {  	[smem:$0x3FA4] =	sst s6  }
0xf: {  	[smem:$0x3FA5] =	sst s7  }
0x10: {  	[smem:$0x3FA6] =	sst s8  }
0x11: {  	[smem:$0x3FA7] =	sst s9;
	s0 =	simm.s32 @!p0 $0x0  }
0x12: {  	s1 =	sld [smem:$0x3F8D];
	s0 =	simm.s32 @p0 $0x1  }
0x13: {  	[smem:$0x3FA8] =	sst s0;
	s0 =	simm.s32 @!p1 $0x0  }
0x14: {  	s2 =	sld [smem:$0x3F8C];
	s0 =	simm.s32 @p1 $0x1  }
0x15: {  	[smem:$0x3FA9] =	sst s0;
	s0 =	simm.s32 @!p2 $0x0  }
0x16: {  	s3 =	sld [smem:$0x3FDB];
	s0 =	simm.s32 @p2 $0x1  }
0x17: {  	s4 =	simm.s32 $0x1BF5;
	[smem:$0x3FAB] =	sst s0  }
0x18: {  	s0 =	sld [smem:$0x3F8E];
	_ =	swait.ge [sflag:s4], $0x0  }
0x19: {  	s7 =	sld [smem:$0x3F8F]  }
0x1a: {  	s8 =	sadd.s32 $0xFFFFE003, lr  }
0x1b: {  	s9 =	sadd.s32 $0xFFFFFEF7, lr;
	s5 =	simm.s32 $0xFFFFFFFF;
	p2 =	slt.u32 s8, $0xFFFFF086  }
0x1c: {  	p1 =	slt.u32 s9, $0xF7A;
	s5 =	simm.s32 @!p2 $0x0  }
0x1d: {  	s5 =	simm.s32 @p1 $0x1;
	p0 =	seq.s32 s7, s2  }
0x1e: {  	s7 =	smul.u32 @!p0 $0xF7A, s2;
	p2 =	seq.s32 @!p0 s5, $0x0  }
0x1f: {  	s9 =	smul.u32 $0xF7A, s1;
	s8 =	simm.s32 @!p0 $0x1BF5;
	p2 =	por !p2, p0  }
0x20: {  	[sflag:s8] =	ssyncset.s32 @!p0 $0xFFFFF086;
	s6 =	sadd.s32 @!p0 s3, s7;
	s7 =	simm.s32 @!p0 $0x108  }
0x21: {  	s3 =	sadd.s32 s3, s9;
	s6 =	sadd.s32 @!p0 $0x88, s6;
	s7 =	simm.s32 @p2 $0x1082  }
0x22: {  	[simem:s7], [sflag:s8] =	dma.local @!p0 [hbm:s6], $0xF7A  }
0x23: {  	s9 =	sor.u32 $0xD0000000, s2;
	s6 =	simm.s32 $0x108;
	_ =	swait.ge @!p0 [sflag:s8], $0x0  }
0x24: {  	s3 =	sadd.s32 $0x88, s3;
	s6 =	simm.s32 @!p1 $0x1082;
	[sflag:s4] =	ssyncset.s32 $0xFFFFF086  }
0x25: {  	[simem:s6], [sflag:s4] =	dma.local [hbm:s3], $0xF7A  }
0x26: {  	[smem:$0x3F8F] =	sst s1;
	(tag) =	ssettag s2;
	_ =	strace s9  }
0x27: {  	s1 =	sld [smem:$0x3F9F]  }
0x28: {  	s2 =	sld [smem:$0x3FA0]  }
0x29: {  	s4 =	sld [smem:$0x3FA2]  }
0x2a: {  	p0 =	seq.s32 s5, $0x0;
	s5 =	sld [smem:$0x3FA3]  }
0x2b: {  	s6 =	sld [smem:$0x3FA4]  }
0x2c: {  	s7 =	sld [smem:$0x3FA5]  }
0x2d: {  	s3 =	simm.s32 $0x108;
	s8 =	sld [smem:$0x3FA6]  }
0x2e: {  	s3 =	simm.s32 @!p0 $0x1082;
	s9 =	sld [smem:$0x3FA7]  }
0x2f: {  	lr =	sadd.s32 s0, s3;
	s0 =	sld [smem:$0x3F9E]  }
0x30: {  	s3 =	sld [smem:$0x3FA1]  }
0x31: {  	[smem:$0x3FAA] =	sst s10  }
0x32: {  	s10 =	sld [smem:$0x3FA8];
	_ =	sdelay $0x3  }
0x33: {  	p0 =	seq.s32 s10, $0x1;
	s10 =	sld [smem:$0x3FAA];
	_ =	sdelay $0x3  }
0x34: {  	[smem:$0x3FAA] =	sst s10  }
0x35: {  	s10 =	sld [smem:$0x3FA9];
	_ =	sdelay $0x3  }
0x36: {  	p1 =	seq.s32 s10, $0x1;
	s10 =	sld [smem:$0x3FAA];
	_ =	sdelay $0x3  }
0x37: {  	[smem:$0x3FAA] =	sst s10  }
0x38: {  	s10 =	sld [smem:$0x3FAB]  }
0x39: {  	_ = 	snop;
	(pc) =	sbr.ind lr, $3  }
0x3a: {  	_ = 	snop  }
0x3b: {  	_ = 	snop  }
0x3c: {  	p2 =	seq.s32 s10, $0x1;
	s10 =	sld [smem:$0x3FAA]  }
0x3d: {  	_ =	shalt  }
0x3e: {  	_ =	shalt  }
0x3f: {  	_ =	shalt  }
0x40: {  	_ =	shalt  }
0x41: {  	_ =	shalt  }
0x42: {  	_ =	shalt  }
0x43: {  	_ =	shalt  }
0x44: {  	_ =	shalt  }
0x45: {  	_ =	shalt  }
0x46: {  	_ =	shalt  }
0x47: {  	_ =	shalt  }
0x48: {  	_ =	shalt  }
0x49: {  	_ =	shalt  }
0x4a: {  	_ =	shalt  }
0x4b: {  	_ =	shalt  }
0x4c: {  	_ =	shalt  }
0x4d: {  	_ =	shalt  }
0x4e: {  	_ =	shalt  }
0x4f: {  	_ =	shalt  }
0x50: {  	_ =	shalt  }
0x51: {  	_ =	shalt  }
0x52: {  	_ =	shalt  }
0x53: {  	_ =	shalt  }
0x54: {  	_ =	shalt  }
0x55: {  	_ =	shalt  }
0x56: {  	_ =	shalt  }
0x57: {  	_ =	shalt  }
0x58: {  	_ =	shalt  }
0x59: {  	_ =	shalt  }
0x5a: {  	_ =	shalt  }
0x5b: {  	_ =	shalt  }
0x5c: {  	_ =	shalt  }
0x5d: {  	_ =	shalt  }
0x5e: {  	_ =	shalt  }
0x5f: {  	_ =	shalt  }
0x60: {  	_ =	shalt  }
0x61: {  	_ =	shalt  }
0x62: {  	_ =	shalt  }
0x63: {  	_ =	shalt  }
0x64: {  	_ =	shalt  }
0x65: {  	_ =	shalt  }
0x66: {  	_ =	shalt  }
0x67: {  	_ =	shalt  }
0x68: {  	_ =	shalt  }
0x69: {  	_ =	shalt  }
0x6a: {  	_ =	shalt  }
0x6b: {  	_ =	shalt  }
0x6c: {  	_ =	shalt  }
0x6d: {  	_ =	shalt  }
0x6e: {  	_ =	shalt  }
0x6f: {  	_ =	shalt  }
0x70: {  	_ =	shalt  }
0x71: {  	_ =	shalt  }
0x72: {  	_ =	shalt  }
0x73: {  	_ =	shalt  }
0x74: {  	_ =	shalt  }
0x75: {  	_ =	shalt  }
0x76: {  	_ =	shalt  }
0x77: {  	_ =	shalt  }
0x78: {  	_ =	shalt  }
0x79: {  	_ =	shalt  }
0x7a: {  	_ =	shalt  }
0x7b: {  	_ =	shalt  }
0x7c: {  	_ =	shalt  }
0x7d: {  	_ =	shalt  }
0x7e: {  	_ =	shalt  }
0x7f: {  	_ =	shalt  }
0x80: {  	_ =	shalt  }
0x81: {  	_ =	shalt  }
0x82: {  	_ =	shalt  }
0x83: {  	_ =	shalt  }
0x84: {  	_ =	shalt  }
0x85: {  	_ =	shalt  }
0x86: {  	_ =	shalt  }
0x87: {  	_ =	shalt  }
.Lfunc_end0:
.L_simem_size_0:
called_computation.4_lowered:
.L_overlay_start_0:
0x88: {  	s2 =	sld [smem:$0x3FD9]  }
0x89: {  	s3 =	sld [smem:$0x3FFE];
	_ =	sdelay $0x1  }
0x8a: {  	s1 =	srdreg.scid  }
0x8b: {  	s0 =	sand.u32 $0x1, s1  }
0x8c: {  	s17 =	sshll.u32 s0, $0xA;
	s2 =	sadd.s32 s3, s2  }
0x8d: {  	s2 =	sadd.s32 s2, s17  }
0x8e: {  	[smem:$0x3FB6] =	sst s2  }
0x8f: {  	_ = 	snop  }
0x90: {  	(tm) =	ssettm $0x1  }
0x91: {  	s18 =	sld [smem:$0x3FFB];
	_ =	sdelay $0x3  }
0x92: {  	_ =	strace s18  }
0x93: {  	s2 =	sld [smem:$0x3FFC];
	_ =	sdelay $0x3  }
0x94: {  	_ =	strace s2  }
0x95: {  	s2 =	sld [smem:$0x3FFD];
	_ =	sdelay $0x3  }
0x96: {  	_ =	strace s2  }
0x97: {  	_ =	strace $0x8FFFFFFF  }
0x98: {  	s19 =	sld [smem:$0x3FDB];
	_ =	sdelay $0x1  }
0x99: {  	s20 =	simm.s32 $_scs_section_size  }
0x9a: {  	s4 =	simm.s32 $_size__tile_overlayer_lowered;
	s5 =	simm.s32 $_tile_overlayer_lowered  }
0x9b: {  	s6 =	simm.s32 $0x1BFF;
	s21 =	sshll.u32 s5, $0x1;
	s3 =	sadd.s32 s20, s19  }
0x9c: {  	s22 =	simm.s32 $0x0;
	s4 =	sshll.u32 s4, $0x1;
	s5 =	sadd.s32 s21, s3  }
0x9d: {  	[timem:s22], [sflag:s6] =	dma.local [hbm:s5], s4  }
0x9e: {  	_ =	swait.ge [sflag:s6], s4  }
0x9f: {  	s4 =	ssub.s32 $0x0, s4;
	[sflag:s6] =	ssyncset.done $0x0  }
0xa0: {  	[sflag:s6] =	ssyncadd.s32 s4;
	_ =	sdelay $0x1  }
0xa1: {  	s23 =	simm.s32 $0x1B8B  }
0xa2: {  	_ =	swait.ge [sflag:s23], $0x1  }
0xa3: {  	[sflag:s23] =	ssyncset.done $0x0  }
0xa4: {  	[sflag:s23] =	ssyncadd.s32 $0xFFFFFFFF  }
0xa5: {  	s4 =	sld [smem:$0x0]  }
0xa6: {  	s5 =	sand.u32 $0xFFFFFFFE, s1  }
0xa7: {  	p0 =	sne.s32 s1, s5  }
0xa8: {  	s5 =	sshll.u32 @p0 s5, $0xE  }
0xa9: {  	s5 =	sadd.s32 @p0 $0x11B8D, s5;
	s6 =	sshll.u32 @p0 s4, $0x11  }
0xaa: {  	s5 =	sor.u32 @p0 s6, s5  }
0xab: {  	[sflag:s5] =	ssyncadd.remote.s32 @p0 $0x1;
	_ =	sdelay $0x1  }
0xac: {  	s5 =	simm.s32 @p0 $0x1B8D  }
0xad: {  	_ =	swait.eq @p0 [sflag:s5], $0x1  }
0xae: {  	[sflag:s5] =	ssyncadd.s32 @p0 $0xFFFFFFFF  }
0xaf: {  	s6 =	sshll.u32 @!p0 s1, $0xE  }
0xb0: {  	s6 =	sor.u32 @!p0 $0x4000, s6;
	s5 =	simm.s32 @!p0 $0x1B8D  }
0xb1: {  	s4 =	sshll.u32 @!p0 s4, $0x11;
	s6 =	sadd.s32 @!p0 $0x11B8D, s6;
	_ =	swait.eq @!p0 [sflag:s5], $0x1  }
0xb2: {  	s4 =	sor.u32 @!p0 s4, s6;
	[sflag:s5] =	ssyncadd.s32 @!p0 $0xFFFFFFFF  }
0xb3: {  	s25 =	simm.s32 $0x1B8E;
	s24 =	sld [smem:$0x3FFE];
	[sflag:s4] =	ssyncadd.remote.s32 @!p0 $0x1  }
0xb4: {  	s26 =	simm.s32 $execute0_lowered;
	[smem:$0x3FD2] =	sst s25  }
0xb5: {  	s5 =	sshll.u32 s26, $0x1;
	_ =	strace $0x8000004C;
	[dreg:$0x1] =	wrdreg $0xFFFFFFFF  }
0xb6: {  	s28 =	simm.s32 $_size_execute0_lowered;
	s3 =	sadd.s32 s3, s5;
	[dreg:$0x0] =	wrdreg $0x0  }
0xb7: {  	s5 =	sshll.u32 s28, $0x1;
	[dreg:$0x2] =	wrdreg s3  }
0xb8: {  	[dreg:$0x3] =	wrdreg s5  }
0xb9: {  	[dreg:$0x4] =	wrdreg $0xC0  }
0xba: {  	_ =	task [dreg:s22], $0x5FFFF  }
0xbb: {  	[dreg:$0x1] =	wrdreg $0xFFFFFFFF  }
0xbc: {  	[dreg:$0x0] =	wrdreg $0x60  }
0xbd: {  	[dreg:$0x2] =	wrdreg s24  }
0xbe: {  	[dreg:$0x3] =	wrdreg $0xA  }
0xbf: {  	_ =	task.clear_ibuf [dreg:s22], $0x4FFFF;
	_ =	strace $0x9000004C  }
0xc0: {  	s29 =	simm.s32 $0xA;
	_ =	strace $0x8000004E  }
0xc1: {  	_ =	swait.ge [sflag:s29], $0x1  }
0xc2: {  	[sflag:s29] =	ssyncadd.s32 $0xFFFFFFFF  }
0xc3: {  	_ =	strace $0x9000004E  }
0xc4: {  	_ =	sfence  }
0xc5: {  	s30 =	sld [smem:$0x0];
	_ =	sdelay $0x2  }
0xc6: {  	s31 =	sshll.u32 s1, $0xD;
	s1 =	sshrl.u32 s1, $0x2  }
0xc7: {  	s4 =	sand.u32 $0x4000, s31;
	s1 =	sadd.s32 s1, s30  }
0xc8: {  	s0 =	sor.u32 s4, s0;
	s1 =	sshll.u32 s1, $0x11  }
0xc9: {  	s0 =	sor.u32 s1, s0  }
0xca: {  	s0 =	sadd.s32 $0x8F2B, s0  }
0xcb: {  	[sflag:s0] =	ssyncadd.remote.s32 $0x1  }
0xcc: {  	_ =	sfence.sel $0xFFFF  }
0xcd: {  	[dreg:$0x0] =	wrdreg $0xFFFFFFFF;
	(pc) =	sbr.abs _section_cstart, $3  }
0xce: {  	[dreg:$0x1] =	wrdreg $0xFFFFFFFF  }
0xcf: {  	_ =	task.clear_ibuf [dreg:s22], $0x2FFFF;
	_ =	strace $0x9FFFFFFF  }
0xd0: {  	(tm) =	ssettm $0x7FFFFFFF  }
0xd1: {  	_ =	shalt  }
tec
execute0_lowered:
.L_overlay_start_1:
0x0: {  	(tag) =	ssettag $0x1  }
0x1: {  	s0 =	rddreg [dreg:$0x0];
	s2 =	simm.s32 $0x0;
	s1 =	srdreg.scid  }
0x2: {  	s7 =	stileid.u32;
	s15 =	simm.s32 $0x5;
	s17 =	simm.s32 $0xFA0  }
0x3: {  	s18 =	simm.s32 $0x36B0;
	s19 =	simm.s32 $0x5DC0;
	s21 =	simm.s32 $0x50  }
0x4: {  	s28 =	simm.s32 $0x2;
	s29 =	simm.s32 $0x40;
	s30 =	simm.s32 $0x80  }
0x5: {  	s31 =	simm.s32 $0x3;
	s20 =	simm.s32 $0x0;
	[smem:$0x7FF] =	sst s2  }
0x6: {  	s1 =	sand.u32 $0x1, s1;
	s4 =	sshll.u32 s7, $0x1;
	s3 =	sadd.s32 $0x53400, s0  }
0x7: {  	s6 =	sadd.s32 $0x7F400, s0;
	s8 =	sadd.s32 $0x7EE00, s0;
	s12 =	sadd.s32 $0x47DA00, s0  }
0x8: {  	s23 =	sadd.s32 $0x7E800, s0;
	s13 =	smul.u32 $0xFA00, s7;
	_ =	strace $0x8000004D  }
0x9: {  	s5 =	sor.u32 s1, s4;
	s4 =	sadd.s32 $0x66E00, s0;
	[dreg:$0x2] =	wrdreg s6  }
0xa: {  	[dreg:$0x3] =	wrdreg s8;
	s24 =	ssub.s32 $0x2, s1;
	s1 =	smul.u32 $0x7D00, s1  }
0xb: {  	[dreg:$0x4] =	wrdreg s23;
	s23 =	simm.s32 $0xA0A0;
	s22 =	smul.u32 $0x7D0, s5  }
0xc: {  	s9 =	sshrl.u32 s24, $0x1;
	s5 =	smul.u32 $0x3E800, s5;
	s26 =	sadd.s32 s13, s12  }
0xd: {  	s25 =	ssub.s32 s24, s9;
	s24 =	simm.s32 $0xB4A0;
	s6 =	sshrl.u32 s22, $0x3  }
0xe: {  	s5 =	sshrl.u32 s5, $0x3;
	s13 =	smax.u32 s25, $0x1;
	s0 =	sadd.s32 s6, s0  }
0xf: {  	s22 =	simm.s32 $0x8CA0;
	s25 =	simm.s32 $0xC8A0;
	s8 =	sadd.s32 $0x477A00, s0  }
0x10: {  	s5 =	sadd.s32 s12, s5;
	s9 =	sadd.s32 $0x479A00, s0;
	s10 =	sadd.s32 $0x47BA00, s0  }
0x11: {  	s11 =	sadd.s32 $0x7800, s5;
	s12 =	sadd.s32 $0x7808, s5;
	s0 =	sadd.s32 s1, s26  }
0x12: {  	s26 =	simm.s32 $0x1;
	s14 =	sadd.s32 $0x508, s0;
	s0 =	simm.s32 $0x4  }
.LBB2_1:
0x13: {  	[tilespmem:s2], [sflag:$0x5] =	stream.linear.gather [hbm4b:s8+s2], $0x7D0, $0x38;
	[tilespmem:$0xDCA0] =	vst v63  }
0x14: {  	_ =	swait.ge [sflag:s15], $0x7D0  }
0x15: {  	[sflag:s15] =	ssyncset.done $0x0  }
0x16: {  	s1 =	simm.s32 $0x7D0;
	[sflag:s15] =	ssyncadd.s32 $0xFFFFF830  }
0x17: {  	[tilespmem:s1], [sflag:$0x5] =	stream.linear.gather [hbm4b:s9+s2], $0x7D0, $0x38;
	[tilespmem:$0xDCA0] =	vst v63  }
0x18: {  	_ =	swait.ge [sflag:s15], $0x7D0  }
0x19: {  	[sflag:s15] =	ssyncset.done $0x0  }
0x1a: {  	s6 =	rddreg [dreg:$0x2];
	[sflag:s15] =	ssyncadd.s32 $0xFFFFF830  }
0x1b: {  	[tilespmem:s17], [sflag:$0x5] =	stream.linear.gather [hbm4b:s6+s2], $0x2710, $0x38;
	[tilespmem:$0xDCA0] =	vst v63  }
0x1c: {  	_ =	swait.ge [sflag:s15], $0x2710  }
0x1d: {  	[sflag:s15] =	ssyncset.done $0x0  }
0x1e: {  	s7 =	rddreg [dreg:$0x3];
	[sflag:s15] =	ssyncadd.s32 $0xFFFFD8F0  }
0x1f: {  	[tilespmem:s18], [sflag:$0x5] =	stream.linear.gather [hbm4b:s7+s2], $0x2710, $0x38;
	[tilespmem:$0xDCA0] =	vst v63  }
0x20: {  	_ =	swait.ge [sflag:s15], $0x2710  }
0x21: {  	[sflag:s15] =	ssyncset.done $0x0  }
0x22: {  	s16 =	rddreg [dreg:$0x4];
	[sflag:s15] =	ssyncadd.s32 $0xFFFFD8F0  }
0x23: {  	[tilespmem:s19], [sflag:$0x5] =	stream.linear.gather [hbm4b:s16+s2], $0x2710, $0x38;
	[tilespmem:$0xDCA0] =	vst v63  }
0x24: {  	_ =	swait.ge [sflag:s15], $0x2710  }
0x25: {  	[sflag:s15] =	ssyncset.done $0x0  }
0x26: {  	s1 =	simm.s32 $0x0;
	[sflag:s15] =	ssyncadd.s32 $0xFFFFD8F0  }
0x27: {  	v0 =	vld [tilespmem:s1+$0x7D0]  }
0x28: {  	v1 =	vld [tilespmem:s1+$0x0];
	_ =	sdelay $0x6  }
0x29: {  	v2 =	vld.idx.msk [tilespmem:v0+s17+$0x0], $0xffff  }
0x2a: {  	v3 =	vld.idx.msk [tilespmem:v1+s17+$0x0], $0xffff  }
0x2b: {  	v4 =	vld.idx.msk [tilespmem:v1+s18+$0x0], $0xffff  }
0x2c: {  	v5 =	vld.idx.msk [tilespmem:v0+s18+$0x0], $0xffff  }
0x2d: {  	v6 =	vld.idx.msk [tilespmem:v1+s19+$0x0], $0xffff  }
0x2e: {  	v7 =	vld.idx.msk [tilespmem:v0+s19+$0x0], $0xffff;
	_ =	sdelay $0x2  }
0x2f: {  	s5 =	simm.s32 $0x10;
	v3 =	vsub.f32 v3, v2;
	v4 =	vsub.f32 v4, v5  }
0x30: {  	v0 =	vld [tilespmem:s5+$0x7D0]  }
0x31: {  	v1 =	vld [tilespmem:s5+$0x0];
	v2 =	vsub.f32 v6, v7;
	v3 =	vmul.f32 v3, v3;
	v4 =	vmul.f32 v4, v4  }
0x32: {  	s16 =	simm.s32 $0x80  }
.LBB2_2:
0x33: {  	p0 =	sne.s32 s16, $0x1F00;
	v3 =	vadd.f32 v4, v3;
	v2 =	vmul.f32 v2, v2;
	_ =	sdelay $0x1  }
0x34: {  	v2 =	vadd.f32 v2, v3;
	_ =	sdelay $0x1  }
0x35: {  	[tilespmem:s1+$0x84D0] =	vst v2;
	s1 =	smov.u32 s5  }
0x36: {  	v2 =	vld.idx.msk [tilespmem:v0+s17+$0x0], $0xffff  }
0x37: {  	v3 =	vld.idx.msk [tilespmem:v1+s17+$0x0], $0xffff  }
0x38: {  	v4 =	vld.idx.msk [tilespmem:v1+s18+$0x0], $0xffff  }
0x39: {  	v5 =	vld.idx.msk [tilespmem:v0+s18+$0x0], $0xffff  }
0x3a: {  	v6 =	vld.idx.msk [tilespmem:v1+s19+$0x0], $0xffff  }
0x3b: {  	v7 =	vld.idx.msk [tilespmem:v0+s19+$0x0], $0xffff;
	_ =	sdelay $0x2  }
.Ltmp0:
0x3c: {  	(pc) =	sbr.rel @p0 .LBB2_2-.Ltmp0, $4  }
0x3d: {  	s5 =	sshra.s32 s16, $0x2;
	v3 =	vsub.f32 v3, v2;
	v4 =	vsub.f32 v4, v5  }
0x3e: {  	v0 =	vld [tilespmem:s5+$0x7D0]  }
0x3f: {  	v3 =	vmul.f32 v3, v3;
	v2 =	vsub.f32 v6, v7;
	v4 =	vmul.f32 v4, v4;
	v1 =	vld [tilespmem:s5+$0x0]  }
0x40: {  	s16 =	sadd.s32 $0x40, s16  }
0x41: {  	_ = 	snop  }
0x42: {  	v3 =	vadd.f32 v4, v3;
	v2 =	vmul.f32 v2, v2;
	_ =	sdelay $0x1  }
0x43: {  	v2 =	vadd.f32 v2, v3;
	_ =	sdelay $0x1  }
0x44: {  	[tilespmem:s1+$0x84D0] =	vst v2  }
0x45: {  	v2 =	vld.idx.msk [tilespmem:v0+s17+$0x0], $0xffff  }
0x46: {  	v57 =	vld.idx.msk [tilespmem:v1+s17+$0x0], $0xffff  }
0x47: {  	v58 =	vld.idx.msk [tilespmem:v1+s18+$0x0], $0xffff  }
0x48: {  	v5 =	vld.idx.msk [tilespmem:v0+s18+$0x0], $0xffff  }
0x49: {  	v59 =	vld.idx.msk [tilespmem:v1+s19+$0x0], $0xffff  }
0x4a: {  	v60 =	vld.idx.msk [tilespmem:v0+s19+$0x0], $0xffff;
	_ =	sdelay $0x2  }
0x4b: {  	v2 =	vsub.f32 v57, v2;
	v61 =	vsub.f32 v58, v5;
	_ =	sdelay $0x1  }
0x4c: {  	v0 =	vsub.f32 v59, v60;
	v62 =	vmul.f32 v2, v2;
	v63 =	vmul.f32 v61, v61;
	_ =	sdelay $0x1  }
0x4d: {  	v0 =	vmul.f32 v0, v0;
	v1 =	vadd.f32 v63, v62;
	_ =	sdelay $0x1  }
0x4e: {  	v0 =	vadd.f32 v0, v1;
	_ =	sdelay $0x1  }
0x4f: {  	s7 =	simm.s32 $0x0;
	s16 =	simm.s32 $0x84D0;
	[tilespmem:s5+$0x84D0] =	vst v0  }
0x50: {  	[hbm4b:s10+s7] =	stream.linear.scatter [tilespmem:s16], [sflag:$0x5], $0x7D0, $0x38;
	[tilespmem:$0xDCA0] =	vst v63  }
0x51: {  	_ =	swait.ge [sflag:s15], $0x7D0  }
0x52: {  	[sflag:s15] =	ssyncset.done $0x0  }
0x53: {  	s6 =	simm.s32 $0x0;
	[sflag:s15] =	ssyncadd.s32 $0xFFFFF830  }
0x54: {  	[tilespmem:s22], [sflag:$0x1] =	stream.indirect.gather [hbm4b:s3+s21], $0x40, s6, s21, $0xb8;
	[tilespmem:$0xDCA0] =	vst v63  }
0x55: {  	s7 =	simm.s32 $0x7D0  }
0x56: {  	[tilespmem:s23], [sflag:$0x2] =	stream.indirect.gather [hbm4b:s4+s21], $0x40, s7, s21, $0xb8;
	[tilespmem:$0xDCA0] =	vst v63  }
0x57: {  	s16 =	simm.s32 $0x50  }
0x58: {  	[tilespmem:s24], [sflag:$0x3] =	stream.indirect.gather [hbm4b:s3+s21], $0x40, s16, s21, $0xb8;
	[tilespmem:$0xDCA0] =	vst v63  }
0x59: {  	s5 =	simm.s32 $0x820  }
0x5a: {  	[tilespmem:s25], [sflag:$0x4] =	stream.indirect.gather [hbm4b:s4+s21], $0x40, s5, s21, $0xb8;
	[tilespmem:$0xDCA0] =	vst v63  }
0x5b: {  	_ =	swait.ge [sflag:s26], $0x1400  }
0x5c: {  	[sflag:s26] =	ssyncset.done $0x0  }
0x5d: {  	[sflag:s26] =	ssyncadd.s32 $0xFFFFEC00  }
0x5e: {  	_ =	swait.ge [sflag:s28], $0x1400  }
0x5f: {  	[sflag:s28] =	ssyncset.done $0x0  }
0x60: {  	s6 =	sadd.s32 $0xFFFFFAF8, s14;
	[sflag:s28] =	ssyncadd.s32 $0xFFFFEC00  }
0x61: {  	[hbm4b:s6+s29] =	stream.strided.scatter [tilespmem:s22], [sflag:$0x5], $0x1400, s30, s29, $0x38;
	[tilespmem:$0xDCA0] =	vst v63  }
0x62: {  	_ =	swait.ge [sflag:s15], $0x1400  }
0x63: {  	[sflag:s15] =	ssyncset.done $0x0  }
0x64: {  	s7 =	sadd.s32 $0xFFFFFB00, s14;
	[sflag:s15] =	ssyncadd.s32 $0xFFFFEC00  }
0x65: {  	[hbm4b:s7+s29] =	stream.strided.scatter [tilespmem:s23], [sflag:$0x5], $0x1400, s30, s29, $0x38;
	[tilespmem:$0xDCA0] =	vst v63  }
0x66: {  	_ =	swait.ge [sflag:s15], $0x1400  }
0x67: {  	[sflag:s15] =	ssyncset.done $0x0  }
0x68: {  	[sflag:s15] =	ssyncadd.s32 $0xFFFFEC00  }
0x69: {  	_ =	swait.ge [sflag:s31], $0x1400  }
0x6a: {  	[sflag:s31] =	ssyncset.done $0x0  }
0x6b: {  	[sflag:s31] =	ssyncadd.s32 $0xFFFFEC00  }
0x6c: {  	_ =	swait.ge [sflag:s0], $0x1400  }
0x6d: {  	[sflag:s0] =	ssyncset.done $0x0  }
0x6e: {  	s16 =	sadd.s32 $0xFFFFFFF8, s14;
	[sflag:s0] =	ssyncadd.s32 $0xFFFFEC00  }
0x6f: {  	[hbm4b:s16+s29] =	stream.strided.scatter [tilespmem:s24], [sflag:$0x5], $0x1400, s30, s29, $0x38;
	[tilespmem:$0xDCA0] =	vst v63  }
0x70: {  	_ =	swait.ge [sflag:s15], $0x1400  }
0x71: {  	[sflag:s15] =	ssyncset.done $0x0  }
0x72: {  	[sflag:s15] =	ssyncadd.s32 $0xFFFFEC00  }
0x73: {  	[hbm4b:s14+s29] =	stream.strided.scatter [tilespmem:s25], [sflag:$0x5], $0x1400, s30, s29, $0x38;
	[tilespmem:$0xDCA0] =	vst v63  }
0x74: {  	s1 =	sadd.s32 $0xA00, s14;
	_ =	swait.ge [sflag:s15], $0x1400  }
0x75: {  	s5 =	simm.s32 $0x500;
	s16 =	simm.s32 $0x280;
	[sflag:s15] =	ssyncset.done $0x0  }
.LBB2_4:
0x76: {  	s7 =	sshra.s32 s16, $0x2  }
0x77: {  	[sflag:s15] =	ssyncadd.s32 $0xFFFFEC00;
	s16 =	smov.u32 s5;
	s6 =	sadd.s32 $0x280, s5  }
0x78: {  	[tilespmem:s22], [sflag:$0x1] =	stream.indirect.gather [hbm4b:s3+s21], $0x40, s7, s21, $0xb8;
	[tilespmem:$0xDCA0] =	vst v63  }
0x79: {  	p0 =	sne.s32 s5, $0x1B80;
	s5 =	sadd.s32 $0x7D0, s7  }
0x7a: {  	[tilespmem:s23], [sflag:$0x2] =	stream.indirect.gather [hbm4b:s4+s21], $0x40, s5, s21, $0xb8;
	[tilespmem:$0xDCA0] =	vst v63  }
0x7b: {  	s5 =	sadd.s32 $0x50, s7  }
0x7c: {  	[tilespmem:s24], [sflag:$0x3] =	stream.indirect.gather [hbm4b:s3+s21], $0x40, s5, s21, $0xb8;
	[tilespmem:$0xDCA0] =	vst v63  }
0x7d: {  	s5 =	sadd.s32 $0x820, s7  }
0x7e: {  	[tilespmem:s25], [sflag:$0x4] =	stream.indirect.gather [hbm4b:s4+s21], $0x40, s5, s21, $0xb8;
	[tilespmem:$0xDCA0] =	vst v63  }
0x7f: {  	_ =	swait.ge [sflag:s26], $0x1400  }
0x80: {  	[sflag:s26] =	ssyncset.done $0x0  }
0x81: {  	[sflag:s26] =	ssyncadd.s32 $0xFFFFEC00  }
0x82: {  	_ =	swait.ge [sflag:s28], $0x1400  }
0x83: {  	[sflag:s28] =	ssyncset.done $0x0  }
0x84: {  	s5 =	sadd.s32 $0xFFFFFAF8, s1;
	[sflag:s28] =	ssyncadd.s32 $0xFFFFEC00  }
0x85: {  	[hbm4b:s5+s29] =	stream.strided.scatter [tilespmem:s22], [sflag:$0x5], $0x1400, s30, s29, $0x38;
	[tilespmem:$0xDCA0] =	vst v63  }
0x86: {  	_ =	swait.ge [sflag:s15], $0x1400  }
0x87: {  	[sflag:s15] =	ssyncset.done $0x0  }
0x88: {  	s5 =	sadd.s32 $0xFFFFFB00, s1;
	[sflag:s15] =	ssyncadd.s32 $0xFFFFEC00  }
0x89: {  	[hbm4b:s5+s29] =	stream.strided.scatter [tilespmem:s23], [sflag:$0x5], $0x1400, s30, s29, $0x38;
	[tilespmem:$0xDCA0] =	vst v63  }
0x8a: {  	_ =	swait.ge [sflag:s15], $0x1400  }
0x8b: {  	[sflag:s15] =	ssyncset.done $0x0  }
0x8c: {  	[sflag:s15] =	ssyncadd.s32 $0xFFFFEC00  }
0x8d: {  	_ =	swait.ge [sflag:s31], $0x1400  }
0x8e: {  	[sflag:s31] =	ssyncset.done $0x0  }
0x8f: {  	[sflag:s31] =	ssyncadd.s32 $0xFFFFEC00  }
0x90: {  	_ =	swait.ge [sflag:s0], $0x1400  }
0x91: {  	[sflag:s0] =	ssyncset.done $0x0  }
0x92: {  	s5 =	sadd.s32 $0xFFFFFFF8, s1;
	[sflag:s0] =	ssyncadd.s32 $0xFFFFEC00  }
0x93: {  	[hbm4b:s5+s29] =	stream.strided.scatter [tilespmem:s24], [sflag:$0x5], $0x1400, s30, s29, $0x38;
	[tilespmem:$0xDCA0] =	vst v63  }
0x94: {  	_ =	swait.ge [sflag:s15], $0x1400  }
.Ltmp1:
0x95: {  	[sflag:s15] =	ssyncset.done $0x0;
	(pc) =	sbr.rel @p0 .LBB2_4-.Ltmp1, $4  }
0x96: {  	[sflag:s15] =	ssyncadd.s32 $0xFFFFEC00  }
0x97: {  	[hbm4b:s1+s29] =	stream.strided.scatter [tilespmem:s25], [sflag:$0x5], $0x1400, s30, s29, $0x38;
	[tilespmem:$0xDCA0] =	vst v63  }
0x98: {  	_ =	swait.ge [sflag:s15], $0x1400  }
0x99: {  	s5 =	smov.u32 s6;
	s1 =	sadd.s32 $0xA00, s1;
	[sflag:s15] =	ssyncset.done $0x0  }
0x9a: {  	s5 =	sshra.s32 s16, $0x2;
	[sflag:s15] =	ssyncadd.s32 $0xFFFFEC00  }
0x9b: {  	[tilespmem:s22], [sflag:$0x1] =	stream.indirect.gather [hbm4b:s3+s21], $0x40, s5, s21, $0xb8;
	[tilespmem:$0xDCA0] =	vst v63  }
0x9c: {  	s6 =	sadd.s32 $0x7D0, s5  }
0x9d: {  	[tilespmem:s23], [sflag:$0x2] =	stream.indirect.gather [hbm4b:s4+s21], $0x40, s6, s21, $0xb8;
	[tilespmem:$0xDCA0] =	vst v63  }
0x9e: {  	s16 =	sadd.s32 $0x50, s5  }
0x9f: {  	[tilespmem:s24], [sflag:$0x3] =	stream.indirect.gather [hbm4b:s3+s21], $0x40, s16, s21, $0xb8;
	[tilespmem:$0xDCA0] =	vst v63  }
0xa0: {  	s5 =	sadd.s32 $0x820, s5  }
0xa1: {  	[tilespmem:s25], [sflag:$0x4] =	stream.indirect.gather [hbm4b:s4+s21], $0x40, s5, s21, $0xb8;
	[tilespmem:$0xDCA0] =	vst v63  }
0xa2: {  	_ =	swait.ge [sflag:s26], $0x1400  }
0xa3: {  	[sflag:s26] =	ssyncset.done $0x0  }
0xa4: {  	[sflag:s26] =	ssyncadd.s32 $0xFFFFEC00  }
0xa5: {  	_ =	swait.ge [sflag:s28], $0x1400  }
0xa6: {  	[sflag:s28] =	ssyncset.done $0x0  }
0xa7: {  	s7 =	sadd.s32 $0xFFFFFAF8, s1;
	[sflag:s28] =	ssyncadd.s32 $0xFFFFEC00  }
0xa8: {  	[hbm4b:s7+s29] =	stream.strided.scatter [tilespmem:s22], [sflag:$0x5], $0x1400, s30, s29, $0x38;
	[tilespmem:$0xDCA0] =	vst v63  }
0xa9: {  	_ =	swait.ge [sflag:s15], $0x1400  }
0xaa: {  	[sflag:s15] =	ssyncset.done $0x0  }
0xab: {  	s16 =	sadd.s32 $0xFFFFFB00, s1;
	[sflag:s15] =	ssyncadd.s32 $0xFFFFEC00  }
0xac: {  	[hbm4b:s16+s29] =	stream.strided.scatter [tilespmem:s23], [sflag:$0x5], $0x1400, s30, s29, $0x38;
	[tilespmem:$0xDCA0] =	vst v63  }
0xad: {  	_ =	swait.ge [sflag:s15], $0x1400  }
0xae: {  	[sflag:s15] =	ssyncset.done $0x0  }
0xaf: {  	[sflag:s15] =	ssyncadd.s32 $0xFFFFEC00  }
0xb0: {  	_ =	swait.ge [sflag:s31], $0x1400  }
0xb1: {  	[sflag:s31] =	ssyncset.done $0x0  }
0xb2: {  	[sflag:s31] =	ssyncadd.s32 $0xFFFFEC00  }
0xb3: {  	_ =	swait.ge [sflag:s0], $0x1400  }
0xb4: {  	[sflag:s0] =	ssyncset.done $0x0  }
0xb5: {  	s6 =	sadd.s32 $0xFFFFFFF8, s1;
	[sflag:s0] =	ssyncadd.s32 $0xFFFFEC00  }
0xb6: {  	[hbm4b:s6+s29] =	stream.strided.scatter [tilespmem:s24], [sflag:$0x5], $0x1400, s30, s29, $0x38;
	[tilespmem:$0xDCA0] =	vst v63  }
0xb7: {  	_ =	swait.ge [sflag:s15], $0x1400  }
0xb8: {  	[sflag:s15] =	ssyncset.done $0x0  }
0xb9: {  	[sflag:s15] =	ssyncadd.s32 $0xFFFFEC00  }
0xba: {  	[hbm4b:s1+s29] =	stream.strided.scatter [tilespmem:s25], [sflag:$0x5], $0x1400, s30, s29, $0x38;
	[tilespmem:$0xDCA0] =	vst v63  }
0xbb: {  	_ =	swait.ge [sflag:s15], $0x1400  }
0xbc: {  	[sflag:s15] =	ssyncset.done $0x0  }
0xbd: {  	s7 =	simm.s32 $0x780;
	[sflag:s15] =	ssyncadd.s32 $0xFFFFEC00  }
0xbe: {  	[tilespmem:s22], [sflag:$0x1] =	stream.indirect.gather [hbm4b:s3+s21], $0x40, s7, s21, $0xb8;
	[tilespmem:$0xDCA0] =	vst v63  }
0xbf: {  	s16 =	simm.s32 $0xF50  }
0xc0: {  	[tilespmem:s23], [sflag:$0x2] =	stream.indirect.gather [hbm4b:s4+s21], $0x40, s16, s21, $0xb8;
	[tilespmem:$0xDCA0] =	vst v63  }
0xc1: {  	_ =	swait.ge [sflag:s26], $0x1400  }
0xc2: {  	[sflag:s26] =	ssyncset.done $0x0  }
0xc3: {  	[sflag:s26] =	ssyncadd.s32 $0xFFFFEC00  }
0xc4: {  	_ =	swait.ge [sflag:s28], $0x1400  }
0xc5: {  	[sflag:s28] =	ssyncset.done $0x0  }
0xc6: {  	[sflag:s28] =	ssyncadd.s32 $0xFFFFEC00  }
0xc7: {  	[hbm4b:s11+s29] =	stream.strided.scatter [tilespmem:s22], [sflag:$0x5], $0x1400, s30, s29, $0x38;
	[tilespmem:$0xDCA0] =	vst v63  }
0xc8: {  	s20 =	sadd.s32 $0x1, s20;
	_ =	swait.ge [sflag:s15], $0x1400  }
0xc9: {  	p0 =	sne.s32 s20, s13;
	[sflag:s15] =	ssyncset.done $0x0  }
.Ltmp2:
0xca: {  	[sflag:s15] =	ssyncadd.s32 $0xFFFFEC00;
	(pc) =	sbr.rel @p0 .LBB2_1-.Ltmp2, $4  }
0xcb: {  	[hbm4b:s12+s29] =	stream.strided.scatter [tilespmem:s23], [sflag:$0x5], $0x1400, s30, s29, $0x38;
	[tilespmem:$0xDCA0] =	vst v63  }
0xcc: {  	_ =	swait.ge [sflag:s15], $0x1400  }
0xcd: {  	[sflag:s15] =	ssyncset.done $0x0  }
0xce: {  	[sflag:s15] =	ssyncadd.s32 $0xFFFFEC00  }
0xcf: {  	_ =	sfence.sel $0x180000  }
0xd0: {  	[bflag:$0x0] =	sbarrier.arrive $0xFFFF  }
0xd1: {  	_ =	strace $0x9000004D  }
0xd2: {  	s0 =	stileid.u32;
	[bflag:$0x2] =	sbarrier.arrive $0xFFFF  }
0xd3: {  	p0 =	sne.s32 s0, $0x0;
	s0 =	rddreg [dreg:$0x1]  }
0xd4: {  	s0 =	sadd.s32 @!p0 $0x100000, s0  }
0xd5: {  	[sflag:s0] =	ssyncadd.tile.s32 @!p0 $0x1;
	_ =	shalt  }
.Lfunc_end2:
_tile_overlayer_lowered:
.L_overlay_start_2:
0xd6: {  	(tag) =	ssettag $0x2  }
0xd7: {  	s0 =	rddreg [dreg:$0x0];
	s2 =	stileid.u32  }
0xd8: {  	s1 =	rddreg [dreg:$0x1];
	p0 =	sne.s32 s2, $0x0  }
0xd9: {  	s3 =	rddreg [dreg:$0x2];
	[bflag:$0x3] =	sbarrier.arrive $0xFFFF;
	s2 =	simm.s32 @!p0 $0x1C05  }
0xda: {  	[timem:s3], [sflag:s2] =	dma.local @!p0 [hbm:s0], s1  }
0xdb: {  	s0 =	simm.s32 @!p0 $0x5  }
0xdc: {  	_ =	swait.ge @!p0 [sflag:s0], s1  }
0xdd: {  	s1 =	ssub.s32 @!p0 $0x0, s1;
	[sflag:s0] =	ssyncset.done @!p0 $0x0  }
0xde: {  	[sflag:s0] =	ssyncadd.s32 @!p0 s1  }
0xdf: {  	[bflag:$0x3] =	sbarrier.arrive $0xFFFF  }
0xe0: {  	_ =	shalt  }

// kernel: kernel.28.cloned.1.call-start
scs
__scs_entry_jumppad:
0x0: {  	(pc) =	sbr.rel $0x88, $3  }
0x1: {  	(tag) =	ssettag $0x0;
	lr =	simm.s32 $0x1  }
0x2: {  	[smem:$0x3F8F] =	sst lr;
	_ =	strace $0xD0000000  }
0x3: {  	_ = 	snop  }
0x4: {  	_ = 	snop  }
0x5: {  	_ = 	snop  }
0x6: {  	_ = 	snop  }
0x7: {  	_ = 	snop  }
__scs_overlays_trampoline_lowered:
0x8: {  	[smem:$0x3F9E] =	sst s0  }
0x9: {  	[smem:$0x3F9F] =	sst s1  }
0xa: {  	[smem:$0x3FA0] =	sst s2  }
0xb: {  	[smem:$0x3FA1] =	sst s3  }
0xc: {  	[smem:$0x3FA2] =	sst s4  }
0xd: {  	[smem:$0x3FA3] =	sst s5  }
0xe: {  	[smem:$0x3FA4] =	sst s6  }
0xf: {  	[smem:$0x3FA5] =	sst s7  }
0x10: {  	[smem:$0x3FA6] =	sst s8  }
0x11: {  	[smem:$0x3FA7] =	sst s9;
	s0 =	simm.s32 @!p0 $0x0  }
0x12: {  	s1 =	sld [smem:$0x3F8D];
	s0 =	simm.s32 @p0 $0x1  }
0x13: {  	[smem:$0x3FA8] =	sst s0;
	s0 =	simm.s32 @!p1 $0x0  }
0x14: {  	s2 =	sld [smem:$0x3F8C];
	s0 =	simm.s32 @p1 $0x1  }
0x15: {  	[smem:$0x3FA9] =	sst s0;
	s0 =	simm.s32 @!p2 $0x0  }
0x16: {  	s3 =	sld [smem:$0x3FDB];
	s0 =	simm.s32 @p2 $0x1  }
0x17: {  	s4 =	simm.s32 $0x1BF5;
	[smem:$0x3FAB] =	sst s0  }
0x18: {  	s0 =	sld [smem:$0x3F8E];
	_ =	swait.ge [sflag:s4], $0x0  }
0x19: {  	s7 =	sld [smem:$0x3F8F]  }
0x1a: {  	s8 =	sadd.s32 $0xFFFFE003, lr  }
0x1b: {  	s9 =	sadd.s32 $0xFFFFFEF7, lr;
	s5 =	simm.s32 $0xFFFFFFFF;
	p2 =	slt.u32 s8, $0xFFFFF086  }
0x1c: {  	p1 =	slt.u32 s9, $0xF7A;
	s5 =	simm.s32 @!p2 $0x0  }
0x1d: {  	s5 =	simm.s32 @p1 $0x1;
	p0 =	seq.s32 s7, s2  }
0x1e: {  	s7 =	smul.u32 @!p0 $0xF7A, s2;
	p2 =	seq.s32 @!p0 s5, $0x0  }
0x1f: {  	s9 =	smul.u32 $0xF7A, s1;
	s8 =	simm.s32 @!p0 $0x1BF5;
	p2 =	por !p2, p0  }
0x20: {  	[sflag:s8] =	ssyncset.s32 @!p0 $0xFFFFF086;
	s6 =	sadd.s32 @!p0 s3, s7;
	s7 =	simm.s32 @!p0 $0x108  }
0x21: {  	s3 =	sadd.s32 s3, s9;
	s6 =	sadd.s32 @!p0 $0x88, s6;
	s7 =	simm.s32 @p2 $0x1082  }
0x22: {  	[simem:s7], [sflag:s8] =	dma.local @!p0 [hbm:s6], $0xF7A  }
0x23: {  	s9 =	sor.u32 $0xD0000000, s2;
	s6 =	simm.s32 $0x108;
	_ =	swait.ge @!p0 [sflag:s8], $0x0  }
0x24: {  	s3 =	sadd.s32 $0x88, s3;
	s6 =	simm.s32 @!p1 $0x1082;
	[sflag:s4] =	ssyncset.s32 $0xFFFFF086  }
0x25: {  	[simem:s6], [sflag:s4] =	dma.local [hbm:s3], $0xF7A  }
0x26: {  	[smem:$0x3F8F] =	sst s1;
	(tag) =	ssettag s2;
	_ =	strace s9  }
0x27: {  	s1 =	sld [smem:$0x3F9F]  }
0x28: {  	s2 =	sld [smem:$0x3FA0]  }
0x29: {  	s4 =	sld [smem:$0x3FA2]  }
0x2a: {  	p0 =	seq.s32 s5, $0x0;
	s5 =	sld [smem:$0x3FA3]  }
0x2b: {  	s6 =	sld [smem:$0x3FA4]  }
0x2c: {  	s7 =	sld [smem:$0x3FA5]  }
0x2d: {  	s3 =	simm.s32 $0x108;
	s8 =	sld [smem:$0x3FA6]  }
0x2e: {  	s3 =	simm.s32 @!p0 $0x1082;
	s9 =	sld [smem:$0x3FA7]  }
0x2f: {  	lr =	sadd.s32 s0, s3;
	s0 =	sld [smem:$0x3F9E]  }
0x30: {  	s3 =	sld [smem:$0x3FA1]  }
0x31: {  	[smem:$0x3FAA] =	sst s10  }
0x32: {  	s10 =	sld [smem:$0x3FA8];
	_ =	sdelay $0x3  }
0x33: {  	p0 =	seq.s32 s10, $0x1;
	s10 =	sld [smem:$0x3FAA];
	_ =	sdelay $0x3  }
0x34: {  	[smem:$0x3FAA] =	sst s10  }
0x35: {  	s10 =	sld [smem:$0x3FA9];
	_ =	sdelay $0x3  }
0x36: {  	p1 =	seq.s32 s10, $0x1;
	s10 =	sld [smem:$0x3FAA];
	_ =	sdelay $0x3  }
0x37: {  	[smem:$0x3FAA] =	sst s10  }
0x38: {  	s10 =	sld [smem:$0x3FAB]  }
0x39: {  	_ = 	snop;
	(pc) =	sbr.ind lr, $3  }
0x3a: {  	_ = 	snop  }
0x3b: {  	_ = 	snop  }
0x3c: {  	p2 =	seq.s32 s10, $0x1;
	s10 =	sld [smem:$0x3FAA]  }
0x3d: {  	_ =	shalt  }
0x3e: {  	_ =	shalt  }
0x3f: {  	_ =	shalt  }
0x40: {  	_ =	shalt  }
0x41: {  	_ =	shalt  }
0x42: {  	_ =	shalt  }
0x43: {  	_ =	shalt  }
0x44: {  	_ =	shalt  }
0x45: {  	_ =	shalt  }
0x46: {  	_ =	shalt  }
0x47: {  	_ =	shalt  }
0x48: {  	_ =	shalt  }
0x49: {  	_ =	shalt  }
0x4a: {  	_ =	shalt  }
0x4b: {  	_ =	shalt  }
0x4c: {  	_ =	shalt  }
0x4d: {  	_ =	shalt  }
0x4e: {  	_ =	shalt  }
0x4f: {  	_ =	shalt  }
0x50: {  	_ =	shalt  }
0x51: {  	_ =	shalt  }
0x52: {  	_ =	shalt  }
0x53: {  	_ =	shalt  }
0x54: {  	_ =	shalt  }
0x55: {  	_ =	shalt  }
0x56: {  	_ =	shalt  }
0x57: {  	_ =	shalt  }
0x58: {  	_ =	shalt  }
0x59: {  	_ =	shalt  }
0x5a: {  	_ =	shalt  }
0x5b: {  	_ =	shalt  }
0x5c: {  	_ =	shalt  }
0x5d: {  	_ =	shalt  }
0x5e: {  	_ =	shalt  }
0x5f: {  	_ =	shalt  }
0x60: {  	_ =	shalt  }
0x61: {  	_ =	shalt  }
0x62: {  	_ =	shalt  }
0x63: {  	_ =	shalt  }
0x64: {  	_ =	shalt  }
0x65: {  	_ =	shalt  }
0x66: {  	_ =	shalt  }
0x67: {  	_ =	shalt  }
0x68: {  	_ =	shalt  }
0x69: {  	_ =	shalt  }
0x6a: {  	_ =	shalt  }
0x6b: {  	_ =	shalt  }
0x6c: {  	_ =	shalt  }
0x6d: {  	_ =	shalt  }
0x6e: {  	_ =	shalt  }
0x6f: {  	_ =	shalt  }
0x70: {  	_ =	shalt  }
0x71: {  	_ =	shalt  }
0x72: {  	_ =	shalt  }
0x73: {  	_ =	shalt  }
0x74: {  	_ =	shalt  }
0x75: {  	_ =	shalt  }
0x76: {  	_ =	shalt  }
0x77: {  	_ =	shalt  }
0x78: {  	_ =	shalt  }
0x79: {  	_ =	shalt  }
0x7a: {  	_ =	shalt  }
0x7b: {  	_ =	shalt  }
0x7c: {  	_ =	shalt  }
0x7d: {  	_ =	shalt  }
0x7e: {  	_ =	shalt  }
0x7f: {  	_ =	shalt  }
0x80: {  	_ =	shalt  }
0x81: {  	_ =	shalt  }
0x82: {  	_ =	shalt  }
0x83: {  	_ =	shalt  }
0x84: {  	_ =	shalt  }
0x85: {  	_ =	shalt  }
0x86: {  	_ =	shalt  }
0x87: {  	_ =	shalt  }
.Lfunc_end0:
.L_simem_size_0:
called_computation.5_lowered:
.L_overlay_start_0:
0x88: {  	s2 =	sld [smem:$0x3FD9]  }
0x89: {  	s3 =	sld [smem:$0x3FFE];
	_ =	sdelay $0x1  }
0x8a: {  	s1 =	srdreg.scid  }
0x8b: {  	s0 =	sand.u32 $0x1, s1  }
0x8c: {  	s17 =	sshll.u32 s0, $0xA;
	s2 =	sadd.s32 s3, s2  }
0x8d: {  	s2 =	sadd.s32 s2, s17  }
0x8e: {  	[smem:$0x3FB6] =	sst s2  }
0x8f: {  	_ = 	snop  }
0x90: {  	(tm) =	ssettm $0x1  }
0x91: {  	s18 =	sld [smem:$0x3FFB];
	_ =	sdelay $0x3  }
0x92: {  	_ =	strace s18  }
0x93: {  	s2 =	sld [smem:$0x3FFC];
	_ =	sdelay $0x3  }
0x94: {  	_ =	strace s2  }
0x95: {  	s2 =	sld [smem:$0x3FFD];
	_ =	sdelay $0x3  }
0x96: {  	_ =	strace s2  }
0x97: {  	_ =	strace $0x8FFFFFFF  }
0x98: {  	s19 =	sld [smem:$0x3FDB];
	_ =	sdelay $0x1  }
0x99: {  	s20 =	simm.s32 $_scs_section_size  }
0x9a: {  	s4 =	simm.s32 $_size__tile_overlayer_lowered;
	s5 =	simm.s32 $_tile_overlayer_lowered  }
0x9b: {  	s6 =	simm.s32 $0x1BFF;
	s21 =	sshll.u32 s5, $0x1;
	s3 =	sadd.s32 s20, s19  }
0x9c: {  	s22 =	simm.s32 $0x0;
	s4 =	sshll.u32 s4, $0x1;
	s5 =	sadd.s32 s21, s3  }
0x9d: {  	[timem:s22], [sflag:s6] =	dma.local [hbm:s5], s4  }
0x9e: {  	_ =	swait.ge [sflag:s6], s4  }
0x9f: {  	s4 =	ssub.s32 $0x0, s4;
	[sflag:s6] =	ssyncset.done $0x0  }
0xa0: {  	[sflag:s6] =	ssyncadd.s32 s4;
	_ =	sdelay $0x1  }
0xa1: {  	s23 =	simm.s32 $0x1B8B  }
0xa2: {  	_ =	swait.ge [sflag:s23], $0x1  }
0xa3: {  	[sflag:s23] =	ssyncset.done $0x0  }
0xa4: {  	[sflag:s23] =	ssyncadd.s32 $0xFFFFFFFF  }
0xa5: {  	s4 =	sld [smem:$0x0]  }
0xa6: {  	s5 =	sand.u32 $0xFFFFFFFE, s1  }
0xa7: {  	p0 =	sne.s32 s1, s5  }
0xa8: {  	s5 =	sshll.u32 @p0 s5, $0xE  }
0xa9: {  	s5 =	sadd.s32 @p0 $0x11B8D, s5;
	s6 =	sshll.u32 @p0 s4, $0x11  }
0xaa: {  	s5 =	sor.u32 @p0 s6, s5  }
0xab: {  	[sflag:s5] =	ssyncadd.remote.s32 @p0 $0x1;
	_ =	sdelay $0x1  }
0xac: {  	s5 =	simm.s32 @p0 $0x1B8D  }
0xad: {  	_ =	swait.eq @p0 [sflag:s5], $0x1  }
0xae: {  	[sflag:s5] =	ssyncadd.s32 @p0 $0xFFFFFFFF  }
0xaf: {  	s6 =	sshll.u32 @!p0 s1, $0xE  }
0xb0: {  	s6 =	sor.u32 @!p0 $0x4000, s6;
	s5 =	simm.s32 @!p0 $0x1B8D  }
0xb1: {  	s4 =	sshll.u32 @!p0 s4, $0x11;
	s6 =	sadd.s32 @!p0 $0x11B8D, s6;
	_ =	swait.eq @!p0 [sflag:s5], $0x1  }
0xb2: {  	s4 =	sor.u32 @!p0 s4, s6;
	[sflag:s5] =	ssyncadd.s32 @!p0 $0xFFFFFFFF  }
0xb3: {  	s25 =	simm.s32 $0x1B8E;
	s24 =	sld [smem:$0x3FFE];
	[sflag:s4] =	ssyncadd.remote.s32 @!p0 $0x1  }
0xb4: {  	s26 =	simm.s32 $execute0_lowered;
	[smem:$0x3FD2] =	sst s25  }
0xb5: {  	s5 =	sshll.u32 s26, $0x1;
	_ =	strace $0x80000055;
	[dreg:$0x1] =	wrdreg $0xFFFFFFFF  }
0xb6: {  	s28 =	simm.s32 $_size_execute0_lowered;
	s3 =	sadd.s32 s3, s5;
	[dreg:$0x0] =	wrdreg $0x0  }
0xb7: {  	s5 =	sshll.u32 s28, $0x1;
	[dreg:$0x2] =	wrdreg s3  }
0xb8: {  	[dreg:$0x3] =	wrdreg s5  }
0xb9: {  	[dreg:$0x4] =	wrdreg $0xC0  }
0xba: {  	_ =	task [dreg:s22], $0x5FFFF  }
0xbb: {  	[dreg:$0x1] =	wrdreg $0xFFFFFFFF  }
0xbc: {  	[dreg:$0x0] =	wrdreg $0x60  }
0xbd: {  	[dreg:$0x2] =	wrdreg s24  }
0xbe: {  	[dreg:$0x3] =	wrdreg $0xA8000  }
0xbf: {  	[dreg:$0x4] =	wrdreg $0xA  }
0xc0: {  	_ =	task.clear_ibuf [dreg:s22], $0x5FFFF;
	_ =	strace $0x90000055  }
0xc1: {  	s29 =	simm.s32 $0xA;
	_ =	strace $0x80000057  }
0xc2: {  	_ =	swait.ge [sflag:s29], $0x1  }
0xc3: {  	[sflag:s29] =	ssyncadd.s32 $0xFFFFFFFF  }
0xc4: {  	_ =	strace $0x90000057  }
0xc5: {  	_ =	sfence  }
0xc6: {  	s30 =	sld [smem:$0x0];
	_ =	sdelay $0x2  }
0xc7: {  	s31 =	sshll.u32 s1, $0xD;
	s1 =	sshrl.u32 s1, $0x2  }
0xc8: {  	s4 =	sand.u32 $0x4000, s31;
	s1 =	sadd.s32 s1, s30  }
0xc9: {  	s0 =	sor.u32 s4, s0;
	s1 =	sshll.u32 s1, $0x11  }
0xca: {  	s0 =	sor.u32 s1, s0  }
0xcb: {  	s0 =	sadd.s32 $0x8F2B, s0  }
0xcc: {  	[sflag:s0] =	ssyncadd.remote.s32 $0x1  }
0xcd: {  	_ =	sfence.sel $0xFFFF  }
0xce: {  	[dreg:$0x0] =	wrdreg $0xFFFFFFFF;
	(pc) =	sbr.abs _section_cstart, $3  }
0xcf: {  	[dreg:$0x1] =	wrdreg $0xFFFFFFFF  }
0xd0: {  	_ =	task.clear_ibuf [dreg:s22], $0x2FFFF;
	_ =	strace $0x9FFFFFFF  }
0xd1: {  	(tm) =	ssettm $0x7FFFFFFF  }
tec
execute0_lowered:
.L_overlay_start_1:
0x0: {  	(tag) =	ssettag $0x1  }
0x1: {  	s1 =	stileid.u32  }
0x2: {  	s6 =	smul.u32 $0xFA00, s1  }
0x3: {  	s19 =	smul.u32 $0x19000, s1  }
0x4: {  	s9 =	sor.u32 $0x10, s1;
	s18 =	smul.u32 $0x6400, s1  }
0x5: {  	s11 =	sor.u32 $0x20, s1;
	s20 =	smul.u32 $0x19000, s9  }
0x6: {  	s3 =	srdreg.scid;
	s14 =	sor.u32 $0x30, s1;
	s7 =	smul.u32 $0x19000, s11  }
0x7: {  	s4 =	rddreg [dreg:$0x0];
	s10 =	sand.u32 $0x1, s3;
	s16 =	smul.u32 $0x19000, s14  }
0x8: {  	s2 =	rddreg [dreg:$0x1];
	s17 =	smul.u32 $0x138800, s10  }
0x9: {  	s0 =	rddreg [dreg:$0x2];
	s26 =	smul.u32 $0x6400, s9  }
0xa: {  	s5 =	sshll.u32 s1, $0x1;
	s3 =	simm.s32 $0x0;
	s11 =	smul.u32 $0x6400, s11  }
0xb: {  	s13 =	sadd.s32 $0x3CFC00, s4;
	p0 =	sgt.u32 s1, $0x1;
	s14 =	smul.u32 $0x6400, s14  }
0xc: {  	s5 =	sor.u32 s10, s5;
	s21 =	ssub.s32 $0x2, s10;
	s30 =	smul.u32 $0x7D00, s10  }
0xd: {  	[smem:$0x7FF] =	sst s3;
	s5 =	smul.u32 $0x380, s5;
	s15 =	sshrl.u32 s21, $0x1  }
0xe: {  	_ =	strace $0x80000056;
	s12 =	sadd.s32 s6, s4;
	s15 =	ssub.s32 s21, s15  }
0xf: {  	s22 =	sshrl.u32 s20, $0x2;
	s23 =	sshrl.u32 s7, $0x2;
	s24 =	sshrl.u32 s16, $0x2  }
0x10: {  	s25 =	sadd.s32 s18, s17;
	s29 =	sadd.s32 s17, s26;
	s11 =	sadd.s32 s17, s11  }
0x11: {  	s14 =	sadd.s32 s17, s14;
	s31 =	sadd.s32 s30, s12;
	s17 =	simm.s32 $0x1C00  }
0x12: {  	s18 =	simm.s32 $0x3000;
	s20 =	simm.s32 $0x28;
	s21 =	simm.s32 $0x2  }
0x13: {  	s8 =	sadd.s32 s5, s4;
	s5 =	sshrl.u32 s19, $0x2;
	s6 =	sadd.s32 s23, s2  }
0x14: {  	s7 =	sadd.s32 s24, s2;
	s28 =	sshrl.u32 s25, $0x3;
	s16 =	sshrl.u32 s29, $0x3  }
0x15: {  	s11 =	sshrl.u32 s11, $0x3;
	s14 =	sshrl.u32 s14, $0x3;
	s19 =	simm.s32 $0x1  }
0x16: {  	s4 =	sadd.s32 s5, s2;
	s5 =	sadd.s32 s22, s2;
	s8 =	sadd.s32 $0x2CEC00, s8  }
0x17: {  	s9 =	sadd.s32 s13, s28;
	s10 =	sadd.s32 s13, s16;
	s11 =	sadd.s32 s13, s11  }
0x18: {  	s12 =	sadd.s32 s13, s14;
	s13 =	smax.u32 s15, $0x1;
	s14 =	sadd.s32 $0x2D5C00, s31  }
0x19: {  	v0 =	vimm.f32 $0.0e+00;
	s15 =	simm.s32 $0x4400;
	s16 =	simm.s32 $0x3;
	s22 =	simm.s32 $0x0  }
.LBB2_1:
0x1a: {  	s23 =	simm.s32 $0x0;
	s24 =	simm.s32 $0x200  }
.LBB2_2:
0x1b: {  	p1 =	sne.s32 s24, $0x18E00;
	[tilespmem:s23+$0x4470] =	vst v0  }
0x1c: {  	[tilespmem:s23+$0x4400] =	vst v0  }
0x1d: {  	[tilespmem:s23+$0x4410] =	vst v0  }
.Ltmp0:
0x1e: {  	[tilespmem:s23+$0x4420] =	vst v0;
	(pc) =	sbr.rel @p1 .LBB2_2-.Ltmp0, $4  }
0x1f: {  	[tilespmem:s23+$0x4430] =	vst v0  }
0x20: {  	[tilespmem:s23+$0x4440] =	vst v0  }
0x21: {  	[tilespmem:s23+$0x4450] =	vst v0  }
0x22: {  	[tilespmem:s23+$0x4460] =	vst v0;
	s23 =	sshra.s32 s24, $0x2;
	s24 =	sadd.s32 $0x200, s24  }
0x23: {  	[tilespmem:s23+$0x4470] =	vst v0  }
0x24: {  	[tilespmem:s23+$0x4400] =	vst v0  }
0x25: {  	[tilespmem:s23+$0x4410] =	vst v0  }
0x26: {  	[tilespmem:s23+$0x4420] =	vst v0  }
0x27: {  	[tilespmem:s23+$0x4430] =	vst v0  }
0x28: {  	[tilespmem:s23+$0x4440] =	vst v0  }
0x29: {  	[tilespmem:s23+$0x4450] =	vst v0  }
0x2a: {  	[tilespmem:s23+$0x4460] =	vst v0  }
0x2b: {  	[spmem:s4] =	stream.linear.scatter [tilespmem:s15], [sflag:$0x3], $0x6400, $0x38;
	[tilespmem:$0x1E080] =	vst v63  }
0x2c: {  	_ =	swait.ge [sflag:s16], $0x6400  }
0x2d: {  	[sflag:s16] =	ssyncset.done $0x0  }
0x2e: {  	[sflag:s16] =	ssyncadd.s32 $0xFFFF9C00  }
0x2f: {  	[spmem:s5] =	stream.linear.scatter [tilespmem:s15], [sflag:$0x3], $0x6400, $0x38;
	[tilespmem:$0x1E080] =	vst v63  }
0x30: {  	_ =	swait.ge [sflag:s16], $0x6400  }
0x31: {  	[sflag:s16] =	ssyncset.done $0x0  }
0x32: {  	[sflag:s16] =	ssyncadd.s32 $0xFFFF9C00  }
0x33: {  	[spmem:s6] =	stream.linear.scatter [tilespmem:s15], [sflag:$0x3], $0x6400, $0x38;
	[tilespmem:$0x1E080] =	vst v63  }
0x34: {  	_ =	swait.ge [sflag:s16], $0x6400  }
0x35: {  	[sflag:s16] =	ssyncset.done $0x0  }
0x36: {  	s23 =	simm.s32 @!p0 $0x4400;
	[sflag:s16] =	ssyncadd.s32 $0xFFFF9C00  }
0x37: {  	[spmem:s7] =	stream.linear.scatter @!p0 [tilespmem:s23], [sflag:$0x3], $0x6400, $0x38;
	[tilespmem:$0x1E080] =	vst v63  }
0x38: {  	s23 =	simm.s32 @!p0 $0x3  }
0x39: {  	_ =	swait.ge @!p0 [sflag:s23], $0x6400  }
0x3a: {  	[sflag:s23] =	ssyncset.done @!p0 $0x0  }
0x3b: {  	[sflag:s23] =	ssyncadd.s32 @!p0 $0xFFFF9C00  }
0x3c: {  	s30 =	simm.s32 $0x0;
	[bflag:$0x0] =	sbarrier.arrive $0xFFFF  }
0x3d: {  	[tilespmem:s30], [sflag:$0x3] =	stream.linear.gather [hbm4b:s8+s30], $0x1900, $0x38;
	[tilespmem:$0x1E080] =	vst v63  }
0x3e: {  	_ =	swait.ge [sflag:s16], $0x1900  }
0x3f: {  	[sflag:s16] =	ssyncset.done $0x0  }
0x40: {  	s24 =	sadd.s32 $0x0, s14;
	[sflag:s16] =	ssyncadd.s32 $0xFFFFE700  }
0x41: {  	[tilespmem:s17], [sflag:$0x1] =	stream.linear.gather [hbm4b:s24+s3], $0x1400, $0x38;
	[tilespmem:$0x1E080] =	vst v63  }
0x42: {  	s24 =	sadd.s32 $0x280, s24  }
0x43: {  	[tilespmem:s18], [sflag:$0x2] =	stream.linear.gather [hbm4b:s24+s3], $0x1400, $0x38;
	[tilespmem:$0x1E080] =	vst v63  }
0x44: {  	_ =	swait.ge [sflag:s19], $0x1400  }
0x45: {  	[sflag:s19] =	ssyncset.done $0x0  }
0x46: {  	[sflag:s19] =	ssyncadd.s32 $0xFFFFEC00  }
0x47: {  	[spmem:s2] =	stream.indirect.scatter.add.f32 [tilespmem:s17], [sflag:$0x3], $0x80, s30, s20, $0xb8;
	[tilespmem:$0x1E080] =	vst v63  }
0x48: {  	_ =	swait.ge [sflag:s16], $0x1400  }
0x49: {  	[sflag:s16] =	ssyncset.done $0x0  }
0x4a: {  	[sflag:s16] =	ssyncadd.s32 $0xFFFFEC00  }
0x4b: {  	_ =	swait.ge [sflag:s21], $0x1400  }
0x4c: {  	[sflag:s21] =	ssyncset.done $0x0  }
0x4d: {  	s31 =	simm.s32 $0x80;
	[sflag:s21] =	ssyncadd.s32 $0xFFFFEC00  }
0x4e: {  	[spmem:s2] =	stream.indirect.scatter.add.f32 [tilespmem:s18], [sflag:$0x3], $0x80, s31, s20, $0xb8;
	[tilespmem:$0x1E080] =	vst v63  }
0x4f: {  	s25 =	simm.s32 $0xA00;
	_ =	swait.ge [sflag:s16], $0x1400  }
0x50: {  	s23 =	simm.s32 $0x100;
	s24 =	simm.s32 $0x500;
	[sflag:s16] =	ssyncset.done $0x0  }
.LBB2_4:
0x51: {  	s26 =	sadd.s32 s24, s14  }
0x52: {  	[sflag:s16] =	ssyncadd.s32 $0xFFFFEC00;
	s24 =	smov.u32 s25;
	s28 =	sadd.s32 $0x500, s25  }
0x53: {  	[tilespmem:s17], [sflag:$0x1] =	stream.linear.gather [hbm4b:s26+s3], $0x1400, $0x38;
	[tilespmem:$0x1E080] =	vst v63  }
0x54: {  	p1 =	sne.s32 s25, $0x7800;
	s25 =	sadd.s32 $0x280, s26  }
0x55: {  	[tilespmem:s18], [sflag:$0x2] =	stream.linear.gather [hbm4b:s25+s3], $0x1400, $0x38;
	[tilespmem:$0x1E080] =	vst v63  }
0x56: {  	_ =	swait.ge [sflag:s19], $0x1400  }
0x57: {  	[sflag:s19] =	ssyncset.done $0x0  }
0x58: {  	[sflag:s19] =	ssyncadd.s32 $0xFFFFEC00  }
0x59: {  	[spmem:s2] =	stream.indirect.scatter.add.f32 [tilespmem:s17], [sflag:$0x3], $0x80, s23, s20, $0xb8;
	[tilespmem:$0x1E080] =	vst v63  }
0x5a: {  	_ =	swait.ge [sflag:s16], $0x1400  }
0x5b: {  	[sflag:s16] =	ssyncset.done $0x0  }
0x5c: {  	[sflag:s16] =	ssyncadd.s32 $0xFFFFEC00  }
0x5d: {  	_ =	swait.ge [sflag:s21], $0x1400  }
.Ltmp1:
0x5e: {  	[sflag:s21] =	ssyncset.done $0x0;
	(pc) =	sbr.rel @p1 .LBB2_4-.Ltmp1, $4  }
0x5f: {  	s25 =	sadd.s32 $0x80, s23;
	[sflag:s21] =	ssyncadd.s32 $0xFFFFEC00  }
0x60: {  	[spmem:s2] =	stream.indirect.scatter.add.f32 [tilespmem:s18], [sflag:$0x3], $0x80, s25, s20, $0xb8;
	[tilespmem:$0x1E080] =	vst v63  }
0x61: {  	_ =	swait.ge [sflag:s16], $0x1400  }
0x62: {  	s23 =	sadd.s32 $0x100, s23;
	s25 =	smov.u32 s28;
	[sflag:s16] =	ssyncset.done $0x0  }
0x63: {  	s24 =	sadd.s32 s24, s14;
	[sflag:s16] =	ssyncadd.s32 $0xFFFFEC00  }
0x64: {  	[tilespmem:s17], [sflag:$0x1] =	stream.linear.gather [hbm4b:s24+s3], $0x1400, $0x38;
	[tilespmem:$0x1E080] =	vst v63  }
0x65: {  	s24 =	sadd.s32 $0x280, s24  }
0x66: {  	[tilespmem:s18], [sflag:$0x2] =	stream.linear.gather [hbm4b:s24+s3], $0x1400, $0x38;
	[tilespmem:$0x1E080] =	vst v63  }
0x67: {  	_ =	swait.ge [sflag:s19], $0x1400  }
0x68: {  	[sflag:s19] =	ssyncset.done $0x0  }
0x69: {  	[sflag:s19] =	ssyncadd.s32 $0xFFFFEC00  }
0x6a: {  	[spmem:s2] =	stream.indirect.scatter.add.f32 [tilespmem:s17], [sflag:$0x3], $0x80, s23, s20, $0xb8;
	[tilespmem:$0x1E080] =	vst v63  }
0x6b: {  	_ =	swait.ge [sflag:s16], $0x1400  }
0x6c: {  	[sflag:s16] =	ssyncset.done $0x0  }
0x6d: {  	[sflag:s16] =	ssyncadd.s32 $0xFFFFEC00  }
0x6e: {  	_ =	swait.ge [sflag:s21], $0x1400  }
0x6f: {  	[sflag:s21] =	ssyncset.done $0x0  }
0x70: {  	s26 =	sadd.s32 $0x80, s23;
	[sflag:s21] =	ssyncadd.s32 $0xFFFFEC00  }
0x71: {  	[spmem:s2] =	stream.indirect.scatter.add.f32 [tilespmem:s18], [sflag:$0x3], $0x80, s26, s20, $0xb8;
	[tilespmem:$0x1E080] =	vst v63  }
0x72: {  	_ =	swait.ge [sflag:s16], $0x1400  }
0x73: {  	[sflag:s16] =	ssyncset.done $0x0  }
0x74: {  	s28 =	sshll.u32 s1, $0x6;
	[sflag:s16] =	ssyncadd.s32 $0xFFFFEC00  }
0x75: {  	s29 =	sshrl.u32 s4, $0x3;
	s23 =	sor.u32 $0x1C03, s28;
	[bflag:$0x0] =	sbarrier.arrive $0xFFFF  }
0x76: {  	[hbm:s9], [sflag:s23] =	dma.local [spmem:s29], $0xC80  }
0x77: {  	_ =	swait.ge [sflag:s16], $0xC80  }
0x78: {  	[sflag:s16] =	ssyncset.done $0x0  }
0x79: {  	s30 =	sshrl.u32 s5, $0x3;
	[sflag:s16] =	ssyncadd.s32 $0xFFFFF380  }
0x7a: {  	[hbm:s10], [sflag:s23] =	dma.local [spmem:s30], $0xC80  }
0x7b: {  	_ =	swait.ge [sflag:s16], $0xC80  }
0x7c: {  	[sflag:s16] =	ssyncset.done $0x0  }
0x7d: {  	s31 =	sshrl.u32 s6, $0x3;
	[sflag:s16] =	ssyncadd.s32 $0xFFFFF380  }
0x7e: {  	[hbm:s11], [sflag:s23] =	dma.local [spmem:s31], $0xC80  }
0x7f: {  	_ =	swait.ge [sflag:s16], $0xC80  }
0x80: {  	s22 =	sadd.s32 $0x1, s22;
	[sflag:s16] =	ssyncset.done $0x0  }
0x81: {  	p1 =	sne.s32 s22, s13;
	s24 =	sshrl.u32 @!p0 s7, $0x3;
	[sflag:s16] =	ssyncadd.s32 $0xFFFFF380  }
0x82: {  	[hbm:s12], [sflag:s23] =	dma.local @!p0 [spmem:s24], $0xC80  }
.Ltmp2:
0x83: {  	_ = 	snop;
	(pc) =	sbr.rel @p1 .LBB2_1-.Ltmp2, $4  }
0x84: {  	s23 =	simm.s32 @!p0 $0x3  }
0x85: {  	_ =	swait.ge @!p0 [sflag:s23], $0xC80  }
0x86: {  	[sflag:s23] =	ssyncset.done @!p0 $0x0  }
0x87: {  	[sflag:s23] =	ssyncadd.s32 @!p0 $0xFFFFF380  }
0x88: {  	_ =	sfence.sel $0x180000  }
0x89: {  	[bflag:$0x0] =	sbarrier.arrive $0xFFFF  }
0x8a: {  	p0 =	sne.s32 s1, $0x0;
	_ =	strace $0x90000056  }
0x8b: {  	s0 =	sadd.s32 @!p0 $0x100000, s0;
	[bflag:$0x2] =	sbarrier.arrive $0xFFFF  }
0x8c: {  	[sflag:s0] =	ssyncadd.tile.s32 @!p0 $0x1;
	_ =	shalt  }
.Lfunc_end2:
_tile_overlayer_lowered:
.L_overlay_start_2:
0x8d: {  	(tag) =	ssettag $0x2  }
0x8e: {  	s0 =	rddreg [dreg:$0x0];
	s2 =	stileid.u32  }
0x8f: {  	s1 =	rddreg [dreg:$0x1];
	p0 =	sne.s32 s2, $0x0  }
0x90: {  	s3 =	rddreg [dreg:$0x2];
	[bflag:$0x3] =	sbarrier.arrive $0xFFFF;
	s2 =	simm.s32 @!p0 $0x1C03  }
0x91: {  	[timem:s3], [sflag:s2] =	dma.local @!p0 [hbm:s0], s1  }
0x92: {  	s0 =	simm.s32 @!p0 $0x3  }
0x93: {  	_ =	swait.ge @!p0 [sflag:s0], s1  }
0x94: {  	s1 =	ssub.s32 @!p0 $0x0, s1;
	[sflag:s0] =	ssyncset.done @!p0 $0x0  }
0x95: {  	[sflag:s0] =	ssyncadd.s32 @!p0 s1  }
0x96: {  	[bflag:$0x3] =	sbarrier.arrive $0xFFFF  }
0x97: {  	_ =	shalt  }

</sc_bundles>
